<compile_context>
chip_gen: v7x
topology: tpu7x:2x2x1
jax: 0.10.2.dev20260603
libtpu: 0.0.44.dev20260713+nightly
codegen_flags: <defaults>
</compile_context>

<pallas_src>
import math

import jax
import jax.numpy as jnp
from jax import lax
from jax.experimental import pallas as pl
from jax.experimental.pallas import tpu as pltpu
from jax.experimental.pallas import tpu_sc as plsc

SPEC_LEN = 3200
PATCH = 8
D_MODEL = 512
VOCAB = 100
BATCH = 1024
NPOOL = SPEC_LEN // PATCH
SCALE = math.sqrt(float(D_MODEL))

NC, NS = 2, 16
NW = NC * NS
ROWS_PER_W = BATCH // NW
IDX_PER_W = ROWS_PER_W * NPOOL
GROUPS = NPOOL // 16
CH = 40
NCHUNKS = IDX_PER_W // CH
DV = D_MODEL // 16


def _scale_body(t_ref, o_ref):
    o_ref[...] = t_ref[...] * SCALE


def _sc_body(spec_hbm, table_hbm, out_hbm, spec_a, spec_b, table_v, off_v,
             buf_a, buf_b, sem_spec, sem_tab, sem_s):
    wid = lax.axis_index("s") * NC + lax.axis_index("c")
    row0 = wid * ROWS_PER_W
    base_out = row0 * NPOOL
    iota = lax.iota(jnp.int32, 16)
    spec_bufs = (spec_a, spec_b)
    bufs = (buf_a, buf_b)

    tab_cp = pltpu.async_copy(table_hbm, table_v, sem_tab)

    pltpu.async_copy(spec_hbm.at[row0], spec_a, sem_spec)
    pltpu.async_copy(spec_hbm.at[row0 + 1], spec_b, sem_spec)
    tab_cp.wait()

    def gen_chunk(g, buf):
        @plsc.parallel_loop(0, CH, step=1, unroll=2)
        def p_body(p):
            base = off_v[pl.ds(g * CH + p, 16)][0]
            for c in range(DV):
                buf[p, pl.ds(c * 16, 16)] = table_v[pl.ds(base + c * 16, 16)]

    def scat(g, buf):
        return pltpu.async_copy(
            buf, out_hbm.at[pl.ds(base_out + g * CH, CH)], sem_s
        )

    def scat_wait(g, buf):
        pltpu.make_async_copy(
            buf, out_hbm.at[pl.ds(base_out + g * CH, CH)], sem_s
        ).wait()

    CPR = NPOOL // CH

    def row_pair_body(i, carry):
        for par in range(2):
            r = i * 2 + par
            sv = spec_bufs[par]
            pltpu.make_async_copy(spec_hbm.at[row0 + r], sv, sem_spec).wait()

            @plsc.parallel_loop(0, GROUPS, step=1, unroll=2)
            def pool_g(g):
                base = g * 128 + iota * PATCH
                m = plsc.load_gather(sv, [base])
                for j in range(1, PATCH):
                    m = jnp.maximum(m, plsc.load_gather(sv, [base + j]))
                off_v[pl.ds(r * NPOOL + g * 16, 16)] = (
                    m.astype(jnp.int32) * D_MODEL
                )

            @pl.when(r + 2 < ROWS_PER_W)
            def _():
                pltpu.async_copy(spec_hbm.at[row0 + r + 2], sv, sem_spec)

            def chunk_pair(i2, c2):
                for par2 in range(2):
                    k = i2 * 2 + par2
                    gg = r * CPR + k
                    buf = bufs[par2]

                    @pl.when(gg >= 2)
                    def _():
                        scat_wait(gg - 2, buf)

                    gen_chunk(gg, buf)
                    scat(gg, buf)
                return c2

            lax.fori_loop(0, CPR // 2, chunk_pair, 0)
        return carry

    lax.fori_loop(0, ROWS_PER_W // 2, row_pair_body, 0)
    scat_wait(NCHUNKS - 2, bufs[(NCHUNKS - 2) % CPR % 2])
    scat_wait(NCHUNKS - 1, bufs[(NCHUNKS - 1) % CPR % 2])


def kernel(spec, embed_table):
    scaled = pl.pallas_call(
        _scale_body,
        out_shape=jax.ShapeDtypeStruct((VOCAB, D_MODEL), jnp.float32),
    )(embed_table)
    spec2 = spec.reshape(BATCH, SPEC_LEN)
    scaled_flat = scaled.reshape(VOCAB * D_MODEL)

    mesh = plsc.VectorSubcoreMesh(core_axis_name="c", subcore_axis_name="s")
    sc = pl.kernel(
        _sc_body,
        out_type=jax.ShapeDtypeStruct((BATCH * NPOOL, D_MODEL), jnp.float32),
        mesh=mesh,
        scratch_types=[
            pltpu.VMEM((SPEC_LEN,), jnp.float32),
            pltpu.VMEM((SPEC_LEN,), jnp.float32),
            pltpu.VMEM((VOCAB * D_MODEL,), jnp.float32),
            pltpu.VMEM((IDX_PER_W + 16,), jnp.int32),
            pltpu.VMEM((CH, D_MODEL), jnp.float32),
            pltpu.VMEM((CH, D_MODEL), jnp.float32),
            pltpu.SemaphoreType.DMA,
            pltpu.SemaphoreType.DMA,
            pltpu.SemaphoreType.DMA,
        ],
        compiler_params=pltpu.CompilerParams(needs_layout_passes=False),
    )
    out = sc(spec2, scaled_flat)
    return out.reshape(BATCH, NPOOL, D_MODEL)

# --- scband reference (transcript-rebuilt; emitter-appended) ---
"""Pipeline reference for scband-max-pool-54417235641063 (READ-ONLY COPY).

The authoritative reference and input builder live on the scoring server;
editing this copy changes nothing except your own understanding.
"""

import jax, jax.numpy as jnp
import numpy as np
import math

SPEC_LEN = 3200
PATCH_LEN = 8
D_MODEL = 512
SRC_VOCAB = 100
BATCH = 1024


def setup_inputs(seed: int = 0) -> dict:
    key = jax.random.key(seed)
    k_spec, k_tab = jax.random.split(key)
    # spec: float32 values in [0, 100) so that maxpool -> int cast yields valid vocab indices
    spec = jax.random.randint(k_spec, (BATCH, 1, SPEC_LEN), 0, SRC_VOCAB).astype(jnp.float32)
    embed_table = jax.random.normal(k_tab, (SRC_VOCAB, D_MODEL), dtype=jnp.float32)
    return {"spec": spec, "embed_table": embed_table}


def reference(spec, embed_table):
    # MaxPool1d(kernel_size=patch_len, stride=patch_len) on [B, 1, L]
    B = spec.shape[0]
    pooled = jnp.max(spec.reshape(B, 1, SPEC_LEN // PATCH_LEN, PATCH_LEN), axis=-1)  # [B, 1, L']
    idx = pooled.astype(jnp.int32)
    # annotated-transformer style Embeddings: lut(x) * sqrt(d_model)
    emb = jnp.take(embed_table, idx, axis=0) * jnp.asarray(math.sqrt(D_MODEL), dtype=jnp.float32)  # [B, 1, L', d_model]
    return jnp.squeeze(emb, axis=1)  # [B, L', d_model]

if __name__ == "__main__":
    import jax
    _d = setup_inputs()
    print(jax.jit(kernel)(*tuple(_d.values())))

</pallas_src>

<mosaic_0001>
#map = affine_map<(d0, d1) -> (0, 0)>
#map1 = affine_map<(d0, d1) -> (0)>
module attributes {stable_mosaic.version = 14 : i64} {
  func.func @_sc_body(%arg0: i32, %arg1: i32, %arg2: memref<1024x3200xf32, #tpu.memory_space<hbm>>, %arg3: memref<51200xf32, #tpu.memory_space<hbm>>, %arg4: memref<409600x512xf32, #tpu.memory_space<hbm>>, %arg5: memref<3200xf32, #tpu.memory_space<vmem>>, %arg6: memref<3200xf32, #tpu.memory_space<vmem>>, %arg7: memref<51200xf32, #tpu.memory_space<vmem>>, %arg8: memref<12816xi32, #tpu.memory_space<vmem>>, %arg9: memref<40x512xf32, #tpu.memory_space<vmem>>, %arg10: memref<40x512xf32, #tpu.memory_space<vmem>>, %arg11: memref<!tpu.dma_semaphore, #tpu.memory_space<semaphore_mem>>, %arg12: memref<!tpu.dma_semaphore, #tpu.memory_space<semaphore_mem>>, %arg13: memref<!tpu.dma_semaphore, #tpu.memory_space<semaphore_mem>>) attributes {dimension_semantics = [#tpu.dimension_semantics<core_parallel>, #tpu.dimension_semantics<subcore_parallel>], iteration_bounds = array<i64: 2, 16>, scalar_prefetch = 0 : i64, scratch_operands = 9 : i64, tpu.core_type = #tpu.core_type<sc_vector_subcore>, window_params = [{transform_indices = #map}, {transform_indices = #map1}, {transform_indices = #map}]} {
    %mul3A = arith.constant 2 : i32
    %mul3A_0 = arith.muli %arg1, %mul3A : i32
    %add3A = arith.addi %mul3A_0, %arg0 : i32
    %mul3A_1 = arith.constant 32 : i32
    %mul3A_2 = arith.muli %add3A, %mul3A_1 : i32
    %mul3A_3 = arith.constant 400 : i32
    %mul3A_4 = arith.muli %mul3A_2, %mul3A_3 : i32
    %iota3A = tpu.iota {dimensions = array<i32: 0>} : vector<16xi32>
    tpu.enqueue_dma source(%arg3 : memref<51200xf32, #tpu.memory_space<hbm>>) target(%arg7 : memref<51200xf32, #tpu.memory_space<vmem>>) target_semaphore(%arg12 : memref<!tpu.dma_semaphore, #tpu.memory_space<semaphore_mem>>)
    %dma_start3A = arith.constant 0 : i32
    %dma_start3A_5 = tpu.memref_slice %arg2[%mul3A_2, %dma_start3A] : memref<1024x3200xf32, #tpu.memory_space<hbm>> -> memref<1x3200xf32, #tpu.memory_space<hbm>>
    %dma_start3A_6 = tpu.memref_squeeze %dma_start3A_5 : memref<1x3200xf32, #tpu.memory_space<hbm>> -> memref<3200xf32, #tpu.memory_space<hbm>>
    %dma_start3A_7 = arith.constant 0 : i32
    %dma_start3A_8 = tpu.memref_slice %arg2[%mul3A_2, %dma_start3A_7] : memref<1024x3200xf32, #tpu.memory_space<hbm>> -> memref<1x3200xf32, #tpu.memory_space<hbm>>
    %dma_start3A_9 = tpu.memref_squeeze %dma_start3A_8 : memref<1x3200xf32, #tpu.memory_space<hbm>> -> memref<3200xf32, #tpu.memory_space<hbm>>
    tpu.enqueue_dma source(%dma_start3A_9 : memref<3200xf32, #tpu.memory_space<hbm>>) target(%arg5 : memref<3200xf32, #tpu.memory_space<vmem>>) target_semaphore(%arg11 : memref<!tpu.dma_semaphore, #tpu.memory_space<semaphore_mem>>)
    %add3A_10 = arith.constant 1 : i32
    %add3A_11 = arith.addi %mul3A_2, %add3A_10 : i32
    %dma_start3A_12 = arith.constant 0 : i32
    %dma_start3A_13 = tpu.memref_slice %arg2[%add3A_11, %dma_start3A_12] : memref<1024x3200xf32, #tpu.memory_space<hbm>> -> memref<1x3200xf32, #tpu.memory_space<hbm>>
    %dma_start3A_14 = tpu.memref_squeeze %dma_start3A_13 : memref<1x3200xf32, #tpu.memory_space<hbm>> -> memref<3200xf32, #tpu.memory_space<hbm>>
    %dma_start3A_15 = arith.constant 0 : i32
    %dma_start3A_16 = tpu.memref_slice %arg2[%add3A_11, %dma_start3A_15] : memref<1024x3200xf32, #tpu.memory_space<hbm>> -> memref<1x3200xf32, #tpu.memory_space<hbm>>
    %dma_start3A_17 = tpu.memref_squeeze %dma_start3A_16 : memref<1x3200xf32, #tpu.memory_space<hbm>> -> memref<3200xf32, #tpu.memory_space<hbm>>
    tpu.enqueue_dma source(%dma_start3A_17 : memref<3200xf32, #tpu.memory_space<hbm>>) target(%arg6 : memref<3200xf32, #tpu.memory_space<vmem>>) target_semaphore(%arg11 : memref<!tpu.dma_semaphore, #tpu.memory_space<semaphore_mem>>)
    tpu.wait_dma2 semaphore(%arg12 : memref<!tpu.dma_semaphore, #tpu.memory_space<semaphore_mem>>) src(%arg3 : memref<51200xf32, #tpu.memory_space<hbm>>) dst(%arg7 : memref<51200xf32, #tpu.memory_space<vmem>>)
    %scan3A = arith.constant 0 : i32
    %scan3A_18 = arith.constant 0 : i32
    %scan3A_19 = arith.constant 16 : i32
    %scan3A_20 = arith.addi %scan3A_18, %scan3A_19 : i32
    %scan3A_21 = arith.constant 1 : i32
    scf.for %scan3A_34 = %scan3A_18 to %scan3A_20 step %scan3A_21  : i32 {
      %mul3A_35 = arith.constant 2 : i32
      %mul3A_36 = arith.muli %scan3A_34, %mul3A_35 : i32
      %add3A_37 = arith.constant 0 : i32
      %add3A_38 = arith.addi %mul3A_36, %add3A_37 : i32
      %add3A_39 = arith.addi %mul3A_2, %add3A_38 : i32
      %dma_wait3A_40 = arith.constant 0 : i32
      %dma_wait3A_41 = tpu.memref_slice %arg2[%add3A_39, %dma_wait3A_40] : memref<1024x3200xf32, #tpu.memory_space<hbm>> -> memref<1x3200xf32, #tpu.memory_space<hbm>>
      %dma_wait3A_42 = tpu.memref_squeeze %dma_wait3A_41 : memref<1x3200xf32, #tpu.memory_space<hbm>> -> memref<3200xf32, #tpu.memory_space<hbm>>
      %dma_wait3A_43 = arith.constant 0 : i32
      %dma_wait3A_44 = tpu.memref_slice %arg2[%add3A_39, %dma_wait3A_43] : memref<1024x3200xf32, #tpu.memory_space<hbm>> -> memref<1x3200xf32, #tpu.memory_space<hbm>>
      %dma_wait3A_45 = tpu.memref_squeeze %dma_wait3A_44 : memref<1x3200xf32, #tpu.memory_space<hbm>> -> memref<3200xf32, #tpu.memory_space<hbm>>
      tpu.wait_dma2 semaphore(%arg11 : memref<!tpu.dma_semaphore, #tpu.memory_space<semaphore_mem>>) src(%dma_wait3A_45 : memref<3200xf32, #tpu.memory_space<hbm>>) dst(%arg5 : memref<3200xf32, #tpu.memory_space<vmem>>)
      %parallel_loop3A = arith.constant 0 : i32
      %parallel_loop3A_46 = arith.constant 25 : i32
      %parallel_loop3A_47 = arith.constant 1 : i32
      scf.for %parallel_loop3A_85 = %parallel_loop3A to %parallel_loop3A_46 step %parallel_loop3A_47  : i32 {
        %parallel_loop3A_86 = arith.constant 128 : i32
        %parallel_loop3A_87 = arith.muli %parallel_loop3A_85, %parallel_loop3A_86 : i32
        %parallel_loop3A_88 = arith.constant 8 : i32
        %parallel_loop3A_89 = vector.broadcast %parallel_loop3A_88 : i32 to vector<16xi32>
        %parallel_loop3A_90 = arith.muli %iota3A, %parallel_loop3A_89 : vector<16xi32>
        %parallel_loop3A_91 = vector.broadcast %parallel_loop3A_87 : i32 to vector<16xi32>
        %parallel_loop3A_92 = arith.addi %parallel_loop3A_91, %parallel_loop3A_90 : vector<16xi32>
        %parallel_loop3A_93 = tpu.vector_load_idx %arg5[%parallel_loop3A_92] : memref<3200xf32, #tpu.memory_space<vmem>>[vector<16xi32>], vector<16xf32>,
        %parallel_loop3A_94 = arith.constant 1 : i32
        %parallel_loop3A_95 = vector.broadcast %parallel_loop3A_94 : i32 to vector<16xi32>
        %parallel_loop3A_96 = arith.addi %parallel_loop3A_92, %parallel_loop3A_95 : vector<16xi32>
        %parallel_loop3A_97 = tpu.vector_load_idx %arg5[%parallel_loop3A_96] : memref<3200xf32, #tpu.memory_space<vmem>>[vector<16xi32>], vector<16xf32>,
        %parallel_loop3A_98 = arith.maximumf %parallel_loop3A_93, %parallel_loop3A_97 : vector<16xf32>
        %parallel_loop3A_99 = arith.constant 2 : i32
        %parallel_loop3A_100 = vector.broadcast %parallel_loop3A_99 : i32 to vector<16xi32>
        %parallel_loop3A_101 = arith.addi %parallel_loop3A_92, %parallel_loop3A_100 : vector<16xi32>
        %parallel_loop3A_102 = tpu.vector_load_idx %arg5[%parallel_loop3A_101] : memref<3200xf32, #tpu.memory_space<vmem>>[vector<16xi32>], vector<16xf32>,
        %parallel_loop3A_103 = arith.maximumf %parallel_loop3A_98, %parallel_loop3A_102 : vector<16xf32>
        %parallel_loop3A_104 = arith.constant 3 : i32
        %parallel_loop3A_105 = vector.broadcast %parallel_loop3A_104 : i32 to vector<16xi32>
        %parallel_loop3A_106 = arith.addi %parallel_loop3A_92, %parallel_loop3A_105 : vector<16xi32>
        %parallel_loop3A_107 = tpu.vector_load_idx %arg5[%parallel_loop3A_106] : memref<3200xf32, #tpu.memory_space<vmem>>[vector<16xi32>], vector<16xf32>,
        %parallel_loop3A_108 = arith.maximumf %parallel_loop3A_103, %parallel_loop3A_107 : vector<16xf32>
        %parallel_loop3A_109 = arith.constant 4 : i32
        %parallel_loop3A_110 = vector.broadcast %parallel_loop3A_109 : i32 to vector<16xi32>
        %parallel_loop3A_111 = arith.addi %parallel_loop3A_92, %parallel_loop3A_110 : vector<16xi32>
        %parallel_loop3A_112 = tpu.vector_load_idx %arg5[%parallel_loop3A_111] : memref<3200xf32, #tpu.memory_space<vmem>>[vector<16xi32>], vector<16xf32>,
        %parallel_loop3A_113 = arith.maximumf %parallel_loop3A_108, %parallel_loop3A_112 : vector<16xf32>
        %parallel_loop3A_114 = arith.constant 5 : i32
        %parallel_loop3A_115 = vector.broadcast %parallel_loop3A_114 : i32 to vector<16xi32>
        %parallel_loop3A_116 = arith.addi %parallel_loop3A_92, %parallel_loop3A_115 : vector<16xi32>
        %parallel_loop3A_117 = tpu.vector_load_idx %arg5[%parallel_loop3A_116] : memref<3200xf32, #tpu.memory_space<vmem>>[vector<16xi32>], vector<16xf32>,
        %parallel_loop3A_118 = arith.maximumf %parallel_loop3A_113, %parallel_loop3A_117 : vector<16xf32>
        %parallel_loop3A_119 = arith.constant 6 : i32
        %parallel_loop3A_120 = vector.broadcast %parallel_loop3A_119 : i32 to vector<16xi32>
        %parallel_loop3A_121 = arith.addi %parallel_loop3A_92, %parallel_loop3A_120 : vector<16xi32>
        %parallel_loop3A_122 = tpu.vector_load_idx %arg5[%parallel_loop3A_121] : memref<3200xf32, #tpu.memory_space<vmem>>[vector<16xi32>], vector<16xf32>,
        %parallel_loop3A_123 = arith.maximumf %parallel_loop3A_118, %parallel_loop3A_122 : vector<16xf32>
        %parallel_loop3A_124 = arith.constant 7 : i32
        %parallel_loop3A_125 = vector.broadcast %parallel_loop3A_124 : i32 to vector<16xi32>
        %parallel_loop3A_126 = arith.addi %parallel_loop3A_92, %parallel_loop3A_125 : vector<16xi32>
        %parallel_loop3A_127 = tpu.vector_load_idx %arg5[%parallel_loop3A_126] : memref<3200xf32, #tpu.memory_space<vmem>>[vector<16xi32>], vector<16xf32>,
        %parallel_loop3A_128 = arith.maximumf %parallel_loop3A_123, %parallel_loop3A_127 : vector<16xf32>
        %parallel_loop3A_129 = arith.fptosi %parallel_loop3A_128 : vector<16xf32> to vector<16xi32>
        %parallel_loop3A_130 = arith.constant 512 : i32
        %parallel_loop3A_131 = vector.broadcast %parallel_loop3A_130 : i32 to vector<16xi32>
        %parallel_loop3A_132 = arith.muli %parallel_loop3A_129, %parallel_loop3A_131 : vector<16xi32>
        %parallel_loop3A_133 = arith.constant 400 : i32
        %parallel_loop3A_134 = arith.muli %add3A_38, %parallel_loop3A_133 : i32
        %parallel_loop3A_135 = arith.constant 16 : i32
        %parallel_loop3A_136 = arith.muli %parallel_loop3A_85, %parallel_loop3A_135 : i32
        %parallel_loop3A_137 = arith.addi %parallel_loop3A_134, %parallel_loop3A_136 : i32
        %parallel_loop3A_138 = arith.index_cast %parallel_loop3A_137 : i32 to index
        %parallel_loop3A_139 = tpu.vector_load %arg8[%parallel_loop3A_138] {strides = array<i32>} : memref<12816xi32, #tpu.memory_space<vmem>>, vector<16xi32>,
        tpu.vector_store %arg8[%parallel_loop3A_138], %parallel_loop3A_132 {strides = array<i32>} : memref<12816xi32, #tpu.memory_space<vmem>>, vector<16xi32>,
      } {sc.loop_unroll_factor = 2 : i64, sc.parallel_access}
      %add3A_48 = arith.constant 2 : i32
      %add3A_49 = arith.addi %add3A_38, %add3A_48 : i32
      %lt3A = arith.constant 32 : i32
      %lt3A_50 = arith.cmpi slt, %add3A_49, %lt3A : i32
      %convert_element_type3A = arith.extui %lt3A_50 : i1 to i32
      %cond3A = arith.constant 0 : i32
      %cond3A_51 = arith.cmpi ne, %convert_element_type3A, %cond3A : i32
      scf.if %cond3A_51 {
        %add3A_85 = arith.addi %mul3A_2, %add3A_38 : i32
        %add3A_86 = arith.constant 2 : i32
        %add3A_87 = arith.addi %add3A_85, %add3A_86 : i32
        %dma_start3A_88 = arith.constant 0 : i32
        %dma_start3A_89 = tpu.memref_slice %arg2[%add3A_87, %dma_start3A_88] : memref<1024x3200xf32, #tpu.memory_space<hbm>> -> memref<1x3200xf32, #tpu.memory_space<hbm>>
        %dma_start3A_90 = tpu.memref_squeeze %dma_start3A_89 : memref<1x3200xf32, #tpu.memory_space<hbm>> -> memref<3200xf32, #tpu.memory_space<hbm>>
        %dma_start3A_91 = arith.constant 0 : i32
        %dma_start3A_92 = tpu.memref_slice %arg2[%add3A_87, %dma_start3A_91] : memref<1024x3200xf32, #tpu.memory_space<hbm>> -> memref<1x3200xf32, #tpu.memory_space<hbm>>
        %dma_start3A_93 = tpu.memref_squeeze %dma_start3A_92 : memref<1x3200xf32, #tpu.memory_space<hbm>> -> memref<3200xf32, #tpu.memory_space<hbm>>
        tpu.enqueue_dma source(%dma_start3A_93 : memref<3200xf32, #tpu.memory_space<hbm>>) target(%arg5 : memref<3200xf32, #tpu.memory_space<vmem>>) target_semaphore(%arg11 : memref<!tpu.dma_semaphore, #tpu.memory_space<semaphore_mem>>)
      } else {
      }
      %scan3A_52 = arith.constant 0 : i32
      %scan3A_53 = arith.constant 0 : i32
      %scan3A_54 = arith.constant 5 : i32
      %scan3A_55 = arith.addi %scan3A_53, %scan3A_54 : i32
      %scan3A_56 = arith.constant 1 : i32
      scf.for %scan3A_85 = %scan3A_53 to %scan3A_55 step %scan3A_56  : i32 {
        %mul3A_86 = arith.constant 2 : i32
        %mul3A_87 = arith.muli %scan3A_85, %mul3A_86 : i32
        %add3A_88 = arith.constant 0 : i32
        %add3A_89 = arith.addi %mul3A_87, %add3A_88 : i32
        %mul3A_90 = arith.constant 10 : i32
        %mul3A_91 = arith.muli %add3A_38, %mul3A_90 : i32
        %add3A_92 = arith.addi %mul3A_91, %add3A_89 : i32
        %ge3A = arith.constant 2 : i32
        %ge3A_93 = arith.cmpi sge, %add3A_92, %ge3A : i32
        %convert_element_type3A_94 = arith.extui %ge3A_93 : i1 to i32
        %cond3A_95 = arith.constant 0 : i32
        %cond3A_96 = arith.cmpi ne, %convert_element_type3A_94, %cond3A_95 : i32
        scf.if %cond3A_96 {
          %sub3A = arith.constant 2 : i32
          %sub3A_129 = arith.subi %add3A_92, %sub3A : i32
          %mul3A_130 = arith.constant 40 : i32
          %mul3A_131 = arith.muli %sub3A_129, %mul3A_130 : i32
          %add3A_132 = arith.addi %mul3A_4, %mul3A_131 : i32
          %dma_wait3A_133 = arith.constant 0 : i32
          %dma_wait3A_134 = tpu.memref_slice %arg4[%add3A_132, %dma_wait3A_133] : memref<409600x512xf32, #tpu.memory_space<hbm>> -> memref<40x512xf32, #tpu.memory_space<hbm>>
          %dma_wait3A_135 = arith.constant 0 : i32
          %dma_wait3A_136 = tpu.memref_slice %arg4[%add3A_132, %dma_wait3A_135] : memref<409600x512xf32, #tpu.memory_space<hbm>> -> memref<40x512xf32, #tpu.memory_space<hbm>>
          tpu.wait_dma2 semaphore(%arg13 : memref<!tpu.dma_semaphore, #tpu.memory_space<semaphore_mem>>) src(%arg9 : memref<40x512xf32, #tpu.memory_space<vmem>>) dst(%dma_wait3A_136 : memref<40x512xf32, #tpu.memory_space<hbm>>)
        } else {
        }
        %parallel_loop3A_97 = arith.constant 0 : i32
        %parallel_loop3A_98 = arith.constant 40 : i32
        %parallel_loop3A_99 = arith.constant 1 : i32
        scf.for %parallel_loop3A_129 = %parallel_loop3A_97 to %parallel_loop3A_98 step %parallel_loop3A_99  : i32 {
          %parallel_loop3A_130 = arith.constant 40 : i32
          %parallel_loop3A_131 = arith.muli %add3A_92, %parallel_loop3A_130 : i32
          %parallel_loop3A_132 = arith.addi %parallel_loop3A_131, %parallel_loop3A_129 : i32
          %parallel_loop3A_133 = arith.index_cast %parallel_loop3A_132 : i32 to index
          %parallel_loop3A_134 = tpu.vector_load %arg8[%parallel_loop3A_133] {strides = array<i32>} : memref<12816xi32, #tpu.memory_space<vmem>>, vector<16xi32>,
          %parallel_loop3A_135 = vector.extract_strided_slice %parallel_loop3A_134 {offsets = [0], sizes = [1], strides = [1]} : vector<16xi32> to vector<1xi32>
          %parallel_loop3A_136 = vector.extract %parallel_loop3A_135[0] : i32 from vector<1xi32>
          %parallel_loop3A_137 = arith.constant 0 : i32
          %parallel_loop3A_138 = arith.addi %parallel_loop3A_136, %parallel_loop3A_137 : i32
          %parallel_loop3A_139 = arith.index_cast %parallel_loop3A_138 : i32 to index
          %parallel_loop3A_140 = tpu.vector_load %arg7[%parallel_loop3A_139] {strides = array<i32>} : memref<51200xf32, #tpu.memory_space<vmem>>, vector<16xf32>,
          %parallel_loop3A_141 = arith.index_cast %parallel_loop3A_129 : i32 to index
          %parallel_loop3A_142 = arith.constant 0 : index
          %parallel_loop3A_143 = tpu.vector_load %arg9[%parallel_loop3A_141, %parallel_loop3A_142] {strides = array<i32>} : memref<40x512xf32, #tpu.memory_space<vmem>>, vector<16xf32>,
          tpu.vector_store %arg9[%parallel_loop3A_141, %parallel_loop3A_142], %parallel_loop3A_140 {strides = array<i32>} : memref<40x512xf32, #tpu.memory_space<vmem>>, vector<16xf32>,
          %parallel_loop3A_144 = arith.constant 16 : i32
          %parallel_loop3A_145 = arith.addi %parallel_loop3A_136, %parallel_loop3A_144 : i32
          %parallel_loop3A_146 = arith.index_cast %parallel_loop3A_145 : i32 to index
          %parallel_loop3A_147 = tpu.vector_load %arg7[%parallel_loop3A_146] {strides = array<i32>} : memref<51200xf32, #tpu.memory_space<vmem>>, vector<16xf32>,
          %parallel_loop3A_148 = arith.index_cast %parallel_loop3A_129 : i32 to index
          %parallel_loop3A_149 = arith.constant 16 : index
          %parallel_loop3A_150 = tpu.vector_load %arg9[%parallel_loop3A_148, %parallel_loop3A_149] {strides = array<i32>} : memref<40x512xf32, #tpu.memory_space<vmem>>, vector<16xf32>,
          tpu.vector_store %arg9[%parallel_loop3A_148, %parallel_loop3A_149], %parallel_loop3A_147 {strides = array<i32>} : memref<40x512xf32, #tpu.memory_space<vmem>>, vector<16xf32>,
          %parallel_loop3A_151 = arith.constant 32 : i32
          %parallel_loop3A_152 = arith.addi %parallel_loop3A_136, %parallel_loop3A_151 : i32
          %parallel_loop3A_153 = arith.index_cast %parallel_loop3A_152 : i32 to index
          %parallel_loop3A_154 = tpu.vector_load %arg7[%parallel_loop3A_153] {strides = array<i32>} : memref<51200xf32, #tpu.memory_space<vmem>>, vector<16xf32>,
          %parallel_loop3A_155 = arith.index_cast %parallel_loop3A_129 : i32 to index
          %parallel_loop3A_156 = arith.constant 32 : index
          %parallel_loop3A_157 = tpu.vector_load %arg9[%parallel_loop3A_155, %parallel_loop3A_156] {strides = array<i32>} : memref<40x512xf32, #tpu.memory_space<vmem>>, vector<16xf32>,
          tpu.vector_store %arg9[%parallel_loop3A_155, %parallel_loop3A_156], %parallel_loop3A_154 {strides = array<i32>} : memref<40x512xf32, #tpu.memory_space<vmem>>, vector<16xf32>,
          %parallel_loop3A_158 = arith.constant 48 : i32
          %parallel_loop3A_159 = arith.addi %parallel_loop3A_136, %parallel_loop3A_158 : i32
          %parallel_loop3A_160 = arith.index_cast %parallel_loop3A_159 : i32 to index
          %parallel_loop3A_161 = tpu.vector_load %arg7[%parallel_loop3A_160] {strides = array<i32>} : memref<51200xf32, #tpu.memory_space<vmem>>, vector<16xf32>,
          %parallel_loop3A_162 = arith.index_cast %parallel_loop3A_129 : i32 to index
          %parallel_loop3A_163 = arith.constant 48 : index
          %parallel_loop3A_164 = tpu.vector_load %arg9[%parallel_loop3A_162, %parallel_loop3A_163] {strides = array<i32>} : memref<40x512xf32, #tpu.memory_space<vmem>>, vector<16xf32>,
          tpu.vector_store %arg9[%parallel_loop3A_162, %parallel_loop3A_163], %parallel_loop3A_161 {strides = array<i32>} : memref<40x512xf32, #tpu.memory_space<vmem>>, vector<16xf32>,
          %parallel_loop3A_165 = arith.constant 64 : i32
          %parallel_loop3A_166 = arith.addi %parallel_loop3A_136, %parallel_loop3A_165 : i32
          %parallel_loop3A_167 = arith.index_cast %parallel_loop3A_166 : i32 to index
          %parallel_loop3A_168 = tpu.vector_load %arg7[%parallel_loop3A_167] {strides = array<i32>} : memref<51200xf32, #tpu.memory_space<vmem>>, vector<16xf32>,
          %parallel_loop3A_169 = arith.index_cast %parallel_loop3A_129 : i32 to index
          %parallel_loop3A_170 = arith.constant 64 : index
          %parallel_loop3A_171 = tpu.vector_load %arg9[%parallel_loop3A_169, %parallel_loop3A_170] {strides = array<i32>} : memref<40x512xf32, #tpu.memory_space<vmem>>, vector<16xf32>,
          tpu.vector_store %arg9[%parallel_loop3A_169, %parallel_loop3A_170], %parallel_loop3A_168 {strides = array<i32>} : memref<40x512xf32, #tpu.memory_space<vmem>>, vector<16xf32>,
          %parallel_loop3A_172 = arith.constant 80 : i32
          %parallel_loop3A_173 = arith.addi %parallel_loop3A_136, %parallel_loop3A_172 : i32
          %parallel_loop3A_174 = arith.index_cast %parallel_loop3A_173 : i32 to index
          %parallel_loop3A_175 = tpu.vector_load %arg7[%parallel_loop3A_174] {strides = array<i32>} : memref<51200xf32, #tpu.memory_space<vmem>>, vector<16xf32>,
          %parallel_loop3A_176 = arith.index_cast %parallel_loop3A_129 : i32 to index
          %parallel_loop3A_177 = arith.constant 80 : index
          %parallel_loop3A_178 = tpu.vector_load %arg9[%parallel_loop3A_176, %parallel_loop3A_177] {strides = array<i32>} : memref<40x512xf32, #tpu.memory_space<vmem>>, vector<16xf32>,
          tpu.vector_store %arg9[%parallel_loop3A_176, %parallel_loop3A_177], %parallel_loop3A_175 {strides = array<i32>} : memref<40x512xf32, #tpu.memory_space<vmem>>, vector<16xf32>,
          %parallel_loop3A_179 = arith.constant 96 : i32
          %parallel_loop3A_180 = arith.addi %parallel_loop3A_136, %parallel_loop3A_179 : i32
          %parallel_loop3A_181 = arith.index_cast %parallel_loop3A_180 : i32 to index
          %parallel_loop3A_182 = tpu.vector_load %arg7[%parallel_loop3A_181] {strides = array<i32>} : memref<51200xf32, #tpu.memory_space<vmem>>, vector<16xf32>,
          %parallel_loop3A_183 = arith.index_cast %parallel_loop3A_129 : i32 to index
          %parallel_loop3A_184 = arith.constant 96 : index
          %parallel_loop3A_185 = tpu.vector_load %arg9[%parallel_loop3A_183, %parallel_loop3A_184] {strides = array<i32>} : memref<40x512xf32, #tpu.memory_space<vmem>>, vector<16xf32>,
          tpu.vector_store %arg9[%parallel_loop3A_183, %parallel_loop3A_184], %parallel_loop3A_182 {strides = array<i32>} : memref<40x512xf32, #tpu.memory_space<vmem>>, vector<16xf32>,
          %parallel_loop3A_186 = arith.constant 112 : i32
          %parallel_loop3A_187 = arith.addi %parallel_loop3A_136, %parallel_loop3A_186 : i32
          %parallel_loop3A_188 = arith.index_cast %parallel_loop3A_187 : i32 to index
          %parallel_loop3A_189 = tpu.vector_load %arg7[%parallel_loop3A_188] {strides = array<i32>} : memref<51200xf32, #tpu.memory_space<vmem>>, vector<16xf32>,
          %parallel_loop3A_190 = arith.index_cast %parallel_loop3A_129 : i32 to index
          %parallel_loop3A_191 = arith.constant 112 : index
          %parallel_loop3A_192 = tpu.vector_load %arg9[%parallel_loop3A_190, %parallel_loop3A_191] {strides = array<i32>} : memref<40x512xf32, #tpu.memory_space<vmem>>, vector<16xf32>,
          tpu.vector_store %arg9[%parallel_loop3A_190, %parallel_loop3A_191], %parallel_loop3A_189 {strides = array<i32>} : memref<40x512xf32, #tpu.memory_space<vmem>>, vector<16xf32>,
          %parallel_loop3A_193 = arith.constant 128 : i32
          %parallel_loop3A_194 = arith.addi %parallel_loop3A_136, %parallel_loop3A_193 : i32
          %parallel_loop3A_195 = arith.index_cast %parallel_loop3A_194 : i32 to index
          %parallel_loop3A_196 = tpu.vector_load %arg7[%parallel_loop3A_195] {strides = array<i32>} : memref<51200xf32, #tpu.memory_space<vmem>>, vector<16xf32>,
          %parallel_loop3A_197 = arith.index_cast %parallel_loop3A_129 : i32 to index
          %parallel_loop3A_198 = arith.constant 128 : index
          %parallel_loop3A_199 = tpu.vector_load %arg9[%parallel_loop3A_197, %parallel_loop3A_198] {strides = array<i32>} : memref<40x512xf32, #tpu.memory_space<vmem>>, vector<16xf32>,
          tpu.vector_store %arg9[%parallel_loop3A_197, %parallel_loop3A_198], %parallel_loop3A_196 {strides = array<i32>} : memref<40x512xf32, #tpu.memory_space<vmem>>, vector<16xf32>,
          %parallel_loop3A_200 = arith.constant 144 : i32
          %parallel_loop3A_201 = arith.addi %parallel_loop3A_136, %parallel_loop3A_200 : i32
          %parallel_loop3A_202 = arith.index_cast %parallel_loop3A_201 : i32 to index
          %parallel_loop3A_203 = tpu.vector_load %arg7[%parallel_loop3A_202] {strides = array<i32>} : memref<51200xf32, #tpu.memory_space<vmem>>, vector<16xf32>,
          %parallel_loop3A_204 = arith.index_cast %parallel_loop3A_129 : i32 to index
          %parallel_loop3A_205 = arith.constant 144 : index
          %parallel_loop3A_206 = tpu.vector_load %arg9[%parallel_loop3A_204, %parallel_loop3A_205] {strides = array<i32>} : memref<40x512xf32, #tpu.memory_space<vmem>>, vector<16xf32>,
          tpu.vector_store %arg9[%parallel_loop3A_204, %parallel_loop3A_205], %parallel_loop3A_203 {strides = array<i32>} : memref<40x512xf32, #tpu.memory_space<vmem>>, vector<16xf32>,
          %parallel_loop3A_207 = arith.constant 160 : i32
          %parallel_loop3A_208 = arith.addi %parallel_loop3A_136, %parallel_loop3A_207 : i32
          %parallel_loop3A_209 = arith.index_cast %parallel_loop3A_208 : i32 to index
          %parallel_loop3A_210 = tpu.vector_load %arg7[%parallel_loop3A_209] {strides = array<i32>} : memref<51200xf32, #tpu.memory_space<vmem>>, vector<16xf32>,
          %parallel_loop3A_211 = arith.index_cast %parallel_loop3A_129 : i32 to index
          %parallel_loop3A_212 = arith.constant 160 : index
          %parallel_loop3A_213 = tpu.vector_load %arg9[%parallel_loop3A_211, %parallel_loop3A_212] {strides = array<i32>} : memref<40x512xf32, #tpu.memory_space<vmem>>, vector<16xf32>,
          tpu.vector_store %arg9[%parallel_loop3A_211, %parallel_loop3A_212], %parallel_loop3A_210 {strides = array<i32>} : memref<40x512xf32, #tpu.memory_space<vmem>>, vector<16xf32>,
          %parallel_loop3A_214 = arith.constant 176 : i32
          %parallel_loop3A_215 = arith.addi %parallel_loop3A_136, %parallel_loop3A_214 : i32
          %parallel_loop3A_216 = arith.index_cast %parallel_loop3A_215 : i32 to index
          %parallel_loop3A_217 = tpu.vector_load %arg7[%parallel_loop3A_216] {strides = array<i32>} : memref<51200xf32, #tpu.memory_space<vmem>>, vector<16xf32>,
          %parallel_loop3A_218 = arith.index_cast %parallel_loop3A_129 : i32 to index
          %parallel_loop3A_219 = arith.constant 176 : index
          %parallel_loop3A_220 = tpu.vector_load %arg9[%parallel_loop3A_218, %parallel_loop3A_219] {strides = array<i32>} : memref<40x512xf32, #tpu.memory_space<vmem>>, vector<16xf32>,
          tpu.vector_store %arg9[%parallel_loop3A_218, %parallel_loop3A_219], %parallel_loop3A_217 {strides = array<i32>} : memref<40x512xf32, #tpu.memory_space<vmem>>, vector<16xf32>,
          %parallel_loop3A_221 = arith.constant 192 : i32
          %parallel_loop3A_222 = arith.addi %parallel_loop3A_136, %parallel_loop3A_221 : i32
          %parallel_loop3A_223 = arith.index_cast %parallel_loop3A_222 : i32 to index
          %parallel_loop3A_224 = tpu.vector_load %arg7[%parallel_loop3A_223] {strides = array<i32>} : memref<51200xf32, #tpu.memory_space<vmem>>, vector<16xf32>,
          %parallel_loop3A_225 = arith.index_cast %parallel_loop3A_129 : i32 to index
          %parallel_loop3A_226 = arith.constant 192 : index
          %parallel_loop3A_227 = tpu.vector_load %arg9[%parallel_loop3A_225, %parallel_loop3A_226] {strides = array<i32>} : memref<40x512xf32, #tpu.memory_space<vmem>>, vector<16xf32>,
          tpu.vector_store %arg9[%parallel_loop3A_225, %parallel_loop3A_226], %parallel_loop3A_224 {strides = array<i32>} : memref<40x512xf32, #tpu.memory_space<vmem>>, vector<16xf32>,
          %parallel_loop3A_228 = arith.constant 208 : i32
          %parallel_loop3A_229 = arith.addi %parallel_loop3A_136, %parallel_loop3A_228 : i32
          %parallel_loop3A_230 = arith.index_cast %parallel_loop3A_229 : i32 to index
          %parallel_loop3A_231 = tpu.vector_load %arg7[%parallel_loop3A_230] {strides = array<i32>} : memref<51200xf32, #tpu.memory_space<vmem>>, vector<16xf32>,
          %parallel_loop3A_232 = arith.index_cast %parallel_loop3A_129 : i32 to index
          %parallel_loop3A_233 = arith.constant 208 : index
          %parallel_loop3A_234 = tpu.vector_load %arg9[%parallel_loop3A_232, %parallel_loop3A_233] {strides = array<i32>} : memref<40x512xf32, #tpu.memory_space<vmem>>, vector<16xf32>,
          tpu.vector_store %arg9[%parallel_loop3A_232, %parallel_loop3A_233], %parallel_loop3A_231 {strides = array<i32>} : memref<40x512xf32, #tpu.memory_space<vmem>>, vector<16xf32>,
          %parallel_loop3A_235 = arith.constant 224 : i32
          %parallel_loop3A_236 = arith.addi %parallel_loop3A_136, %parallel_loop3A_235 : i32
          %parallel_loop3A_237 = arith.index_cast %parallel_loop3A_236 : i32 to index
          %parallel_loop3A_238 = tpu.vector_load %arg7[%parallel_loop3A_237] {strides = array<i32>} : memref<51200xf32, #tpu.memory_space<vmem>>, vector<16xf32>,
          %parallel_loop3A_239 = arith.index_cast %parallel_loop3A_129 : i32 to index
          %parallel_loop3A_240 = arith.constant 224 : index
          %parallel_loop3A_241 = tpu.vector_load %arg9[%parallel_loop3A_239, %parallel_loop3A_240] {strides = array<i32>} : memref<40x512xf32, #tpu.memory_space<vmem>>, vector<16xf32>,
          tpu.vector_store %arg9[%parallel_loop3A_239, %parallel_loop3A_240], %parallel_loop3A_238 {strides = array<i32>} : memref<40x512xf32, #tpu.memory_space<vmem>>, vector<16xf32>,
          %parallel_loop3A_242 = arith.constant 240 : i32
          %parallel_loop3A_243 = arith.addi %parallel_loop3A_136, %parallel_loop3A_242 : i32
          %parallel_loop3A_244 = arith.index_cast %parallel_loop3A_243 : i32 to index
          %parallel_loop3A_245 = tpu.vector_load %arg7[%parallel_loop3A_244] {strides = array<i32>} : memref<51200xf32, #tpu.memory_space<vmem>>, vector<16xf32>,
          %parallel_loop3A_246 = arith.index_cast %parallel_loop3A_129 : i32 to index
          %parallel_loop3A_247 = arith.constant 240 : index
          %parallel_loop3A_248 = tpu.vector_load %arg9[%parallel_loop3A_246, %parallel_loop3A_247] {strides = array<i32>} : memref<40x512xf32, #tpu.memory_space<vmem>>, vector<16xf32>,
          tpu.vector_store %arg9[%parallel_loop3A_246, %parallel_loop3A_247], %parallel_loop3A_245 {strides = array<i32>} : memref<40x512xf32, #tpu.memory_space<vmem>>, vector<16xf32>,
          %parallel_loop3A_249 = arith.constant 256 : i32
          %parallel_loop3A_250 = arith.addi %parallel_loop3A_136, %parallel_loop3A_249 : i32
          %parallel_loop3A_251 = arith.index_cast %parallel_loop3A_250 : i32 to index
          %parallel_loop3A_252 = tpu.vector_load %arg7[%parallel_loop3A_251] {strides = array<i32>} : memref<51200xf32, #tpu.memory_space<vmem>>, vector<16xf32>,
          %parallel_loop3A_253 = arith.index_cast %parallel_loop3A_129 : i32 to index
          %parallel_loop3A_254 = arith.constant 256 : index
          %parallel_loop3A_255 = tpu.vector_load %arg9[%parallel_loop3A_253, %parallel_loop3A_254] {strides = array<i32>} : memref<40x512xf32, #tpu.memory_space<vmem>>, vector<16xf32>,
          tpu.vector_store %arg9[%parallel_loop3A_253, %parallel_loop3A_254], %parallel_loop3A_252 {strides = array<i32>} : memref<40x512xf32, #tpu.memory_space<vmem>>, vector<16xf32>,
          %parallel_loop3A_256 = arith.constant 272 : i32
          %parallel_loop3A_257 = arith.addi %parallel_loop3A_136, %parallel_loop3A_256 : i32
          %parallel_loop3A_258 = arith.index_cast %parallel_loop3A_257 : i32 to index
          %parallel_loop3A_259 = tpu.vector_load %arg7[%parallel_loop3A_258] {strides = array<i32>} : memref<51200xf32, #tpu.memory_space<vmem>>, vector<16xf32>,
          %parallel_loop3A_260 = arith.index_cast %parallel_loop3A_129 : i32 to index
          %parallel_loop3A_261 = arith.constant 272 : index
          %parallel_loop3A_262 = tpu.vector_load %arg9[%parallel_loop3A_260, %parallel_loop3A_261] {strides = array<i32>} : memref<40x512xf32, #tpu.memory_space<vmem>>, vector<16xf32>,
          tpu.vector_store %arg9[%parallel_loop3A_260, %parallel_loop3A_261], %parallel_loop3A_259 {strides = array<i32>} : memref<40x512xf32, #tpu.memory_space<vmem>>, vector<16xf32>,
          %parallel_loop3A_263 = arith.constant 288 : i32
          %parallel_loop3A_264 = arith.addi %parallel_loop3A_136, %parallel_loop3A_263 : i32
          %parallel_loop3A_265 = arith.index_cast %parallel_loop3A_264 : i32 to index
          %parallel_loop3A_266 = tpu.vector_load %arg7[%parallel_loop3A_265] {strides = array<i32>} : memref<51200xf32, #tpu.memory_space<vmem>>, vector<16xf32>,
          %parallel_loop3A_267 = arith.index_cast %parallel_loop3A_129 : i32 to index
          %parallel_loop3A_268 = arith.constant 288 : index
          %parallel_loop3A_269 = tpu.vector_load %arg9[%parallel_loop3A_267, %parallel_loop3A_268] {strides = array<i32>} : memref<40x512xf32, #tpu.memory_space<vmem>>, vector<16xf32>,
          tpu.vector_store %arg9[%parallel_loop3A_267, %parallel_loop3A_268], %parallel_loop3A_266 {strides = array<i32>} : memref<40x512xf32, #tpu.memory_space<vmem>>, vector<16xf32>,
          %parallel_loop3A_270 = arith.constant 304 : i32
          %parallel_loop3A_271 = arith.addi %parallel_loop3A_136, %parallel_loop3A_270 : i32
          %parallel_loop3A_272 = arith.index_cast %parallel_loop3A_271 : i32 to index
          %parallel_loop3A_273 = tpu.vector_load %arg7[%parallel_loop3A_272] {strides = array<i32>} : memref<51200xf32, #tpu.memory_space<vmem>>, vector<16xf32>,
          %parallel_loop3A_274 = arith.index_cast %parallel_loop3A_129 : i32 to index
          %parallel_loop3A_275 = arith.constant 304 : index
          %parallel_loop3A_276 = tpu.vector_load %arg9[%parallel_loop3A_274, %parallel_loop3A_275] {strides = array<i32>} : memref<40x512xf32, #tpu.memory_space<vmem>>, vector<16xf32>,
          tpu.vector_store %arg9[%parallel_loop3A_274, %parallel_loop3A_275], %parallel_loop3A_273 {strides = array<i32>} : memref<40x512xf32, #tpu.memory_space<vmem>>, vector<16xf32>,
          %parallel_loop3A_277 = arith.constant 320 : i32
          %parallel_loop3A_278 = arith.addi %parallel_loop3A_136, %parallel_loop3A_277 : i32
          %parallel_loop3A_279 = arith.index_cast %parallel_loop3A_278 : i32 to index
          %parallel_loop3A_280 = tpu.vector_load %arg7[%parallel_loop3A_279] {strides = array<i32>} : memref<51200xf32, #tpu.memory_space<vmem>>, vector<16xf32>,
          %parallel_loop3A_281 = arith.index_cast %parallel_loop3A_129 : i32 to index
          %parallel_loop3A_282 = arith.constant 320 : index
          %parallel_loop3A_283 = tpu.vector_load %arg9[%parallel_loop3A_281, %parallel_loop3A_282] {strides = array<i32>} : memref<40x512xf32, #tpu.memory_space<vmem>>, vector<16xf32>,
          tpu.vector_store %arg9[%parallel_loop3A_281, %parallel_loop3A_282], %parallel_loop3A_280 {strides = array<i32>} : memref<40x512xf32, #tpu.memory_space<vmem>>, vector<16xf32>,
          %parallel_loop3A_284 = arith.constant 336 : i32
          %parallel_loop3A_285 = arith.addi %parallel_loop3A_136, %parallel_loop3A_284 : i32
          %parallel_loop3A_286 = arith.index_cast %parallel_loop3A_285 : i32 to index
          %parallel_loop3A_287 = tpu.vector_load %arg7[%parallel_loop3A_286] {strides = array<i32>} : memref<51200xf32, #tpu.memory_space<vmem>>, vector<16xf32>,
          %parallel_loop3A_288 = arith.index_cast %parallel_loop3A_129 : i32 to index
          %parallel_loop3A_289 = arith.constant 336 : index
          %parallel_loop3A_290 = tpu.vector_load %arg9[%parallel_loop3A_288, %parallel_loop3A_289] {strides = array<i32>} : memref<40x512xf32, #tpu.memory_space<vmem>>, vector<16xf32>,
          tpu.vector_store %arg9[%parallel_loop3A_288, %parallel_loop3A_289], %parallel_loop3A_287 {strides = array<i32>} : memref<40x512xf32, #tpu.memory_space<vmem>>, vector<16xf32>,
          %parallel_loop3A_291 = arith.constant 352 : i32
          %parallel_loop3A_292 = arith.addi %parallel_loop3A_136, %parallel_loop3A_291 : i32
          %parallel_loop3A_293 = arith.index_cast %parallel_loop3A_292 : i32 to index
          %parallel_loop3A_294 = tpu.vector_load %arg7[%parallel_loop3A_293] {strides = array<i32>} : memref<51200xf32, #tpu.memory_space<vmem>>, vector<16xf32>,
          %parallel_loop3A_295 = arith.index_cast %parallel_loop3A_129 : i32 to index
          %parallel_loop3A_296 = arith.constant 352 : index
          %parallel_loop3A_297 = tpu.vector_load %arg9[%parallel_loop3A_295, %parallel_loop3A_296] {strides = array<i32>} : memref<40x512xf32, #tpu.memory_space<vmem>>, vector<16xf32>,
          tpu.vector_store %arg9[%parallel_loop3A_295, %parallel_loop3A_296], %parallel_loop3A_294 {strides = array<i32>} : memref<40x512xf32, #tpu.memory_space<vmem>>, vector<16xf32>,
          %parallel_loop3A_298 = arith.constant 368 : i32
          %parallel_loop3A_299 = arith.addi %parallel_loop3A_136, %parallel_loop3A_298 : i32
          %parallel_loop3A_300 = arith.index_cast %parallel_loop3A_299 : i32 to index
          %parallel_loop3A_301 = tpu.vector_load %arg7[%parallel_loop3A_300] {strides = array<i32>} : memref<51200xf32, #tpu.memory_space<vmem>>, vector<16xf32>,
          %parallel_loop3A_302 = arith.index_cast %parallel_loop3A_129 : i32 to index
          %parallel_loop3A_303 = arith.constant 368 : index
          %parallel_loop3A_304 = tpu.vector_load %arg9[%parallel_loop3A_302, %parallel_loop3A_303] {strides = array<i32>} : memref<40x512xf32, #tpu.memory_space<vmem>>, vector<16xf32>,
          tpu.vector_store %arg9[%parallel_loop3A_302, %parallel_loop3A_303], %parallel_loop3A_301 {strides = array<i32>} : memref<40x512xf32, #tpu.memory_space<vmem>>, vector<16xf32>,
          %parallel_loop3A_305 = arith.constant 384 : i32
          %parallel_loop3A_306 = arith.addi %parallel_loop3A_136, %parallel_loop3A_305 : i32
          %parallel_loop3A_307 = arith.index_cast %parallel_loop3A_306 : i32 to index
          %parallel_loop3A_308 = tpu.vector_load %arg7[%parallel_loop3A_307] {strides = array<i32>} : memref<51200xf32, #tpu.memory_space<vmem>>, vector<16xf32>,
          %parallel_loop3A_309 = arith.index_cast %parallel_loop3A_129 : i32 to index
          %parallel_loop3A_310 = arith.constant 384 : index
          %parallel_loop3A_311 = tpu.vector_load %arg9[%parallel_loop3A_309, %parallel_loop3A_310] {strides = array<i32>} : memref<40x512xf32, #tpu.memory_space<vmem>>, vector<16xf32>,
          tpu.vector_store %arg9[%parallel_loop3A_309, %parallel_loop3A_310], %parallel_loop3A_308 {strides = array<i32>} : memref<40x512xf32, #tpu.memory_space<vmem>>, vector<16xf32>,
          %parallel_loop3A_312 = arith.constant 400 : i32
          %parallel_loop3A_313 = arith.addi %parallel_loop3A_136, %parallel_loop3A_312 : i32
          %parallel_loop3A_314 = arith.index_cast %parallel_loop3A_313 : i32 to index
          %parallel_loop3A_315 = tpu.vector_load %arg7[%parallel_loop3A_314] {strides = array<i32>} : memref<51200xf32, #tpu.memory_space<vmem>>, vector<16xf32>,
          %parallel_loop3A_316 = arith.index_cast %parallel_loop3A_129 : i32 to index
          %parallel_loop3A_317 = arith.constant 400 : index
          %parallel_loop3A_318 = tpu.vector_load %arg9[%parallel_loop3A_316, %parallel_loop3A_317] {strides = array<i32>} : memref<40x512xf32, #tpu.memory_space<vmem>>, vector<16xf32>,
          tpu.vector_store %arg9[%parallel_loop3A_316, %parallel_loop3A_317], %parallel_loop3A_315 {strides = array<i32>} : memref<40x512xf32, #tpu.memory_space<vmem>>, vector<16xf32>,
          %parallel_loop3A_319 = arith.constant 416 : i32
          %parallel_loop3A_320 = arith.addi %parallel_loop3A_136, %parallel_loop3A_319 : i32
          %parallel_loop3A_321 = arith.index_cast %parallel_loop3A_320 : i32 to index
          %parallel_loop3A_322 = tpu.vector_load %arg7[%parallel_loop3A_321] {strides = array<i32>} : memref<51200xf32, #tpu.memory_space<vmem>>, vector<16xf32>,
          %parallel_loop3A_323 = arith.index_cast %parallel_loop3A_129 : i32 to index
          %parallel_loop3A_324 = arith.constant 416 : index
          %parallel_loop3A_325 = tpu.vector_load %arg9[%parallel_loop3A_323, %parallel_loop3A_324] {strides = array<i32>} : memref<40x512xf32, #tpu.memory_space<vmem>>, vector<16xf32>,
          tpu.vector_store %arg9[%parallel_loop3A_323, %parallel_loop3A_324], %parallel_loop3A_322 {strides = array<i32>} : memref<40x512xf32, #tpu.memory_space<vmem>>, vector<16xf32>,
          %parallel_loop3A_326 = arith.constant 432 : i32
          %parallel_loop3A_327 = arith.addi %parallel_loop3A_136, %parallel_loop3A_326 : i32
          %parallel_loop3A_328 = arith.index_cast %parallel_loop3A_327 : i32 to index
          %parallel_loop3A_329 = tpu.vector_load %arg7[%parallel_loop3A_328] {strides = array<i32>} : memref<51200xf32, #tpu.memory_space<vmem>>, vector<16xf32>,
          %parallel_loop3A_330 = arith.index_cast %parallel_loop3A_129 : i32 to index
          %parallel_loop3A_331 = arith.constant 432 : index
          %parallel_loop3A_332 = tpu.vector_load %arg9[%parallel_loop3A_330, %parallel_loop3A_331] {strides = array<i32>} : memref<40x512xf32, #tpu.memory_space<vmem>>, vector<16xf32>,
          tpu.vector_store %arg9[%parallel_loop3A_330, %parallel_loop3A_331], %parallel_loop3A_329 {strides = array<i32>} : memref<40x512xf32, #tpu.memory_space<vmem>>, vector<16xf32>,
          %parallel_loop3A_333 = arith.constant 448 : i32
          %parallel_loop3A_334 = arith.addi %parallel_loop3A_136, %parallel_loop3A_333 : i32
          %parallel_loop3A_335 = arith.index_cast %parallel_loop3A_334 : i32 to index
          %parallel_loop3A_336 = tpu.vector_load %arg7[%parallel_loop3A_335] {strides = array<i32>} : memref<51200xf32, #tpu.memory_space<vmem>>, vector<16xf32>,
          %parallel_loop3A_337 = arith.index_cast %parallel_loop3A_129 : i32 to index
          %parallel_loop3A_338 = arith.constant 448 : index
          %parallel_loop3A_339 = tpu.vector_load %arg9[%parallel_loop3A_337, %parallel_loop3A_338] {strides = array<i32>} : memref<40x512xf32, #tpu.memory_space<vmem>>, vector<16xf32>,
          tpu.vector_store %arg9[%parallel_loop3A_337, %parallel_loop3A_338], %parallel_loop3A_336 {strides = array<i32>} : memref<40x512xf32, #tpu.memory_space<vmem>>, vector<16xf32>,
          %parallel_loop3A_340 = arith.constant 464 : i32
          %parallel_loop3A_341 = arith.addi %parallel_loop3A_136, %parallel_loop3A_340 : i32
          %parallel_loop3A_342 = arith.index_cast %parallel_loop3A_341 : i32 to index
          %parallel_loop3A_343 = tpu.vector_load %arg7[%parallel_loop3A_342] {strides = array<i32>} : memref<51200xf32, #tpu.memory_space<vmem>>, vector<16xf32>,
          %parallel_loop3A_344 = arith.index_cast %parallel_loop3A_129 : i32 to index
          %parallel_loop3A_345 = arith.constant 464 : index
          %parallel_loop3A_346 = tpu.vector_load %arg9[%parallel_loop3A_344, %parallel_loop3A_345] {strides = array<i32>} : memref<40x512xf32, #tpu.memory_space<vmem>>, vector<16xf32>,
          tpu.vector_store %arg9[%parallel_loop3A_344, %parallel_loop3A_345], %parallel_loop3A_343 {strides = array<i32>} : memref<40x512xf32, #tpu.memory_space<vmem>>, vector<16xf32>,
          %parallel_loop3A_347 = arith.constant 480 : i32
          %parallel_loop3A_348 = arith.addi %parallel_loop3A_136, %parallel_loop3A_347 : i32
          %parallel_loop3A_349 = arith.index_cast %parallel_loop3A_348 : i32 to index
          %parallel_loop3A_350 = tpu.vector_load %arg7[%parallel_loop3A_349] {strides = array<i32>} : memref<51200xf32, #tpu.memory_space<vmem>>, vector<16xf32>,
          %parallel_loop3A_351 = arith.index_cast %parallel_loop3A_129 : i32 to index
          %parallel_loop3A_352 = arith.constant 480 : index
          %parallel_loop3A_353 = tpu.vector_load %arg9[%parallel_loop3A_351, %parallel_loop3A_352] {strides = array<i32>} : memref<40x512xf32, #tpu.memory_space<vmem>>, vector<16xf32>,
          tpu.vector_store %arg9[%parallel_loop3A_351, %parallel_loop3A_352], %parallel_loop3A_350 {strides = array<i32>} : memref<40x512xf32, #tpu.memory_space<vmem>>, vector<16xf32>,
          %parallel_loop3A_354 = arith.constant 496 : i32
          %parallel_loop3A_355 = arith.addi %parallel_loop3A_136, %parallel_loop3A_354 : i32
          %parallel_loop3A_356 = arith.index_cast %parallel_loop3A_355 : i32 to index
          %parallel_loop3A_357 = tpu.vector_load %arg7[%parallel_loop3A_356] {strides = array<i32>} : memref<51200xf32, #tpu.memory_space<vmem>>, vector<16xf32>,
          %parallel_loop3A_358 = arith.index_cast %parallel_loop3A_129 : i32 to index
          %parallel_loop3A_359 = arith.constant 496 : index
          %parallel_loop3A_360 = tpu.vector_load %arg9[%parallel_loop3A_358, %parallel_loop3A_359] {strides = array<i32>} : memref<40x512xf32, #tpu.memory_space<vmem>>, vector<16xf32>,
          tpu.vector_store %arg9[%parallel_loop3A_358, %parallel_loop3A_359], %parallel_loop3A_357 {strides = array<i32>} : memref<40x512xf32, #tpu.memory_space<vmem>>, vector<16xf32>,
        } {sc.loop_unroll_factor = 2 : i64, sc.parallel_access}
        %mul3A_100 = arith.constant 40 : i32
        %mul3A_101 = arith.muli %add3A_92, %mul3A_100 : i32
        %add3A_102 = arith.addi %mul3A_4, %mul3A_101 : i32
        %dma_start3A_103 = arith.constant 0 : i32
        %dma_start3A_104 = tpu.memref_slice %arg4[%add3A_102, %dma_start3A_103] : memref<409600x512xf32, #tpu.memory_space<hbm>> -> memref<40x512xf32, #tpu.memory_space<hbm>>
        %dma_start3A_105 = arith.constant 0 : i32
        %dma_start3A_106 = tpu.memref_slice %arg4[%add3A_102, %dma_start3A_105] : memref<409600x512xf32, #tpu.memory_space<hbm>> -> memref<40x512xf32, #tpu.memory_space<hbm>>
        tpu.enqueue_dma source(%arg9 : memref<40x512xf32, #tpu.memory_space<vmem>>) target(%dma_start3A_106 : memref<40x512xf32, #tpu.memory_space<hbm>>) target_semaphore(%arg13 : memref<!tpu.dma_semaphore, #tpu.memory_space<semaphore_mem>>)
        %mul3A_107 = arith.constant 2 : i32
        %mul3A_108 = arith.muli %scan3A_85, %mul3A_107 : i32
        %add3A_109 = arith.constant 1 : i32
        %add3A_110 = arith.addi %mul3A_108, %add3A_109 : i32
        %mul3A_111 = arith.constant 10 : i32
        %mul3A_112 = arith.muli %add3A_38, %mul3A_111 : i32
        %add3A_113 = arith.addi %mul3A_112, %add3A_110 : i32
        %ge3A_114 = arith.constant 2 : i32
        %ge3A_115 = arith.cmpi sge, %add3A_113, %ge3A_114 : i32
        %convert_element_type3A_116 = arith.extui %ge3A_115 : i1 to i32
        %cond3A_117 = arith.constant 0 : i32
        %cond3A_118 = arith.cmpi ne, %convert_element_type3A_116, %cond3A_117 : i32
        scf.if %cond3A_118 {
          %sub3A = arith.constant 2 : i32
          %sub3A_129 = arith.subi %add3A_113, %sub3A : i32
          %mul3A_130 = arith.constant 40 : i32
          %mul3A_131 = arith.muli %sub3A_129, %mul3A_130 : i32
          %add3A_132 = arith.addi %mul3A_4, %mul3A_131 : i32
          %dma_wait3A_133 = arith.constant 0 : i32
          %dma_wait3A_134 = tpu.memref_slice %arg4[%add3A_132, %dma_wait3A_133] : memref<409600x512xf32, #tpu.memory_space<hbm>> -> memref<40x512xf32, #tpu.memory_space<hbm>>
          %dma_wait3A_135 = arith.constant 0 : i32
          %dma_wait3A_136 = tpu.memref_slice %arg4[%add3A_132, %dma_wait3A_135] : memref<409600x512xf32, #tpu.memory_space<hbm>> -> memref<40x512xf32, #tpu.memory_space<hbm>>
          tpu.wait_dma2 semaphore(%arg13 : memref<!tpu.dma_semaphore, #tpu.memory_space<semaphore_mem>>) src(%arg10 : memref<40x512xf32, #tpu.memory_space<vmem>>) dst(%dma_wait3A_136 : memref<40x512xf32, #tpu.memory_space<hbm>>)
        } else {
        }
        %parallel_loop3A_119 = arith.constant 0 : i32
        %parallel_loop3A_120 = arith.constant 40 : i32
        %parallel_loop3A_121 = arith.constant 1 : i32
        scf.for %parallel_loop3A_129 = %parallel_loop3A_119 to %parallel_loop3A_120 step %parallel_loop3A_121  : i32 {
          %parallel_loop3A_130 = arith.constant 40 : i32
          %parallel_loop3A_131 = arith.muli %add3A_113, %parallel_loop3A_130 : i32
          %parallel_loop3A_132 = arith.addi %parallel_loop3A_131, %parallel_loop3A_129 : i32
          %parallel_loop3A_133 = arith.index_cast %parallel_loop3A_132 : i32 to index
          %parallel_loop3A_134 = tpu.vector_load %arg8[%parallel_loop3A_133] {strides = array<i32>} : memref<12816xi32, #tpu.memory_space<vmem>>, vector<16xi32>,
          %parallel_loop3A_135 = vector.extract_strided_slice %parallel_loop3A_134 {offsets = [0], sizes = [1], strides = [1]} : vector<16xi32> to vector<1xi32>
          %parallel_loop3A_136 = vector.extract %parallel_loop3A_135[0] : i32 from vector<1xi32>
          %parallel_loop3A_137 = arith.constant 0 : i32
          %parallel_loop3A_138 = arith.addi %parallel_loop3A_136, %parallel_loop3A_137 : i32
          %parallel_loop3A_139 = arith.index_cast %parallel_loop3A_138 : i32 to index
          %parallel_loop3A_140 = tpu.vector_load %arg7[%parallel_loop3A_139] {strides = array<i32>} : memref<51200xf32, #tpu.memory_space<vmem>>, vector<16xf32>,
          %parallel_loop3A_141 = arith.index_cast %parallel_loop3A_129 : i32 to index
          %parallel_loop3A_142 = arith.constant 0 : index
          %parallel_loop3A_143 = tpu.vector_load %arg10[%parallel_loop3A_141, %parallel_loop3A_142] {strides = array<i32>} : memref<40x512xf32, #tpu.memory_space<vmem>>, vector<16xf32>,
          tpu.vector_store %arg10[%parallel_loop3A_141, %parallel_loop3A_142], %parallel_loop3A_140 {strides = array<i32>} : memref<40x512xf32, #tpu.memory_space<vmem>>, vector<16xf32>,
          %parallel_loop3A_144 = arith.constant 16 : i32
          %parallel_loop3A_145 = arith.addi %parallel_loop3A_136, %parallel_loop3A_144 : i32
          %parallel_loop3A_146 = arith.index_cast %parallel_loop3A_145 : i32 to index
          %parallel_loop3A_147 = tpu.vector_load %arg7[%parallel_loop3A_146] {strides = array<i32>} : memref<51200xf32, #tpu.memory_space<vmem>>, vector<16xf32>,
          %parallel_loop3A_148 = arith.index_cast %parallel_loop3A_129 : i32 to index
          %parallel_loop3A_149 = arith.constant 16 : index
          %parallel_loop3A_150 = tpu.vector_load %arg10[%parallel_loop3A_148, %parallel_loop3A_149] {strides = array<i32>} : memref<40x512xf32, #tpu.memory_space<vmem>>, vector<16xf32>,
          tpu.vector_store %arg10[%parallel_loop3A_148, %parallel_loop3A_149], %parallel_loop3A_147 {strides = array<i32>} : memref<40x512xf32, #tpu.memory_space<vmem>>, vector<16xf32>,
          %parallel_loop3A_151 = arith.constant 32 : i32
          %parallel_loop3A_152 = arith.addi %parallel_loop3A_136, %parallel_loop3A_151 : i32
          %parallel_loop3A_153 = arith.index_cast %parallel_loop3A_152 : i32 to index
          %parallel_loop3A_154 = tpu.vector_load %arg7[%parallel_loop3A_153] {strides = array<i32>} : memref<51200xf32, #tpu.memory_space<vmem>>, vector<16xf32>,
          %parallel_loop3A_155 = arith.index_cast %parallel_loop3A_129 : i32 to index
          %parallel_loop3A_156 = arith.constant 32 : index
          %parallel_loop3A_157 = tpu.vector_load %arg10[%parallel_loop3A_155, %parallel_loop3A_156] {strides = array<i32>} : memref<40x512xf32, #tpu.memory_space<vmem>>, vector<16xf32>,
          tpu.vector_store %arg10[%parallel_loop3A_155, %parallel_loop3A_156], %parallel_loop3A_154 {strides = array<i32>} : memref<40x512xf32, #tpu.memory_space<vmem>>, vector<16xf32>,
          %parallel_loop3A_158 = arith.constant 48 : i32
          %parallel_loop3A_159 = arith.addi %parallel_loop3A_136, %parallel_loop3A_158 : i32
          %parallel_loop3A_160 = arith.index_cast %parallel_loop3A_159 : i32 to index
          %parallel_loop3A_161 = tpu.vector_load %arg7[%parallel_loop3A_160] {strides = array<i32>} : memref<51200xf32, #tpu.memory_space<vmem>>, vector<16xf32>,
          %parallel_loop3A_162 = arith.index_cast %parallel_loop3A_129 : i32 to index
          %parallel_loop3A_163 = arith.constant 48 : index
          %parallel_loop3A_164 = tpu.vector_load %arg10[%parallel_loop3A_162, %parallel_loop3A_163] {strides = array<i32>} : memref<40x512xf32, #tpu.memory_space<vmem>>, vector<16xf32>,
          tpu.vector_store %arg10[%parallel_loop3A_162, %parallel_loop3A_163], %parallel_loop3A_161 {strides = array<i32>} : memref<40x512xf32, #tpu.memory_space<vmem>>, vector<16xf32>,
          %parallel_loop3A_165 = arith.constant 64 : i32
          %parallel_loop3A_166 = arith.addi %parallel_loop3A_136, %parallel_loop3A_165 : i32
          %parallel_loop3A_167 = arith.index_cast %parallel_loop3A_166 : i32 to index
          %parallel_loop3A_168 = tpu.vector_load %arg7[%parallel_loop3A_167] {strides = array<i32>} : memref<51200xf32, #tpu.memory_space<vmem>>, vector<16xf32>,
          %parallel_loop3A_169 = arith.index_cast %parallel_loop3A_129 : i32 to index
          %parallel_loop3A_170 = arith.constant 64 : index
          %parallel_loop3A_171 = tpu.vector_load %arg10[%parallel_loop3A_169, %parallel_loop3A_170] {strides = array<i32>} : memref<40x512xf32, #tpu.memory_space<vmem>>, vector<16xf32>,
          tpu.vector_store %arg10[%parallel_loop3A_169, %parallel_loop3A_170], %parallel_loop3A_168 {strides = array<i32>} : memref<40x512xf32, #tpu.memory_space<vmem>>, vector<16xf32>,
          %parallel_loop3A_172 = arith.constant 80 : i32
          %parallel_loop3A_173 = arith.addi %parallel_loop3A_136, %parallel_loop3A_172 : i32
          %parallel_loop3A_174 = arith.index_cast %parallel_loop3A_173 : i32 to index
          %parallel_loop3A_175 = tpu.vector_load %arg7[%parallel_loop3A_174] {strides = array<i32>} : memref<51200xf32, #tpu.memory_space<vmem>>, vector<16xf32>,
          %parallel_loop3A_176 = arith.index_cast %parallel_loop3A_129 : i32 to index
          %parallel_loop3A_177 = arith.constant 80 : index
          %parallel_loop3A_178 = tpu.vector_load %arg10[%parallel_loop3A_176, %parallel_loop3A_177] {strides = array<i32>} : memref<40x512xf32, #tpu.memory_space<vmem>>, vector<16xf32>,
          tpu.vector_store %arg10[%parallel_loop3A_176, %parallel_loop3A_177], %parallel_loop3A_175 {strides = array<i32>} : memref<40x512xf32, #tpu.memory_space<vmem>>, vector<16xf32>,
          %parallel_loop3A_179 = arith.constant 96 : i32
          %parallel_loop3A_180 = arith.addi %parallel_loop3A_136, %parallel_loop3A_179 : i32
          %parallel_loop3A_181 = arith.index_cast %parallel_loop3A_180 : i32 to index
          %parallel_loop3A_182 = tpu.vector_load %arg7[%parallel_loop3A_181] {strides = array<i32>} : memref<51200xf32, #tpu.memory_space<vmem>>, vector<16xf32>,
          %parallel_loop3A_183 = arith.index_cast %parallel_loop3A_129 : i32 to index
          %parallel_loop3A_184 = arith.constant 96 : index
          %parallel_loop3A_185 = tpu.vector_load %arg10[%parallel_loop3A_183, %parallel_loop3A_184] {strides = array<i32>} : memref<40x512xf32, #tpu.memory_space<vmem>>, vector<16xf32>,
          tpu.vector_store %arg10[%parallel_loop3A_183, %parallel_loop3A_184], %parallel_loop3A_182 {strides = array<i32>} : memref<40x512xf32, #tpu.memory_space<vmem>>, vector<16xf32>,
          %parallel_loop3A_186 = arith.constant 112 : i32
          %parallel_loop3A_187 = arith.addi %parallel_loop3A_136, %parallel_loop3A_186 : i32
          %parallel_loop3A_188 = arith.index_cast %parallel_loop3A_187 : i32 to index
          %parallel_loop3A_189 = tpu.vector_load %arg7[%parallel_loop3A_188] {strides = array<i32>} : memref<51200xf32, #tpu.memory_space<vmem>>, vector<16xf32>,
          %parallel_loop3A_190 = arith.index_cast %parallel_loop3A_129 : i32 to index
          %parallel_loop3A_191 = arith.constant 112 : index
          %parallel_loop3A_192 = tpu.vector_load %arg10[%parallel_loop3A_190, %parallel_loop3A_191] {strides = array<i32>} : memref<40x512xf32, #tpu.memory_space<vmem>>, vector<16xf32>,
          tpu.vector_store %arg10[%parallel_loop3A_190, %parallel_loop3A_191], %parallel_loop3A_189 {strides = array<i32>} : memref<40x512xf32, #tpu.memory_space<vmem>>, vector<16xf32>,
          %parallel_loop3A_193 = arith.constant 128 : i32
          %parallel_loop3A_194 = arith.addi %parallel_loop3A_136, %parallel_loop3A_193 : i32
          %parallel_loop3A_195 = arith.index_cast %parallel_loop3A_194 : i32 to index
          %parallel_loop3A_196 = tpu.vector_load %arg7[%parallel_loop3A_195] {strides = array<i32>} : memref<51200xf32, #tpu.memory_space<vmem>>, vector<16xf32>,
          %parallel_loop3A_197 = arith.index_cast %parallel_loop3A_129 : i32 to index
          %parallel_loop3A_198 = arith.constant 128 : index
          %parallel_loop3A_199 = tpu.vector_load %arg10[%parallel_loop3A_197, %parallel_loop3A_198] {strides = array<i32>} : memref<40x512xf32, #tpu.memory_space<vmem>>, vector<16xf32>,
          tpu.vector_store %arg10[%parallel_loop3A_197, %parallel_loop3A_198], %parallel_loop3A_196 {strides = array<i32>} : memref<40x512xf32, #tpu.memory_space<vmem>>, vector<16xf32>,
          %parallel_loop3A_200 = arith.constant 144 : i32
          %parallel_loop3A_201 = arith.addi %parallel_loop3A_136, %parallel_loop3A_200 : i32
          %parallel_loop3A_202 = arith.index_cast %parallel_loop3A_201 : i32 to index
          %parallel_loop3A_203 = tpu.vector_load %arg7[%parallel_loop3A_202] {strides = array<i32>} : memref<51200xf32, #tpu.memory_space<vmem>>, vector<16xf32>,
          %parallel_loop3A_204 = arith.index_cast %parallel_loop3A_129 : i32 to index
          %parallel_loop3A_205 = arith.constant 144 : index
          %parallel_loop3A_206 = tpu.vector_load %arg10[%parallel_loop3A_204, %parallel_loop3A_205] {strides = array<i32>} : memref<40x512xf32, #tpu.memory_space<vmem>>, vector<16xf32>,
          tpu.vector_store %arg10[%parallel_loop3A_204, %parallel_loop3A_205], %parallel_loop3A_203 {strides = array<i32>} : memref<40x512xf32, #tpu.memory_space<vmem>>, vector<16xf32>,
          %parallel_loop3A_207 = arith.constant 160 : i32
          %parallel_loop3A_208 = arith.addi %parallel_loop3A_136, %parallel_loop3A_207 : i32
          %parallel_loop3A_209 = arith.index_cast %parallel_loop3A_208 : i32 to index
          %parallel_loop3A_210 = tpu.vector_load %arg7[%parallel_loop3A_209] {strides = array<i32>} : memref<51200xf32, #tpu.memory_space<vmem>>, vector<16xf32>,
          %parallel_loop3A_211 = arith.index_cast %parallel_loop3A_129 : i32 to index
          %parallel_loop3A_212 = arith.constant 160 : index
          %parallel_loop3A_213 = tpu.vector_load %arg10[%parallel_loop3A_211, %parallel_loop3A_212] {strides = array<i32>} : memref<40x512xf32, #tpu.memory_space<vmem>>, vector<16xf32>,
          tpu.vector_store %arg10[%parallel_loop3A_211, %parallel_loop3A_212], %parallel_loop3A_210 {strides = array<i32>} : memref<40x512xf32, #tpu.memory_space<vmem>>, vector<16xf32>,
          %parallel_loop3A_214 = arith.constant 176 : i32
          %parallel_loop3A_215 = arith.addi %parallel_loop3A_136, %parallel_loop3A_214 : i32
          %parallel_loop3A_216 = arith.index_cast %parallel_loop3A_215 : i32 to index
          %parallel_loop3A_217 = tpu.vector_load %arg7[%parallel_loop3A_216] {strides = array<i32>} : memref<51200xf32, #tpu.memory_space<vmem>>, vector<16xf32>,
          %parallel_loop3A_218 = arith.index_cast %parallel_loop3A_129 : i32 to index
          %parallel_loop3A_219 = arith.constant 176 : index
          %parallel_loop3A_220 = tpu.vector_load %arg10[%parallel_loop3A_218, %parallel_loop3A_219] {strides = array<i32>} : memref<40x512xf32, #tpu.memory_space<vmem>>, vector<16xf32>,
          tpu.vector_store %arg10[%parallel_loop3A_218, %parallel_loop3A_219], %parallel_loop3A_217 {strides = array<i32>} : memref<40x512xf32, #tpu.memory_space<vmem>>, vector<16xf32>,
          %parallel_loop3A_221 = arith.constant 192 : i32
          %parallel_loop3A_222 = arith.addi %parallel_loop3A_136, %parallel_loop3A_221 : i32
          %parallel_loop3A_223 = arith.index_cast %parallel_loop3A_222 : i32 to index
          %parallel_loop3A_224 = tpu.vector_load %arg7[%parallel_loop3A_223] {strides = array<i32>} : memref<51200xf32, #tpu.memory_space<vmem>>, vector<16xf32>,
          %parallel_loop3A_225 = arith.index_cast %parallel_loop3A_129 : i32 to index
          %parallel_loop3A_226 = arith.constant 192 : index
          %parallel_loop3A_227 = tpu.vector_load %arg10[%parallel_loop3A_225, %parallel_loop3A_226] {strides = array<i32>} : memref<40x512xf32, #tpu.memory_space<vmem>>, vector<16xf32>,
          tpu.vector_store %arg10[%parallel_loop3A_225, %parallel_loop3A_226], %parallel_loop3A_224 {strides = array<i32>} : memref<40x512xf32, #tpu.memory_space<vmem>>, vector<16xf32>,
          %parallel_loop3A_228 = arith.constant 208 : i32
          %parallel_loop3A_229 = arith.addi %parallel_loop3A_136, %parallel_loop3A_228 : i32
          %parallel_loop3A_230 = arith.index_cast %parallel_loop3A_229 : i32 to index
          %parallel_loop3A_231 = tpu.vector_load %arg7[%parallel_loop3A_230] {strides = array<i32>} : memref<51200xf32, #tpu.memory_space<vmem>>, vector<16xf32>,
          %parallel_loop3A_232 = arith.index_cast %parallel_loop3A_129 : i32 to index
          %parallel_loop3A_233 = arith.constant 208 : index
          %parallel_loop3A_234 = tpu.vector_load %arg10[%parallel_loop3A_232, %parallel_loop3A_233] {strides = array<i32>} : memref<40x512xf32, #tpu.memory_space<vmem>>, vector<16xf32>,
          tpu.vector_store %arg10[%parallel_loop3A_232, %parallel_loop3A_233], %parallel_loop3A_231 {strides = array<i32>} : memref<40x512xf32, #tpu.memory_space<vmem>>, vector<16xf32>,
          %parallel_loop3A_235 = arith.constant 224 : i32
          %parallel_loop3A_236 = arith.addi %parallel_loop3A_136, %parallel_loop3A_235 : i32
          %parallel_loop3A_237 = arith.index_cast %parallel_loop3A_236 : i32 to index
          %parallel_loop3A_238 = tpu.vector_load %arg7[%parallel_loop3A_237] {strides = array<i32>} : memref<51200xf32, #tpu.memory_space<vmem>>, vector<16xf32>,
          %parallel_loop3A_239 = arith.index_cast %parallel_loop3A_129 : i32 to index
          %parallel_loop3A_240 = arith.constant 224 : index
          %parallel_loop3A_241 = tpu.vector_load %arg10[%parallel_loop3A_239, %parallel_loop3A_240] {strides = array<i32>} : memref<40x512xf32, #tpu.memory_space<vmem>>, vector<16xf32>,
          tpu.vector_store %arg10[%parallel_loop3A_239, %parallel_loop3A_240], %parallel_loop3A_238 {strides = array<i32>} : memref<40x512xf32, #tpu.memory_space<vmem>>, vector<16xf32>,
          %parallel_loop3A_242 = arith.constant 240 : i32
          %parallel_loop3A_243 = arith.addi %parallel_loop3A_136, %parallel_loop3A_242 : i32
          %parallel_loop3A_244 = arith.index_cast %parallel_loop3A_243 : i32 to index
          %parallel_loop3A_245 = tpu.vector_load %arg7[%parallel_loop3A_244] {strides = array<i32>} : memref<51200xf32, #tpu.memory_space<vmem>>, vector<16xf32>,
          %parallel_loop3A_246 = arith.index_cast %parallel_loop3A_129 : i32 to index
          %parallel_loop3A_247 = arith.constant 240 : index
          %parallel_loop3A_248 = tpu.vector_load %arg10[%parallel_loop3A_246, %parallel_loop3A_247] {strides = array<i32>} : memref<40x512xf32, #tpu.memory_space<vmem>>, vector<16xf32>,
          tpu.vector_store %arg10[%parallel_loop3A_246, %parallel_loop3A_247], %parallel_loop3A_245 {strides = array<i32>} : memref<40x512xf32, #tpu.memory_space<vmem>>, vector<16xf32>,
          %parallel_loop3A_249 = arith.constant 256 : i32
          %parallel_loop3A_250 = arith.addi %parallel_loop3A_136, %parallel_loop3A_249 : i32
          %parallel_loop3A_251 = arith.index_cast %parallel_loop3A_250 : i32 to index
          %parallel_loop3A_252 = tpu.vector_load %arg7[%parallel_loop3A_251] {strides = array<i32>} : memref<51200xf32, #tpu.memory_space<vmem>>, vector<16xf32>,
          %parallel_loop3A_253 = arith.index_cast %parallel_loop3A_129 : i32 to index
          %parallel_loop3A_254 = arith.constant 256 : index
          %parallel_loop3A_255 = tpu.vector_load %arg10[%parallel_loop3A_253, %parallel_loop3A_254] {strides = array<i32>} : memref<40x512xf32, #tpu.memory_space<vmem>>, vector<16xf32>,
          tpu.vector_store %arg10[%parallel_loop3A_253, %parallel_loop3A_254], %parallel_loop3A_252 {strides = array<i32>} : memref<40x512xf32, #tpu.memory_space<vmem>>, vector<16xf32>,
          %parallel_loop3A_256 = arith.constant 272 : i32
          %parallel_loop3A_257 = arith.addi %parallel_loop3A_136, %parallel_loop3A_256 : i32
          %parallel_loop3A_258 = arith.index_cast %parallel_loop3A_257 : i32 to index
          %parallel_loop3A_259 = tpu.vector_load %arg7[%parallel_loop3A_258] {strides = array<i32>} : memref<51200xf32, #tpu.memory_space<vmem>>, vector<16xf32>,
          %parallel_loop3A_260 = arith.index_cast %parallel_loop3A_129 : i32 to index
          %parallel_loop3A_261 = arith.constant 272 : index
          %parallel_loop3A_262 = tpu.vector_load %arg10[%parallel_loop3A_260, %parallel_loop3A_261] {strides = array<i32>} : memref<40x512xf32, #tpu.memory_space<vmem>>, vector<16xf32>,
          tpu.vector_store %arg10[%parallel_loop3A_260, %parallel_loop3A_261], %parallel_loop3A_259 {strides = array<i32>} : memref<40x512xf32, #tpu.memory_space<vmem>>, vector<16xf32>,
          %parallel_loop3A_263 = arith.constant 288 : i32
          %parallel_loop3A_264 = arith.addi %parallel_loop3A_136, %parallel_loop3A_263 : i32
          %parallel_loop3A_265 = arith.index_cast %parallel_loop3A_264 : i32 to index
          %parallel_loop3A_266 = tpu.vector_load %arg7[%parallel_loop3A_265] {strides = array<i32>} : memref<51200xf32, #tpu.memory_space<vmem>>, vector<16xf32>,
          %parallel_loop3A_267 = arith.index_cast %parallel_loop3A_129 : i32 to index
          %parallel_loop3A_268 = arith.constant 288 : index
          %parallel_loop3A_269 = tpu.vector_load %arg10[%parallel_loop3A_267, %parallel_loop3A_268] {strides = array<i32>} : memref<40x512xf32, #tpu.memory_space<vmem>>, vector<16xf32>,
          tpu.vector_store %arg10[%parallel_loop3A_267, %parallel_loop3A_268], %parallel_loop3A_266 {strides = array<i32>} : memref<40x512xf32, #tpu.memory_space<vmem>>, vector<16xf32>,
          %parallel_loop3A_270 = arith.constant 304 : i32
          %parallel_loop3A_271 = arith.addi %parallel_loop3A_136, %parallel_loop3A_270 : i32
          %parallel_loop3A_272 = arith.index_cast %parallel_loop3A_271 : i32 to index
          %parallel_loop3A_273 = tpu.vector_load %arg7[%parallel_loop3A_272] {strides = array<i32>} : memref<51200xf32, #tpu.memory_space<vmem>>, vector<16xf32>,
          %parallel_loop3A_274 = arith.index_cast %parallel_loop3A_129 : i32 to index
          %parallel_loop3A_275 = arith.constant 304 : index
          %parallel_loop3A_276 = tpu.vector_load %arg10[%parallel_loop3A_274, %parallel_loop3A_275] {strides = array<i32>} : memref<40x512xf32, #tpu.memory_space<vmem>>, vector<16xf32>,
          tpu.vector_store %arg10[%parallel_loop3A_274, %parallel_loop3A_275], %parallel_loop3A_273 {strides = array<i32>} : memref<40x512xf32, #tpu.memory_space<vmem>>, vector<16xf32>,
          %parallel_loop3A_277 = arith.constant 320 : i32
          %parallel_loop3A_278 = arith.addi %parallel_loop3A_136, %parallel_loop3A_277 : i32
          %parallel_loop3A_279 = arith.index_cast %parallel_loop3A_278 : i32 to index
          %parallel_loop3A_280 = tpu.vector_load %arg7[%parallel_loop3A_279] {strides = array<i32>} : memref<51200xf32, #tpu.memory_space<vmem>>, vector<16xf32>,
          %parallel_loop3A_281 = arith.index_cast %parallel_loop3A_129 : i32 to index
          %parallel_loop3A_282 = arith.constant 320 : index
          %parallel_loop3A_283 = tpu.vector_load %arg10[%parallel_loop3A_281, %parallel_loop3A_282] {strides = array<i32>} : memref<40x512xf32, #tpu.memory_space<vmem>>, vector<16xf32>,
          tpu.vector_store %arg10[%parallel_loop3A_281, %parallel_loop3A_282], %parallel_loop3A_280 {strides = array<i32>} : memref<40x512xf32, #tpu.memory_space<vmem>>, vector<16xf32>,
          %parallel_loop3A_284 = arith.constant 336 : i32
          %parallel_loop3A_285 = arith.addi %parallel_loop3A_136, %parallel_loop3A_284 : i32
          %parallel_loop3A_286 = arith.index_cast %parallel_loop3A_285 : i32 to index
          %parallel_loop3A_287 = tpu.vector_load %arg7[%parallel_loop3A_286] {strides = array<i32>} : memref<51200xf32, #tpu.memory_space<vmem>>, vector<16xf32>,
          %parallel_loop3A_288 = arith.index_cast %parallel_loop3A_129 : i32 to index
          %parallel_loop3A_289 = arith.constant 336 : index
          %parallel_loop3A_290 = tpu.vector_load %arg10[%parallel_loop3A_288, %parallel_loop3A_289] {strides = array<i32>} : memref<40x512xf32, #tpu.memory_space<vmem>>, vector<16xf32>,
          tpu.vector_store %arg10[%parallel_loop3A_288, %parallel_loop3A_289], %parallel_loop3A_287 {strides = array<i32>} : memref<40x512xf32, #tpu.memory_space<vmem>>, vector<16xf32>,
          %parallel_loop3A_291 = arith.constant 352 : i32
          %parallel_loop3A_292 = arith.addi %parallel_loop3A_136, %parallel_loop3A_291 : i32
          %parallel_loop3A_293 = arith.index_cast %parallel_loop3A_292 : i32 to index
          %parallel_loop3A_294 = tpu.vector_load %arg7[%parallel_loop3A_293] {strides = array<i32>} : memref<51200xf32, #tpu.memory_space<vmem>>, vector<16xf32>,
          %parallel_loop3A_295 = arith.index_cast %parallel_loop3A_129 : i32 to index
          %parallel_loop3A_296 = arith.constant 352 : index
          %parallel_loop3A_297 = tpu.vector_load %arg10[%parallel_loop3A_295, %parallel_loop3A_296] {strides = array<i32>} : memref<40x512xf32, #tpu.memory_space<vmem>>, vector<16xf32>,
          tpu.vector_store %arg10[%parallel_loop3A_295, %parallel_loop3A_296], %parallel_loop3A_294 {strides = array<i32>} : memref<40x512xf32, #tpu.memory_space<vmem>>, vector<16xf32>,
          %parallel_loop3A_298 = arith.constant 368 : i32
          %parallel_loop3A_299 = arith.addi %parallel_loop3A_136, %parallel_loop3A_298 : i32
          %parallel_loop3A_300 = arith.index_cast %parallel_loop3A_299 : i32 to index
          %parallel_loop3A_301 = tpu.vector_load %arg7[%parallel_loop3A_300] {strides = array<i32>} : memref<51200xf32, #tpu.memory_space<vmem>>, vector<16xf32>,
          %parallel_loop3A_302 = arith.index_cast %parallel_loop3A_129 : i32 to index
          %parallel_loop3A_303 = arith.constant 368 : index
          %parallel_loop3A_304 = tpu.vector_load %arg10[%parallel_loop3A_302, %parallel_loop3A_303] {strides = array<i32>} : memref<40x512xf32, #tpu.memory_space<vmem>>, vector<16xf32>,
          tpu.vector_store %arg10[%parallel_loop3A_302, %parallel_loop3A_303], %parallel_loop3A_301 {strides = array<i32>} : memref<40x512xf32, #tpu.memory_space<vmem>>, vector<16xf32>,
          %parallel_loop3A_305 = arith.constant 384 : i32
          %parallel_loop3A_306 = arith.addi %parallel_loop3A_136, %parallel_loop3A_305 : i32
          %parallel_loop3A_307 = arith.index_cast %parallel_loop3A_306 : i32 to index
          %parallel_loop3A_308 = tpu.vector_load %arg7[%parallel_loop3A_307] {strides = array<i32>} : memref<51200xf32, #tpu.memory_space<vmem>>, vector<16xf32>,
          %parallel_loop3A_309 = arith.index_cast %parallel_loop3A_129 : i32 to index
          %parallel_loop3A_310 = arith.constant 384 : index
          %parallel_loop3A_311 = tpu.vector_load %arg10[%parallel_loop3A_309, %parallel_loop3A_310] {strides = array<i32>} : memref<40x512xf32, #tpu.memory_space<vmem>>, vector<16xf32>,
          tpu.vector_store %arg10[%parallel_loop3A_309, %parallel_loop3A_310], %parallel_loop3A_308 {strides = array<i32>} : memref<40x512xf32, #tpu.memory_space<vmem>>, vector<16xf32>,
          %parallel_loop3A_312 = arith.constant 400 : i32
          %parallel_loop3A_313 = arith.addi %parallel_loop3A_136, %parallel_loop3A_312 : i32
          %parallel_loop3A_314 = arith.index_cast %parallel_loop3A_313 : i32 to index
          %parallel_loop3A_315 = tpu.vector_load %arg7[%parallel_loop3A_314] {strides = array<i32>} : memref<51200xf32, #tpu.memory_space<vmem>>, vector<16xf32>,
          %parallel_loop3A_316 = arith.index_cast %parallel_loop3A_129 : i32 to index
          %parallel_loop3A_317 = arith.constant 400 : index
          %parallel_loop3A_318 = tpu.vector_load %arg10[%parallel_loop3A_316, %parallel_loop3A_317] {strides = array<i32>} : memref<40x512xf32, #tpu.memory_space<vmem>>, vector<16xf32>,
          tpu.vector_store %arg10[%parallel_loop3A_316, %parallel_loop3A_317], %parallel_loop3A_315 {strides = array<i32>} : memref<40x512xf32, #tpu.memory_space<vmem>>, vector<16xf32>,
          %parallel_loop3A_319 = arith.constant 416 : i32
          %parallel_loop3A_320 = arith.addi %parallel_loop3A_136, %parallel_loop3A_319 : i32
          %parallel_loop3A_321 = arith.index_cast %parallel_loop3A_320 : i32 to index
          %parallel_loop3A_322 = tpu.vector_load %arg7[%parallel_loop3A_321] {strides = array<i32>} : memref<51200xf32, #tpu.memory_space<vmem>>, vector<16xf32>,
          %parallel_loop3A_323 = arith.index_cast %parallel_loop3A_129 : i32 to index
          %parallel_loop3A_324 = arith.constant 416 : index
          %parallel_loop3A_325 = tpu.vector_load %arg10[%parallel_loop3A_323, %parallel_loop3A_324] {strides = array<i32>} : memref<40x512xf32, #tpu.memory_space<vmem>>, vector<16xf32>,
          tpu.vector_store %arg10[%parallel_loop3A_323, %parallel_loop3A_324], %parallel_loop3A_322 {strides = array<i32>} : memref<40x512xf32, #tpu.memory_space<vmem>>, vector<16xf32>,
          %parallel_loop3A_326 = arith.constant 432 : i32
          %parallel_loop3A_327 = arith.addi %parallel_loop3A_136, %parallel_loop3A_326 : i32
          %parallel_loop3A_328 = arith.index_cast %parallel_loop3A_327 : i32 to index
          %parallel_loop3A_329 = tpu.vector_load %arg7[%parallel_loop3A_328] {strides = array<i32>} : memref<51200xf32, #tpu.memory_space<vmem>>, vector<16xf32>,
          %parallel_loop3A_330 = arith.index_cast %parallel_loop3A_129 : i32 to index
          %parallel_loop3A_331 = arith.constant 432 : index
          %parallel_loop3A_332 = tpu.vector_load %arg10[%parallel_loop3A_330, %parallel_loop3A_331] {strides = array<i32>} : memref<40x512xf32, #tpu.memory_space<vmem>>, vector<16xf32>,
          tpu.vector_store %arg10[%parallel_loop3A_330, %parallel_loop3A_331], %parallel_loop3A_329 {strides = array<i32>} : memref<40x512xf32, #tpu.memory_space<vmem>>, vector<16xf32>,
          %parallel_loop3A_333 = arith.constant 448 : i32
          %parallel_loop3A_334 = arith.addi %parallel_loop3A_136, %parallel_loop3A_333 : i32
          %parallel_loop3A_335 = arith.index_cast %parallel_loop3A_334 : i32 to index
          %parallel_loop3A_336 = tpu.vector_load %arg7[%parallel_loop3A_335] {strides = array<i32>} : memref<51200xf32, #tpu.memory_space<vmem>>, vector<16xf32>,
          %parallel_loop3A_337 = arith.index_cast %parallel_loop3A_129 : i32 to index
          %parallel_loop3A_338 = arith.constant 448 : index
          %parallel_loop3A_339 = tpu.vector_load %arg10[%parallel_loop3A_337, %parallel_loop3A_338] {strides = array<i32>} : memref<40x512xf32, #tpu.memory_space<vmem>>, vector<16xf32>,
          tpu.vector_store %arg10[%parallel_loop3A_337, %parallel_loop3A_338], %parallel_loop3A_336 {strides = array<i32>} : memref<40x512xf32, #tpu.memory_space<vmem>>, vector<16xf32>,
          %parallel_loop3A_340 = arith.constant 464 : i32
          %parallel_loop3A_341 = arith.addi %parallel_loop3A_136, %parallel_loop3A_340 : i32
          %parallel_loop3A_342 = arith.index_cast %parallel_loop3A_341 : i32 to index
          %parallel_loop3A_343 = tpu.vector_load %arg7[%parallel_loop3A_342] {strides = array<i32>} : memref<51200xf32, #tpu.memory_space<vmem>>, vector<16xf32>,
          %parallel_loop3A_344 = arith.index_cast %parallel_loop3A_129 : i32 to index
          %parallel_loop3A_345 = arith.constant 464 : index
          %parallel_loop3A_346 = tpu.vector_load %arg10[%parallel_loop3A_344, %parallel_loop3A_345] {strides = array<i32>} : memref<40x512xf32, #tpu.memory_space<vmem>>, vector<16xf32>,
          tpu.vector_store %arg10[%parallel_loop3A_344, %parallel_loop3A_345], %parallel_loop3A_343 {strides = array<i32>} : memref<40x512xf32, #tpu.memory_space<vmem>>, vector<16xf32>,
          %parallel_loop3A_347 = arith.constant 480 : i32
          %parallel_loop3A_348 = arith.addi %parallel_loop3A_136, %parallel_loop3A_347 : i32
          %parallel_loop3A_349 = arith.index_cast %parallel_loop3A_348 : i32 to index
          %parallel_loop3A_350 = tpu.vector_load %arg7[%parallel_loop3A_349] {strides = array<i32>} : memref<51200xf32, #tpu.memory_space<vmem>>, vector<16xf32>,
          %parallel_loop3A_351 = arith.index_cast %parallel_loop3A_129 : i32 to index
          %parallel_loop3A_352 = arith.constant 480 : index
          %parallel_loop3A_353 = tpu.vector_load %arg10[%parallel_loop3A_351, %parallel_loop3A_352] {strides = array<i32>} : memref<40x512xf32, #tpu.memory_space<vmem>>, vector<16xf32>,
          tpu.vector_store %arg10[%parallel_loop3A_351, %parallel_loop3A_352], %parallel_loop3A_350 {strides = array<i32>} : memref<40x512xf32, #tpu.memory_space<vmem>>, vector<16xf32>,
          %parallel_loop3A_354 = arith.constant 496 : i32
          %parallel_loop3A_355 = arith.addi %parallel_loop3A_136, %parallel_loop3A_354 : i32
          %parallel_loop3A_356 = arith.index_cast %parallel_loop3A_355 : i32 to index
          %parallel_loop3A_357 = tpu.vector_load %arg7[%parallel_loop3A_356] {strides = array<i32>} : memref<51200xf32, #tpu.memory_space<vmem>>, vector<16xf32>,
          %parallel_loop3A_358 = arith.index_cast %parallel_loop3A_129 : i32 to index
          %parallel_loop3A_359 = arith.constant 496 : index
          %parallel_loop3A_360 = tpu.vector_load %arg10[%parallel_loop3A_358, %parallel_loop3A_359] {strides = array<i32>} : memref<40x512xf32, #tpu.memory_space<vmem>>, vector<16xf32>,
          tpu.vector_store %arg10[%parallel_loop3A_358, %parallel_loop3A_359], %parallel_loop3A_357 {strides = array<i32>} : memref<40x512xf32, #tpu.memory_space<vmem>>, vector<16xf32>,
        } {sc.loop_unroll_factor = 2 : i64, sc.parallel_access}
        %mul3A_122 = arith.constant 40 : i32
        %mul3A_123 = arith.muli %add3A_113, %mul3A_122 : i32
        %add3A_124 = arith.addi %mul3A_4, %mul3A_123 : i32
        %dma_start3A_125 = arith.constant 0 : i32
        %dma_start3A_126 = tpu.memref_slice %arg4[%add3A_124, %dma_start3A_125] : memref<409600x512xf32, #tpu.memory_space<hbm>> -> memref<40x512xf32, #tpu.memory_space<hbm>>
        %dma_start3A_127 = arith.constant 0 : i32
        %dma_start3A_128 = tpu.memref_slice %arg4[%add3A_124, %dma_start3A_127] : memref<409600x512xf32, #tpu.memory_space<hbm>> -> memref<40x512xf32, #tpu.memory_space<hbm>>
        tpu.enqueue_dma source(%arg10 : memref<40x512xf32, #tpu.memory_space<vmem>>) target(%dma_start3A_128 : memref<40x512xf32, #tpu.memory_space<hbm>>) target_semaphore(%arg13 : memref<!tpu.dma_semaphore, #tpu.memory_space<semaphore_mem>>)
      }
      %scan3A_57 = arith.constant 5 : i32
      %mul3A_58 = arith.constant 2 : i32
      %mul3A_59 = arith.muli %scan3A_34, %mul3A_58 : i32
      %add3A_60 = arith.constant 1 : i32
      %add3A_61 = arith.addi %mul3A_59, %add3A_60 : i32
      %add3A_62 = arith.addi %mul3A_2, %add3A_61 : i32
      %dma_wait3A_63 = arith.constant 0 : i32
      %dma_wait3A_64 = tpu.memref_slice %arg2[%add3A_62, %dma_wait3A_63] : memref<1024x3200xf32, #tpu.memory_space<hbm>> -> memref<1x3200xf32, #tpu.memory_space<hbm>>
      %dma_wait3A_65 = tpu.memref_squeeze %dma_wait3A_64 : memref<1x3200xf32, #tpu.memory_space<hbm>> -> memref<3200xf32, #tpu.memory_space<hbm>>
      %dma_wait3A_66 = arith.constant 0 : i32
      %dma_wait3A_67 = tpu.memref_slice %arg2[%add3A_62, %dma_wait3A_66] : memref<1024x3200xf32, #tpu.memory_space<hbm>> -> memref<1x3200xf32, #tpu.memory_space<hbm>>
      %dma_wait3A_68 = tpu.memref_squeeze %dma_wait3A_67 : memref<1x3200xf32, #tpu.memory_space<hbm>> -> memref<3200xf32, #tpu.memory_space<hbm>>
      tpu.wait_dma2 semaphore(%arg11 : memref<!tpu.dma_semaphore, #tpu.memory_space<semaphore_mem>>) src(%dma_wait3A_68 : memref<3200xf32, #tpu.memory_space<hbm>>) dst(%arg6 : memref<3200xf32, #tpu.memory_space<vmem>>)
      %parallel_loop3A_69 = arith.constant 0 : i32
      %parallel_loop3A_70 = arith.constant 25 : i32
      %parallel_loop3A_71 = arith.constant 1 : i32
      scf.for %parallel_loop3A_85 = %parallel_loop3A_69 to %parallel_loop3A_70 step %parallel_loop3A_71  : i32 {
        %parallel_loop3A_86 = arith.constant 128 : i32
        %parallel_loop3A_87 = arith.muli %parallel_loop3A_85, %parallel_loop3A_86 : i32
        %parallel_loop3A_88 = arith.constant 8 : i32
        %parallel_loop3A_89 = vector.broadcast %parallel_loop3A_88 : i32 to vector<16xi32>
        %parallel_loop3A_90 = arith.muli %iota3A, %parallel_loop3A_89 : vector<16xi32>
        %parallel_loop3A_91 = vector.broadcast %parallel_loop3A_87 : i32 to vector<16xi32>
        %parallel_loop3A_92 = arith.addi %parallel_loop3A_91, %parallel_loop3A_90 : vector<16xi32>
        %parallel_loop3A_93 = tpu.vector_load_idx %arg6[%parallel_loop3A_92] : memref<3200xf32, #tpu.memory_space<vmem>>[vector<16xi32>], vector<16xf32>,
        %parallel_loop3A_94 = arith.constant 1 : i32
        %parallel_loop3A_95 = vector.broadcast %parallel_loop3A_94 : i32 to vector<16xi32>
        %parallel_loop3A_96 = arith.addi %parallel_loop3A_92, %parallel_loop3A_95 : vector<16xi32>
        %parallel_loop3A_97 = tpu.vector_load_idx %arg6[%parallel_loop3A_96] : memref<3200xf32, #tpu.memory_space<vmem>>[vector<16xi32>], vector<16xf32>,
        %parallel_loop3A_98 = arith.maximumf %parallel_loop3A_93, %parallel_loop3A_97 : vector<16xf32>
        %parallel_loop3A_99 = arith.constant 2 : i32
        %parallel_loop3A_100 = vector.broadcast %parallel_loop3A_99 : i32 to vector<16xi32>
        %parallel_loop3A_101 = arith.addi %parallel_loop3A_92, %parallel_loop3A_100 : vector<16xi32>
        %parallel_loop3A_102 = tpu.vector_load_idx %arg6[%parallel_loop3A_101] : memref<3200xf32, #tpu.memory_space<vmem>>[vector<16xi32>], vector<16xf32>,
        %parallel_loop3A_103 = arith.maximumf %parallel_loop3A_98, %parallel_loop3A_102 : vector<16xf32>
        %parallel_loop3A_104 = arith.constant 3 : i32
        %parallel_loop3A_105 = vector.broadcast %parallel_loop3A_104 : i32 to vector<16xi32>
        %parallel_loop3A_106 = arith.addi %parallel_loop3A_92, %parallel_loop3A_105 : vector<16xi32>
        %parallel_loop3A_107 = tpu.vector_load_idx %arg6[%parallel_loop3A_106] : memref<3200xf32, #tpu.memory_space<vmem>>[vector<16xi32>], vector<16xf32>,
        %parallel_loop3A_108 = arith.maximumf %parallel_loop3A_103, %parallel_loop3A_107 : vector<16xf32>
        %parallel_loop3A_109 = arith.constant 4 : i32
        %parallel_loop3A_110 = vector.broadcast %parallel_loop3A_109 : i32 to vector<16xi32>
        %parallel_loop3A_111 = arith.addi %parallel_loop3A_92, %parallel_loop3A_110 : vector<16xi32>
        %parallel_loop3A_112 = tpu.vector_load_idx %arg6[%parallel_loop3A_111] : memref<3200xf32, #tpu.memory_space<vmem>>[vector<16xi32>], vector<16xf32>,
        %parallel_loop3A_113 = arith.maximumf %parallel_loop3A_108, %parallel_loop3A_112 : vector<16xf32>
        %parallel_loop3A_114 = arith.constant 5 : i32
        %parallel_loop3A_115 = vector.broadcast %parallel_loop3A_114 : i32 to vector<16xi32>
        %parallel_loop3A_116 = arith.addi %parallel_loop3A_92, %parallel_loop3A_115 : vector<16xi32>
        %parallel_loop3A_117 = tpu.vector_load_idx %arg6[%parallel_loop3A_116] : memref<3200xf32, #tpu.memory_space<vmem>>[vector<16xi32>], vector<16xf32>,
        %parallel_loop3A_118 = arith.maximumf %parallel_loop3A_113, %parallel_loop3A_117 : vector<16xf32>
        %parallel_loop3A_119 = arith.constant 6 : i32
        %parallel_loop3A_120 = vector.broadcast %parallel_loop3A_119 : i32 to vector<16xi32>
        %parallel_loop3A_121 = arith.addi %parallel_loop3A_92, %parallel_loop3A_120 : vector<16xi32>
        %parallel_loop3A_122 = tpu.vector_load_idx %arg6[%parallel_loop3A_121] : memref<3200xf32, #tpu.memory_space<vmem>>[vector<16xi32>], vector<16xf32>,
        %parallel_loop3A_123 = arith.maximumf %parallel_loop3A_118, %parallel_loop3A_122 : vector<16xf32>
        %parallel_loop3A_124 = arith.constant 7 : i32
        %parallel_loop3A_125 = vector.broadcast %parallel_loop3A_124 : i32 to vector<16xi32>
        %parallel_loop3A_126 = arith.addi %parallel_loop3A_92, %parallel_loop3A_125 : vector<16xi32>
        %parallel_loop3A_127 = tpu.vector_load_idx %arg6[%parallel_loop3A_126] : memref<3200xf32, #tpu.memory_space<vmem>>[vector<16xi32>], vector<16xf32>,
        %parallel_loop3A_128 = arith.maximumf %parallel_loop3A_123, %parallel_loop3A_127 : vector<16xf32>
        %parallel_loop3A_129 = arith.fptosi %parallel_loop3A_128 : vector<16xf32> to vector<16xi32>
        %parallel_loop3A_130 = arith.constant 512 : i32
        %parallel_loop3A_131 = vector.broadcast %parallel_loop3A_130 : i32 to vector<16xi32>
        %parallel_loop3A_132 = arith.muli %parallel_loop3A_129, %parallel_loop3A_131 : vector<16xi32>
        %parallel_loop3A_133 = arith.constant 400 : i32
        %parallel_loop3A_134 = arith.muli %add3A_61, %parallel_loop3A_133 : i32
        %parallel_loop3A_135 = arith.constant 16 : i32
        %parallel_loop3A_136 = arith.muli %parallel_loop3A_85, %parallel_loop3A_135 : i32
        %parallel_loop3A_137 = arith.addi %parallel_loop3A_134, %parallel_loop3A_136 : i32
        %parallel_loop3A_138 = arith.index_cast %parallel_loop3A_137 : i32 to index
        %parallel_loop3A_139 = tpu.vector_load %arg8[%parallel_loop3A_138] {strides = array<i32>} : memref<12816xi32, #tpu.memory_space<vmem>>, vector<16xi32>,
        tpu.vector_store %arg8[%parallel_loop3A_138], %parallel_loop3A_132 {strides = array<i32>} : memref<12816xi32, #tpu.memory_space<vmem>>, vector<16xi32>,
      } {sc.loop_unroll_factor = 2 : i64, sc.parallel_access}
      %add3A_72 = arith.constant 2 : i32
      %add3A_73 = arith.addi %add3A_61, %add3A_72 : i32
      %lt3A_74 = arith.constant 32 : i32
      %lt3A_75 = arith.cmpi slt, %add3A_73, %lt3A_74 : i32
      %convert_element_type3A_76 = arith.extui %lt3A_75 : i1 to i32
      %cond3A_77 = arith.constant 0 : i32
      %cond3A_78 = arith.cmpi ne, %convert_element_type3A_76, %cond3A_77 : i32
      scf.if %cond3A_78 {
        %add3A_85 = arith.addi %mul3A_2, %add3A_61 : i32
        %add3A_86 = arith.constant 2 : i32
        %add3A_87 = arith.addi %add3A_85, %add3A_86 : i32
        %dma_start3A_88 = arith.constant 0 : i32
        %dma_start3A_89 = tpu.memref_slice %arg2[%add3A_87, %dma_start3A_88] : memref<1024x3200xf32, #tpu.memory_space<hbm>> -> memref<1x3200xf32, #tpu.memory_space<hbm>>
        %dma_start3A_90 = tpu.memref_squeeze %dma_start3A_89 : memref<1x3200xf32, #tpu.memory_space<hbm>> -> memref<3200xf32, #tpu.memory_space<hbm>>
        %dma_start3A_91 = arith.constant 0 : i32
        %dma_start3A_92 = tpu.memref_slice %arg2[%add3A_87, %dma_start3A_91] : memref<1024x3200xf32, #tpu.memory_space<hbm>> -> memref<1x3200xf32, #tpu.memory_space<hbm>>
        %dma_start3A_93 = tpu.memref_squeeze %dma_start3A_92 : memref<1x3200xf32, #tpu.memory_space<hbm>> -> memref<3200xf32, #tpu.memory_space<hbm>>
        tpu.enqueue_dma source(%dma_start3A_93 : memref<3200xf32, #tpu.memory_space<hbm>>) target(%arg6 : memref<3200xf32, #tpu.memory_space<vmem>>) target_semaphore(%arg11 : memref<!tpu.dma_semaphore, #tpu.memory_space<semaphore_mem>>)
      } else {
      }
      %scan3A_79 = arith.constant 0 : i32
      %scan3A_80 = arith.constant 0 : i32
      %scan3A_81 = arith.constant 5 : i32
      %scan3A_82 = arith.addi %scan3A_80, %scan3A_81 : i32
      %scan3A_83 = arith.constant 1 : i32
      scf.for %scan3A_85 = %scan3A_80 to %scan3A_82 step %scan3A_83  : i32 {
        %mul3A_86 = arith.constant 2 : i32
        %mul3A_87 = arith.muli %scan3A_85, %mul3A_86 : i32
        %add3A_88 = arith.constant 0 : i32
        %add3A_89 = arith.addi %mul3A_87, %add3A_88 : i32
        %mul3A_90 = arith.constant 10 : i32
        %mul3A_91 = arith.muli %add3A_61, %mul3A_90 : i32
        %add3A_92 = arith.addi %mul3A_91, %add3A_89 : i32
        %ge3A = arith.constant 2 : i32
        %ge3A_93 = arith.cmpi sge, %add3A_92, %ge3A : i32
        %convert_element_type3A_94 = arith.extui %ge3A_93 : i1 to i32
        %cond3A_95 = arith.constant 0 : i32
        %cond3A_96 = arith.cmpi ne, %convert_element_type3A_94, %cond3A_95 : i32
        scf.if %cond3A_96 {
          %sub3A = arith.constant 2 : i32
          %sub3A_129 = arith.subi %add3A_92, %sub3A : i32
          %mul3A_130 = arith.constant 40 : i32
          %mul3A_131 = arith.muli %sub3A_129, %mul3A_130 : i32
          %add3A_132 = arith.addi %mul3A_4, %mul3A_131 : i32
          %dma_wait3A_133 = arith.constant 0 : i32
          %dma_wait3A_134 = tpu.memref_slice %arg4[%add3A_132, %dma_wait3A_133] : memref<409600x512xf32, #tpu.memory_space<hbm>> -> memref<40x512xf32, #tpu.memory_space<hbm>>
          %dma_wait3A_135 = arith.constant 0 : i32
          %dma_wait3A_136 = tpu.memref_slice %arg4[%add3A_132, %dma_wait3A_135] : memref<409600x512xf32, #tpu.memory_space<hbm>> -> memref<40x512xf32, #tpu.memory_space<hbm>>
          tpu.wait_dma2 semaphore(%arg13 : memref<!tpu.dma_semaphore, #tpu.memory_space<semaphore_mem>>) src(%arg9 : memref<40x512xf32, #tpu.memory_space<vmem>>) dst(%dma_wait3A_136 : memref<40x512xf32, #tpu.memory_space<hbm>>)
        } else {
        }
        %parallel_loop3A_97 = arith.constant 0 : i32
        %parallel_loop3A_98 = arith.constant 40 : i32
        %parallel_loop3A_99 = arith.constant 1 : i32
        scf.for %parallel_loop3A_129 = %parallel_loop3A_97 to %parallel_loop3A_98 step %parallel_loop3A_99  : i32 {
          %parallel_loop3A_130 = arith.constant 40 : i32
          %parallel_loop3A_131 = arith.muli %add3A_92, %parallel_loop3A_130 : i32
          %parallel_loop3A_132 = arith.addi %parallel_loop3A_131, %parallel_loop3A_129 : i32
          %parallel_loop3A_133 = arith.index_cast %parallel_loop3A_132 : i32 to index
          %parallel_loop3A_134 = tpu.vector_load %arg8[%parallel_loop3A_133] {strides = array<i32>} : memref<12816xi32, #tpu.memory_space<vmem>>, vector<16xi32>,
          %parallel_loop3A_135 = vector.extract_strided_slice %parallel_loop3A_134 {offsets = [0], sizes = [1], strides = [1]} : vector<16xi32> to vector<1xi32>
          %parallel_loop3A_136 = vector.extract %parallel_loop3A_135[0] : i32 from vector<1xi32>
          %parallel_loop3A_137 = arith.constant 0 : i32
          %parallel_loop3A_138 = arith.addi %parallel_loop3A_136, %parallel_loop3A_137 : i32
          %parallel_loop3A_139 = arith.index_cast %parallel_loop3A_138 : i32 to index
          %parallel_loop3A_140 = tpu.vector_load %arg7[%parallel_loop3A_139] {strides = array<i32>} : memref<51200xf32, #tpu.memory_space<vmem>>, vector<16xf32>,
          %parallel_loop3A_141 = arith.index_cast %parallel_loop3A_129 : i32 to index
          %parallel_loop3A_142 = arith.constant 0 : index
          %parallel_loop3A_143 = tpu.vector_load %arg9[%parallel_loop3A_141, %parallel_loop3A_142] {strides = array<i32>} : memref<40x512xf32, #tpu.memory_space<vmem>>, vector<16xf32>,
          tpu.vector_store %arg9[%parallel_loop3A_141, %parallel_loop3A_142], %parallel_loop3A_140 {strides = array<i32>} : memref<40x512xf32, #tpu.memory_space<vmem>>, vector<16xf32>,
          %parallel_loop3A_144 = arith.constant 16 : i32
          %parallel_loop3A_145 = arith.addi %parallel_loop3A_136, %parallel_loop3A_144 : i32
          %parallel_loop3A_146 = arith.index_cast %parallel_loop3A_145 : i32 to index
          %parallel_loop3A_147 = tpu.vector_load %arg7[%parallel_loop3A_146] {strides = array<i32>} : memref<51200xf32, #tpu.memory_space<vmem>>, vector<16xf32>,
          %parallel_loop3A_148 = arith.index_cast %parallel_loop3A_129 : i32 to index
          %parallel_loop3A_149 = arith.constant 16 : index
          %parallel_loop3A_150 = tpu.vector_load %arg9[%parallel_loop3A_148, %parallel_loop3A_149] {strides = array<i32>} : memref<40x512xf32, #tpu.memory_space<vmem>>, vector<16xf32>,
          tpu.vector_store %arg9[%parallel_loop3A_148, %parallel_loop3A_149], %parallel_loop3A_147 {strides = array<i32>} : memref<40x512xf32, #tpu.memory_space<vmem>>, vector<16xf32>,
          %parallel_loop3A_151 = arith.constant 32 : i32
          %parallel_loop3A_152 = arith.addi %parallel_loop3A_136, %parallel_loop3A_151 : i32
          %parallel_loop3A_153 = arith.index_cast %parallel_loop3A_152 : i32 to index
          %parallel_loop3A_154 = tpu.vector_load %arg7[%parallel_loop3A_153] {strides = array<i32>} : memref<51200xf32, #tpu.memory_space<vmem>>, vector<16xf32>,
          %parallel_loop3A_155 = arith.index_cast %parallel_loop3A_129 : i32 to index
          %parallel_loop3A_156 = arith.constant 32 : index
          %parallel_loop3A_157 = tpu.vector_load %arg9[%parallel_loop3A_155, %parallel_loop3A_156] {strides = array<i32>} : memref<40x512xf32, #tpu.memory_space<vmem>>, vector<16xf32>,
          tpu.vector_store %arg9[%parallel_loop3A_155, %parallel_loop3A_156], %parallel_loop3A_154 {strides = array<i32>} : memref<40x512xf32, #tpu.memory_space<vmem>>, vector<16xf32>,
          %parallel_loop3A_158 = arith.constant 48 : i32
          %parallel_loop3A_159 = arith.addi %parallel_loop3A_136, %parallel_loop3A_158 : i32
          %parallel_loop3A_160 = arith.index_cast %parallel_loop3A_159 : i32 to index
          %parallel_loop3A_161 = tpu.vector_load %arg7[%parallel_loop3A_160] {strides = array<i32>} : memref<51200xf32, #tpu.memory_space<vmem>>, vector<16xf32>,
          %parallel_loop3A_162 = arith.index_cast %parallel_loop3A_129 : i32 to index
          %parallel_loop3A_163 = arith.constant 48 : index
          %parallel_loop3A_164 = tpu.vector_load %arg9[%parallel_loop3A_162, %parallel_loop3A_163] {strides = array<i32>} : memref<40x512xf32, #tpu.memory_space<vmem>>, vector<16xf32>,
          tpu.vector_store %arg9[%parallel_loop3A_162, %parallel_loop3A_163], %parallel_loop3A_161 {strides = array<i32>} : memref<40x512xf32, #tpu.memory_space<vmem>>, vector<16xf32>,
          %parallel_loop3A_165 = arith.constant 64 : i32
          %parallel_loop3A_166 = arith.addi %parallel_loop3A_136, %parallel_loop3A_165 : i32
          %parallel_loop3A_167 = arith.index_cast %parallel_loop3A_166 : i32 to index
          %parallel_loop3A_168 = tpu.vector_load %arg7[%parallel_loop3A_167] {strides = array<i32>} : memref<51200xf32, #tpu.memory_space<vmem>>, vector<16xf32>,
          %parallel_loop3A_169 = arith.index_cast %parallel_loop3A_129 : i32 to index
          %parallel_loop3A_170 = arith.constant 64 : index
          %parallel_loop3A_171 = tpu.vector_load %arg9[%parallel_loop3A_169, %parallel_loop3A_170] {strides = array<i32>} : memref<40x512xf32, #tpu.memory_space<vmem>>, vector<16xf32>,
          tpu.vector_store %arg9[%parallel_loop3A_169, %parallel_loop3A_170], %parallel_loop3A_168 {strides = array<i32>} : memref<40x512xf32, #tpu.memory_space<vmem>>, vector<16xf32>,
          %parallel_loop3A_172 = arith.constant 80 : i32
          %parallel_loop3A_173 = arith.addi %parallel_loop3A_136, %parallel_loop3A_172 : i32
          %parallel_loop3A_174 = arith.index_cast %parallel_loop3A_173 : i32 to index
          %parallel_loop3A_175 = tpu.vector_load %arg7[%parallel_loop3A_174] {strides = array<i32>} : memref<51200xf32, #tpu.memory_space<vmem>>, vector<16xf32>,
          %parallel_loop3A_176 = arith.index_cast %parallel_loop3A_129 : i32 to index
          %parallel_loop3A_177 = arith.constant 80 : index
          %parallel_loop3A_178 = tpu.vector_load %arg9[%parallel_loop3A_176, %parallel_loop3A_177] {strides = array<i32>} : memref<40x512xf32, #tpu.memory_space<vmem>>, vector<16xf32>,
          tpu.vector_store %arg9[%parallel_loop3A_176, %parallel_loop3A_177], %parallel_loop3A_175 {strides = array<i32>} : memref<40x512xf32, #tpu.memory_space<vmem>>, vector<16xf32>,
          %parallel_loop3A_179 = arith.constant 96 : i32
          %parallel_loop3A_180 = arith.addi %parallel_loop3A_136, %parallel_loop3A_179 : i32
          %parallel_loop3A_181 = arith.index_cast %parallel_loop3A_180 : i32 to index
          %parallel_loop3A_182 = tpu.vector_load %arg7[%parallel_loop3A_181] {strides = array<i32>} : memref<51200xf32, #tpu.memory_space<vmem>>, vector<16xf32>,
          %parallel_loop3A_183 = arith.index_cast %parallel_loop3A_129 : i32 to index
          %parallel_loop3A_184 = arith.constant 96 : index
          %parallel_loop3A_185 = tpu.vector_load %arg9[%parallel_loop3A_183, %parallel_loop3A_184] {strides = array<i32>} : memref<40x512xf32, #tpu.memory_space<vmem>>, vector<16xf32>,
          tpu.vector_store %arg9[%parallel_loop3A_183, %parallel_loop3A_184], %parallel_loop3A_182 {strides = array<i32>} : memref<40x512xf32, #tpu.memory_space<vmem>>, vector<16xf32>,
          %parallel_loop3A_186 = arith.constant 112 : i32
          %parallel_loop3A_187 = arith.addi %parallel_loop3A_136, %parallel_loop3A_186 : i32
          %parallel_loop3A_188 = arith.index_cast %parallel_loop3A_187 : i32 to index
          %parallel_loop3A_189 = tpu.vector_load %arg7[%parallel_loop3A_188] {strides = array<i32>} : memref<51200xf32, #tpu.memory_space<vmem>>, vector<16xf32>,
          %parallel_loop3A_190 = arith.index_cast %parallel_loop3A_129 : i32 to index
          %parallel_loop3A_191 = arith.constant 112 : index
          %parallel_loop3A_192 = tpu.vector_load %arg9[%parallel_loop3A_190, %parallel_loop3A_191] {strides = array<i32>} : memref<40x512xf32, #tpu.memory_space<vmem>>, vector<16xf32>,
          tpu.vector_store %arg9[%parallel_loop3A_190, %parallel_loop3A_191], %parallel_loop3A_189 {strides = array<i32>} : memref<40x512xf32, #tpu.memory_space<vmem>>, vector<16xf32>,
          %parallel_loop3A_193 = arith.constant 128 : i32
          %parallel_loop3A_194 = arith.addi %parallel_loop3A_136, %parallel_loop3A_193 : i32
          %parallel_loop3A_195 = arith.index_cast %parallel_loop3A_194 : i32 to index
          %parallel_loop3A_196 = tpu.vector_load %arg7[%parallel_loop3A_195] {strides = array<i32>} : memref<51200xf32, #tpu.memory_space<vmem>>, vector<16xf32>,
          %parallel_loop3A_197 = arith.index_cast %parallel_loop3A_129 : i32 to index
          %parallel_loop3A_198 = arith.constant 128 : index
          %parallel_loop3A_199 = tpu.vector_load %arg9[%parallel_loop3A_197, %parallel_loop3A_198] {strides = array<i32>} : memref<40x512xf32, #tpu.memory_space<vmem>>, vector<16xf32>,
          tpu.vector_store %arg9[%parallel_loop3A_197, %parallel_loop3A_198], %parallel_loop3A_196 {strides = array<i32>} : memref<40x512xf32, #tpu.memory_space<vmem>>, vector<16xf32>,
          %parallel_loop3A_200 = arith.constant 144 : i32
          %parallel_loop3A_201 = arith.addi %parallel_loop3A_136, %parallel_loop3A_200 : i32
          %parallel_loop3A_202 = arith.index_cast %parallel_loop3A_201 : i32 to index
          %parallel_loop3A_203 = tpu.vector_load %arg7[%parallel_loop3A_202] {strides = array<i32>} : memref<51200xf32, #tpu.memory_space<vmem>>, vector<16xf32>,
          %parallel_loop3A_204 = arith.index_cast %parallel_loop3A_129 : i32 to index
          %parallel_loop3A_205 = arith.constant 144 : index
          %parallel_loop3A_206 = tpu.vector_load %arg9[%parallel_loop3A_204, %parallel_loop3A_205] {strides = array<i32>} : memref<40x512xf32, #tpu.memory_space<vmem>>, vector<16xf32>,
          tpu.vector_store %arg9[%parallel_loop3A_204, %parallel_loop3A_205], %parallel_loop3A_203 {strides = array<i32>} : memref<40x512xf32, #tpu.memory_space<vmem>>, vector<16xf32>,
          %parallel_loop3A_207 = arith.constant 160 : i32
          %parallel_loop3A_208 = arith.addi %parallel_loop3A_136, %parallel_loop3A_207 : i32
          %parallel_loop3A_209 = arith.index_cast %parallel_loop3A_208 : i32 to index
          %parallel_loop3A_210 = tpu.vector_load %arg7[%parallel_loop3A_209] {strides = array<i32>} : memref<51200xf32, #tpu.memory_space<vmem>>, vector<16xf32>,
          %parallel_loop3A_211 = arith.index_cast %parallel_loop3A_129 : i32 to index
          %parallel_loop3A_212 = arith.constant 160 : index
          %parallel_loop3A_213 = tpu.vector_load %arg9[%parallel_loop3A_211, %parallel_loop3A_212] {strides = array<i32>} : memref<40x512xf32, #tpu.memory_space<vmem>>, vector<16xf32>,
          tpu.vector_store %arg9[%parallel_loop3A_211, %parallel_loop3A_212], %parallel_loop3A_210 {strides = array<i32>} : memref<40x512xf32, #tpu.memory_space<vmem>>, vector<16xf32>,
          %parallel_loop3A_214 = arith.constant 176 : i32
          %parallel_loop3A_215 = arith.addi %parallel_loop3A_136, %parallel_loop3A_214 : i32
          %parallel_loop3A_216 = arith.index_cast %parallel_loop3A_215 : i32 to index
          %parallel_loop3A_217 = tpu.vector_load %arg7[%parallel_loop3A_216] {strides = array<i32>} : memref<51200xf32, #tpu.memory_space<vmem>>, vector<16xf32>,
          %parallel_loop3A_218 = arith.index_cast %parallel_loop3A_129 : i32 to index
          %parallel_loop3A_219 = arith.constant 176 : index
          %parallel_loop3A_220 = tpu.vector_load %arg9[%parallel_loop3A_218, %parallel_loop3A_219] {strides = array<i32>} : memref<40x512xf32, #tpu.memory_space<vmem>>, vector<16xf32>,
          tpu.vector_store %arg9[%parallel_loop3A_218, %parallel_loop3A_219], %parallel_loop3A_217 {strides = array<i32>} : memref<40x512xf32, #tpu.memory_space<vmem>>, vector<16xf32>,
          %parallel_loop3A_221 = arith.constant 192 : i32
          %parallel_loop3A_222 = arith.addi %parallel_loop3A_136, %parallel_loop3A_221 : i32
          %parallel_loop3A_223 = arith.index_cast %parallel_loop3A_222 : i32 to index
          %parallel_loop3A_224 = tpu.vector_load %arg7[%parallel_loop3A_223] {strides = array<i32>} : memref<51200xf32, #tpu.memory_space<vmem>>, vector<16xf32>,
          %parallel_loop3A_225 = arith.index_cast %parallel_loop3A_129 : i32 to index
          %parallel_loop3A_226 = arith.constant 192 : index
          %parallel_loop3A_227 = tpu.vector_load %arg9[%parallel_loop3A_225, %parallel_loop3A_226] {strides = array<i32>} : memref<40x512xf32, #tpu.memory_space<vmem>>, vector<16xf32>,
          tpu.vector_store %arg9[%parallel_loop3A_225, %parallel_loop3A_226], %parallel_loop3A_224 {strides = array<i32>} : memref<40x512xf32, #tpu.memory_space<vmem>>, vector<16xf32>,
          %parallel_loop3A_228 = arith.constant 208 : i32
          %parallel_loop3A_229 = arith.addi %parallel_loop3A_136, %parallel_loop3A_228 : i32
          %parallel_loop3A_230 = arith.index_cast %parallel_loop3A_229 : i32 to index
          %parallel_loop3A_231 = tpu.vector_load %arg7[%parallel_loop3A_230] {strides = array<i32>} : memref<51200xf32, #tpu.memory_space<vmem>>, vector<16xf32>,
          %parallel_loop3A_232 = arith.index_cast %parallel_loop3A_129 : i32 to index
          %parallel_loop3A_233 = arith.constant 208 : index
          %parallel_loop3A_234 = tpu.vector_load %arg9[%parallel_loop3A_232, %parallel_loop3A_233] {strides = array<i32>} : memref<40x512xf32, #tpu.memory_space<vmem>>, vector<16xf32>,
          tpu.vector_store %arg9[%parallel_loop3A_232, %parallel_loop3A_233], %parallel_loop3A_231 {strides = array<i32>} : memref<40x512xf32, #tpu.memory_space<vmem>>, vector<16xf32>,
          %parallel_loop3A_235 = arith.constant 224 : i32
          %parallel_loop3A_236 = arith.addi %parallel_loop3A_136, %parallel_loop3A_235 : i32
          %parallel_loop3A_237 = arith.index_cast %parallel_loop3A_236 : i32 to index
          %parallel_loop3A_238 = tpu.vector_load %arg7[%parallel_loop3A_237] {strides = array<i32>} : memref<51200xf32, #tpu.memory_space<vmem>>, vector<16xf32>,
          %parallel_loop3A_239 = arith.index_cast %parallel_loop3A_129 : i32 to index
          %parallel_loop3A_240 = arith.constant 224 : index
          %parallel_loop3A_241 = tpu.vector_load %arg9[%parallel_loop3A_239, %parallel_loop3A_240] {strides = array<i32>} : memref<40x512xf32, #tpu.memory_space<vmem>>, vector<16xf32>,
          tpu.vector_store %arg9[%parallel_loop3A_239, %parallel_loop3A_240], %parallel_loop3A_238 {strides = array<i32>} : memref<40x512xf32, #tpu.memory_space<vmem>>, vector<16xf32>,
          %parallel_loop3A_242 = arith.constant 240 : i32
          %parallel_loop3A_243 = arith.addi %parallel_loop3A_136, %parallel_loop3A_242 : i32
          %parallel_loop3A_244 = arith.index_cast %parallel_loop3A_243 : i32 to index
          %parallel_loop3A_245 = tpu.vector_load %arg7[%parallel_loop3A_244] {strides = array<i32>} : memref<51200xf32, #tpu.memory_space<vmem>>, vector<16xf32>,
          %parallel_loop3A_246 = arith.index_cast %parallel_loop3A_129 : i32 to index
          %parallel_loop3A_247 = arith.constant 240 : index
          %parallel_loop3A_248 = tpu.vector_load %arg9[%parallel_loop3A_246, %parallel_loop3A_247] {strides = array<i32>} : memref<40x512xf32, #tpu.memory_space<vmem>>, vector<16xf32>,
          tpu.vector_store %arg9[%parallel_loop3A_246, %parallel_loop3A_247], %parallel_loop3A_245 {strides = array<i32>} : memref<40x512xf32, #tpu.memory_space<vmem>>, vector<16xf32>,
          %parallel_loop3A_249 = arith.constant 256 : i32
          %parallel_loop3A_250 = arith.addi %parallel_loop3A_136, %parallel_loop3A_249 : i32
          %parallel_loop3A_251 = arith.index_cast %parallel_loop3A_250 : i32 to index
          %parallel_loop3A_252 = tpu.vector_load %arg7[%parallel_loop3A_251] {strides = array<i32>} : memref<51200xf32, #tpu.memory_space<vmem>>, vector<16xf32>,
          %parallel_loop3A_253 = arith.index_cast %parallel_loop3A_129 : i32 to index
          %parallel_loop3A_254 = arith.constant 256 : index
          %parallel_loop3A_255 = tpu.vector_load %arg9[%parallel_loop3A_253, %parallel_loop3A_254] {strides = array<i32>} : memref<40x512xf32, #tpu.memory_space<vmem>>, vector<16xf32>,
          tpu.vector_store %arg9[%parallel_loop3A_253, %parallel_loop3A_254], %parallel_loop3A_252 {strides = array<i32>} : memref<40x512xf32, #tpu.memory_space<vmem>>, vector<16xf32>,
          %parallel_loop3A_256 = arith.constant 272 : i32
          %parallel_loop3A_257 = arith.addi %parallel_loop3A_136, %parallel_loop3A_256 : i32
          %parallel_loop3A_258 = arith.index_cast %parallel_loop3A_257 : i32 to index
          %parallel_loop3A_259 = tpu.vector_load %arg7[%parallel_loop3A_258] {strides = array<i32>} : memref<51200xf32, #tpu.memory_space<vmem>>, vector<16xf32>,
          %parallel_loop3A_260 = arith.index_cast %parallel_loop3A_129 : i32 to index
          %parallel_loop3A_261 = arith.constant 272 : index
          %parallel_loop3A_262 = tpu.vector_load %arg9[%parallel_loop3A_260, %parallel_loop3A_261] {strides = array<i32>} : memref<40x512xf32, #tpu.memory_space<vmem>>, vector<16xf32>,
          tpu.vector_store %arg9[%parallel_loop3A_260, %parallel_loop3A_261], %parallel_loop3A_259 {strides = array<i32>} : memref<40x512xf32, #tpu.memory_space<vmem>>, vector<16xf32>,
          %parallel_loop3A_263 = arith.constant 288 : i32
          %parallel_loop3A_264 = arith.addi %parallel_loop3A_136, %parallel_loop3A_263 : i32
          %parallel_loop3A_265 = arith.index_cast %parallel_loop3A_264 : i32 to index
          %parallel_loop3A_266 = tpu.vector_load %arg7[%parallel_loop3A_265] {strides = array<i32>} : memref<51200xf32, #tpu.memory_space<vmem>>, vector<16xf32>,
          %parallel_loop3A_267 = arith.index_cast %parallel_loop3A_129 : i32 to index
          %parallel_loop3A_268 = arith.constant 288 : index
          %parallel_loop3A_269 = tpu.vector_load %arg9[%parallel_loop3A_267, %parallel_loop3A_268] {strides = array<i32>} : memref<40x512xf32, #tpu.memory_space<vmem>>, vector<16xf32>,
          tpu.vector_store %arg9[%parallel_loop3A_267, %parallel_loop3A_268], %parallel_loop3A_266 {strides = array<i32>} : memref<40x512xf32, #tpu.memory_space<vmem>>, vector<16xf32>,
          %parallel_loop3A_270 = arith.constant 304 : i32
          %parallel_loop3A_271 = arith.addi %parallel_loop3A_136, %parallel_loop3A_270 : i32
          %parallel_loop3A_272 = arith.index_cast %parallel_loop3A_271 : i32 to index
          %parallel_loop3A_273 = tpu.vector_load %arg7[%parallel_loop3A_272] {strides = array<i32>} : memref<51200xf32, #tpu.memory_space<vmem>>, vector<16xf32>,
          %parallel_loop3A_274 = arith.index_cast %parallel_loop3A_129 : i32 to index
          %parallel_loop3A_275 = arith.constant 304 : index
          %parallel_loop3A_276 = tpu.vector_load %arg9[%parallel_loop3A_274, %parallel_loop3A_275] {strides = array<i32>} : memref<40x512xf32, #tpu.memory_space<vmem>>, vector<16xf32>,
          tpu.vector_store %arg9[%parallel_loop3A_274, %parallel_loop3A_275], %parallel_loop3A_273 {strides = array<i32>} : memref<40x512xf32, #tpu.memory_space<vmem>>, vector<16xf32>,
          %parallel_loop3A_277 = arith.constant 320 : i32
          %parallel_loop3A_278 = arith.addi %parallel_loop3A_136, %parallel_loop3A_277 : i32
          %parallel_loop3A_279 = arith.index_cast %parallel_loop3A_278 : i32 to index
          %parallel_loop3A_280 = tpu.vector_load %arg7[%parallel_loop3A_279] {strides = array<i32>} : memref<51200xf32, #tpu.memory_space<vmem>>, vector<16xf32>,
          %parallel_loop3A_281 = arith.index_cast %parallel_loop3A_129 : i32 to index
          %parallel_loop3A_282 = arith.constant 320 : index
          %parallel_loop3A_283 = tpu.vector_load %arg9[%parallel_loop3A_281, %parallel_loop3A_282] {strides = array<i32>} : memref<40x512xf32, #tpu.memory_space<vmem>>, vector<16xf32>,
          tpu.vector_store %arg9[%parallel_loop3A_281, %parallel_loop3A_282], %parallel_loop3A_280 {strides = array<i32>} : memref<40x512xf32, #tpu.memory_space<vmem>>, vector<16xf32>,
          %parallel_loop3A_284 = arith.constant 336 : i32
          %parallel_loop3A_285 = arith.addi %parallel_loop3A_136, %parallel_loop3A_284 : i32
          %parallel_loop3A_286 = arith.index_cast %parallel_loop3A_285 : i32 to index
          %parallel_loop3A_287 = tpu.vector_load %arg7[%parallel_loop3A_286] {strides = array<i32>} : memref<51200xf32, #tpu.memory_space<vmem>>, vector<16xf32>,
          %parallel_loop3A_288 = arith.index_cast %parallel_loop3A_129 : i32 to index
          %parallel_loop3A_289 = arith.constant 336 : index
          %parallel_loop3A_290 = tpu.vector_load %arg9[%parallel_loop3A_288, %parallel_loop3A_289] {strides = array<i32>} : memref<40x512xf32, #tpu.memory_space<vmem>>, vector<16xf32>,
          tpu.vector_store %arg9[%parallel_loop3A_288, %parallel_loop3A_289], %parallel_loop3A_287 {strides = array<i32>} : memref<40x512xf32, #tpu.memory_space<vmem>>, vector<16xf32>,
          %parallel_loop3A_291 = arith.constant 352 : i32
          %parallel_loop3A_292 = arith.addi %parallel_loop3A_136, %parallel_loop3A_291 : i32
          %parallel_loop3A_293 = arith.index_cast %parallel_loop3A_292 : i32 to index
          %parallel_loop3A_294 = tpu.vector_load %arg7[%parallel_loop3A_293] {strides = array<i32>} : memref<51200xf32, #tpu.memory_space<vmem>>, vector<16xf32>,
          %parallel_loop3A_295 = arith.index_cast %parallel_loop3A_129 : i32 to index
          %parallel_loop3A_296 = arith.constant 352 : index
          %parallel_loop3A_297 = tpu.vector_load %arg9[%parallel_loop3A_295, %parallel_loop3A_296] {strides = array<i32>} : memref<40x512xf32, #tpu.memory_space<vmem>>, vector<16xf32>,
          tpu.vector_store %arg9[%parallel_loop3A_295, %parallel_loop3A_296], %parallel_loop3A_294 {strides = array<i32>} : memref<40x512xf32, #tpu.memory_space<vmem>>, vector<16xf32>,
          %parallel_loop3A_298 = arith.constant 368 : i32
          %parallel_loop3A_299 = arith.addi %parallel_loop3A_136, %parallel_loop3A_298 : i32
          %parallel_loop3A_300 = arith.index_cast %parallel_loop3A_299 : i32 to index
          %parallel_loop3A_301 = tpu.vector_load %arg7[%parallel_loop3A_300] {strides = array<i32>} : memref<51200xf32, #tpu.memory_space<vmem>>, vector<16xf32>,
          %parallel_loop3A_302 = arith.index_cast %parallel_loop3A_129 : i32 to index
          %parallel_loop3A_303 = arith.constant 368 : index
          %parallel_loop3A_304 = tpu.vector_load %arg9[%parallel_loop3A_302, %parallel_loop3A_303] {strides = array<i32>} : memref<40x512xf32, #tpu.memory_space<vmem>>, vector<16xf32>,
          tpu.vector_store %arg9[%parallel_loop3A_302, %parallel_loop3A_303], %parallel_loop3A_301 {strides = array<i32>} : memref<40x512xf32, #tpu.memory_space<vmem>>, vector<16xf32>,
          %parallel_loop3A_305 = arith.constant 384 : i32
          %parallel_loop3A_306 = arith.addi %parallel_loop3A_136, %parallel_loop3A_305 : i32
          %parallel_loop3A_307 = arith.index_cast %parallel_loop3A_306 : i32 to index
          %parallel_loop3A_308 = tpu.vector_load %arg7[%parallel_loop3A_307] {strides = array<i32>} : memref<51200xf32, #tpu.memory_space<vmem>>, vector<16xf32>,
          %parallel_loop3A_309 = arith.index_cast %parallel_loop3A_129 : i32 to index
          %parallel_loop3A_310 = arith.constant 384 : index
          %parallel_loop3A_311 = tpu.vector_load %arg9[%parallel_loop3A_309, %parallel_loop3A_310] {strides = array<i32>} : memref<40x512xf32, #tpu.memory_space<vmem>>, vector<16xf32>,
          tpu.vector_store %arg9[%parallel_loop3A_309, %parallel_loop3A_310], %parallel_loop3A_308 {strides = array<i32>} : memref<40x512xf32, #tpu.memory_space<vmem>>, vector<16xf32>,
          %parallel_loop3A_312 = arith.constant 400 : i32
          %parallel_loop3A_313 = arith.addi %parallel_loop3A_136, %parallel_loop3A_312 : i32
          %parallel_loop3A_314 = arith.index_cast %parallel_loop3A_313 : i32 to index
          %parallel_loop3A_315 = tpu.vector_load %arg7[%parallel_loop3A_314] {strides = array<i32>} : memref<51200xf32, #tpu.memory_space<vmem>>, vector<16xf32>,
          %parallel_loop3A_316 = arith.index_cast %parallel_loop3A_129 : i32 to index
          %parallel_loop3A_317 = arith.constant 400 : index
          %parallel_loop3A_318 = tpu.vector_load %arg9[%parallel_loop3A_316, %parallel_loop3A_317] {strides = array<i32>} : memref<40x512xf32, #tpu.memory_space<vmem>>, vector<16xf32>,
          tpu.vector_store %arg9[%parallel_loop3A_316, %parallel_loop3A_317], %parallel_loop3A_315 {strides = array<i32>} : memref<40x512xf32, #tpu.memory_space<vmem>>, vector<16xf32>,
          %parallel_loop3A_319 = arith.constant 416 : i32
          %parallel_loop3A_320 = arith.addi %parallel_loop3A_136, %parallel_loop3A_319 : i32
          %parallel_loop3A_321 = arith.index_cast %parallel_loop3A_320 : i32 to index
          %parallel_loop3A_322 = tpu.vector_load %arg7[%parallel_loop3A_321] {strides = array<i32>} : memref<51200xf32, #tpu.memory_space<vmem>>, vector<16xf32>,
          %parallel_loop3A_323 = arith.index_cast %parallel_loop3A_129 : i32 to index
          %parallel_loop3A_324 = arith.constant 416 : index
          %parallel_loop3A_325 = tpu.vector_load %arg9[%parallel_loop3A_323, %parallel_loop3A_324] {strides = array<i32>} : memref<40x512xf32, #tpu.memory_space<vmem>>, vector<16xf32>,
          tpu.vector_store %arg9[%parallel_loop3A_323, %parallel_loop3A_324], %parallel_loop3A_322 {strides = array<i32>} : memref<40x512xf32, #tpu.memory_space<vmem>>, vector<16xf32>,
          %parallel_loop3A_326 = arith.constant 432 : i32
          %parallel_loop3A_327 = arith.addi %parallel_loop3A_136, %parallel_loop3A_326 : i32
          %parallel_loop3A_328 = arith.index_cast %parallel_loop3A_327 : i32 to index
          %parallel_loop3A_329 = tpu.vector_load %arg7[%parallel_loop3A_328] {strides = array<i32>} : memref<51200xf32, #tpu.memory_space<vmem>>, vector<16xf32>,
          %parallel_loop3A_330 = arith.index_cast %parallel_loop3A_129 : i32 to index
          %parallel_loop3A_331 = arith.constant 432 : index
          %parallel_loop3A_332 = tpu.vector_load %arg9[%parallel_loop3A_330, %parallel_loop3A_331] {strides = array<i32>} : memref<40x512xf32, #tpu.memory_space<vmem>>, vector<16xf32>,
          tpu.vector_store %arg9[%parallel_loop3A_330, %parallel_loop3A_331], %parallel_loop3A_329 {strides = array<i32>} : memref<40x512xf32, #tpu.memory_space<vmem>>, vector<16xf32>,
          %parallel_loop3A_333 = arith.constant 448 : i32
          %parallel_loop3A_334 = arith.addi %parallel_loop3A_136, %parallel_loop3A_333 : i32
          %parallel_loop3A_335 = arith.index_cast %parallel_loop3A_334 : i32 to index
          %parallel_loop3A_336 = tpu.vector_load %arg7[%parallel_loop3A_335] {strides = array<i32>} : memref<51200xf32, #tpu.memory_space<vmem>>, vector<16xf32>,
          %parallel_loop3A_337 = arith.index_cast %parallel_loop3A_129 : i32 to index
          %parallel_loop3A_338 = arith.constant 448 : index
          %parallel_loop3A_339 = tpu.vector_load %arg9[%parallel_loop3A_337, %parallel_loop3A_338] {strides = array<i32>} : memref<40x512xf32, #tpu.memory_space<vmem>>, vector<16xf32>,
          tpu.vector_store %arg9[%parallel_loop3A_337, %parallel_loop3A_338], %parallel_loop3A_336 {strides = array<i32>} : memref<40x512xf32, #tpu.memory_space<vmem>>, vector<16xf32>,
          %parallel_loop3A_340 = arith.constant 464 : i32
          %parallel_loop3A_341 = arith.addi %parallel_loop3A_136, %parallel_loop3A_340 : i32
          %parallel_loop3A_342 = arith.index_cast %parallel_loop3A_341 : i32 to index
          %parallel_loop3A_343 = tpu.vector_load %arg7[%parallel_loop3A_342] {strides = array<i32>} : memref<51200xf32, #tpu.memory_space<vmem>>, vector<16xf32>,
          %parallel_loop3A_344 = arith.index_cast %parallel_loop3A_129 : i32 to index
          %parallel_loop3A_345 = arith.constant 464 : index
          %parallel_loop3A_346 = tpu.vector_load %arg9[%parallel_loop3A_344, %parallel_loop3A_345] {strides = array<i32>} : memref<40x512xf32, #tpu.memory_space<vmem>>, vector<16xf32>,
          tpu.vector_store %arg9[%parallel_loop3A_344, %parallel_loop3A_345], %parallel_loop3A_343 {strides = array<i32>} : memref<40x512xf32, #tpu.memory_space<vmem>>, vector<16xf32>,
          %parallel_loop3A_347 = arith.constant 480 : i32
          %parallel_loop3A_348 = arith.addi %parallel_loop3A_136, %parallel_loop3A_347 : i32
          %parallel_loop3A_349 = arith.index_cast %parallel_loop3A_348 : i32 to index
          %parallel_loop3A_350 = tpu.vector_load %arg7[%parallel_loop3A_349] {strides = array<i32>} : memref<51200xf32, #tpu.memory_space<vmem>>, vector<16xf32>,
          %parallel_loop3A_351 = arith.index_cast %parallel_loop3A_129 : i32 to index
          %parallel_loop3A_352 = arith.constant 480 : index
          %parallel_loop3A_353 = tpu.vector_load %arg9[%parallel_loop3A_351, %parallel_loop3A_352] {strides = array<i32>} : memref<40x512xf32, #tpu.memory_space<vmem>>, vector<16xf32>,
          tpu.vector_store %arg9[%parallel_loop3A_351, %parallel_loop3A_352], %parallel_loop3A_350 {strides = array<i32>} : memref<40x512xf32, #tpu.memory_space<vmem>>, vector<16xf32>,
          %parallel_loop3A_354 = arith.constant 496 : i32
          %parallel_loop3A_355 = arith.addi %parallel_loop3A_136, %parallel_loop3A_354 : i32
          %parallel_loop3A_356 = arith.index_cast %parallel_loop3A_355 : i32 to index
          %parallel_loop3A_357 = tpu.vector_load %arg7[%parallel_loop3A_356] {strides = array<i32>} : memref<51200xf32, #tpu.memory_space<vmem>>, vector<16xf32>,
          %parallel_loop3A_358 = arith.index_cast %parallel_loop3A_129 : i32 to index
          %parallel_loop3A_359 = arith.constant 496 : index
          %parallel_loop3A_360 = tpu.vector_load %arg9[%parallel_loop3A_358, %parallel_loop3A_359] {strides = array<i32>} : memref<40x512xf32, #tpu.memory_space<vmem>>, vector<16xf32>,
          tpu.vector_store %arg9[%parallel_loop3A_358, %parallel_loop3A_359], %parallel_loop3A_357 {strides = array<i32>} : memref<40x512xf32, #tpu.memory_space<vmem>>, vector<16xf32>,
        } {sc.loop_unroll_factor = 2 : i64, sc.parallel_access}
        %mul3A_100 = arith.constant 40 : i32
        %mul3A_101 = arith.muli %add3A_92, %mul3A_100 : i32
        %add3A_102 = arith.addi %mul3A_4, %mul3A_101 : i32
        %dma_start3A_103 = arith.constant 0 : i32
        %dma_start3A_104 = tpu.memref_slice %arg4[%add3A_102, %dma_start3A_103] : memref<409600x512xf32, #tpu.memory_space<hbm>> -> memref<40x512xf32, #tpu.memory_space<hbm>>
        %dma_start3A_105 = arith.constant 0 : i32
        %dma_start3A_106 = tpu.memref_slice %arg4[%add3A_102, %dma_start3A_105] : memref<409600x512xf32, #tpu.memory_space<hbm>> -> memref<40x512xf32, #tpu.memory_space<hbm>>
        tpu.enqueue_dma source(%arg9 : memref<40x512xf32, #tpu.memory_space<vmem>>) target(%dma_start3A_106 : memref<40x512xf32, #tpu.memory_space<hbm>>) target_semaphore(%arg13 : memref<!tpu.dma_semaphore, #tpu.memory_space<semaphore_mem>>)
        %mul3A_107 = arith.constant 2 : i32
        %mul3A_108 = arith.muli %scan3A_85, %mul3A_107 : i32
        %add3A_109 = arith.constant 1 : i32
        %add3A_110 = arith.addi %mul3A_108, %add3A_109 : i32
        %mul3A_111 = arith.constant 10 : i32
        %mul3A_112 = arith.muli %add3A_61, %mul3A_111 : i32
        %add3A_113 = arith.addi %mul3A_112, %add3A_110 : i32
        %ge3A_114 = arith.constant 2 : i32
        %ge3A_115 = arith.cmpi sge, %add3A_113, %ge3A_114 : i32
        %convert_element_type3A_116 = arith.extui %ge3A_115 : i1 to i32
        %cond3A_117 = arith.constant 0 : i32
        %cond3A_118 = arith.cmpi ne, %convert_element_type3A_116, %cond3A_117 : i32
        scf.if %cond3A_118 {
          %sub3A = arith.constant 2 : i32
          %sub3A_129 = arith.subi %add3A_113, %sub3A : i32
          %mul3A_130 = arith.constant 40 : i32
          %mul3A_131 = arith.muli %sub3A_129, %mul3A_130 : i32
          %add3A_132 = arith.addi %mul3A_4, %mul3A_131 : i32
          %dma_wait3A_133 = arith.constant 0 : i32
          %dma_wait3A_134 = tpu.memref_slice %arg4[%add3A_132, %dma_wait3A_133] : memref<409600x512xf32, #tpu.memory_space<hbm>> -> memref<40x512xf32, #tpu.memory_space<hbm>>
          %dma_wait3A_135 = arith.constant 0 : i32
          %dma_wait3A_136 = tpu.memref_slice %arg4[%add3A_132, %dma_wait3A_135] : memref<409600x512xf32, #tpu.memory_space<hbm>> -> memref<40x512xf32, #tpu.memory_space<hbm>>
          tpu.wait_dma2 semaphore(%arg13 : memref<!tpu.dma_semaphore, #tpu.memory_space<semaphore_mem>>) src(%arg10 : memref<40x512xf32, #tpu.memory_space<vmem>>) dst(%dma_wait3A_136 : memref<40x512xf32, #tpu.memory_space<hbm>>)
        } else {
        }
        %parallel_loop3A_119 = arith.constant 0 : i32
        %parallel_loop3A_120 = arith.constant 40 : i32
        %parallel_loop3A_121 = arith.constant 1 : i32
        scf.for %parallel_loop3A_129 = %parallel_loop3A_119 to %parallel_loop3A_120 step %parallel_loop3A_121  : i32 {
          %parallel_loop3A_130 = arith.constant 40 : i32
          %parallel_loop3A_131 = arith.muli %add3A_113, %parallel_loop3A_130 : i32
          %parallel_loop3A_132 = arith.addi %parallel_loop3A_131, %parallel_loop3A_129 : i32
          %parallel_loop3A_133 = arith.index_cast %parallel_loop3A_132 : i32 to index
          %parallel_loop3A_134 = tpu.vector_load %arg8[%parallel_loop3A_133] {strides = array<i32>} : memref<12816xi32, #tpu.memory_space<vmem>>, vector<16xi32>,
          %parallel_loop3A_135 = vector.extract_strided_slice %parallel_loop3A_134 {offsets = [0], sizes = [1], strides = [1]} : vector<16xi32> to vector<1xi32>
          %parallel_loop3A_136 = vector.extract %parallel_loop3A_135[0] : i32 from vector<1xi32>
          %parallel_loop3A_137 = arith.constant 0 : i32
          %parallel_loop3A_138 = arith.addi %parallel_loop3A_136, %parallel_loop3A_137 : i32
          %parallel_loop3A_139 = arith.index_cast %parallel_loop3A_138 : i32 to index
          %parallel_loop3A_140 = tpu.vector_load %arg7[%parallel_loop3A_139] {strides = array<i32>} : memref<51200xf32, #tpu.memory_space<vmem>>, vector<16xf32>,
          %parallel_loop3A_141 = arith.index_cast %parallel_loop3A_129 : i32 to index
          %parallel_loop3A_142 = arith.constant 0 : index
          %parallel_loop3A_143 = tpu.vector_load %arg10[%parallel_loop3A_141, %parallel_loop3A_142] {strides = array<i32>} : memref<40x512xf32, #tpu.memory_space<vmem>>, vector<16xf32>,
          tpu.vector_store %arg10[%parallel_loop3A_141, %parallel_loop3A_142], %parallel_loop3A_140 {strides = array<i32>} : memref<40x512xf32, #tpu.memory_space<vmem>>, vector<16xf32>,
          %parallel_loop3A_144 = arith.constant 16 : i32
          %parallel_loop3A_145 = arith.addi %parallel_loop3A_136, %parallel_loop3A_144 : i32
          %parallel_loop3A_146 = arith.index_cast %parallel_loop3A_145 : i32 to index
          %parallel_loop3A_147 = tpu.vector_load %arg7[%parallel_loop3A_146] {strides = array<i32>} : memref<51200xf32, #tpu.memory_space<vmem>>, vector<16xf32>,
          %parallel_loop3A_148 = arith.index_cast %parallel_loop3A_129 : i32 to index
          %parallel_loop3A_149 = arith.constant 16 : index
          %parallel_loop3A_150 = tpu.vector_load %arg10[%parallel_loop3A_148, %parallel_loop3A_149] {strides = array<i32>} : memref<40x512xf32, #tpu.memory_space<vmem>>, vector<16xf32>,
          tpu.vector_store %arg10[%parallel_loop3A_148, %parallel_loop3A_149], %parallel_loop3A_147 {strides = array<i32>} : memref<40x512xf32, #tpu.memory_space<vmem>>, vector<16xf32>,
          %parallel_loop3A_151 = arith.constant 32 : i32
          %parallel_loop3A_152 = arith.addi %parallel_loop3A_136, %parallel_loop3A_151 : i32
          %parallel_loop3A_153 = arith.index_cast %parallel_loop3A_152 : i32 to index
          %parallel_loop3A_154 = tpu.vector_load %arg7[%parallel_loop3A_153] {strides = array<i32>} : memref<51200xf32, #tpu.memory_space<vmem>>, vector<16xf32>,
          %parallel_loop3A_155 = arith.index_cast %parallel_loop3A_129 : i32 to index
          %parallel_loop3A_156 = arith.constant 32 : index
          %parallel_loop3A_157 = tpu.vector_load %arg10[%parallel_loop3A_155, %parallel_loop3A_156] {strides = array<i32>} : memref<40x512xf32, #tpu.memory_space<vmem>>, vector<16xf32>,
          tpu.vector_store %arg10[%parallel_loop3A_155, %parallel_loop3A_156], %parallel_loop3A_154 {strides = array<i32>} : memref<40x512xf32, #tpu.memory_space<vmem>>, vector<16xf32>,
          %parallel_loop3A_158 = arith.constant 48 : i32
          %parallel_loop3A_159 = arith.addi %parallel_loop3A_136, %parallel_loop3A_158 : i32
          %parallel_loop3A_160 = arith.index_cast %parallel_loop3A_159 : i32 to index
          %parallel_loop3A_161 = tpu.vector_load %arg7[%parallel_loop3A_160] {strides = array<i32>} : memref<51200xf32, #tpu.memory_space<vmem>>, vector<16xf32>,
          %parallel_loop3A_162 = arith.index_cast %parallel_loop3A_129 : i32 to index
          %parallel_loop3A_163 = arith.constant 48 : index
          %parallel_loop3A_164 = tpu.vector_load %arg10[%parallel_loop3A_162, %parallel_loop3A_163] {strides = array<i32>} : memref<40x512xf32, #tpu.memory_space<vmem>>, vector<16xf32>,
          tpu.vector_store %arg10[%parallel_loop3A_162, %parallel_loop3A_163], %parallel_loop3A_161 {strides = array<i32>} : memref<40x512xf32, #tpu.memory_space<vmem>>, vector<16xf32>,
          %parallel_loop3A_165 = arith.constant 64 : i32
          %parallel_loop3A_166 = arith.addi %parallel_loop3A_136, %parallel_loop3A_165 : i32
          %parallel_loop3A_167 = arith.index_cast %parallel_loop3A_166 : i32 to index
          %parallel_loop3A_168 = tpu.vector_load %arg7[%parallel_loop3A_167] {strides = array<i32>} : memref<51200xf32, #tpu.memory_space<vmem>>, vector<16xf32>,
          %parallel_loop3A_169 = arith.index_cast %parallel_loop3A_129 : i32 to index
          %parallel_loop3A_170 = arith.constant 64 : index
          %parallel_loop3A_171 = tpu.vector_load %arg10[%parallel_loop3A_169, %parallel_loop3A_170] {strides = array<i32>} : memref<40x512xf32, #tpu.memory_space<vmem>>, vector<16xf32>,
          tpu.vector_store %arg10[%parallel_loop3A_169, %parallel_loop3A_170], %parallel_loop3A_168 {strides = array<i32>} : memref<40x512xf32, #tpu.memory_space<vmem>>, vector<16xf32>,
          %parallel_loop3A_172 = arith.constant 80 : i32
          %parallel_loop3A_173 = arith.addi %parallel_loop3A_136, %parallel_loop3A_172 : i32
          %parallel_loop3A_174 = arith.index_cast %parallel_loop3A_173 : i32 to index
          %parallel_loop3A_175 = tpu.vector_load %arg7[%parallel_loop3A_174] {strides = array<i32>} : memref<51200xf32, #tpu.memory_space<vmem>>, vector<16xf32>,
          %parallel_loop3A_176 = arith.index_cast %parallel_loop3A_129 : i32 to index
          %parallel_loop3A_177 = arith.constant 80 : index
          %parallel_loop3A_178 = tpu.vector_load %arg10[%parallel_loop3A_176, %parallel_loop3A_177] {strides = array<i32>} : memref<40x512xf32, #tpu.memory_space<vmem>>, vector<16xf32>,
          tpu.vector_store %arg10[%parallel_loop3A_176, %parallel_loop3A_177], %parallel_loop3A_175 {strides = array<i32>} : memref<40x512xf32, #tpu.memory_space<vmem>>, vector<16xf32>,
          %parallel_loop3A_179 = arith.constant 96 : i32
          %parallel_loop3A_180 = arith.addi %parallel_loop3A_136, %parallel_loop3A_179 : i32
          %parallel_loop3A_181 = arith.index_cast %parallel_loop3A_180 : i32 to index
          %parallel_loop3A_182 = tpu.vector_load %arg7[%parallel_loop3A_181] {strides = array<i32>} : memref<51200xf32, #tpu.memory_space<vmem>>, vector<16xf32>,
          %parallel_loop3A_183 = arith.index_cast %parallel_loop3A_129 : i32 to index
          %parallel_loop3A_184 = arith.constant 96 : index
          %parallel_loop3A_185 = tpu.vector_load %arg10[%parallel_loop3A_183, %parallel_loop3A_184] {strides = array<i32>} : memref<40x512xf32, #tpu.memory_space<vmem>>, vector<16xf32>,
          tpu.vector_store %arg10[%parallel_loop3A_183, %parallel_loop3A_184], %parallel_loop3A_182 {strides = array<i32>} : memref<40x512xf32, #tpu.memory_space<vmem>>, vector<16xf32>,
          %parallel_loop3A_186 = arith.constant 112 : i32
          %parallel_loop3A_187 = arith.addi %parallel_loop3A_136, %parallel_loop3A_186 : i32
          %parallel_loop3A_188 = arith.index_cast %parallel_loop3A_187 : i32 to index
          %parallel_loop3A_189 = tpu.vector_load %arg7[%parallel_loop3A_188] {strides = array<i32>} : memref<51200xf32, #tpu.memory_space<vmem>>, vector<16xf32>,
          %parallel_loop3A_190 = arith.index_cast %parallel_loop3A_129 : i32 to index
          %parallel_loop3A_191 = arith.constant 112 : index
          %parallel_loop3A_192 = tpu.vector_load %arg10[%parallel_loop3A_190, %parallel_loop3A_191] {strides = array<i32>} : memref<40x512xf32, #tpu.memory_space<vmem>>, vector<16xf32>,
          tpu.vector_store %arg10[%parallel_loop3A_190, %parallel_loop3A_191], %parallel_loop3A_189 {strides = array<i32>} : memref<40x512xf32, #tpu.memory_space<vmem>>, vector<16xf32>,
          %parallel_loop3A_193 = arith.constant 128 : i32
          %parallel_loop3A_194 = arith.addi %parallel_loop3A_136, %parallel_loop3A_193 : i32
          %parallel_loop3A_195 = arith.index_cast %parallel_loop3A_194 : i32 to index
          %parallel_loop3A_196 = tpu.vector_load %arg7[%parallel_loop3A_195] {strides = array<i32>} : memref<51200xf32, #tpu.memory_space<vmem>>, vector<16xf32>,
          %parallel_loop3A_197 = arith.index_cast %parallel_loop3A_129 : i32 to index
          %parallel_loop3A_198 = arith.constant 128 : index
          %parallel_loop3A_199 = tpu.vector_load %arg10[%parallel_loop3A_197, %parallel_loop3A_198] {strides = array<i32>} : memref<40x512xf32, #tpu.memory_space<vmem>>, vector<16xf32>,
          tpu.vector_store %arg10[%parallel_loop3A_197, %parallel_loop3A_198], %parallel_loop3A_196 {strides = array<i32>} : memref<40x512xf32, #tpu.memory_space<vmem>>, vector<16xf32>,
          %parallel_loop3A_200 = arith.constant 144 : i32
          %parallel_loop3A_201 = arith.addi %parallel_loop3A_136, %parallel_loop3A_200 : i32
          %parallel_loop3A_202 = arith.index_cast %parallel_loop3A_201 : i32 to index
          %parallel_loop3A_203 = tpu.vector_load %arg7[%parallel_loop3A_202] {strides = array<i32>} : memref<51200xf32, #tpu.memory_space<vmem>>, vector<16xf32>,
          %parallel_loop3A_204 = arith.index_cast %parallel_loop3A_129 : i32 to index
          %parallel_loop3A_205 = arith.constant 144 : index
          %parallel_loop3A_206 = tpu.vector_load %arg10[%parallel_loop3A_204, %parallel_loop3A_205] {strides = array<i32>} : memref<40x512xf32, #tpu.memory_space<vmem>>, vector<16xf32>,
          tpu.vector_store %arg10[%parallel_loop3A_204, %parallel_loop3A_205], %parallel_loop3A_203 {strides = array<i32>} : memref<40x512xf32, #tpu.memory_space<vmem>>, vector<16xf32>,
          %parallel_loop3A_207 = arith.constant 160 : i32
          %parallel_loop3A_208 = arith.addi %parallel_loop3A_136, %parallel_loop3A_207 : i32
          %parallel_loop3A_209 = arith.index_cast %parallel_loop3A_208 : i32 to index
          %parallel_loop3A_210 = tpu.vector_load %arg7[%parallel_loop3A_209] {strides = array<i32>} : memref<51200xf32, #tpu.memory_space<vmem>>, vector<16xf32>,
          %parallel_loop3A_211 = arith.index_cast %parallel_loop3A_129 : i32 to index
          %parallel_loop3A_212 = arith.constant 160 : index
          %parallel_loop3A_213 = tpu.vector_load %arg10[%parallel_loop3A_211, %parallel_loop3A_212] {strides = array<i32>} : memref<40x512xf32, #tpu.memory_space<vmem>>, vector<16xf32>,
          tpu.vector_store %arg10[%parallel_loop3A_211, %parallel_loop3A_212], %parallel_loop3A_210 {strides = array<i32>} : memref<40x512xf32, #tpu.memory_space<vmem>>, vector<16xf32>,
          %parallel_loop3A_214 = arith.constant 176 : i32
          %parallel_loop3A_215 = arith.addi %parallel_loop3A_136, %parallel_loop3A_214 : i32
          %parallel_loop3A_216 = arith.index_cast %parallel_loop3A_215 : i32 to index
          %parallel_loop3A_217 = tpu.vector_load %arg7[%parallel_loop3A_216] {strides = array<i32>} : memref<51200xf32, #tpu.memory_space<vmem>>, vector<16xf32>,
          %parallel_loop3A_218 = arith.index_cast %parallel_loop3A_129 : i32 to index
          %parallel_loop3A_219 = arith.constant 176 : index
          %parallel_loop3A_220 = tpu.vector_load %arg10[%parallel_loop3A_218, %parallel_loop3A_219] {strides = array<i32>} : memref<40x512xf32, #tpu.memory_space<vmem>>, vector<16xf32>,
          tpu.vector_store %arg10[%parallel_loop3A_218, %parallel_loop3A_219], %parallel_loop3A_217 {strides = array<i32>} : memref<40x512xf32, #tpu.memory_space<vmem>>, vector<16xf32>,
          %parallel_loop3A_221 = arith.constant 192 : i32
          %parallel_loop3A_222 = arith.addi %parallel_loop3A_136, %parallel_loop3A_221 : i32
          %parallel_loop3A_223 = arith.index_cast %parallel_loop3A_222 : i32 to index
          %parallel_loop3A_224 = tpu.vector_load %arg7[%parallel_loop3A_223] {strides = array<i32>} : memref<51200xf32, #tpu.memory_space<vmem>>, vector<16xf32>,
          %parallel_loop3A_225 = arith.index_cast %parallel_loop3A_129 : i32 to index
          %parallel_loop3A_226 = arith.constant 192 : index
          %parallel_loop3A_227 = tpu.vector_load %arg10[%parallel_loop3A_225, %parallel_loop3A_226] {strides = array<i32>} : memref<40x512xf32, #tpu.memory_space<vmem>>, vector<16xf32>,
          tpu.vector_store %arg10[%parallel_loop3A_225, %parallel_loop3A_226], %parallel_loop3A_224 {strides = array<i32>} : memref<40x512xf32, #tpu.memory_space<vmem>>, vector<16xf32>,
          %parallel_loop3A_228 = arith.constant 208 : i32
          %parallel_loop3A_229 = arith.addi %parallel_loop3A_136, %parallel_loop3A_228 : i32
          %parallel_loop3A_230 = arith.index_cast %parallel_loop3A_229 : i32 to index
          %parallel_loop3A_231 = tpu.vector_load %arg7[%parallel_loop3A_230] {strides = array<i32>} : memref<51200xf32, #tpu.memory_space<vmem>>, vector<16xf32>,
          %parallel_loop3A_232 = arith.index_cast %parallel_loop3A_129 : i32 to index
          %parallel_loop3A_233 = arith.constant 208 : index
          %parallel_loop3A_234 = tpu.vector_load %arg10[%parallel_loop3A_232, %parallel_loop3A_233] {strides = array<i32>} : memref<40x512xf32, #tpu.memory_space<vmem>>, vector<16xf32>,
          tpu.vector_store %arg10[%parallel_loop3A_232, %parallel_loop3A_233], %parallel_loop3A_231 {strides = array<i32>} : memref<40x512xf32, #tpu.memory_space<vmem>>, vector<16xf32>,
          %parallel_loop3A_235 = arith.constant 224 : i32
          %parallel_loop3A_236 = arith.addi %parallel_loop3A_136, %parallel_loop3A_235 : i32
          %parallel_loop3A_237 = arith.index_cast %parallel_loop3A_236 : i32 to index
          %parallel_loop3A_238 = tpu.vector_load %arg7[%parallel_loop3A_237] {strides = array<i32>} : memref<51200xf32, #tpu.memory_space<vmem>>, vector<16xf32>,
          %parallel_loop3A_239 = arith.index_cast %parallel_loop3A_129 : i32 to index
          %parallel_loop3A_240 = arith.constant 224 : index
          %parallel_loop3A_241 = tpu.vector_load %arg10[%parallel_loop3A_239, %parallel_loop3A_240] {strides = array<i32>} : memref<40x512xf32, #tpu.memory_space<vmem>>, vector<16xf32>,
          tpu.vector_store %arg10[%parallel_loop3A_239, %parallel_loop3A_240], %parallel_loop3A_238 {strides = array<i32>} : memref<40x512xf32, #tpu.memory_space<vmem>>, vector<16xf32>,
          %parallel_loop3A_242 = arith.constant 240 : i32
          %parallel_loop3A_243 = arith.addi %parallel_loop3A_136, %parallel_loop3A_242 : i32
          %parallel_loop3A_244 = arith.index_cast %parallel_loop3A_243 : i32 to index
          %parallel_loop3A_245 = tpu.vector_load %arg7[%parallel_loop3A_244] {strides = array<i32>} : memref<51200xf32, #tpu.memory_space<vmem>>, vector<16xf32>,
          %parallel_loop3A_246 = arith.index_cast %parallel_loop3A_129 : i32 to index
          %parallel_loop3A_247 = arith.constant 240 : index
          %parallel_loop3A_248 = tpu.vector_load %arg10[%parallel_loop3A_246, %parallel_loop3A_247] {strides = array<i32>} : memref<40x512xf32, #tpu.memory_space<vmem>>, vector<16xf32>,
          tpu.vector_store %arg10[%parallel_loop3A_246, %parallel_loop3A_247], %parallel_loop3A_245 {strides = array<i32>} : memref<40x512xf32, #tpu.memory_space<vmem>>, vector<16xf32>,
          %parallel_loop3A_249 = arith.constant 256 : i32
          %parallel_loop3A_250 = arith.addi %parallel_loop3A_136, %parallel_loop3A_249 : i32
          %parallel_loop3A_251 = arith.index_cast %parallel_loop3A_250 : i32 to index
          %parallel_loop3A_252 = tpu.vector_load %arg7[%parallel_loop3A_251] {strides = array<i32>} : memref<51200xf32, #tpu.memory_space<vmem>>, vector<16xf32>,
          %parallel_loop3A_253 = arith.index_cast %parallel_loop3A_129 : i32 to index
          %parallel_loop3A_254 = arith.constant 256 : index
          %parallel_loop3A_255 = tpu.vector_load %arg10[%parallel_loop3A_253, %parallel_loop3A_254] {strides = array<i32>} : memref<40x512xf32, #tpu.memory_space<vmem>>, vector<16xf32>,
          tpu.vector_store %arg10[%parallel_loop3A_253, %parallel_loop3A_254], %parallel_loop3A_252 {strides = array<i32>} : memref<40x512xf32, #tpu.memory_space<vmem>>, vector<16xf32>,
          %parallel_loop3A_256 = arith.constant 272 : i32
          %parallel_loop3A_257 = arith.addi %parallel_loop3A_136, %parallel_loop3A_256 : i32
          %parallel_loop3A_258 = arith.index_cast %parallel_loop3A_257 : i32 to index
          %parallel_loop3A_259 = tpu.vector_load %arg7[%parallel_loop3A_258] {strides = array<i32>} : memref<51200xf32, #tpu.memory_space<vmem>>, vector<16xf32>,
          %parallel_loop3A_260 = arith.index_cast %parallel_loop3A_129 : i32 to index
          %parallel_loop3A_261 = arith.constant 272 : index
          %parallel_loop3A_262 = tpu.vector_load %arg10[%parallel_loop3A_260, %parallel_loop3A_261] {strides = array<i32>} : memref<40x512xf32, #tpu.memory_space<vmem>>, vector<16xf32>,
          tpu.vector_store %arg10[%parallel_loop3A_260, %parallel_loop3A_261], %parallel_loop3A_259 {strides = array<i32>} : memref<40x512xf32, #tpu.memory_space<vmem>>, vector<16xf32>,
          %parallel_loop3A_263 = arith.constant 288 : i32
          %parallel_loop3A_264 = arith.addi %parallel_loop3A_136, %parallel_loop3A_263 : i32
          %parallel_loop3A_265 = arith.index_cast %parallel_loop3A_264 : i32 to index
          %parallel_loop3A_266 = tpu.vector_load %arg7[%parallel_loop3A_265] {strides = array<i32>} : memref<51200xf32, #tpu.memory_space<vmem>>, vector<16xf32>,
          %parallel_loop3A_267 = arith.index_cast %parallel_loop3A_129 : i32 to index
          %parallel_loop3A_268 = arith.constant 288 : index
          %parallel_loop3A_269 = tpu.vector_load %arg10[%parallel_loop3A_267, %parallel_loop3A_268] {strides = array<i32>} : memref<40x512xf32, #tpu.memory_space<vmem>>, vector<16xf32>,
          tpu.vector_store %arg10[%parallel_loop3A_267, %parallel_loop3A_268], %parallel_loop3A_266 {strides = array<i32>} : memref<40x512xf32, #tpu.memory_space<vmem>>, vector<16xf32>,
          %parallel_loop3A_270 = arith.constant 304 : i32
          %parallel_loop3A_271 = arith.addi %parallel_loop3A_136, %parallel_loop3A_270 : i32
          %parallel_loop3A_272 = arith.index_cast %parallel_loop3A_271 : i32 to index
          %parallel_loop3A_273 = tpu.vector_load %arg7[%parallel_loop3A_272] {strides = array<i32>} : memref<51200xf32, #tpu.memory_space<vmem>>, vector<16xf32>,
          %parallel_loop3A_274 = arith.index_cast %parallel_loop3A_129 : i32 to index
          %parallel_loop3A_275 = arith.constant 304 : index
          %parallel_loop3A_276 = tpu.vector_load %arg10[%parallel_loop3A_274, %parallel_loop3A_275] {strides = array<i32>} : memref<40x512xf32, #tpu.memory_space<vmem>>, vector<16xf32>,
          tpu.vector_store %arg10[%parallel_loop3A_274, %parallel_loop3A_275], %parallel_loop3A_273 {strides = array<i32>} : memref<40x512xf32, #tpu.memory_space<vmem>>, vector<16xf32>,
          %parallel_loop3A_277 = arith.constant 320 : i32
          %parallel_loop3A_278 = arith.addi %parallel_loop3A_136, %parallel_loop3A_277 : i32
          %parallel_loop3A_279 = arith.index_cast %parallel_loop3A_278 : i32 to index
          %parallel_loop3A_280 = tpu.vector_load %arg7[%parallel_loop3A_279] {strides = array<i32>} : memref<51200xf32, #tpu.memory_space<vmem>>, vector<16xf32>,
          %parallel_loop3A_281 = arith.index_cast %parallel_loop3A_129 : i32 to index
          %parallel_loop3A_282 = arith.constant 320 : index
          %parallel_loop3A_283 = tpu.vector_load %arg10[%parallel_loop3A_281, %parallel_loop3A_282] {strides = array<i32>} : memref<40x512xf32, #tpu.memory_space<vmem>>, vector<16xf32>,
          tpu.vector_store %arg10[%parallel_loop3A_281, %parallel_loop3A_282], %parallel_loop3A_280 {strides = array<i32>} : memref<40x512xf32, #tpu.memory_space<vmem>>, vector<16xf32>,
          %parallel_loop3A_284 = arith.constant 336 : i32
          %parallel_loop3A_285 = arith.addi %parallel_loop3A_136, %parallel_loop3A_284 : i32
          %parallel_loop3A_286 = arith.index_cast %parallel_loop3A_285 : i32 to index
          %parallel_loop3A_287 = tpu.vector_load %arg7[%parallel_loop3A_286] {strides = array<i32>} : memref<51200xf32, #tpu.memory_space<vmem>>, vector<16xf32>,
          %parallel_loop3A_288 = arith.index_cast %parallel_loop3A_129 : i32 to index
          %parallel_loop3A_289 = arith.constant 336 : index
          %parallel_loop3A_290 = tpu.vector_load %arg10[%parallel_loop3A_288, %parallel_loop3A_289] {strides = array<i32>} : memref<40x512xf32, #tpu.memory_space<vmem>>, vector<16xf32>,
          tpu.vector_store %arg10[%parallel_loop3A_288, %parallel_loop3A_289], %parallel_loop3A_287 {strides = array<i32>} : memref<40x512xf32, #tpu.memory_space<vmem>>, vector<16xf32>,
          %parallel_loop3A_291 = arith.constant 352 : i32
          %parallel_loop3A_292 = arith.addi %parallel_loop3A_136, %parallel_loop3A_291 : i32
          %parallel_loop3A_293 = arith.index_cast %parallel_loop3A_292 : i32 to index
          %parallel_loop3A_294 = tpu.vector_load %arg7[%parallel_loop3A_293] {strides = array<i32>} : memref<51200xf32, #tpu.memory_space<vmem>>, vector<16xf32>,
          %parallel_loop3A_295 = arith.index_cast %parallel_loop3A_129 : i32 to index
          %parallel_loop3A_296 = arith.constant 352 : index
          %parallel_loop3A_297 = tpu.vector_load %arg10[%parallel_loop3A_295, %parallel_loop3A_296] {strides = array<i32>} : memref<40x512xf32, #tpu.memory_space<vmem>>, vector<16xf32>,
          tpu.vector_store %arg10[%parallel_loop3A_295, %parallel_loop3A_296], %parallel_loop3A_294 {strides = array<i32>} : memref<40x512xf32, #tpu.memory_space<vmem>>, vector<16xf32>,
          %parallel_loop3A_298 = arith.constant 368 : i32
          %parallel_loop3A_299 = arith.addi %parallel_loop3A_136, %parallel_loop3A_298 : i32
          %parallel_loop3A_300 = arith.index_cast %parallel_loop3A_299 : i32 to index
          %parallel_loop3A_301 = tpu.vector_load %arg7[%parallel_loop3A_300] {strides = array<i32>} : memref<51200xf32, #tpu.memory_space<vmem>>, vector<16xf32>,
          %parallel_loop3A_302 = arith.index_cast %parallel_loop3A_129 : i32 to index
          %parallel_loop3A_303 = arith.constant 368 : index
          %parallel_loop3A_304 = tpu.vector_load %arg10[%parallel_loop3A_302, %parallel_loop3A_303] {strides = array<i32>} : memref<40x512xf32, #tpu.memory_space<vmem>>, vector<16xf32>,
          tpu.vector_store %arg10[%parallel_loop3A_302, %parallel_loop3A_303], %parallel_loop3A_301 {strides = array<i32>} : memref<40x512xf32, #tpu.memory_space<vmem>>, vector<16xf32>,
          %parallel_loop3A_305 = arith.constant 384 : i32
          %parallel_loop3A_306 = arith.addi %parallel_loop3A_136, %parallel_loop3A_305 : i32
          %parallel_loop3A_307 = arith.index_cast %parallel_loop3A_306 : i32 to index
          %parallel_loop3A_308 = tpu.vector_load %arg7[%parallel_loop3A_307] {strides = array<i32>} : memref<51200xf32, #tpu.memory_space<vmem>>, vector<16xf32>,
          %parallel_loop3A_309 = arith.index_cast %parallel_loop3A_129 : i32 to index
          %parallel_loop3A_310 = arith.constant 384 : index
          %parallel_loop3A_311 = tpu.vector_load %arg10[%parallel_loop3A_309, %parallel_loop3A_310] {strides = array<i32>} : memref<40x512xf32, #tpu.memory_space<vmem>>, vector<16xf32>,
          tpu.vector_store %arg10[%parallel_loop3A_309, %parallel_loop3A_310], %parallel_loop3A_308 {strides = array<i32>} : memref<40x512xf32, #tpu.memory_space<vmem>>, vector<16xf32>,
          %parallel_loop3A_312 = arith.constant 400 : i32
          %parallel_loop3A_313 = arith.addi %parallel_loop3A_136, %parallel_loop3A_312 : i32
          %parallel_loop3A_314 = arith.index_cast %parallel_loop3A_313 : i32 to index
          %parallel_loop3A_315 = tpu.vector_load %arg7[%parallel_loop3A_314] {strides = array<i32>} : memref<51200xf32, #tpu.memory_space<vmem>>, vector<16xf32>,
          %parallel_loop3A_316 = arith.index_cast %parallel_loop3A_129 : i32 to index
          %parallel_loop3A_317 = arith.constant 400 : index
          %parallel_loop3A_318 = tpu.vector_load %arg10[%parallel_loop3A_316, %parallel_loop3A_317] {strides = array<i32>} : memref<40x512xf32, #tpu.memory_space<vmem>>, vector<16xf32>,
          tpu.vector_store %arg10[%parallel_loop3A_316, %parallel_loop3A_317], %parallel_loop3A_315 {strides = array<i32>} : memref<40x512xf32, #tpu.memory_space<vmem>>, vector<16xf32>,
          %parallel_loop3A_319 = arith.constant 416 : i32
          %parallel_loop3A_320 = arith.addi %parallel_loop3A_136, %parallel_loop3A_319 : i32
          %parallel_loop3A_321 = arith.index_cast %parallel_loop3A_320 : i32 to index
          %parallel_loop3A_322 = tpu.vector_load %arg7[%parallel_loop3A_321] {strides = array<i32>} : memref<51200xf32, #tpu.memory_space<vmem>>, vector<16xf32>,
          %parallel_loop3A_323 = arith.index_cast %parallel_loop3A_129 : i32 to index
          %parallel_loop3A_324 = arith.constant 416 : index
          %parallel_loop3A_325 = tpu.vector_load %arg10[%parallel_loop3A_323, %parallel_loop3A_324] {strides = array<i32>} : memref<40x512xf32, #tpu.memory_space<vmem>>, vector<16xf32>,
          tpu.vector_store %arg10[%parallel_loop3A_323, %parallel_loop3A_324], %parallel_loop3A_322 {strides = array<i32>} : memref<40x512xf32, #tpu.memory_space<vmem>>, vector<16xf32>,
          %parallel_loop3A_326 = arith.constant 432 : i32
          %parallel_loop3A_327 = arith.addi %parallel_loop3A_136, %parallel_loop3A_326 : i32
          %parallel_loop3A_328 = arith.index_cast %parallel_loop3A_327 : i32 to index
          %parallel_loop3A_329 = tpu.vector_load %arg7[%parallel_loop3A_328] {strides = array<i32>} : memref<51200xf32, #tpu.memory_space<vmem>>, vector<16xf32>,
          %parallel_loop3A_330 = arith.index_cast %parallel_loop3A_129 : i32 to index
          %parallel_loop3A_331 = arith.constant 432 : index
          %parallel_loop3A_332 = tpu.vector_load %arg10[%parallel_loop3A_330, %parallel_loop3A_331] {strides = array<i32>} : memref<40x512xf32, #tpu.memory_space<vmem>>, vector<16xf32>,
          tpu.vector_store %arg10[%parallel_loop3A_330, %parallel_loop3A_331], %parallel_loop3A_329 {strides = array<i32>} : memref<40x512xf32, #tpu.memory_space<vmem>>, vector<16xf32>,
          %parallel_loop3A_333 = arith.constant 448 : i32
          %parallel_loop3A_334 = arith.addi %parallel_loop3A_136, %parallel_loop3A_333 : i32
          %parallel_loop3A_335 = arith.index_cast %parallel_loop3A_334 : i32 to index
          %parallel_loop3A_336 = tpu.vector_load %arg7[%parallel_loop3A_335] {strides = array<i32>} : memref<51200xf32, #tpu.memory_space<vmem>>, vector<16xf32>,
          %parallel_loop3A_337 = arith.index_cast %parallel_loop3A_129 : i32 to index
          %parallel_loop3A_338 = arith.constant 448 : index
          %parallel_loop3A_339 = tpu.vector_load %arg10[%parallel_loop3A_337, %parallel_loop3A_338] {strides = array<i32>} : memref<40x512xf32, #tpu.memory_space<vmem>>, vector<16xf32>,
          tpu.vector_store %arg10[%parallel_loop3A_337, %parallel_loop3A_338], %parallel_loop3A_336 {strides = array<i32>} : memref<40x512xf32, #tpu.memory_space<vmem>>, vector<16xf32>,
          %parallel_loop3A_340 = arith.constant 464 : i32
          %parallel_loop3A_341 = arith.addi %parallel_loop3A_136, %parallel_loop3A_340 : i32
          %parallel_loop3A_342 = arith.index_cast %parallel_loop3A_341 : i32 to index
          %parallel_loop3A_343 = tpu.vector_load %arg7[%parallel_loop3A_342] {strides = array<i32>} : memref<51200xf32, #tpu.memory_space<vmem>>, vector<16xf32>,
          %parallel_loop3A_344 = arith.index_cast %parallel_loop3A_129 : i32 to index
          %parallel_loop3A_345 = arith.constant 464 : index
          %parallel_loop3A_346 = tpu.vector_load %arg10[%parallel_loop3A_344, %parallel_loop3A_345] {strides = array<i32>} : memref<40x512xf32, #tpu.memory_space<vmem>>, vector<16xf32>,
          tpu.vector_store %arg10[%parallel_loop3A_344, %parallel_loop3A_345], %parallel_loop3A_343 {strides = array<i32>} : memref<40x512xf32, #tpu.memory_space<vmem>>, vector<16xf32>,
          %parallel_loop3A_347 = arith.constant 480 : i32
          %parallel_loop3A_348 = arith.addi %parallel_loop3A_136, %parallel_loop3A_347 : i32
          %parallel_loop3A_349 = arith.index_cast %parallel_loop3A_348 : i32 to index
          %parallel_loop3A_350 = tpu.vector_load %arg7[%parallel_loop3A_349] {strides = array<i32>} : memref<51200xf32, #tpu.memory_space<vmem>>, vector<16xf32>,
          %parallel_loop3A_351 = arith.index_cast %parallel_loop3A_129 : i32 to index
          %parallel_loop3A_352 = arith.constant 480 : index
          %parallel_loop3A_353 = tpu.vector_load %arg10[%parallel_loop3A_351, %parallel_loop3A_352] {strides = array<i32>} : memref<40x512xf32, #tpu.memory_space<vmem>>, vector<16xf32>,
          tpu.vector_store %arg10[%parallel_loop3A_351, %parallel_loop3A_352], %parallel_loop3A_350 {strides = array<i32>} : memref<40x512xf32, #tpu.memory_space<vmem>>, vector<16xf32>,
          %parallel_loop3A_354 = arith.constant 496 : i32
          %parallel_loop3A_355 = arith.addi %parallel_loop3A_136, %parallel_loop3A_354 : i32
          %parallel_loop3A_356 = arith.index_cast %parallel_loop3A_355 : i32 to index
          %parallel_loop3A_357 = tpu.vector_load %arg7[%parallel_loop3A_356] {strides = array<i32>} : memref<51200xf32, #tpu.memory_space<vmem>>, vector<16xf32>,
          %parallel_loop3A_358 = arith.index_cast %parallel_loop3A_129 : i32 to index
          %parallel_loop3A_359 = arith.constant 496 : index
          %parallel_loop3A_360 = tpu.vector_load %arg10[%parallel_loop3A_358, %parallel_loop3A_359] {strides = array<i32>} : memref<40x512xf32, #tpu.memory_space<vmem>>, vector<16xf32>,
          tpu.vector_store %arg10[%parallel_loop3A_358, %parallel_loop3A_359], %parallel_loop3A_357 {strides = array<i32>} : memref<40x512xf32, #tpu.memory_space<vmem>>, vector<16xf32>,
        } {sc.loop_unroll_factor = 2 : i64, sc.parallel_access}
        %mul3A_122 = arith.constant 40 : i32
        %mul3A_123 = arith.muli %add3A_113, %mul3A_122 : i32
        %add3A_124 = arith.addi %mul3A_4, %mul3A_123 : i32
        %dma_start3A_125 = arith.constant 0 : i32
        %dma_start3A_126 = tpu.memref_slice %arg4[%add3A_124, %dma_start3A_125] : memref<409600x512xf32, #tpu.memory_space<hbm>> -> memref<40x512xf32, #tpu.memory_space<hbm>>
        %dma_start3A_127 = arith.constant 0 : i32
        %dma_start3A_128 = tpu.memref_slice %arg4[%add3A_124, %dma_start3A_127] : memref<409600x512xf32, #tpu.memory_space<hbm>> -> memref<40x512xf32, #tpu.memory_space<hbm>>
        tpu.enqueue_dma source(%arg10 : memref<40x512xf32, #tpu.memory_space<vmem>>) target(%dma_start3A_128 : memref<40x512xf32, #tpu.memory_space<hbm>>) target_semaphore(%arg13 : memref<!tpu.dma_semaphore, #tpu.memory_space<semaphore_mem>>)
      }
      %scan3A_84 = arith.constant 5 : i32
    }
    %scan3A_22 = arith.constant 16 : i32
    %add3A_23 = arith.constant 12720 : i32
    %add3A_24 = arith.addi %mul3A_4, %add3A_23 : i32
    %dma_wait3A = arith.constant 0 : i32
    %dma_wait3A_25 = tpu.memref_slice %arg4[%add3A_24, %dma_wait3A] : memref<409600x512xf32, #tpu.memory_space<hbm>> -> memref<40x512xf32, #tpu.memory_space<hbm>>
    %dma_wait3A_26 = arith.constant 0 : i32
    %dma_wait3A_27 = tpu.memref_slice %arg4[%add3A_24, %dma_wait3A_26] : memref<409600x512xf32, #tpu.memory_space<hbm>> -> memref<40x512xf32, #tpu.memory_space<hbm>>
    tpu.wait_dma2 semaphore(%arg13 : memref<!tpu.dma_semaphore, #tpu.memory_space<semaphore_mem>>) src(%arg9 : memref<40x512xf32, #tpu.memory_space<vmem>>) dst(%dma_wait3A_27 : memref<40x512xf32, #tpu.memory_space<hbm>>)
    %add3A_28 = arith.constant 12760 : i32
    %add3A_29 = arith.addi %mul3A_4, %add3A_28 : i32
    %dma_wait3A_30 = arith.constant 0 : i32
    %dma_wait3A_31 = tpu.memref_slice %arg4[%add3A_29, %dma_wait3A_30] : memref<409600x512xf32, #tpu.memory_space<hbm>> -> memref<40x512xf32, #tpu.memory_space<hbm>>
    %dma_wait3A_32 = arith.constant 0 : i32
    %dma_wait3A_33 = tpu.memref_slice %arg4[%add3A_29, %dma_wait3A_32] : memref<409600x512xf32, #tpu.memory_space<hbm>> -> memref<40x512xf32, #tpu.memory_space<hbm>>
    tpu.wait_dma2 semaphore(%arg13 : memref<!tpu.dma_semaphore, #tpu.memory_space<semaphore_mem>>) src(%arg10 : memref<40x512xf32, #tpu.memory_space<vmem>>) dst(%dma_wait3A_33 : memref<40x512xf32, #tpu.memory_space<hbm>>)
    return
  }
}

module attributes {stable_mosaic.version = 14 : i64} {
  func.func @_scale_body(%arg0: memref<100x512xf32, #tpu.memory_space<vmem>>, %arg1: memref<100x512xf32, #tpu.memory_space<vmem>>) attributes {dimension_semantics = [], scalar_prefetch = 0 : i64, scratch_operands = 0 : i64, tpu.core_type = #tpu.core_type<tc>} {
    %get3A = arith.constant 0 : index
    %get3A_0 = arith.constant 0 : index
    %get3A_1 = vector.load %arg0[%get3A, %get3A_0] : memref<100x512xf32, #tpu.memory_space<vmem>>, vector<100x512xf32>
    %mul3A = arith.constant 22.6274166 : f32
    %mul3A_2 = vector.broadcast %mul3A : f32 to vector<100x512xf32>
    %mul3A_3 = arith.mulf %get3A_1, %mul3A_2 : vector<100x512xf32>
    %swap3A = arith.constant 0 : index
    %swap3A_4 = arith.constant 0 : index
    %swap3A_5 = vector.load %arg1[%swap3A, %swap3A_4] : memref<100x512xf32, #tpu.memory_space<vmem>>, vector<100x512xf32>
    tpu.vector_store %arg1[%swap3A, %swap3A_4], %mul3A_3 {strides = array<i32>} : memref<100x512xf32, #tpu.memory_space<vmem>>, vector<100x512xf32>,
    return
  }
}

</mosaic_0001>

<sc_bundles>
// kernel: kernel.4.cloned.1.call-start
scs
__scs_entry_jumppad:
0x0: {  	(pc) =	sbr.rel $0x88, $3  }
0x1: {  	(tag) =	ssettag $0x0;
	lr =	simm.s32 $0x1  }
0x2: {  	[smem:$0x3F9F] =	sst lr;
	_ =	strace $0xD0000000  }
0x3: {  	_ = 	snop  }
0x4: {  	_ = 	snop  }
0x5: {  	_ = 	snop  }
0x6: {  	_ = 	snop  }
0x7: {  	_ = 	snop  }
__scs_overlays_trampoline_lowered:
0x8: {  	[smem:$0x3FAE] =	sst s0  }
0x9: {  	[smem:$0x3FAF] =	sst s1  }
0xa: {  	[smem:$0x3FB0] =	sst s2  }
0xb: {  	[smem:$0x3FB1] =	sst s3  }
0xc: {  	[smem:$0x3FB2] =	sst s4  }
0xd: {  	[smem:$0x3FB3] =	sst s5  }
0xe: {  	[smem:$0x3FB4] =	sst s6  }
0xf: {  	[smem:$0x3FB5] =	sst s7  }
0x10: {  	[smem:$0x3FB6] =	sst s8  }
0x11: {  	[smem:$0x3FB7] =	sst s9;
	s0 =	simm.s32 @!p0 $0x0  }
0x12: {  	s1 =	sld [smem:$0x3F9D];
	s0 =	simm.s32 @p0 $0x1  }
0x13: {  	[smem:$0x3FB8] =	sst s0;
	s0 =	simm.s32 @!p1 $0x0  }
0x14: {  	s2 =	sld [smem:$0x3F9C];
	s0 =	simm.s32 @p1 $0x1  }
0x15: {  	[smem:$0x3FB9] =	sst s0;
	s0 =	simm.s32 @!p2 $0x0  }
0x16: {  	s3 =	sld [smem:$0x3FDB];
	s0 =	simm.s32 @p2 $0x1  }
0x17: {  	s4 =	simm.s32 $0x1BF5;
	[smem:$0x3FBB] =	sst s0  }
0x18: {  	s0 =	sld [smem:$0x3F9E];
	_ =	swait.ge [sflag:s4], $0x0  }
0x19: {  	s7 =	sld [smem:$0x3F9F]  }
0x1a: {  	s8 =	sadd.s32 $0xFFFFE003, lr  }
0x1b: {  	s9 =	sadd.s32 $0xFFFFFEF7, lr;
	s5 =	simm.s32 $0xFFFFFFFF;
	p2 =	slt.u32 s8, $0xFFFFF086  }
0x1c: {  	p1 =	slt.u32 s9, $0xF7A;
	s5 =	simm.s32 @!p2 $0x0  }
0x1d: {  	s5 =	simm.s32 @p1 $0x1;
	p0 =	seq.s32 s7, s2  }
0x1e: {  	s7 =	smul.u32 @!p0 $0xF7A, s2;
	p2 =	seq.s32 @!p0 s5, $0x0  }
0x1f: {  	s9 =	smul.u32 $0xF7A, s1;
	s8 =	simm.s32 @!p0 $0x1BF5;
	p2 =	por !p2, p0  }
0x20: {  	[sflag:s8] =	ssyncset.s32 @!p0 $0xFFFFF086;
	s6 =	sadd.s32 @!p0 s3, s7;
	s7 =	simm.s32 @!p0 $0x108  }
0x21: {  	s3 =	sadd.s32 s3, s9;
	s6 =	sadd.s32 @!p0 $0x88, s6;
	s7 =	simm.s32 @p2 $0x1082  }
0x22: {  	[simem:s7], [sflag:s8] =	dma.local @!p0 [hbm:s6], $0xF7A  }
0x23: {  	s9 =	sor.u32 $0xD0000000, s2;
	s6 =	simm.s32 $0x108;
	_ =	swait.ge @!p0 [sflag:s8], $0x0  }
0x24: {  	s3 =	sadd.s32 $0x88, s3;
	s6 =	simm.s32 @!p1 $0x1082;
	[sflag:s4] =	ssyncset.s32 $0xFFFFF086  }
0x25: {  	[simem:s6], [sflag:s4] =	dma.local [hbm:s3], $0xF7A  }
0x26: {  	[smem:$0x3F9F] =	sst s1;
	(tag) =	ssettag s2;
	_ =	strace s9  }
0x27: {  	s1 =	sld [smem:$0x3FAF]  }
0x28: {  	s2 =	sld [smem:$0x3FB0]  }
0x29: {  	s4 =	sld [smem:$0x3FB2]  }
0x2a: {  	p0 =	seq.s32 s5, $0x0;
	s5 =	sld [smem:$0x3FB3]  }
0x2b: {  	s6 =	sld [smem:$0x3FB4]  }
0x2c: {  	s7 =	sld [smem:$0x3FB5]  }
0x2d: {  	s3 =	simm.s32 $0x108;
	s8 =	sld [smem:$0x3FB6]  }
0x2e: {  	s3 =	simm.s32 @!p0 $0x1082;
	s9 =	sld [smem:$0x3FB7]  }
0x2f: {  	lr =	sadd.s32 s0, s3;
	s0 =	sld [smem:$0x3FAE]  }
0x30: {  	s3 =	sld [smem:$0x3FB1]  }
0x31: {  	[smem:$0x3FBA] =	sst s10  }
0x32: {  	s10 =	sld [smem:$0x3FB8];
	_ =	sdelay $0x3  }
0x33: {  	p0 =	seq.s32 s10, $0x1;
	s10 =	sld [smem:$0x3FBA];
	_ =	sdelay $0x3  }
0x34: {  	[smem:$0x3FBA] =	sst s10  }
0x35: {  	s10 =	sld [smem:$0x3FB9];
	_ =	sdelay $0x3  }
0x36: {  	p1 =	seq.s32 s10, $0x1;
	s10 =	sld [smem:$0x3FBA];
	_ =	sdelay $0x3  }
0x37: {  	[smem:$0x3FBA] =	sst s10  }
0x38: {  	s10 =	sld [smem:$0x3FBB]  }
0x39: {  	_ = 	snop;
	(pc) =	sbr.ind lr, $3  }
0x3a: {  	_ = 	snop  }
0x3b: {  	_ = 	snop  }
0x3c: {  	p2 =	seq.s32 s10, $0x1;
	s10 =	sld [smem:$0x3FBA]  }
0x3d: {  	_ =	shalt  }
0x3e: {  	_ =	shalt  }
0x3f: {  	_ =	shalt  }
0x40: {  	_ =	shalt  }
0x41: {  	_ =	shalt  }
0x42: {  	_ =	shalt  }
0x43: {  	_ =	shalt  }
0x44: {  	_ =	shalt  }
0x45: {  	_ =	shalt  }
0x46: {  	_ =	shalt  }
0x47: {  	_ =	shalt  }
0x48: {  	_ =	shalt  }
0x49: {  	_ =	shalt  }
0x4a: {  	_ =	shalt  }
0x4b: {  	_ =	shalt  }
0x4c: {  	_ =	shalt  }
0x4d: {  	_ =	shalt  }
0x4e: {  	_ =	shalt  }
0x4f: {  	_ =	shalt  }
0x50: {  	_ =	shalt  }
0x51: {  	_ =	shalt  }
0x52: {  	_ =	shalt  }
0x53: {  	_ =	shalt  }
0x54: {  	_ =	shalt  }
0x55: {  	_ =	shalt  }
0x56: {  	_ =	shalt  }
0x57: {  	_ =	shalt  }
0x58: {  	_ =	shalt  }
0x59: {  	_ =	shalt  }
0x5a: {  	_ =	shalt  }
0x5b: {  	_ =	shalt  }
0x5c: {  	_ =	shalt  }
0x5d: {  	_ =	shalt  }
0x5e: {  	_ =	shalt  }
0x5f: {  	_ =	shalt  }
0x60: {  	_ =	shalt  }
0x61: {  	_ =	shalt  }
0x62: {  	_ =	shalt  }
0x63: {  	_ =	shalt  }
0x64: {  	_ =	shalt  }
0x65: {  	_ =	shalt  }
0x66: {  	_ =	shalt  }
0x67: {  	_ =	shalt  }
0x68: {  	_ =	shalt  }
0x69: {  	_ =	shalt  }
0x6a: {  	_ =	shalt  }
0x6b: {  	_ =	shalt  }
0x6c: {  	_ =	shalt  }
0x6d: {  	_ =	shalt  }
0x6e: {  	_ =	shalt  }
0x6f: {  	_ =	shalt  }
0x70: {  	_ =	shalt  }
0x71: {  	_ =	shalt  }
0x72: {  	_ =	shalt  }
0x73: {  	_ =	shalt  }
0x74: {  	_ =	shalt  }
0x75: {  	_ =	shalt  }
0x76: {  	_ =	shalt  }
0x77: {  	_ =	shalt  }
0x78: {  	_ =	shalt  }
0x79: {  	_ =	shalt  }
0x7a: {  	_ =	shalt  }
0x7b: {  	_ =	shalt  }
0x7c: {  	_ =	shalt  }
0x7d: {  	_ =	shalt  }
0x7e: {  	_ =	shalt  }
0x7f: {  	_ =	shalt  }
0x80: {  	_ =	shalt  }
0x81: {  	_ =	shalt  }
0x82: {  	_ =	shalt  }
0x83: {  	_ =	shalt  }
0x84: {  	_ =	shalt  }
0x85: {  	_ =	shalt  }
0x86: {  	_ =	shalt  }
0x87: {  	_ =	shalt  }
.Lfunc_end0:
.L_simem_size_0:
called_computation_lowered:
.L_overlay_start_0:
0x88: {  	s2 =	sld [smem:$0x3FD9]  }
0x89: {  	s3 =	sld [smem:$0x3FFE];
	_ =	sdelay $0x1  }
0x8a: {  	s1 =	srdreg.scid  }
0x8b: {  	s0 =	sand.u32 $0x1, s1  }
0x8c: {  	s17 =	sshll.u32 s0, $0xA;
	s2 =	sadd.s32 s3, s2  }
0x8d: {  	s2 =	sadd.s32 s2, s17  }
0x8e: {  	[smem:$0x3FC6] =	sst s2  }
0x8f: {  	_ = 	snop  }
0x90: {  	s2 =	sld [smem:$0x3FD0];
	(tm) =	ssettm $0x1  }
0x91: {  	s18 =	sld [smem:$0x3FFB];
	_ =	sdelay $0x3  }
0x92: {  	_ =	strace s18  }
0x93: {  	s3 =	sld [smem:$0x3FFC];
	_ =	sdelay $0x3  }
0x94: {  	_ =	strace s3  }
0x95: {  	s3 =	sld [smem:$0x3FFD];
	_ =	sdelay $0x3  }
0x96: {  	_ =	strace s3  }
0x97: {  	_ =	strace $0x8FFFFFFF  }
0x98: {  	s19 =	sld [smem:$0x3FDB];
	_ =	sdelay $0x1  }
0x99: {  	s4 =	simm.s32 $_scs_section_size  }
0x9a: {  	s5 =	simm.s32 $_size__tile_overlayer_lowered;
	s6 =	simm.s32 $_tile_overlayer_lowered  }
0x9b: {  	s22 =	simm.s32 $0x1BFF;
	s21 =	sshll.u32 s6, $0x1;
	s3 =	sadd.s32 s4, s19  }
0x9c: {  	s7 =	simm.s32 $0x0;
	s20 =	sshll.u32 s5, $0x1;
	s5 =	sadd.s32 s21, s3  }
0x9d: {  	[timem:s7], [sflag:s22] =	dma.local [hbm:s5], s20  }
0x9e: {  	_ =	swait.ge [sflag:s22], s20  }
0x9f: {  	s4 =	ssub.s32 $0x0, s20;
	[sflag:s22] =	ssyncset.done $0x0  }
0xa0: {  	[sflag:s22] =	ssyncadd.s32 s4;
	_ =	sdelay $0x1  }
0xa1: {  	s23 =	simm.s32 $0x1B8B  }
0xa2: {  	_ =	swait.ge [sflag:s23], $0x1  }
0xa3: {  	[sflag:s23] =	ssyncset.done $0x0  }
0xa4: {  	s25 =	simm.s32 $0x1B8E;
	s24 =	sld [smem:$0x3FFE];
	[sflag:s23] =	ssyncadd.s32 $0xFFFFFFFF  }
0xa5: {  	s26 =	simm.s32 $execute0_lowered;
	[smem:$0x3FD2] =	sst s25  }
0xa6: {  	s5 =	sshll.u32 s26, $0x1;
	_ =	strace $0x80000046;
	[dreg:$0x1] =	wrdreg $0xFFFFFFFF  }
0xa7: {  	s28 =	simm.s32 $_size_execute0_lowered;
	s3 =	sadd.s32 s3, s5;
	[dreg:$0x0] =	wrdreg $0x0  }
0xa8: {  	s5 =	sshll.u32 s28, $0x1;
	[dreg:$0x2] =	wrdreg s3  }
0xa9: {  	[dreg:$0x3] =	wrdreg s5  }
0xaa: {  	[dreg:$0x4] =	wrdreg $0xC0  }
0xab: {  	_ =	task [dreg:s7], $0x5FFFF  }
0xac: {  	[dreg:$0x1] =	wrdreg $0xFFFFFFFF  }
0xad: {  	[dreg:$0x0] =	wrdreg $0x60  }
0xae: {  	[dreg:$0x2] =	wrdreg s24  }
0xaf: {  	[dreg:$0x3] =	wrdreg s2  }
0xb0: {  	[dreg:$0x4] =	wrdreg $0x9  }
0xb1: {  	_ =	task.clear_ibuf [dreg:s7], $0x5FFFF;
	_ =	strace $0x90000046  }
0xb2: {  	s29 =	simm.s32 $0x9;
	_ =	strace $0x80000048  }
0xb3: {  	_ =	swait.ge [sflag:s29], $0x1  }
0xb4: {  	[sflag:s29] =	ssyncadd.s32 $0xFFFFFFFF  }
0xb5: {  	_ =	strace $0x90000048  }
0xb6: {  	_ =	sfence  }
0xb7: {  	s30 =	sld [smem:$0x0];
	_ =	sdelay $0x2  }
0xb8: {  	s31 =	sshll.u32 s1, $0xD;
	s1 =	sshrl.u32 s1, $0x2  }
0xb9: {  	s3 =	sand.u32 $0x4000, s31;
	s1 =	sadd.s32 s1, s30  }
0xba: {  	s0 =	sor.u32 s3, s0;
	s1 =	sshll.u32 s1, $0x11  }
0xbb: {  	s0 =	sor.u32 s1, s0  }
0xbc: {  	s0 =	sadd.s32 $0x8F2B, s0  }
0xbd: {  	[sflag:s0] =	ssyncadd.remote.s32 $0x1  }
0xbe: {  	_ =	sfence.sel $0xFFFF  }
0xbf: {  	[dreg:$0x0] =	wrdreg $0xFFFFFFFF;
	(pc) =	sbr.abs _section_cstart, $3  }
0xc0: {  	[dreg:$0x1] =	wrdreg $0xFFFFFFFF  }
0xc1: {  	_ =	task.clear_ibuf [dreg:s7], $0x2FFFF;
	_ =	strace $0x9FFFFFFF  }
0xc2: {  	(tm) =	ssettm $0x7FFFFFFF  }
0xc3: {  	_ =	shalt  }
tec
execute0_lowered:
.L_overlay_start_1:
0x0: {  	(tag) =	ssettag $0x1  }
0x1: {  	s0 =	rddreg [dreg:$0x0]  }
0x2: {  	s1 =	srdreg.scid;
	s2 =	stileid.u32;
	s5 =	simm.s32 $0x0  }
0x3: {  	s1 =	sand.u32 $0x1, s1;
	s2 =	sshll.u32 s2, $0x1;
	[smem:$0x7FF] =	sst s5  }
0x4: {  	v0 =	vlaneseq.u32;
	s4 =	sadd.s32 $0x2000, s0;
	s0 =	sadd.s32 $0x600, s0;
	s2 =	sor.u32 s1, s2  }
0x5: {  	v0 =	vmul.u32 $0x8, v0;
	_ =	strace $0x80000047;
	s1 =	ssub.s32 $0x2, s1;
	[smem:$0x7F7] =	sst s0  }
0x6: {  	[smem:$0x7FA] =	sst s4;
	s3 =	smul.u32 $0x3200, s2;
	s30 =	sshll.u32 s2, $0x5  }
0x7: {  	s29 =	sshrl.u32 s1, $0x1;
	v1 =	vor.u32 $0x1, v0;
	v2 =	vor.u32 $0x2, v0;
	v3 =	vor.u32 $0x3, v0;
	[smem:$0x7F8] =	sst s30  }
0x8: {  	v4 =	vor.u32 $0x4, v0;
	v5 =	vor.u32 $0x5, v0;
	v6 =	vor.u32 $0x6, v0;
	s0 =	ssub.s32 s1, s29;
	[smem:$0x7F9] =	sst s3;
	s31 =	sadd.s32 s4, s3  }
0x9: {  	v7 =	vor.u32 $0x7, v0;
	v8 =	vor.u32 $0xC00, v0;
	v9 =	vor.u32 $0xC01, v0;
	s0 =	smax.u32 s0, $0x1;
	[smem:$0x7FB] =	sst s31  }
0xa: {  	v10 =	vor.u32 $0xC02, v0;
	v11 =	vor.u32 $0xC03, v0;
	v12 =	vor.u32 $0xC04, v0;
	s1 =	sadd.s32 $0x10, s31;
	[smem:$0x7FD] =	sst s0  }
0xb: {  	v13 =	vor.u32 $0xC05, v0;
	v14 =	vor.u32 $0xC06, v0;
	v15 =	vor.u32 $0xC07, v0;
	s2 =	simm.s32 $0x0;
	s3 =	simm.s32 $0xC80;
	[smem:$0x7FC] =	sst s1  }
.LBB2_1:
0xc: {  	s0 =	sld [smem:$0x7F7];
	_ =	sdelay $0x1  }
0xd: {  	s1 =	simm.s32 $0x1900;
	s23 =	sld [smem:$0x7FB]  }
0xe: {  	[tilespmem:s1], [sflag:$0x2] =	stream.linear.gather [hbm4b:s0+s5], $0xC800, $0x38;
	[tilespmem:$0x1B380] =	vst v63  }
0xf: {  	s24 =	simm.s32 $0x80;
	s25 =	simm.s32 $0x400;
	s26 =	sld [smem:$0x7FC]  }
0x10: {  	[tilespmem:s5], [sflag:$0x1] =	stream.strided.gather [hbm4b:s23+s24], $0xC80, s25, s24, $0x38;
	[tilespmem:$0x1B380] =	vst v63  }
0x11: {  	[smem:$0x7F3] =	sst s2;
	s28 =	simm.s32 $0x2;
	s4 =	simm.s32 $0xE110  }
0x12: {  	[tilespmem:s3], [sflag:$0x1] =	stream.strided.gather [hbm4b:s26+s24], $0xC80, s25, s24, $0x38;
	[tilespmem:$0x1B380] =	vst v63  }
0x13: {  	s6 =	simm.s32 $0xE101;
	s29 =	simm.s32 $0xE2A0;
	_ =	swait.ge [sflag:s28], $0xC800  }
0x14: {  	s7 =	simm.s32 $0xE129;
	s30 =	simm.s32 $0xE291;
	[smem:$0x7F4] =	sst s29  }
0x15: {  	s31 =	simm.s32 $0xE2B9;
	[sflag:s28] =	ssyncset.done $0x0;
	[smem:$0x7F5] =	sst s30  }
0x16: {  	s8 =	simm.s32 $0x0;
	[smem:$0x7F6] =	sst s31;
	[sflag:s28] =	ssyncadd.s32 $0xFFFF3800  }
.LBB2_2:
0x17: {  	s0 =	simm.s32 $0x80  }
0x18: {  	s1 =	simm.s32 $0x0;
	v16 =	vor.u32 s0, v0  }
0x19: {  	s2 =	simm.s32 $0x1;
	v17 =	vor.u32 s1, v0  }
0x1a: {  	_ =	swait.ge [sflag:s2], $0xC80;
	v18 =	vor.u32 s1, v1  }
0x1b: {  	v19 =	vor.u32 s1, v2;
	[sflag:s2] =	ssyncset.done $0x0  }
0x1c: {  	v20 =	vor.u32 s1, v3;
	[sflag:s2] =	ssyncadd.s32 $0xFFFFF380  }
0x1d: {  	v21 =	vor.u32 s1, v4;
	v22 =	vld.idx.msk [tilespmem:v16+s5+$0x0], $0xffff  }
0x1e: {  	v23 =	vor.u32 s1, v6;
	v16 =	vld.idx.msk [tilespmem:v17+s5+$0x0], $0xffff  }
0x1f: {  	v24 =	vor.u32 s1, v7;
	v18 =	vld.idx.msk [tilespmem:v18+s5+$0x0], $0xffff  }
0x20: {  	v25 =	vor.u32 s0, v1;
	v19 =	vld.idx.msk [tilespmem:v19+s5+$0x0], $0xffff  }
0x21: {  	v26 =	vor.u32 s0, v2;
	v20 =	vld.idx.msk [tilespmem:v20+s5+$0x0], $0xffff  }
0x22: {  	v27 =	vor.u32 s0, v3;
	v21 =	vld.idx.msk [tilespmem:v21+s5+$0x0], $0xffff  }
0x23: {  	v28 =	vor.u32 s0, v4;
	v23 =	vld.idx.msk [tilespmem:v23+s5+$0x0], $0xffff  }
0x24: {  	v29 =	vor.u32 s0, v5;
	v24 =	vld.idx.msk [tilespmem:v24+s5+$0x0], $0xffff  }
0x25: {  	v17 =	vor.u32 s1, v5;
	v25 =	vld.idx.msk [tilespmem:v25+s5+$0x0], $0xffff  }
0x26: {  	v30 =	vor.u32 s0, v6;
	v26 =	vld.idx.msk [tilespmem:v26+s5+$0x0], $0xffff  }
0x27: {  	s31 =	simm.s32 $0x100;
	v31 =	vor.u32 s0, v7;
	v27 =	vld.idx.msk [tilespmem:v27+s5+$0x0], $0xffff  }
0x28: {  	s30 =	simm.s32 $0x180;
	v33 =	vor.u32 s31, v0;
	v28 =	vld.idx.msk [tilespmem:v28+s5+$0x0], $0xffff  }
0x29: {  	v32 =	vor.u32 s30, v0;
	v29 =	vld.idx.msk [tilespmem:v29+s5+$0x0], $0xffff  }
0x2a: {  	v34 =	vor.u32 s31, v1;
	v17 =	vld.idx.msk [tilespmem:v17+s5+$0x0], $0xffff  }
0x2b: {  	v35 =	vor.u32 s31, v2;
	v30 =	vld.idx.msk [tilespmem:v30+s5+$0x0], $0xffff;
	v16 =	vmax.f32 v16, v18  }
0x2c: {  	v31 =	vld.idx.msk [tilespmem:v31+s5+$0x0], $0xffff;
	v18 =	vor.u32 s31, v3;
	v19 =	vmax.f32 v16, v19  }
0x2d: {  	v36 =	vor.u32 s31, v4;
	v33 =	vld.idx.msk [tilespmem:v33+s5+$0x0], $0xffff;
	v19 =	vmax.f32 v19, v20  }
0x2e: {  	v16 =	vld.idx.msk [tilespmem:v32+s5+$0x0], $0xffff;
	v20 =	vor.u32 s31, v5;
	v19 =	vmax.f32 v19, v21  }
0x2f: {  	v21 =	vmax.f32 v22, v25;
	v22 =	vld.idx.msk [tilespmem:v34+s5+$0x0], $0xffff;
	v25 =	vor.u32 s31, v6;
	v17 =	vmax.f32 v19, v17  }
0x30: {  	v19 =	vmax.f32 v21, v26;
	v21 =	vld.idx.msk [tilespmem:v35+s5+$0x0], $0xffff;
	v26 =	vor.u32 s31, v7;
	v23 =	vmax.f32 v17, v23  }
0x31: {  	v61 =	vor.u32 s30, v1;
	v63 =	vld.idx.msk [tilespmem:v18+s5+$0x0], $0xffff;
	v19 =	vmax.f32 v19, v27;
	v23 =	vmax.f32 v23, v24  }
0x32: {  	v62 =	vor.u32 s30, v2;
	v27 =	vld.idx.msk [tilespmem:v36+s5+$0x0], $0xffff;
	v19 =	vmax.f32 v19, v28;
	v24 =	vtrunc.f32 v23  }
0x33: {  	v17 =	vor.u32 s30, v3;
	v28 =	vmax.f32 v19, v29;
	v23 =	vld.idx.msk [tilespmem:v20+s5+$0x0], $0xffff;
	v29 =	vcvt.f32.s32 v24  }
0x34: {  	v18 =	vor.u32 s30, v4;
	v19 =	vor.u32 s30, v5;
	v28 =	vmax.f32 v28, v30;
	v24 =	vld.idx.msk [tilespmem:v25+s5+$0x0], $0xffff  }
0x35: {  	v22 =	vmax.f32 v33, v22;
	v28 =	vmax.f32 v28, v31;
	v25 =	vld.idx.msk [tilespmem:v26+s5+$0x0], $0xffff;
	v29 =	vshll.u32 v29, $0x9  }
0x36: {  	s3 =	simm.s32 $0x280;
	s0 =	smov.u32 s4;
	v20 =	vor.u32 s30, v6;
	v30 =	vmax.f32 v22, v21;
	v26 =	vld.idx.msk [tilespmem:v61+s5+$0x0], $0xffff;
	v28 =	vtrunc.f32 v28;
	[tilespmem:s4+$0xFFFFFFF0] =	vst v29  }
0x37: {  	s2 =	simm.s32 $0x2;
	s1 =	smov.u32 s4;
	v22 =	vor.u32 s30, v7;
	v21 =	vcvt.f32.s32 v28;
	v29 =	vmax.f32 v30, v63;
	v28 =	vld.idx.msk [tilespmem:v62+s5+$0x0], $0xffff;
	[smem:$0x7F2] =	sst s4  }
.LBB2_3:
0x38: {  	s4 =	sadd.s32 $0xFFFFFF80, s3;
	v30 =	vor.u32 s3, v0;
	v31 =	vor.u32 s3, v1;
	v27 =	vmax.f32 v29, v27;
	v29 =	vld.idx.msk [tilespmem:v17+s5+$0x0], $0xffff  }
0x39: {  	v33 =	vor.u32 s3, v2;
	s2 =	sadd.s32 $0x2, s2;
	v32 =	vor.u32 s4, v0;
	v23 =	vmax.f32 v27, v23;
	v27 =	vld.idx.msk [tilespmem:v18+s5+$0x0], $0xffff  }
0x3a: {  	v17 =	vor.u32 s3, v3;
	v34 =	vor.u32 s4, v1;
	p0 =	slt.u32 s2, $0x16;
	v23 =	vmax.f32 v23, v24;
	v24 =	vld.idx.msk [tilespmem:v19+s5+$0x0], $0xffff  }
0x3b: {  	v35 =	vor.u32 s4, v2;
	v18 =	vor.u32 s3, v4;
	v23 =	vmax.f32 v23, v25;
	v25 =	vld.idx.msk [tilespmem:v20+s5+$0x0], $0xffff  }
0x3c: {  	v36 =	vor.u32 s4, v3;
	v19 =	vor.u32 s3, v5;
	v23 =	vtrunc.f32 v23;
	v37 =	vld.idx.msk [tilespmem:v22+s5+$0x0], $0xffff  }
0x3d: {  	v38 =	vor.u32 s4, v4;
	v20 =	vor.u32 s3, v6;
	v30 =	vld.idx.msk [tilespmem:v30+s5+$0x0], $0xffff;
	v23 =	vcvt.f32.s32 v23  }
0x3e: {  	v39 =	vor.u32 s4, v5;
	v16 =	vmax.f32 v16, v26;
	v22 =	vor.u32 s3, v7;
	v32 =	vld.idx.msk [tilespmem:v32+s5+$0x0], $0xffff  }
0x3f: {  	s1 =	sadd.s32 $0x20, s1;
	v16 =	vmax.f32 v16, v28;
	v26 =	vld.idx.msk [tilespmem:v34+s5+$0x0], $0xffff;
	v34 =	vor.u32 s4, v6;
	v23 =	vshll.u32 v23, $0x9  }
0x40: {  	v21 =	vshll.u32 v21, $0x9;
	v16 =	vmax.f32 v16, v29;
	v28 =	vld.idx.msk [tilespmem:v35+s5+$0x0], $0xffff;
	v35 =	vor.u32 s4, v7;
	[tilespmem:s1+$0xFFFFFFF0] =	vst v23  }
0x41: {  	v29 =	vld.idx.msk [tilespmem:v36+s5+$0x0], $0xffff;
	v36 =	vmax.f32 v16, v27;
	[tilespmem:s0+$0x0] =	vst v21;
	s0 =	smov.u32 s1  }
0x42: {  	v27 =	vld.idx.msk [tilespmem:v38+s5+$0x0], $0xffff;
	v24 =	vmax.f32 v36, v24  }
.Ltmp0:
0x43: {  	v16 =	vmov v30;
	v23 =	vld.idx.msk [tilespmem:v39+s5+$0x0], $0xffff;
	v21 =	vmax.f32 v24, v25;
	(pc) =	sbr.rel @p0 .LBB2_3-.Ltmp0, $4  }
0x44: {  	v24 =	vld.idx.msk [tilespmem:v34+s5+$0x0], $0xffff;
	v21 =	vmax.f32 v21, v37  }
0x45: {  	v26 =	vmax.f32 v32, v26;
	v25 =	vld.idx.msk [tilespmem:v35+s5+$0x0], $0xffff;
	v21 =	vtrunc.f32 v21  }
0x46: {  	v28 =	vmax.f32 v26, v28;
	v26 =	vld.idx.msk [tilespmem:v31+s5+$0x0], $0xffff;
	v21 =	vcvt.f32.s32 v21  }
0x47: {  	s3 =	sadd.s32 $0x100, s3;
	v29 =	vmax.f32 v28, v29;
	v28 =	vld.idx.msk [tilespmem:v33+s5+$0x0], $0xffff  }
0x48: {  	_ =	sdelay $0x3  }
0x49: {  	v17 =	vld.idx.msk [tilespmem:v17+s5+$0x0], $0xffff  }
0x4a: {  	v18 =	vld.idx.msk [tilespmem:v18+s5+$0x0], $0xffff  }
0x4b: {  	v19 =	vld.idx.msk [tilespmem:v19+s5+$0x0], $0xffff  }
0x4c: {  	v20 =	vld.idx.msk [tilespmem:v20+s5+$0x0], $0xffff;
	v16 =	vmax.f32 v16, v26  }
0x4d: {  	v58 =	vmax.f32 v29, v27;
	v22 =	vld.idx.msk [tilespmem:v22+s5+$0x0], $0xffff;
	v16 =	vmax.f32 v16, v28  }
0x4e: {  	v23 =	vmax.f32 v58, v23;
	v16 =	vmax.f32 v16, v17  }
0x4f: {  	v17 =	vmax.f32 v23, v24;
	v16 =	vmax.f32 v16, v18  }
0x50: {  	v17 =	vmax.f32 v17, v25;
	v16 =	vmax.f32 v16, v19  }
0x51: {  	v17 =	vtrunc.f32 v17;
	v16 =	vmax.f32 v16, v20  }
0x52: {  	v17 =	vcvt.f32.s32 v17;
	v16 =	vmax.f32 v16, v22  }
0x53: {  	v16 =	vtrunc.f32 v16  }
0x54: {  	s1 =	sadd.s32 $0x20, s1;
	v17 =	vshll.u32 v17, $0x9;
	v16 =	vcvt.f32.s32 v16  }
0x55: {  	[tilespmem:s1+$0xFFFFFFF0] =	vst v17;
	v17 =	vshll.u32 v21, $0x9  }
0x56: {  	[tilespmem:s0+$0x0] =	vst v17;
	v16 =	vshll.u32 v16, $0x9  }
0x57: {  	[tilespmem:s1+$0x0] =	vst v16  }
0x58: {  	v16 =	vld.idx.msk [tilespmem:v8+s5+$0x0], $0xffff  }
0x59: {  	v17 =	vld.idx.msk [tilespmem:v9+s5+$0x0], $0xffff  }
0x5a: {  	v59 =	vld.idx.msk [tilespmem:v10+s5+$0x0], $0xffff  }
0x5b: {  	v60 =	vld.idx.msk [tilespmem:v11+s5+$0x0], $0xffff  }
0x5c: {  	v61 =	vld.idx.msk [tilespmem:v12+s5+$0x0], $0xffff  }
0x5d: {  	v62 =	vld.idx.msk [tilespmem:v13+s5+$0x0], $0xffff  }
0x5e: {  	v16 =	vmax.f32 v16, v17;
	v17 =	vld.idx.msk [tilespmem:v14+s5+$0x0], $0xffff  }
0x5f: {  	v63 =	vld.idx.msk [tilespmem:v15+s5+$0x0], $0xffff;
	s0 =	sld [smem:$0x7F8];
	v16 =	vmax.f32 v16, v59  }
0x60: {  	v16 =	vmax.f32 v16, v60  }
0x61: {  	p0 =	seq.s32 s8, $0xF;
	s1 =	sshll.u32 s8, $0x1;
	v16 =	vmax.f32 v16, v61  }
0x62: {  	s2 =	smul.u32 $0x320, s8;
	s0 =	sor.u32 @!p0 s0, s1;
	v16 =	vmax.f32 v16, v62  }
0x63: {  	s31 =	smul.u32 $0x14, s8;
	[smem:$0x7EC] =	sst s1;
	s0 =	sadd.s32 @!p0 $0x2, s0;
	v16 =	vmax.f32 v16, v17  }
0x64: {  	s30 =	sand.u32 $0x3FE0, s2;
	s2 =	sld [smem:$0x7FA];
	s1 =	sshrl.u32 @!p0 s0, $0x3;
	v16 =	vmax.f32 v16, v63  }
0x65: {  	[smem:$0x7ED] =	sst s8;
	s0 =	sshll.u32 @!p0 s0, $0x7;
	s1 =	smul.u32 @!p0 $0x6400, s1;
	v16 =	vtrunc.f32 v16  }
0x66: {  	[smem:$0x7EE] =	sst s31;
	s0 =	sand.u32 @!p0 $0x300, s0;
	v16 =	vcvt.f32.s32 v16  }
0x67: {  	[smem:$0x7EF] =	sst s7;
	s0 =	sor.u32 @!p0 s0, s1  }
0x68: {  	s3 =	simm.s32 @!p0 $0x0;
	[smem:$0x7F0] =	sst s7;
	s0 =	sshrl.u32 @!p0 s0, $0x3;
	v16 =	vshll.u32 v16, $0x9  }
0x69: {  	s1 =	simm.s32 @!p0 $0x80;
	s0 =	sadd.s32 @!p0 s2, s0;
	s2 =	simm.s32 @!p0 $0x400;
	[tilespmem:s30+$0xE280] =	vst v16  }
0x6a: {  	[tilespmem:s3], [sflag:$0x1] =	stream.strided.gather @!p0 [hbm4b:s0+s1], $0xC80, s2, s1, $0x38;
	[tilespmem:$0x1B380] =	vst v63  }
0x6b: {  	[smem:$0x7F1] =	sst s6;
	s1 =	simm.s32 $0x0  }
.LBB2_5:
0x6c: {  	s0 =	sld [smem:$0x7EE];
	_ =	sdelay $0x1  }
0x6d: {  	s13 =	sshll.u32 s1, $0x1  }
0x6e: {  	[smem:$0x7E2] =	sst s1;
	s0 =	sadd.s32 s0, s13  }
0x6f: {  	[smem:$0x7E3] =	sst s13;
	p1 =	seq.s32 s0, $0x0  }
0x70: {  	[smem:$0x7E4] =	sst s0;
	s0 =	simm.s32 @!p1 $0x3  }
0x71: {  	_ =	swait.ge @!p1 [sflag:s0], $0x5000  }
0x72: {  	[sflag:s0] =	ssyncset.done @!p1 $0x0  }
0x73: {  	[sflag:s0] =	ssyncadd.s32 @!p1 $0xFFFFB000  }
0x74: {  	v16 =	vld [tilespmem:s6+$0x0];
	_ =	sdelay $0x4  }
0x75: {  	(v2sf) =	vpush v16, $0x0;
	v16 =	vld [tilespmem:s6+$0xFFFFFFFF];
	_ =	sdelay $0x4  }
0x76: {  	(v2sf) =	vpush v16, $0x0;
	_ =	sdelay $0x9  }
0x77: {  	s0 =	spop (v2sf)  }
0x78: {  	v16 =	vld [tilespmem:s0+$0x1900]  }
0x79: {  	s11 =	simm.s32 $0x0  }
0x7a: {  	s14 =	simm.s32 $0x80;
	s2 =	sand.u32 $0x7000, s11  }
0x7b: {  	s1 =	sand.u32 $0x380, s14;
	s3 =	sadd.s32 $0x11380, s2  }
0x7c: {  	s2 =	sadd.s32 s1, s3;
	s30 =	spop (v2sf)  }
0x7d: {  	[tilespmem:s2+$0x0] =	vst v16;
	v17 =	vld [tilespmem:s30+$0x1900]  }
0x7e: {  	v16 =	vld [tilespmem:s0+$0x1910]  }
0x7f: {  	s15 =	simm.s32 $0x0  }
0x80: {  	s1 =	sand.u32 $0x300, s15  }
0x81: {  	s1 =	sadd.s32 s1, s3  }
0x82: {  	[tilespmem:s1+$0x0] =	vst v17  }
0x83: {  	[tilespmem:s2+$0x10] =	vst v16;
	v17 =	vld [tilespmem:s30+$0x1910]  }
0x84: {  	v16 =	vld [tilespmem:s0+$0x1920];
	_ =	sdelay $0x3  }
0x85: {  	[tilespmem:s1+$0x10] =	vst v17  }
0x86: {  	[tilespmem:s2+$0x20] =	vst v16;
	v17 =	vld [tilespmem:s30+$0x1920]  }
0x87: {  	v16 =	vld [tilespmem:s0+$0x1930];
	_ =	sdelay $0x3  }
0x88: {  	[tilespmem:s1+$0x20] =	vst v17  }
0x89: {  	[tilespmem:s2+$0x30] =	vst v16;
	v17 =	vld [tilespmem:s30+$0x1930]  }
0x8a: {  	v16 =	vld [tilespmem:s0+$0x1940];
	_ =	sdelay $0x3  }
0x8b: {  	[tilespmem:s1+$0x30] =	vst v17  }
0x8c: {  	[tilespmem:s2+$0x40] =	vst v16;
	v17 =	vld [tilespmem:s30+$0x1940]  }
0x8d: {  	v16 =	vld [tilespmem:s0+$0x1950];
	_ =	sdelay $0x3  }
0x8e: {  	[tilespmem:s1+$0x40] =	vst v17  }
0x8f: {  	[tilespmem:s2+$0x50] =	vst v16;
	v17 =	vld [tilespmem:s30+$0x1950]  }
0x90: {  	v16 =	vld [tilespmem:s0+$0x1960];
	_ =	sdelay $0x3  }
0x91: {  	[tilespmem:s1+$0x50] =	vst v17  }
0x92: {  	[tilespmem:s2+$0x60] =	vst v16;
	v17 =	vld [tilespmem:s30+$0x1960]  }
0x93: {  	s5 =	sadd.s32 $0x2, s6;
	v16 =	vld [tilespmem:s0+$0x1970];
	[smem:$0x7E5] =	sst s6  }
0x94: {  	v18 =	vld [tilespmem:s5+$0x0];
	_ =	sdelay $0x3  }
0x95: {  	v19 =	vld [tilespmem:s5+$0xFFFFFFFF];
	[tilespmem:s1+$0x60] =	vst v17  }
0x96: {  	[tilespmem:s2+$0x70] =	vst v16;
	v17 =	vld [tilespmem:s30+$0x1970];
	(v2sf) =	vpush v18, $0x0  }
0x97: {  	v16 =	vld [tilespmem:s0+$0x1980];
	_ =	sdelay $0x3  }
0x98: {  	(v2sf) =	vpush v19, $0x0;
	[tilespmem:s1+$0x70] =	vst v17  }
0x99: {  	[tilespmem:s2+$0x400] =	vst v16;
	v17 =	vld [tilespmem:s30+$0x1980]  }
0x9a: {  	v16 =	vld [tilespmem:s0+$0x1990];
	_ =	sdelay $0x3  }
0x9b: {  	[tilespmem:s1+$0x400] =	vst v17  }
0x9c: {  	[tilespmem:s2+$0x410] =	vst v16;
	v17 =	vld [tilespmem:s30+$0x1990]  }
0x9d: {  	v16 =	vld [tilespmem:s0+$0x19A0];
	_ =	sdelay $0x1  }
0x9e: {  	s15 =	spop (v2sf)  }
0x9f: {  	v18 =	vld [tilespmem:s15+$0x1900]  }
0xa0: {  	s16 =	simm.s32 $0x400;
	[tilespmem:s1+$0x410] =	vst v17  }
0xa1: {  	s4 =	simm.s32 $0x180;
	s3 =	sand.u32 $0x7000, s16;
	[tilespmem:s2+$0x420] =	vst v16;
	v17 =	vld [tilespmem:s30+$0x19A0]  }
0xa2: {  	s17 =	sand.u32 $0x380, s4;
	s7 =	sadd.s32 $0x11380, s3;
	v16 =	vld [tilespmem:s0+$0x19B0]  }
0xa3: {  	s3 =	sadd.s32 s17, s7;
	s6 =	spop (v2sf)  }
0xa4: {  	v19 =	vld [tilespmem:s6+$0x1900];
	[tilespmem:s3+$0x0] =	vst v18  }
0xa5: {  	v18 =	vld [tilespmem:s15+$0x1910]  }
0xa6: {  	s18 =	simm.s32 $0x100;
	[tilespmem:s1+$0x420] =	vst v17  }
0xa7: {  	s4 =	sand.u32 $0x300, s18;
	[tilespmem:s2+$0x430] =	vst v16;
	v17 =	vld [tilespmem:s30+$0x19B0]  }
0xa8: {  	s4 =	sadd.s32 s4, s7;
	v16 =	vld [tilespmem:s0+$0x19C0]  }
0xa9: {  	[tilespmem:s4+$0x0] =	vst v19  }
0xaa: {  	v19 =	vld [tilespmem:s6+$0x1910];
	[tilespmem:s3+$0x10] =	vst v18  }
0xab: {  	v18 =	vld [tilespmem:s15+$0x1920]  }
0xac: {  	[tilespmem:s1+$0x430] =	vst v17  }
0xad: {  	[tilespmem:s2+$0x440] =	vst v16;
	v17 =	vld [tilespmem:s30+$0x19C0]  }
0xae: {  	v16 =	vld [tilespmem:s0+$0x19D0]  }
0xaf: {  	[tilespmem:s4+$0x10] =	vst v19  }
0xb0: {  	v19 =	vld [tilespmem:s6+$0x1920];
	[tilespmem:s3+$0x20] =	vst v18  }
0xb1: {  	v18 =	vld [tilespmem:s15+$0x1930]  }
0xb2: {  	[tilespmem:s1+$0x440] =	vst v17  }
0xb3: {  	[tilespmem:s2+$0x450] =	vst v16;
	v17 =	vld [tilespmem:s30+$0x19D0]  }
0xb4: {  	v16 =	vld [tilespmem:s0+$0x19E0]  }
0xb5: {  	[tilespmem:s4+$0x20] =	vst v19  }
0xb6: {  	v19 =	vld [tilespmem:s6+$0x1930];
	[tilespmem:s3+$0x30] =	vst v18  }
0xb7: {  	v18 =	vld [tilespmem:s15+$0x1940]  }
0xb8: {  	[tilespmem:s1+$0x450] =	vst v17  }
0xb9: {  	[tilespmem:s2+$0x460] =	vst v16;
	v17 =	vld [tilespmem:s30+$0x19E0]  }
0xba: {  	v16 =	vld [tilespmem:s0+$0x19F0]  }
0xbb: {  	[tilespmem:s4+$0x30] =	vst v19  }
0xbc: {  	v19 =	vld [tilespmem:s6+$0x1940];
	[tilespmem:s3+$0x40] =	vst v18  }
0xbd: {  	v18 =	vld [tilespmem:s15+$0x1950]  }
0xbe: {  	[tilespmem:s1+$0x460] =	vst v17  }
0xbf: {  	[tilespmem:s2+$0x470] =	vst v16;
	v17 =	vld [tilespmem:s30+$0x19F0]  }
0xc0: {  	v16 =	vld [tilespmem:s0+$0x1A00]  }
0xc1: {  	[tilespmem:s4+$0x40] =	vst v19  }
0xc2: {  	v19 =	vld [tilespmem:s6+$0x1950];
	[tilespmem:s3+$0x50] =	vst v18  }
0xc3: {  	v18 =	vld [tilespmem:s15+$0x1960]  }
0xc4: {  	[tilespmem:s1+$0x470] =	vst v17  }
0xc5: {  	[tilespmem:s2+$0x800] =	vst v16;
	v17 =	vld [tilespmem:s30+$0x1A00]  }
0xc6: {  	v16 =	vld [tilespmem:s0+$0x1A10]  }
0xc7: {  	[tilespmem:s4+$0x50] =	vst v19  }
0xc8: {  	v19 =	vld [tilespmem:s6+$0x1960];
	[tilespmem:s3+$0x60] =	vst v18  }
0xc9: {  	s19 =	sadd.s32 $0x2, s5;
	v18 =	vld [tilespmem:s15+$0x1970]  }
0xca: {  	[tilespmem:s1+$0x800] =	vst v17;
	v17 =	vld [tilespmem:s19+$0x0]  }
0xcb: {  	[tilespmem:s2+$0x810] =	vst v16;
	v20 =	vld [tilespmem:s30+$0x1A10]  }
0xcc: {  	v16 =	vld [tilespmem:s0+$0x1A20];
	_ =	sdelay $0x1  }
0xcd: {  	v21 =	vld [tilespmem:s19+$0xFFFFFFFF];
	[tilespmem:s4+$0x60] =	vst v19  }
0xce: {  	v19 =	vld [tilespmem:s6+$0x1970];
	[tilespmem:s3+$0x70] =	vst v18  }
0xcf: {  	(v2sf) =	vpush v17, $0x0;
	v18 =	vld [tilespmem:s15+$0x1980];
	[tilespmem:s1+$0x810] =	vst v20  }
0xd0: {  	[tilespmem:s2+$0x820] =	vst v16;
	v17 =	vld [tilespmem:s30+$0x1A20]  }
0xd1: {  	v16 =	vld [tilespmem:s0+$0x1A30];
	_ =	sdelay $0x1  }
0xd2: {  	[tilespmem:s4+$0x70] =	vst v19;
	(v2sf) =	vpush v21, $0x0  }
0xd3: {  	v19 =	vld [tilespmem:s6+$0x1980];
	[tilespmem:s3+$0x400] =	vst v18  }
0xd4: {  	v18 =	vld [tilespmem:s15+$0x1990];
	[tilespmem:s1+$0x820] =	vst v17  }
0xd5: {  	[tilespmem:s2+$0x830] =	vst v16;
	v17 =	vld [tilespmem:s30+$0x1A30]  }
0xd6: {  	v16 =	vld [tilespmem:s0+$0x1A40];
	_ =	sdelay $0x1  }
0xd7: {  	[tilespmem:s4+$0x400] =	vst v19  }
0xd8: {  	[tilespmem:s3+$0x410] =	vst v18  }
0xd9: {  	v19 =	vld [tilespmem:s6+$0x1990];
	[tilespmem:s1+$0x830] =	vst v17  }
0xda: {  	[tilespmem:s2+$0x840] =	vst v16;
	v16 =	vld [tilespmem:s15+$0x19A0]  }
0xdb: {  	v17 =	vld [tilespmem:s30+$0x1A40]  }
0xdc: {  	v18 =	vld [tilespmem:s0+$0x1A50];
	s9 =	spop (v2sf)  }
0xdd: {  	v20 =	vld [tilespmem:s9+$0x1900]  }
0xde: {  	s21 =	simm.s32 $0x800;
	[tilespmem:s4+$0x410] =	vst v19  }
0xdf: {  	s8 =	simm.s32 $0x280;
	s5 =	sand.u32 $0x7000, s21;
	v19 =	vld [tilespmem:s6+$0x19A0];
	[tilespmem:s3+$0x420] =	vst v16  }
0xe0: {  	s8 =	sand.u32 $0x380, s8;
	s5 =	sadd.s32 $0x11380, s5;
	s10 =	spop (v2sf);
	[tilespmem:s1+$0x840] =	vst v17;
	v16 =	vld [tilespmem:s15+$0x19B0]  }
0xe1: {  	s20 =	sadd.s32 s8, s5;
	v17 =	vld [tilespmem:s10+$0x1900];
	[tilespmem:s2+$0x850] =	vst v18  }
0xe2: {  	v18 =	vld [tilespmem:s0+$0x1A60];
	[tilespmem:s20+$0x0] =	vst v20  }
0xe3: {  	s22 =	simm.s32 $0x200;
	v21 =	vld [tilespmem:s9+$0x1910]  }
0xe4: {  	s8 =	sand.u32 $0x300, s22;
	[tilespmem:s4+$0x420] =	vst v19;
	v19 =	vld [tilespmem:s30+$0x1A50]  }
0xe5: {  	s5 =	sadd.s32 s8, s5;
	v20 =	vld [tilespmem:s6+$0x19B0];
	[tilespmem:s3+$0x430] =	vst v16  }
0xe6: {  	[tilespmem:s5+$0x0] =	vst v17;
	v16 =	vld [tilespmem:s15+$0x19C0]  }
0xe7: {  	[tilespmem:s2+$0x860] =	vst v18;
	v18 =	vld [tilespmem:s10+$0x1910]  }
0xe8: {  	v17 =	vld [tilespmem:s0+$0x1A70];
	[tilespmem:s20+$0x10] =	vst v21  }
0xe9: {  	[tilespmem:s1+$0x850] =	vst v19;
	v21 =	vld [tilespmem:s9+$0x1920]  }
0xea: {  	[tilespmem:s4+$0x430] =	vst v20;
	v19 =	vld [tilespmem:s30+$0x1A60]  }
0xeb: {  	v20 =	vld [tilespmem:s6+$0x19C0];
	[tilespmem:s3+$0x440] =	vst v16  }
0xec: {  	[tilespmem:s5+$0x10] =	vst v18;
	v16 =	vld [tilespmem:s15+$0x19D0]  }
0xed: {  	[tilespmem:s2+$0x870] =	vst v17;
	v18 =	vld [tilespmem:s10+$0x1920]  }
0xee: {  	v17 =	vld [tilespmem:s0+$0x1A80];
	[tilespmem:s20+$0x20] =	vst v21  }
0xef: {  	s23 =	sand.u32 $0x7, s11;
	[tilespmem:s1+$0x860] =	vst v19;
	v21 =	vld [tilespmem:s9+$0x1930]  }
0xf0: {  	[tilespmem:s4+$0x440] =	vst v20;
	s2 =	sshll.u32 s23, $0x7;
	v19 =	vld [tilespmem:s30+$0x1A70]  }
0xf1: {  	v20 =	vld [tilespmem:s6+$0x19D0];
	s2 =	sadd.s32 $0x80, s2;
	[tilespmem:s3+$0x450] =	vst v16  }
0xf2: {  	s24 =	sor.u32 $0xC00, s2;
	[tilespmem:s5+$0x20] =	vst v18;
	v16 =	vld [tilespmem:s15+$0x19E0]  }
0xf3: {  	[tilespmem:s24+$0x11380] =	vst v17;
	v18 =	vld [tilespmem:s10+$0x1930]  }
0xf4: {  	v17 =	vld [tilespmem:s0+$0x1A90];
	[tilespmem:s20+$0x30] =	vst v21  }
0xf5: {  	[tilespmem:s1+$0x870] =	vst v19;
	v21 =	vld [tilespmem:s9+$0x1940]  }
0xf6: {  	[tilespmem:s4+$0x450] =	vst v20;
	v19 =	vld [tilespmem:s30+$0x1A80]  }
0xf7: {  	s25 =	sand.u32 $0x3, s11;
	v20 =	vld [tilespmem:s6+$0x19E0];
	[tilespmem:s3+$0x460] =	vst v16  }
0xf8: {  	s26 =	sor.u32 $0xC10, s2;
	s1 =	sshll.u32 s25, $0x8;
	[tilespmem:s5+$0x30] =	vst v18;
	v16 =	vld [tilespmem:s15+$0x19F0]  }
0xf9: {  	s8 =	sadd.s32 $0x0, s1;
	[tilespmem:s26+$0x11380] =	vst v17;
	v18 =	vld [tilespmem:s10+$0x1940]  }
0xfa: {  	s1 =	sor.u32 $0xC00, s8;
	v17 =	vld [tilespmem:s0+$0x1AA0];
	[tilespmem:s20+$0x40] =	vst v21  }
0xfb: {  	[tilespmem:s1+$0x11380] =	vst v19;
	v21 =	vld [tilespmem:s9+$0x1950]  }
0xfc: {  	[tilespmem:s4+$0x460] =	vst v20;
	v19 =	vld [tilespmem:s30+$0x1A90]  }
0xfd: {  	v20 =	vld [tilespmem:s6+$0x19F0];
	[tilespmem:s3+$0x470] =	vst v16  }
0xfe: {  	s11 =	sor.u32 $0xC20, s2;
	[tilespmem:s5+$0x40] =	vst v18;
	v16 =	vld [tilespmem:s15+$0x1A00]  }
0xff: {  	[tilespmem:s11+$0x11380] =	vst v17;
	v18 =	vld [tilespmem:s10+$0x1950]  }
0x100: {  	s12 =	sor.u32 $0xC10, s8;
	v17 =	vld [tilespmem:s0+$0x1AB0];
	[tilespmem:s20+$0x50] =	vst v21  }
0x101: {  	[tilespmem:s12+$0x11380] =	vst v19;
	v21 =	vld [tilespmem:s9+$0x1960]  }
0x102: {  	[tilespmem:s4+$0x470] =	vst v20;
	v19 =	vld [tilespmem:s30+$0x1AA0]  }
0x103: {  	v20 =	vld [tilespmem:s6+$0x1A00];
	[tilespmem:s3+$0x800] =	vst v16  }
0x104: {  	s13 =	sor.u32 $0xC30, s2;
	[tilespmem:s5+$0x50] =	vst v18;
	v16 =	vld [tilespmem:s15+$0x1A10]  }
0x105: {  	[tilespmem:s13+$0x11380] =	vst v17;
	v18 =	vld [tilespmem:s10+$0x1960]  }
0x106: {  	s14 =	sor.u32 $0xC20, s8;
	v17 =	vld [tilespmem:s0+$0x1AC0];
	[tilespmem:s20+$0x60] =	vst v21  }
0x107: {  	[tilespmem:s14+$0x11380] =	vst v19;
	v21 =	vld [tilespmem:s9+$0x1970]  }
0x108: {  	[tilespmem:s4+$0x800] =	vst v20;
	v19 =	vld [tilespmem:s30+$0x1AB0]  }
0x109: {  	v20 =	vld [tilespmem:s6+$0x1A10];
	[tilespmem:s3+$0x810] =	vst v16  }
0x10a: {  	s16 =	sor.u32 $0xC40, s2;
	s13 =	sadd.s32 $0x2, s19;
	[tilespmem:s5+$0x60] =	vst v18;
	v16 =	vld [tilespmem:s15+$0x1A20]  }
0x10b: {  	[tilespmem:s16+$0x11380] =	vst v17;
	v17 =	vld [tilespmem:s13+$0x0]  }
0x10c: {  	[tilespmem:s20+$0x70] =	vst v21;
	v21 =	vld [tilespmem:s13+$0xFFFFFFFF]  }
0x10d: {  	v22 =	vld [tilespmem:s10+$0x1970]  }
0x10e: {  	s17 =	sor.u32 $0xC30, s8;
	[tilespmem:s4+$0x810] =	vst v20;
	v18 =	vld [tilespmem:s0+$0x1AD0]  }
0x10f: {  	[tilespmem:s17+$0x11380] =	vst v19;
	v19 =	vld [tilespmem:s6+$0x1A20]  }
0x110: {  	[tilespmem:s3+$0x820] =	vst v16;
	v16 =	vld [tilespmem:s9+$0x1980];
	(v2sf) =	vpush v17, $0x0  }
0x111: {  	v17 =	vld [tilespmem:s15+$0x1A30];
	(v2sf) =	vpush v21, $0x0  }
0x112: {  	s18 =	sor.u32 $0xC50, s2;
	v20 =	vld [tilespmem:s30+$0x1AC0];
	[tilespmem:s5+$0x70] =	vst v22  }
0x113: {  	[tilespmem:s18+$0x11380] =	vst v18;
	v18 =	vld [tilespmem:s10+$0x1980]  }
0x114: {  	[tilespmem:s4+$0x820] =	vst v19;
	v21 =	vld [tilespmem:s0+$0x1AE0]  }
0x115: {  	v19 =	vld [tilespmem:s6+$0x1A30];
	[tilespmem:s20+$0x400] =	vst v16  }
0x116: {  	s19 =	sor.u32 $0xC40, s8;
	v16 =	vld [tilespmem:s9+$0x1990];
	[tilespmem:s3+$0x830] =	vst v17  }
0x117: {  	[tilespmem:s19+$0x11380] =	vst v20;
	v17 =	vld [tilespmem:s15+$0x1A40]  }
0x118: {  	s21 =	sor.u32 $0xC60, s2;
	[tilespmem:s5+$0x400] =	vst v18;
	v18 =	vld [tilespmem:s30+$0x1AD0]  }
0x119: {  	[tilespmem:s21+$0x11380] =	vst v21;
	v20 =	vld [tilespmem:s10+$0x1990]  }
0x11a: {  	[tilespmem:s4+$0x830] =	vst v19;
	v21 =	vld [tilespmem:s0+$0x1AF0]  }
0x11b: {  	v19 =	vld [tilespmem:s6+$0x1A40];
	[tilespmem:s20+$0x410] =	vst v16  }
0x11c: {  	s22 =	sor.u32 $0xC50, s8;
	[tilespmem:s3+$0x840] =	vst v17;
	v16 =	vld [tilespmem:s9+$0x19A0]  }
0x11d: {  	[tilespmem:s22+$0x11380] =	vst v18;
	v17 =	vld [tilespmem:s15+$0x1A50]  }
0x11e: {  	s23 =	sor.u32 $0xC70, s2;
	[tilespmem:s5+$0x410] =	vst v20;
	v18 =	vld [tilespmem:s30+$0x1AE0]  }
0x11f: {  	[tilespmem:s23+$0x11380] =	vst v21;
	v20 =	vld [tilespmem:s10+$0x19A0];
	s16 =	spop (v2sf)  }
0x120: {  	[tilespmem:s4+$0x840] =	vst v19;
	v21 =	vld [tilespmem:s16+$0x1900];
	s7 =	spop (v2sf)  }
0x121: {  	s22 =	simm.s32 $0xC00;
	[tilespmem:s20+$0x420] =	vst v16;
	v19 =	vld [tilespmem:s7+$0x1900]  }
0x122: {  	s24 =	sor.u32 $0xC60, s8;
	s14 =	simm.s32 $0x380;
	s25 =	sand.u32 $0x7000, s22;
	v16 =	vld [tilespmem:s9+$0x19B0];
	[tilespmem:s3+$0x850] =	vst v17  }
0x123: {  	s2 =	simm.s32 $0x300;
	s26 =	sand.u32 $0x380, s14;
	s1 =	sadd.s32 $0x11380, s25;
	[tilespmem:s24+$0x11380] =	vst v18;
	v17 =	vld [tilespmem:s15+$0x1A60]  }
0x124: {  	s0 =	sand.u32 $0x300, s2;
	s29 =	sadd.s32 s26, s1;
	v18 =	vld [tilespmem:s6+$0x1A50];
	[tilespmem:s5+$0x420] =	vst v20  }
0x125: {  	s1 =	sadd.s32 s0, s1;
	v20 =	vld [tilespmem:s10+$0x19B0];
	[tilespmem:s29+$0x0] =	vst v21  }
0x126: {  	v21 =	vld [tilespmem:s16+$0x1910];
	[tilespmem:s1+$0x0] =	vst v19  }
0x127: {  	[tilespmem:s20+$0x430] =	vst v16;
	v19 =	vld [tilespmem:s7+$0x1910]  }
0x128: {  	v16 =	vld [tilespmem:s9+$0x19C0];
	[tilespmem:s3+$0x860] =	vst v17  }
0x129: {  	[tilespmem:s4+$0x850] =	vst v18;
	v17 =	vld [tilespmem:s15+$0x1A70]  }
0x12a: {  	v18 =	vld [tilespmem:s6+$0x1A60];
	[tilespmem:s5+$0x430] =	vst v20  }
0x12b: {  	v20 =	vld [tilespmem:s10+$0x19C0];
	[tilespmem:s29+$0x10] =	vst v21  }
0x12c: {  	v21 =	vld [tilespmem:s16+$0x1920];
	[tilespmem:s1+$0x10] =	vst v19  }
0x12d: {  	[tilespmem:s20+$0x440] =	vst v16;
	v19 =	vld [tilespmem:s7+$0x1920]  }
0x12e: {  	s11 =	simm.s32 $0x2;
	v16 =	vld [tilespmem:s9+$0x19D0];
	[tilespmem:s3+$0x870] =	vst v17  }
0x12f: {  	v17 =	vld [tilespmem:s15+$0x1A80];
	[dreg:$0xe] =	wrdreg s11  }
0x130: {  	s3 =	simm.s32 $0x2;
	[tilespmem:s4+$0x860] =	vst v18  }
0x131: {  	s12 =	sand.u32 $0x7, s3;
	[tilespmem:s5+$0x440] =	vst v20;
	v18 =	vld [tilespmem:s6+$0x1A70]  }
0x132: {  	s0 =	sshll.u32 s12, $0x7;
	[tilespmem:s29+$0x20] =	vst v21;
	v20 =	vld [tilespmem:s10+$0x19D0]  }
0x133: {  	s2 =	sadd.s32 $0x480, s0;
	v21 =	vld [tilespmem:s16+$0x1930];
	[tilespmem:s1+$0x20] =	vst v19  }
0x134: {  	s0 =	sor.u32 $0xC00, s2;
	[tilespmem:s20+$0x450] =	vst v16;
	v19 =	vld [tilespmem:s7+$0x1930]  }
0x135: {  	v16 =	vld [tilespmem:s9+$0x19E0];
	[tilespmem:s0+$0x11380] =	vst v17  }
0x136: {  	v17 =	vld [tilespmem:s15+$0x1A90];
	[tilespmem:s4+$0x870] =	vst v18  }
0x137: {  	s17 =	simm.s32 $0x1;
	[tilespmem:s5+$0x450] =	vst v20;
	v18 =	vld [tilespmem:s6+$0x1A80]  }
0x138: {  	s0 =	sand.u32 $0x3, s17;
	[tilespmem:s29+$0x30] =	vst v21;
	v20 =	vld [tilespmem:s10+$0x19E0]  }
0x139: {  	s0 =	sshll.u32 s0, $0x8;
	v21 =	vld [tilespmem:s16+$0x1940];
	[tilespmem:s1+$0x30] =	vst v19  }
0x13a: {  	s18 =	sor.u32 $0xC10, s2;
	s4 =	sadd.s32 $0x400, s0;
	[tilespmem:s20+$0x460] =	vst v16;
	v19 =	vld [tilespmem:s7+$0x1940]  }
0x13b: {  	s0 =	sor.u32 $0xC00, s4;
	v16 =	vld [tilespmem:s9+$0x19F0];
	[tilespmem:s18+$0x11380] =	vst v17  }
0x13c: {  	v17 =	vld [tilespmem:s15+$0x1AA0];
	[tilespmem:s0+$0x11380] =	vst v18  }
0x13d: {  	[tilespmem:s5+$0x460] =	vst v20  }
0x13e: {  	v18 =	vld [tilespmem:s6+$0x1A90];
	[tilespmem:s29+$0x40] =	vst v21  }
0x13f: {  	v20 =	vld [tilespmem:s10+$0x19F0];
	[tilespmem:s1+$0x40] =	vst v19  }
0x140: {  	s19 =	sor.u32 $0xC20, s2;
	v21 =	vld [tilespmem:s16+$0x1950];
	[tilespmem:s20+$0x470] =	vst v16  }
0x141: {  	s23 =	sor.u32 $0xC70, s8;
	v16 =	vld [tilespmem:s9+$0x1A00];
	[tilespmem:s19+$0x11380] =	vst v17  }
0x142: {  	s21 =	sor.u32 $0xC10, s4;
	v17 =	vld [tilespmem:s15+$0x1AB0];
	[smem:$0x7E6] =	sst s23  }
0x143: {  	s26 =	sor.u32 $0xC30, s4;
	[tilespmem:s21+$0x11380] =	vst v18  }
0x144: {  	s3 =	sor.u32 $0xC40, s4;
	v19 =	vld [tilespmem:s7+$0x1950];
	[smem:$0x7E7] =	sst s26  }
0x145: {  	[smem:$0x7E8] =	sst s3  }
0x146: {  	s17 =	sor.u32 $0xC50, s4;
	[tilespmem:s5+$0x470] =	vst v20  }
0x147: {  	s25 =	simm.s32 $0x2;
	v18 =	vld [tilespmem:s6+$0x1AA0];
	[smem:$0x7E9] =	sst s17  }
0x148: {  	s12 =	sand.u32 $0x3, s25;
	[tilespmem:s29+$0x50] =	vst v21  }
0x149: {  	s3 =	sshll.u32 s12, $0x8;
	s12 =	sor.u32 $0xC30, s2;
	v20 =	vld [tilespmem:s10+$0x1A00];
	[tilespmem:s20+$0x800] =	vst v16  }
0x14a: {  	s3 =	sadd.s32 $0x800, s3;
	[tilespmem:s12+$0x11380] =	vst v17;
	v21 =	vld [tilespmem:s16+$0x1960]  }
0x14b: {  	s24 =	sor.u32 $0xC20, s4;
	s31 =	sor.u32 $0xC60, s4;
	s21 =	sor.u32 $0xC00, s3;
	v22 =	vld [tilespmem:s9+$0x1A10];
	[tilespmem:s1+$0x50] =	vst v19  }
0x14c: {  	s17 =	simm.s32 $0x3;
	s26 =	sor.u32 $0xC10, s3;
	v19 =	vld [tilespmem:s15+$0x1AC0];
	[dreg:$0x14] =	wrdreg s21  }
0x14d: {  	s25 =	sor.u32 $0xC20, s3;
	s23 =	sor.u32 $0xC60, s3;
	s18 =	sand.u32 $0x3, s17;
	[tilespmem:s24+$0x11380] =	vst v18  }
0x14e: {  	s8 =	sor.u32 $0xC50, s3;
	s19 =	sshll.u32 s18, $0x8;
	v23 =	vld [tilespmem:s7+$0x1960];
	[dreg:$0x4] =	wrdreg s23  }
0x14f: {  	s12 =	sor.u32 $0xC70, s4;
	s21 =	sor.u32 $0xC40, s3;
	s4 =	sadd.s32 $0xC00, s19;
	[tilespmem:s5+$0x800] =	vst v20  }
0x150: {  	s24 =	sor.u32 $0xC30, s3;
	s23 =	sor.u32 $0xC70, s3;
	s3 =	sor.u32 $0xC00, s4;
	v17 =	vld [tilespmem:s6+$0x1AB0];
	[tilespmem:s29+$0x60] =	vst v21  }
0x151: {  	s11 =	sor.u32 $0xC10, s4;
	v16 =	vld [tilespmem:s10+$0x1A10];
	[dreg:$0x1b] =	wrdreg s3  }
0x152: {  	[dreg:$0x15] =	wrdreg s11  }
0x153: {  	s18 =	sor.u32 $0xC30, s4;
	[tilespmem:s20+$0x810] =	vst v22  }
0x154: {  	s19 =	sor.u32 $0xC40, s4;
	v18 =	vld [tilespmem:s16+$0x1970];
	[smem:$0x7EA] =	sst s18  }
0x155: {  	s3 =	sor.u32 $0xC40, s2;
	[smem:$0x7EB] =	sst s19  }
0x156: {  	s18 =	sor.u32 $0xC50, s4;
	[tilespmem:s3+$0x11380] =	vst v19  }
0x157: {  	s19 =	sor.u32 $0xC60, s4;
	[dreg:$0x1f] =	wrdreg s18  }
0x158: {  	[dreg:$0x8] =	wrdreg s19  }
0x159: {  	s28 =	sor.u32 $0xC20, s4;
	s11 =	sor.u32 $0xC70, s4;
	v19 =	vld [tilespmem:s9+$0x1A20]  }
0x15a: {  	s18 =	sadd.s32 $0x2, s13;
	s19 =	simm.s32 $0x6;
	s13 =	simm.s32 $0x480;
	[tilespmem:s1+$0x60] =	vst v23;
	v20 =	vld [tilespmem:s15+$0x1AD0]  }
.LBB2_6:
0x15b: {  	s0 =	sld [smem:$0x7E7];
	_ =	sdelay $0x2  }
0x15c: {  	v21 =	vld [tilespmem:s18+$0x0];
	[tilespmem:s0+$0x11380] =	vst v17  }
0x15d: {  	v17 =	vld [tilespmem:s18+$0xFFFFFFFF];
	[tilespmem:s5+$0x810] =	vst v16  }
0x15e: {  	v16 =	vld [tilespmem:s7+$0x1970]  }
0x15f: {  	s4 =	smov.u32 s24;
	[tilespmem:s29+$0x70] =	vst v18  }
0x160: {  	[smem:$0x7E7] =	sst s4;
	v18 =	vld [tilespmem:s16+$0x1980];
	[tilespmem:s20+$0x820] =	vst v19;
	s4 =	sor.u32 $0xC50, s2  }
0x161: {  	[smem:$0x7DF] =	sst s25;
	v19 =	vld [tilespmem:s9+$0x1A30];
	[tilespmem:s4+$0x11380] =	vst v20  }
0x162: {  	s25 =	sld [smem:$0x7EA];
	(v2sf) =	vpush v21, $0x0;
	v20 =	vld [tilespmem:s15+$0x1AE0]  }
0x163: {  	(v2sf) =	vpush v17, $0x0;
	v17 =	vld [tilespmem:s10+$0x1A20];
	[tilespmem:s1+$0x70] =	vst v16  }
0x164: {  	v16 =	vld [tilespmem:s6+$0x1AC0]  }
0x165: {  	s24 =	sld [smem:$0x7E8];
	s3 =	smov.u32 s25;
	[tilespmem:s29+$0x400] =	vst v18;
	v21 =	vld [tilespmem:s7+$0x1980]  }
0x166: {  	[smem:$0x7DE] =	sst s3;
	s3 =	sor.u32 $0xC60, s2;
	v18 =	vld [tilespmem:s16+$0x1990];
	[tilespmem:s20+$0x830] =	vst v19  }
0x167: {  	v19 =	vld [tilespmem:s9+$0x1A40];
	[tilespmem:s3+$0x11380] =	vst v20  }
0x168: {  	[tilespmem:s5+$0x820] =	vst v17  }
0x169: {  	v20 =	vld [tilespmem:s10+$0x1A30];
	[tilespmem:s24+$0x11380] =	vst v16  }
0x16a: {  	v17 =	vld [tilespmem:s15+$0x1AF0];
	[tilespmem:s1+$0x400] =	vst v21  }
0x16b: {  	v16 =	vld [tilespmem:s6+$0x1AD0]  }
0x16c: {  	s4 =	sor.u32 $0xC70, s2;
	v21 =	vld [tilespmem:s7+$0x1990]  }
0x16d: {  	s15 =	smov.u32 s9;
	s9 =	smov.u32 s16;
	[tilespmem:s29+$0x410] =	vst v18;
	v18 =	vld [tilespmem:s30+$0x1AF0];
	s30 =	smov.u32 s6  }
0x16e: {  	[tilespmem:s20+$0x840] =	vst v19;
	s6 =	smov.u32 s10;
	s10 =	smov.u32 s7;
	s7 =	sld [smem:$0x7E9]  }
0x16f: {  	v19 =	vld [tilespmem:s9+$0x19A0];
	[tilespmem:s4+$0x11380] =	vst v17  }
0x170: {  	[tilespmem:s5+$0x830] =	vst v20  }
0x171: {  	v20 =	vld [tilespmem:s6+$0x1A40];
	[tilespmem:s7+$0x11380] =	vst v16  }
0x172: {  	s2 =	sld [smem:$0x7E6];
	v17 =	vld [tilespmem:s15+$0x1A50];
	[tilespmem:s1+$0x410] =	vst v21  }
0x173: {  	s3 =	sld [smem:$0x7EB];
	s16 =	smov.u32 s8;
	v16 =	vld [tilespmem:s30+$0x1AE0]  }
0x174: {  	s17 =	sadd.s32 $0x1, s17;
	[smem:$0x7E9] =	sst s16;
	s16 =	spop (v2sf);
	v21 =	vld [tilespmem:s10+$0x19A0]  }
0x175: {  	s22 =	sadd.s32 $0x400, s22;
	s14 =	sadd.s32 $0x100, s14;
	s25 =	smov.u32 s21;
	[tilespmem:s2+$0x11380] =	vst v18;
	v18 =	vld [tilespmem:s16+$0x1900]  }
0x176: {  	s21 =	rddreg [dreg:$0x1f];
	s8 =	sand.u32 $0x7000, s22;
	s24 =	smov.u32 s3;
	[tilespmem:s29+$0x420] =	vst v19  }
0x177: {  	s3 =	smov.u32 s12;
	s12 =	sand.u32 $0x380, s14;
	s4 =	sand.u32 $0x3, s17;
	v19 =	vld [tilespmem:s9+$0x19B0];
	[tilespmem:s20+$0x850] =	vst v17  }
0x178: {  	s7 =	spop (v2sf);
	s2 =	sshll.u32 s4, $0x8;
	s4 =	sadd.s32 $0x11380, s8;
	[tilespmem:s5+$0x840] =	vst v20;
	v17 =	vld [tilespmem:s15+$0x1A60]  }
0x179: {  	[smem:$0x7E8] =	sst s25;
	s25 =	smov.u32 s21;
	s12 =	sadd.s32 s12, s4;
	v20 =	vld [tilespmem:s7+$0x1900];
	[tilespmem:s31+$0x11380] =	vst v16  }
0x17a: {  	[smem:$0x7E1] =	sst s25;
	[tilespmem:s12+$0x0] =	vst v18  }
0x17b: {  	s25 =	smov.u32 s11;
	s11 =	sadd.s32 $0xFFFFFF80, s14;
	s2 =	sadd.s32 s2, s22;
	[tilespmem:s1+$0x420] =	vst v21;
	v21 =	vld [tilespmem:s16+$0x1910]  }
0x17c: {  	[smem:$0x7E6] =	sst s3;
	s8 =	sand.u32 $0x300, s11;
	s21 =	sor.u32 $0xC20, s2;
	v16 =	vld [tilespmem:s6+$0x1A50]  }
0x17d: {  	s11 =	sadd.s32 s8, s4;
	s8 =	sor.u32 $0xC30, s2;
	[smem:$0x7E0] =	sst s21;
	[tilespmem:s29+$0x430] =	vst v19;
	v18 =	vld [tilespmem:s10+$0x19B0]  }
0x17e: {  	[smem:$0x7EA] =	sst s8;
	s21 =	sor.u32 $0xC40, s2;
	v19 =	vld [tilespmem:s9+$0x19C0];
	[tilespmem:s20+$0x860] =	vst v17  }
0x17f: {  	s8 =	sor.u32 $0xC50, s2;
	[smem:$0x7EB] =	sst s21;
	[tilespmem:s11+$0x0] =	vst v20  }
0x180: {  	s0 =	smov.u32 s23;
	s23 =	sor.u32 $0xC00, s2;
	[dreg:$0x1f] =	wrdreg s8;
	v17 =	vld [tilespmem:s15+$0x1A70];
	[tilespmem:s12+$0x10] =	vst v21  }
0x181: {  	s4 =	sor.u32 $0xC10, s2;
	s3 =	sor.u32 $0xC60, s2;
	s21 =	rddreg [dreg:$0x4];
	v20 =	vld [tilespmem:s7+$0x1910];
	[tilespmem:s5+$0x850] =	vst v16  }
0x182: {  	s8 =	smov.u32 s28;
	s31 =	smov.u32 s21;
	s21 =	rddreg [dreg:$0x8];
	[tilespmem:s1+$0x430] =	vst v18;
	v21 =	vld [tilespmem:s16+$0x1920]  }
0x183: {  	s28 =	smov.u32 s26;
	s26 =	sor.u32 $0xC70, s2;
	s2 =	smov.u32 s21;
	v16 =	vld [tilespmem:s6+$0x1A60]  }
0x184: {  	[dreg:$0x4] =	wrdreg s2;
	s2 =	smov.u32 s3;
	[tilespmem:s29+$0x440] =	vst v19;
	v18 =	vld [tilespmem:s10+$0x19C0]  }
0x185: {  	[dreg:$0x8] =	wrdreg s2;
	v19 =	vld [tilespmem:s9+$0x19D0];
	[tilespmem:s20+$0x870] =	vst v17  }
0x186: {  	s2 =	rddreg [dreg:$0xe];
	s20 =	smov.u32 s29;
	s29 =	smov.u32 s12;
	[tilespmem:s11+$0x10] =	vst v20  }
0x187: {  	s12 =	smov.u32 s0;
	s0 =	sadd.s32 $0x2, s2;
	v17 =	vld [tilespmem:s15+$0x1A80];
	[tilespmem:s29+$0x20] =	vst v21  }
0x188: {  	v20 =	vld [tilespmem:s7+$0x1920];
	s3 =	sand.u32 $0x7, s0;
	[tilespmem:s5+$0x860] =	vst v16  }
0x189: {  	s13 =	sadd.s32 $0x400, s13;
	s2 =	sshll.u32 s3, $0x7;
	[tilespmem:s1+$0x440] =	vst v18;
	v21 =	vld [tilespmem:s16+$0x1930]  }
0x18a: {  	s2 =	sadd.s32 s2, s13;
	v16 =	vld [tilespmem:s6+$0x1A70]  }
0x18b: {  	[dreg:$0xe] =	wrdreg s0;
	s0 =	sor.u32 $0xC00, s2;
	[tilespmem:s20+$0x450] =	vst v19;
	v18 =	vld [tilespmem:s10+$0x19D0]  }
0x18c: {  	v19 =	vld [tilespmem:s9+$0x19E0];
	[tilespmem:s0+$0x11380] =	vst v17  }
0x18d: {  	[tilespmem:s11+$0x20] =	vst v20  }
0x18e: {  	v17 =	vld [tilespmem:s15+$0x1A90];
	[tilespmem:s29+$0x30] =	vst v21  }
0x18f: {  	v20 =	vld [tilespmem:s7+$0x1930];
	[tilespmem:s5+$0x870] =	vst v16;
	s5 =	smov.u32 s1  }
0x190: {  	v21 =	vld [tilespmem:s16+$0x1940];
	[tilespmem:s5+$0x450] =	vst v18  }
0x191: {  	v16 =	vld [tilespmem:s6+$0x1A80]  }
0x192: {  	s0 =	sor.u32 $0xC10, s2;
	[tilespmem:s20+$0x460] =	vst v19;
	v18 =	vld [tilespmem:s10+$0x19E0]  }
0x193: {  	s1 =	smov.u32 s11;
	v19 =	vld [tilespmem:s9+$0x19F0];
	[tilespmem:s0+$0x11380] =	vst v17  }
0x194: {  	[tilespmem:s1+$0x30] =	vst v20  }
0x195: {  	s11 =	smov.u32 s26;
	s26 =	rddreg [dreg:$0x14];
	v17 =	vld [tilespmem:s15+$0x1AA0];
	[tilespmem:s29+$0x40] =	vst v21  }
0x196: {  	v20 =	vld [tilespmem:s7+$0x1940];
	[tilespmem:s26+$0x11380] =	vst v16  }
0x197: {  	v21 =	vld [tilespmem:s16+$0x1950];
	[tilespmem:s5+$0x460] =	vst v18  }
0x198: {  	s0 =	rddreg [dreg:$0x1b];
	v16 =	vld [tilespmem:s6+$0x1A90]  }
0x199: {  	[tilespmem:s20+$0x470] =	vst v19;
	s26 =	smov.u32 s0;
	s0 =	sor.u32 $0xC20, s2;
	v18 =	vld [tilespmem:s10+$0x19F0]  }
0x19a: {  	v19 =	vld [tilespmem:s9+$0x1A00];
	[tilespmem:s0+$0x11380] =	vst v17  }
0x19b: {  	[tilespmem:s1+$0x40] =	vst v20  }
0x19c: {  	v17 =	vld [tilespmem:s15+$0x1AB0];
	[tilespmem:s29+$0x50] =	vst v21  }
0x19d: {  	v20 =	vld [tilespmem:s7+$0x1950];
	[tilespmem:s28+$0x11380] =	vst v16  }
0x19e: {  	[dreg:$0x14] =	wrdreg s26;
	v21 =	vld [tilespmem:s16+$0x1960];
	[tilespmem:s5+$0x470] =	vst v18  }
0x19f: {  	s26 =	smov.u32 s23;
	s23 =	smov.u32 s25;
	s25 =	rddreg [dreg:$0x15];
	v16 =	vld [tilespmem:s6+$0x1AA0]  }
0x1a0: {  	s3 =	smov.u32 s4;
	s4 =	sor.u32 $0xC30, s2;
	[dreg:$0x1b] =	wrdreg s26;
	[tilespmem:s20+$0x800] =	vst v19;
	v18 =	vld [tilespmem:s10+$0x1A00]  }
0x1a1: {  	s26 =	smov.u32 s25;
	s25 =	sld [smem:$0x7DF];
	v19 =	vld [tilespmem:s9+$0x1A10];
	[tilespmem:s4+$0x11380] =	vst v17  }
0x1a2: {  	[tilespmem:s1+$0x50] =	vst v20  }
0x1a3: {  	s19 =	sadd.s32 $0x2, s19;
	v20 =	vld [tilespmem:s15+$0x1AC0];
	[tilespmem:s29+$0x60] =	vst v21  }
0x1a4: {  	p1 =	slt.u32 s19, $0x26;
	v22 =	vld [tilespmem:s7+$0x1960];
	[tilespmem:s25+$0x11380] =	vst v16  }
.Ltmp1:
0x1a5: {  	[dreg:$0x15] =	wrdreg s3;
	[tilespmem:s5+$0x800] =	vst v18;
	v18 =	vld [tilespmem:s16+$0x1970];
	(pc) =	sbr.rel @p1 .LBB2_6-.Ltmp1, $4  }
0x1a6: {  	s3 =	sld [smem:$0x7E0];
	v17 =	vld [tilespmem:s6+$0x1AB0]  }
0x1a7: {  	s4 =	sor.u32 $0xC40, s2;
	[tilespmem:s20+$0x810] =	vst v19;
	v16 =	vld [tilespmem:s10+$0x1A10]  }
0x1a8: {  	s18 =	sadd.s32 $0x2, s18;
	s21 =	smov.u32 s24;
	s24 =	sld [smem:$0x7DE];
	v19 =	vld [tilespmem:s9+$0x1A20];
	[tilespmem:s4+$0x11380] =	vst v20  }
0x1a9: {  	s28 =	smov.u32 s3;
	s25 =	smov.u32 s8;
	s8 =	sld [smem:$0x7E1];
	[tilespmem:s1+$0x60] =	vst v22;
	v20 =	vld [tilespmem:s15+$0x1AD0]  }
0x1aa: {  	_ =	sdelay $0x1  }
0x1ab: {  	v21 =	vld [tilespmem:s7+$0x1970]  }
0x1ac: {  	s3 =	sor.u32 $0xC50, s2;
	[tilespmem:s29+$0x70] =	vst v18  }
0x1ad: {  	[tilespmem:s3+$0x11380] =	vst v20  }
0x1ae: {  	s0 =	sld [smem:$0x7E7]  }
0x1af: {  	v18 =	vld [tilespmem:s15+$0x1AE0]  }
0x1b0: {  	[tilespmem:s1+$0x70] =	vst v21  }
0x1b1: {  	[tilespmem:s0+$0x11380] =	vst v17;
	v17 =	vld [tilespmem:s16+$0x1980]  }
0x1b2: {  	[tilespmem:s20+$0x820] =	vst v19;
	v19 =	vld [tilespmem:s7+$0x1980]  }
0x1b3: {  	s17 =	sor.u32 $0xC60, s2;
	[tilespmem:s5+$0x810] =	vst v16;
	v16 =	vld [tilespmem:s9+$0x1A30]  }
0x1b4: {  	[tilespmem:s17+$0x11380] =	vst v18;
	v18 =	vld [tilespmem:s10+$0x1A20]  }
0x1b5: {  	v20 =	vld [tilespmem:s6+$0x1AC0]  }
0x1b6: {  	v21 =	vld [tilespmem:s15+$0x1AF0];
	[tilespmem:s29+$0x400] =	vst v17  }
0x1b7: {  	s0 =	sld [smem:$0x7E8];
	v17 =	vld [tilespmem:s16+$0x1990];
	[tilespmem:s1+$0x400] =	vst v19  }
0x1b8: {  	[tilespmem:s20+$0x830] =	vst v16  }
0x1b9: {  	v16 =	vld [tilespmem:s7+$0x1990];
	[tilespmem:s5+$0x820] =	vst v18  }
0x1ba: {  	s18 =	sor.u32 $0xC70, s2;
	v18 =	vld [tilespmem:s10+$0x1A30];
	[tilespmem:s0+$0x11380] =	vst v20  }
0x1bb: {  	[tilespmem:s18+$0x11380] =	vst v21;
	v19 =	vld [tilespmem:s6+$0x1AD0]  }
0x1bc: {  	v20 =	vld [tilespmem:s9+$0x1A40];
	[tilespmem:s29+$0x410] =	vst v17  }
0x1bd: {  	s0 =	sld [smem:$0x7E9];
	v17 =	vld [tilespmem:s16+$0x19A0]  }
0x1be: {  	[tilespmem:s1+$0x410] =	vst v16  }
0x1bf: {  	[tilespmem:s5+$0x830] =	vst v18  }
0x1c0: {  	[tilespmem:s0+$0x11380] =	vst v19;
	v19 =	vld [tilespmem:s7+$0x19A0]  }
0x1c1: {  	[tilespmem:s20+$0x840] =	vst v20  }
0x1c2: {  	s0 =	sld [smem:$0x7E6];
	[tilespmem:s29+$0x420] =	vst v17  }
0x1c3: {  	v17 =	vld [tilespmem:s16+$0x19B0];
	_ =	sdelay $0x1  }
0x1c4: {  	[tilespmem:s1+$0x420] =	vst v19  }
0x1c5: {  	v19 =	vld [tilespmem:s7+$0x19B0];
	_ =	sdelay $0x1  }
0x1c6: {  	[tilespmem:s29+$0x430] =	vst v17  }
0x1c7: {  	v17 =	vld [tilespmem:s16+$0x19C0];
	_ =	sdelay $0x1  }
0x1c8: {  	[tilespmem:s1+$0x430] =	vst v19  }
0x1c9: {  	v19 =	vld [tilespmem:s7+$0x19C0];
	_ =	sdelay $0x1  }
0x1ca: {  	[tilespmem:s29+$0x440] =	vst v17  }
0x1cb: {  	v17 =	vld [tilespmem:s16+$0x19D0];
	_ =	sdelay $0x1  }
0x1cc: {  	[tilespmem:s1+$0x440] =	vst v19  }
0x1cd: {  	v19 =	vld [tilespmem:s7+$0x19D0];
	_ =	sdelay $0x1  }
0x1ce: {  	[tilespmem:s29+$0x450] =	vst v17  }
0x1cf: {  	v17 =	vld [tilespmem:s16+$0x19E0];
	_ =	sdelay $0x1  }
0x1d0: {  	[tilespmem:s1+$0x450] =	vst v19  }
0x1d1: {  	v19 =	vld [tilespmem:s7+$0x19E0];
	_ =	sdelay $0x1  }
0x1d2: {  	[tilespmem:s29+$0x460] =	vst v17  }
0x1d3: {  	v17 =	vld [tilespmem:s16+$0x19F0];
	_ =	sdelay $0x1  }
0x1d4: {  	[tilespmem:s1+$0x460] =	vst v19  }
0x1d5: {  	v19 =	vld [tilespmem:s7+$0x19F0];
	_ =	sdelay $0x1  }
0x1d6: {  	[tilespmem:s29+$0x470] =	vst v17  }
0x1d7: {  	v17 =	vld [tilespmem:s16+$0x1A00];
	_ =	sdelay $0x1  }
0x1d8: {  	[tilespmem:s1+$0x470] =	vst v19  }
0x1d9: {  	v19 =	vld [tilespmem:s7+$0x1A00];
	_ =	sdelay $0x1  }
0x1da: {  	v21 =	vld [tilespmem:s30+$0x1AF0];
	[tilespmem:s29+$0x800] =	vst v17  }
0x1db: {  	v17 =	vld [tilespmem:s16+$0x1A10];
	_ =	sdelay $0x1  }
0x1dc: {  	v20 =	vld [tilespmem:s10+$0x1A40];
	[tilespmem:s1+$0x800] =	vst v19  }
0x1dd: {  	v19 =	vld [tilespmem:s7+$0x1A10]  }
0x1de: {  	v18 =	vld [tilespmem:s9+$0x1A50];
	[tilespmem:s0+$0x11380] =	vst v21  }
0x1df: {  	v16 =	vld [tilespmem:s6+$0x1AE0];
	[tilespmem:s29+$0x810] =	vst v17  }
0x1e0: {  	v17 =	vld [tilespmem:s16+$0x1A20];
	_ =	sdelay $0x1  }
0x1e1: {  	[tilespmem:s1+$0x810] =	vst v19  }
0x1e2: {  	v19 =	vld [tilespmem:s7+$0x1A20];
	_ =	sdelay $0x1  }
0x1e3: {  	[tilespmem:s29+$0x820] =	vst v17  }
0x1e4: {  	v17 =	vld [tilespmem:s16+$0x1A30];
	_ =	sdelay $0x1  }
0x1e5: {  	[tilespmem:s1+$0x820] =	vst v19  }
0x1e6: {  	v19 =	vld [tilespmem:s7+$0x1A30];
	_ =	sdelay $0x1  }
0x1e7: {  	[tilespmem:s29+$0x830] =	vst v17  }
0x1e8: {  	v17 =	vld [tilespmem:s16+$0x1A40];
	_ =	sdelay $0x1  }
0x1e9: {  	[tilespmem:s1+$0x830] =	vst v19  }
0x1ea: {  	v19 =	vld [tilespmem:s7+$0x1A40];
	_ =	sdelay $0x1  }
0x1eb: {  	[tilespmem:s29+$0x840] =	vst v17  }
0x1ec: {  	v17 =	vld [tilespmem:s16+$0x1A50]  }
0x1ed: {  	[tilespmem:s5+$0x840] =	vst v20  }
0x1ee: {  	v20 =	vld [tilespmem:s10+$0x1A50];
	[tilespmem:s1+$0x840] =	vst v19  }
0x1ef: {  	[tilespmem:s20+$0x850] =	vst v18;
	v19 =	vld [tilespmem:s7+$0x1A50]  }
0x1f0: {  	v18 =	vld [tilespmem:s9+$0x1A60]  }
0x1f1: {  	[tilespmem:s29+$0x850] =	vst v17  }
0x1f2: {  	v17 =	vld [tilespmem:s16+$0x1A60]  }
0x1f3: {  	[tilespmem:s5+$0x850] =	vst v20  }
0x1f4: {  	v20 =	vld [tilespmem:s10+$0x1A60];
	[tilespmem:s1+$0x850] =	vst v19  }
0x1f5: {  	[tilespmem:s20+$0x860] =	vst v18;
	v19 =	vld [tilespmem:s7+$0x1A60]  }
0x1f6: {  	v18 =	vld [tilespmem:s9+$0x1A70]  }
0x1f7: {  	[tilespmem:s29+$0x860] =	vst v17  }
0x1f8: {  	v17 =	vld [tilespmem:s16+$0x1A70]  }
0x1f9: {  	[tilespmem:s5+$0x860] =	vst v20  }
0x1fa: {  	v20 =	vld [tilespmem:s10+$0x1A70];
	[tilespmem:s1+$0x860] =	vst v19  }
0x1fb: {  	[tilespmem:s20+$0x870] =	vst v18;
	v19 =	vld [tilespmem:s7+$0x1A70]  }
0x1fc: {  	s19 =	rddreg [dreg:$0xe]  }
0x1fd: {  	v18 =	vld [tilespmem:s9+$0x1A80];
	s0 =	sadd.s32 $0x2, s19;
	[tilespmem:s29+$0x870] =	vst v17  }
0x1fe: {  	s20 =	sand.u32 $0x7, s0;
	s4 =	sadd.s32 $0x2, s0;
	v17 =	vld [tilespmem:s16+$0x1A80]  }
0x1ff: {  	s22 =	sadd.s32 $0x400, s13;
	[tilespmem:s5+$0x870] =	vst v20;
	s2 =	sshll.u32 s20, $0x7;
	s5 =	sand.u32 $0x7, s4  }
0x200: {  	s13 =	sadd.s32 $0x400, s22;
	s0 =	sadd.s32 s2, s22;
	[tilespmem:s1+$0x870] =	vst v19;
	v19 =	vld [tilespmem:s10+$0x1A80];
	s1 =	sshll.u32 s5, $0x7  }
0x201: {  	s14 =	sor.u32 $0xC00, s0;
	s1 =	sadd.s32 s1, s13  }
0x202: {  	[tilespmem:s14+$0x11380] =	vst v18;
	s2 =	sor.u32 $0xC00, s1  }
0x203: {  	v18 =	vld [tilespmem:s9+$0x1A90];
	[tilespmem:s2+$0x11380] =	vst v17  }
0x204: {  	v20 =	vld [tilespmem:s7+$0x1A80];
	s2 =	rddreg [dreg:$0x14]  }
0x205: {  	v17 =	vld [tilespmem:s16+$0x1A90];
	[tilespmem:s2+$0x11380] =	vst v19  }
0x206: {  	v19 =	vld [tilespmem:s10+$0x1A90]  }
0x207: {  	s15 =	sor.u32 $0xC10, s0  }
0x208: {  	s2 =	rddreg [dreg:$0x1b];
	[tilespmem:s15+$0x11380] =	vst v18  }
0x209: {  	s17 =	sor.u32 $0xC10, s1;
	[tilespmem:s2+$0x11380] =	vst v20;
	v18 =	vld [tilespmem:s9+$0x1AA0]  }
0x20a: {  	v20 =	vld [tilespmem:s7+$0x1A90];
	[tilespmem:s17+$0x11380] =	vst v17  }
0x20b: {  	v17 =	vld [tilespmem:s16+$0x1AA0];
	[tilespmem:s26+$0x11380] =	vst v19  }
0x20c: {  	v19 =	vld [tilespmem:s10+$0x1AA0]  }
0x20d: {  	s18 =	sor.u32 $0xC20, s0  }
0x20e: {  	s2 =	rddreg [dreg:$0x15];
	[tilespmem:s18+$0x11380] =	vst v18  }
0x20f: {  	s19 =	sor.u32 $0xC20, s1;
	[tilespmem:s2+$0x11380] =	vst v20;
	v18 =	vld [tilespmem:s9+$0x1AB0]  }
0x210: {  	v20 =	vld [tilespmem:s7+$0x1AA0];
	[tilespmem:s19+$0x11380] =	vst v17  }
0x211: {  	v17 =	vld [tilespmem:s16+$0x1AB0];
	[tilespmem:s25+$0x11380] =	vst v19  }
0x212: {  	v19 =	vld [tilespmem:s10+$0x1AB0]  }
0x213: {  	s20 =	sor.u32 $0xC30, s0  }
0x214: {  	[tilespmem:s20+$0x11380] =	vst v18  }
0x215: {  	s22 =	sor.u32 $0xC30, s1;
	[tilespmem:s28+$0x11380] =	vst v20;
	v18 =	vld [tilespmem:s9+$0x1AC0]  }
0x216: {  	v20 =	vld [tilespmem:s7+$0x1AB0];
	[tilespmem:s22+$0x11380] =	vst v17  }
0x217: {  	v17 =	vld [tilespmem:s16+$0x1AC0];
	[tilespmem:s24+$0x11380] =	vst v19  }
0x218: {  	v19 =	vld [tilespmem:s10+$0x1AC0];
	s2 =	sld [smem:$0x7EA]  }
0x219: {  	s24 =	sor.u32 $0xC40, s0  }
0x21a: {  	[tilespmem:s24+$0x11380] =	vst v18  }
0x21b: {  	s25 =	sor.u32 $0xC40, s1;
	[tilespmem:s2+$0x11380] =	vst v20  }
0x21c: {  	[tilespmem:s25+$0x11380] =	vst v17;
	v20 =	vld [tilespmem:s7+$0x1AC0]  }
0x21d: {  	v18 =	vld [tilespmem:s9+$0x1AD0];
	[tilespmem:s21+$0x11380] =	vst v19  }
0x21e: {  	v17 =	vld [tilespmem:s16+$0x1AD0];
	s2 =	sld [smem:$0x7EB];
	_ =	sdelay $0x1  }
0x21f: {  	v19 =	vld [tilespmem:s10+$0x1AD0]  }
0x220: {  	s26 =	sor.u32 $0xC50, s0;
	[tilespmem:s2+$0x11380] =	vst v20  }
0x221: {  	s3 =	sor.u32 $0xC50, s1;
	[tilespmem:s26+$0x11380] =	vst v18;
	v20 =	vld [tilespmem:s7+$0x1AD0]  }
0x222: {  	v18 =	vld [tilespmem:s9+$0x1AE0];
	[tilespmem:s3+$0x11380] =	vst v17  }
0x223: {  	v17 =	vld [tilespmem:s16+$0x1AE0]  }
0x224: {  	[tilespmem:s8+$0x11380] =	vst v19  }
0x225: {  	v19 =	vld [tilespmem:s10+$0x1AE0];
	s2 =	rddreg [dreg:$0x1f];
	[tilespmem:s31+$0x11380] =	vst v16  }
0x226: {  	s4 =	sor.u32 $0xC60, s0;
	[tilespmem:s2+$0x11380] =	vst v20  }
0x227: {  	s5 =	sor.u32 $0xC60, s1;
	[tilespmem:s4+$0x11380] =	vst v18;
	v20 =	vld [tilespmem:s7+$0x1AE0]  }
0x228: {  	v16 =	vld [tilespmem:s9+$0x1AF0];
	[tilespmem:s5+$0x11380] =	vst v17  }
0x229: {  	v18 =	vld [tilespmem:s6+$0x1AF0];
	s2 =	rddreg [dreg:$0x4]  }
0x22a: {  	v17 =	vld [tilespmem:s16+$0x1AF0];
	[tilespmem:s2+$0x11380] =	vst v19  }
0x22b: {  	s2 =	rddreg [dreg:$0x8]  }
0x22c: {  	s0 =	sor.u32 $0xC70, s0;
	v19 =	vld [tilespmem:s10+$0x1AF0];
	[tilespmem:s2+$0x11380] =	vst v20  }
0x22d: {  	[tilespmem:s0+$0x11380] =	vst v16;
	v20 =	vld [tilespmem:s7+$0x1AF0]  }
0x22e: {  	s1 =	sor.u32 $0xC70, s1;
	s0 =	sld [smem:$0x7E4];
	[tilespmem:s12+$0x11380] =	vst v18  }
0x22f: {  	[tilespmem:s1+$0x11380] =	vst v17  }
0x230: {  	s1 =	sld [smem:$0x7F9]  }
0x231: {  	[tilespmem:s23+$0x11380] =	vst v19;
	s0 =	smul.u32 $0x28, s0  }
0x232: {  	s6 =	rddreg [dreg:$0x1];
	[tilespmem:s11+$0x11380] =	vst v20  }
0x233: {  	s0 =	sadd.s32 s1, s0;
	s9 =	sld [smem:$0x7EE]  }
0x234: {  	s0 =	sshll.u32 s0, $0x6;
	s10 =	sld [smem:$0x7E3]  }
0x235: {  	s8 =	simm.s32 $0x11380;
	s7 =	simm.s32 $0x0;
	s0 =	sadd.s32 s6, s0  }
0x236: {  	[hbm4b:s0+s7] =	stream.linear.scatter [tilespmem:s8], [sflag:$0x3], $0x5000, $0x38;
	[tilespmem:$0x1B380] =	vst v63  }
0x237: {  	s0 =	sadd.s32 s10, s9  }
0x238: {  	s0 =	sadd.s32 $0x1, s0  }
0x239: {  	p1 =	seq.s32 s0, $0x1  }
0x23a: {  	[smem:$0x7D8] =	sst s0;
	s0 =	simm.s32 @!p1 $0x3  }
0x23b: {  	_ =	swait.ge @!p1 [sflag:s0], $0x5000  }
0x23c: {  	s11 =	sld [smem:$0x7F0]  }
0x23d: {  	[sflag:s0] =	ssyncset.done @!p1 $0x0  }
0x23e: {  	[sflag:s0] =	ssyncadd.s32 @!p1 $0xFFFFB000  }
0x23f: {  	v16 =	vld [tilespmem:s11+$0x0];
	_ =	sdelay $0x4  }
0x240: {  	(v2sf) =	vpush v16, $0x0;
	v16 =	vld [tilespmem:s11+$0xFFFFFFFF];
	_ =	sdelay $0x4  }
0x241: {  	(v2sf) =	vpush v16, $0x0;
	_ =	sdelay $0x9  }
0x242: {  	s0 =	spop (v2sf)  }
0x243: {  	v16 =	vld [tilespmem:s0+$0x1900]  }
0x244: {  	s12 =	simm.s32 $0x0  }
0x245: {  	s18 =	simm.s32 $0x80;
	s19 =	sand.u32 $0x7000, s12  }
0x246: {  	s2 =	sand.u32 $0x380, s18;
	s3 =	sadd.s32 $0x16380, s19  }
0x247: {  	s20 =	sadd.s32 s2, s3;
	s19 =	spop (v2sf)  }
0x248: {  	[tilespmem:s20+$0x0] =	vst v16;
	v17 =	vld [tilespmem:s19+$0x1900]  }
0x249: {  	v16 =	vld [tilespmem:s0+$0x1910]  }
0x24a: {  	s21 =	simm.s32 $0x0  }
0x24b: {  	s2 =	sand.u32 $0x300, s21  }
0x24c: {  	s3 =	sadd.s32 s2, s3  }
0x24d: {  	[tilespmem:s3+$0x0] =	vst v17  }
0x24e: {  	[tilespmem:s20+$0x10] =	vst v16;
	v17 =	vld [tilespmem:s19+$0x1910]  }
0x24f: {  	v16 =	vld [tilespmem:s0+$0x1920];
	_ =	sdelay $0x3  }
0x250: {  	[tilespmem:s3+$0x10] =	vst v17  }
0x251: {  	[tilespmem:s20+$0x20] =	vst v16;
	v17 =	vld [tilespmem:s19+$0x1920]  }
0x252: {  	v16 =	vld [tilespmem:s0+$0x1930];
	_ =	sdelay $0x3  }
0x253: {  	[tilespmem:s3+$0x20] =	vst v17  }
0x254: {  	[tilespmem:s20+$0x30] =	vst v16;
	v17 =	vld [tilespmem:s19+$0x1930]  }
0x255: {  	v16 =	vld [tilespmem:s0+$0x1940];
	_ =	sdelay $0x3  }
0x256: {  	[tilespmem:s3+$0x30] =	vst v17  }
0x257: {  	[tilespmem:s20+$0x40] =	vst v16;
	v17 =	vld [tilespmem:s19+$0x1940]  }
0x258: {  	v16 =	vld [tilespmem:s0+$0x1950];
	_ =	sdelay $0x3  }
0x259: {  	[tilespmem:s3+$0x40] =	vst v17  }
0x25a: {  	[tilespmem:s20+$0x50] =	vst v16;
	v17 =	vld [tilespmem:s19+$0x1950]  }
0x25b: {  	v16 =	vld [tilespmem:s0+$0x1960];
	_ =	sdelay $0x2  }
0x25c: {  	s22 =	sadd.s32 $0x2, s11  }
0x25d: {  	v18 =	vld [tilespmem:s22+$0x0];
	[tilespmem:s3+$0x50] =	vst v17  }
0x25e: {  	[tilespmem:s20+$0x60] =	vst v16;
	v17 =	vld [tilespmem:s19+$0x1960]  }
0x25f: {  	v16 =	vld [tilespmem:s0+$0x1970];
	_ =	sdelay $0x3  }
0x260: {  	v19 =	vld [tilespmem:s22+$0xFFFFFFFF];
	[tilespmem:s3+$0x60] =	vst v17  }
0x261: {  	(v2sf) =	vpush v18, $0x0;
	[tilespmem:s20+$0x70] =	vst v16;
	v17 =	vld [tilespmem:s19+$0x1970]  }
0x262: {  	v16 =	vld [tilespmem:s0+$0x1980];
	_ =	sdelay $0x3  }
0x263: {  	(v2sf) =	vpush v19, $0x0;
	[tilespmem:s3+$0x70] =	vst v17  }
0x264: {  	[tilespmem:s20+$0x400] =	vst v16;
	v17 =	vld [tilespmem:s19+$0x1980]  }
0x265: {  	v16 =	vld [tilespmem:s0+$0x1990];
	_ =	sdelay $0x3  }
0x266: {  	[tilespmem:s3+$0x400] =	vst v17  }
0x267: {  	[tilespmem:s20+$0x410] =	vst v16;
	v17 =	vld [tilespmem:s19+$0x1990]  }
0x268: {  	v16 =	vld [tilespmem:s0+$0x19A0];
	_ =	sdelay $0x1  }
0x269: {  	s9 =	spop (v2sf)  }
0x26a: {  	v18 =	vld [tilespmem:s9+$0x1900]  }
0x26b: {  	s23 =	simm.s32 $0x400;
	[tilespmem:s3+$0x410] =	vst v17  }
0x26c: {  	s24 =	simm.s32 $0x180;
	s2 =	sand.u32 $0x7000, s23;
	[tilespmem:s20+$0x420] =	vst v16;
	v17 =	vld [tilespmem:s19+$0x19A0]  }
0x26d: {  	s4 =	sand.u32 $0x380, s24;
	s2 =	sadd.s32 $0x16380, s2;
	v16 =	vld [tilespmem:s0+$0x19B0]  }
0x26e: {  	s4 =	sadd.s32 s4, s2;
	s25 =	spop (v2sf)  }
0x26f: {  	v19 =	vld [tilespmem:s25+$0x1900];
	[tilespmem:s4+$0x0] =	vst v18  }
0x270: {  	v18 =	vld [tilespmem:s9+$0x1910]  }
0x271: {  	s26 =	simm.s32 $0x100;
	[tilespmem:s3+$0x420] =	vst v17  }
0x272: {  	s8 =	sand.u32 $0x300, s26;
	[tilespmem:s20+$0x430] =	vst v16;
	v17 =	vld [tilespmem:s19+$0x19B0]  }
0x273: {  	s2 =	sadd.s32 s8, s2;
	v16 =	vld [tilespmem:s0+$0x19C0]  }
0x274: {  	[tilespmem:s2+$0x0] =	vst v19  }
0x275: {  	v19 =	vld [tilespmem:s25+$0x1910];
	[tilespmem:s4+$0x10] =	vst v18  }
0x276: {  	v18 =	vld [tilespmem:s9+$0x1920]  }
0x277: {  	[tilespmem:s3+$0x430] =	vst v17  }
0x278: {  	[tilespmem:s20+$0x440] =	vst v16;
	v17 =	vld [tilespmem:s19+$0x19C0]  }
0x279: {  	v16 =	vld [tilespmem:s0+$0x19D0]  }
0x27a: {  	[tilespmem:s2+$0x10] =	vst v19  }
0x27b: {  	v19 =	vld [tilespmem:s25+$0x1920];
	[tilespmem:s4+$0x20] =	vst v18  }
0x27c: {  	v18 =	vld [tilespmem:s9+$0x1930]  }
0x27d: {  	[tilespmem:s3+$0x440] =	vst v17  }
0x27e: {  	[tilespmem:s20+$0x450] =	vst v16;
	v17 =	vld [tilespmem:s19+$0x19D0]  }
0x27f: {  	v16 =	vld [tilespmem:s0+$0x19E0]  }
0x280: {  	[tilespmem:s2+$0x20] =	vst v19  }
0x281: {  	v19 =	vld [tilespmem:s25+$0x1930];
	[tilespmem:s4+$0x30] =	vst v18  }
0x282: {  	v18 =	vld [tilespmem:s9+$0x1940]  }
0x283: {  	[tilespmem:s3+$0x450] =	vst v17  }
0x284: {  	[tilespmem:s20+$0x460] =	vst v16;
	v17 =	vld [tilespmem:s19+$0x19E0]  }
0x285: {  	v16 =	vld [tilespmem:s0+$0x19F0]  }
0x286: {  	[tilespmem:s2+$0x30] =	vst v19  }
0x287: {  	v19 =	vld [tilespmem:s25+$0x1940];
	[tilespmem:s4+$0x40] =	vst v18  }
0x288: {  	v18 =	vld [tilespmem:s9+$0x1950]  }
0x289: {  	[tilespmem:s3+$0x460] =	vst v17  }
0x28a: {  	[tilespmem:s20+$0x470] =	vst v16;
	v17 =	vld [tilespmem:s19+$0x19F0]  }
0x28b: {  	v16 =	vld [tilespmem:s0+$0x1A00]  }
0x28c: {  	[tilespmem:s2+$0x40] =	vst v19  }
0x28d: {  	v19 =	vld [tilespmem:s25+$0x1950];
	[tilespmem:s4+$0x50] =	vst v18  }
0x28e: {  	v18 =	vld [tilespmem:s9+$0x1960]  }
0x28f: {  	[tilespmem:s3+$0x470] =	vst v17  }
0x290: {  	[tilespmem:s20+$0x800] =	vst v16;
	v17 =	vld [tilespmem:s19+$0x1A00]  }
0x291: {  	v16 =	vld [tilespmem:s0+$0x1A10]  }
0x292: {  	[tilespmem:s2+$0x50] =	vst v19  }
0x293: {  	v19 =	vld [tilespmem:s25+$0x1960];
	[tilespmem:s4+$0x60] =	vst v18  }
0x294: {  	s6 =	sadd.s32 $0x2, s22;
	v18 =	vld [tilespmem:s9+$0x1970]  }
0x295: {  	[tilespmem:s3+$0x800] =	vst v17;
	v17 =	vld [tilespmem:s6+$0x0]  }
0x296: {  	[tilespmem:s20+$0x810] =	vst v16;
	v20 =	vld [tilespmem:s19+$0x1A10]  }
0x297: {  	v16 =	vld [tilespmem:s0+$0x1A20];
	_ =	sdelay $0x1  }
0x298: {  	v21 =	vld [tilespmem:s6+$0xFFFFFFFF];
	[tilespmem:s2+$0x60] =	vst v19  }
0x299: {  	v19 =	vld [tilespmem:s25+$0x1970];
	[tilespmem:s4+$0x70] =	vst v18  }
0x29a: {  	v18 =	vld [tilespmem:s9+$0x1980];
	(v2sf) =	vpush v17, $0x0;
	[tilespmem:s3+$0x810] =	vst v20  }
0x29b: {  	[tilespmem:s20+$0x820] =	vst v16;
	v17 =	vld [tilespmem:s19+$0x1A20]  }
0x29c: {  	v16 =	vld [tilespmem:s0+$0x1A30];
	_ =	sdelay $0x1  }
0x29d: {  	[tilespmem:s2+$0x70] =	vst v19;
	(v2sf) =	vpush v21, $0x0  }
0x29e: {  	v19 =	vld [tilespmem:s25+$0x1980];
	[tilespmem:s4+$0x400] =	vst v18  }
0x29f: {  	v18 =	vld [tilespmem:s9+$0x1990];
	[tilespmem:s3+$0x820] =	vst v17  }
0x2a0: {  	[tilespmem:s20+$0x830] =	vst v16;
	v17 =	vld [tilespmem:s19+$0x1A30]  }
0x2a1: {  	v16 =	vld [tilespmem:s0+$0x1A40];
	_ =	sdelay $0x1  }
0x2a2: {  	[tilespmem:s2+$0x400] =	vst v19  }
0x2a3: {  	[tilespmem:s4+$0x410] =	vst v18  }
0x2a4: {  	v19 =	vld [tilespmem:s25+$0x1990];
	[tilespmem:s3+$0x830] =	vst v17  }
0x2a5: {  	[tilespmem:s20+$0x840] =	vst v16;
	v16 =	vld [tilespmem:s9+$0x19A0]  }
0x2a6: {  	v17 =	vld [tilespmem:s19+$0x1A40]  }
0x2a7: {  	v18 =	vld [tilespmem:s0+$0x1A50];
	s10 =	spop (v2sf)  }
0x2a8: {  	v20 =	vld [tilespmem:s10+$0x1900]  }
0x2a9: {  	s13 =	simm.s32 $0x800;
	[tilespmem:s2+$0x410] =	vst v19  }
0x2aa: {  	s14 =	simm.s32 $0x280;
	s5 =	sand.u32 $0x7000, s13;
	v19 =	vld [tilespmem:s25+$0x19A0];
	[tilespmem:s4+$0x420] =	vst v16  }
0x2ab: {  	s15 =	sadd.s32 $0x16380, s5;
	s16 =	sand.u32 $0x380, s14;
	s8 =	spop (v2sf);
	[tilespmem:s3+$0x840] =	vst v17;
	v16 =	vld [tilespmem:s9+$0x19B0]  }
0x2ac: {  	s5 =	sadd.s32 s16, s15;
	v17 =	vld [tilespmem:s8+$0x1900];
	[tilespmem:s20+$0x850] =	vst v18  }
0x2ad: {  	v18 =	vld [tilespmem:s0+$0x1A60];
	[tilespmem:s5+$0x0] =	vst v20  }
0x2ae: {  	s17 =	simm.s32 $0x200;
	v21 =	vld [tilespmem:s10+$0x1910]  }
0x2af: {  	s11 =	sand.u32 $0x300, s17;
	[tilespmem:s2+$0x420] =	vst v19;
	v19 =	vld [tilespmem:s19+$0x1A50]  }
0x2b0: {  	s15 =	sadd.s32 s11, s15;
	v20 =	vld [tilespmem:s25+$0x19B0];
	[tilespmem:s4+$0x430] =	vst v16  }
0x2b1: {  	[tilespmem:s15+$0x0] =	vst v17;
	v16 =	vld [tilespmem:s9+$0x19C0]  }
0x2b2: {  	[tilespmem:s20+$0x860] =	vst v18;
	v18 =	vld [tilespmem:s8+$0x1910]  }
0x2b3: {  	v17 =	vld [tilespmem:s0+$0x1A70];
	[tilespmem:s5+$0x10] =	vst v21  }
0x2b4: {  	[tilespmem:s3+$0x850] =	vst v19;
	v21 =	vld [tilespmem:s10+$0x1920]  }
0x2b5: {  	[tilespmem:s2+$0x430] =	vst v20;
	v19 =	vld [tilespmem:s19+$0x1A60]  }
0x2b6: {  	v20 =	vld [tilespmem:s25+$0x19C0];
	[tilespmem:s4+$0x440] =	vst v16  }
0x2b7: {  	[tilespmem:s15+$0x10] =	vst v18;
	v16 =	vld [tilespmem:s9+$0x19D0]  }
0x2b8: {  	[tilespmem:s20+$0x870] =	vst v17;
	v18 =	vld [tilespmem:s8+$0x1920]  }
0x2b9: {  	v17 =	vld [tilespmem:s0+$0x1A80];
	[tilespmem:s5+$0x20] =	vst v21  }
0x2ba: {  	s18 =	sand.u32 $0x7, s12;
	[tilespmem:s3+$0x860] =	vst v19;
	v21 =	vld [tilespmem:s10+$0x1930]  }
0x2bb: {  	s7 =	sshll.u32 s18, $0x7;
	[tilespmem:s2+$0x440] =	vst v20;
	v19 =	vld [tilespmem:s19+$0x1A70]  }
0x2bc: {  	s7 =	sadd.s32 $0x80, s7;
	v20 =	vld [tilespmem:s25+$0x19D0];
	[tilespmem:s4+$0x450] =	vst v16  }
0x2bd: {  	s20 =	sor.u32 $0xC00, s7;
	[tilespmem:s15+$0x20] =	vst v18;
	v16 =	vld [tilespmem:s9+$0x19E0]  }
0x2be: {  	[tilespmem:s20+$0x16380] =	vst v17;
	v18 =	vld [tilespmem:s8+$0x1930]  }
0x2bf: {  	v17 =	vld [tilespmem:s0+$0x1A90];
	[tilespmem:s5+$0x30] =	vst v21  }
0x2c0: {  	[tilespmem:s3+$0x870] =	vst v19;
	v21 =	vld [tilespmem:s10+$0x1940]  }
0x2c1: {  	[tilespmem:s2+$0x450] =	vst v20;
	v19 =	vld [tilespmem:s19+$0x1A80]  }
0x2c2: {  	s1 =	sand.u32 $0x3, s12;
	v20 =	vld [tilespmem:s25+$0x19E0];
	[tilespmem:s4+$0x460] =	vst v16  }
0x2c3: {  	s1 =	sshll.u32 s1, $0x8;
	s21 =	sor.u32 $0xC10, s7;
	[tilespmem:s15+$0x30] =	vst v18;
	v16 =	vld [tilespmem:s9+$0x19F0]  }
0x2c4: {  	s11 =	sadd.s32 $0x0, s1;
	[tilespmem:s21+$0x16380] =	vst v17;
	v18 =	vld [tilespmem:s8+$0x1940]  }
0x2c5: {  	s1 =	sor.u32 $0xC00, s11;
	v17 =	vld [tilespmem:s0+$0x1AA0];
	[tilespmem:s5+$0x40] =	vst v21  }
0x2c6: {  	[tilespmem:s1+$0x16380] =	vst v19;
	v21 =	vld [tilespmem:s10+$0x1950]  }
0x2c7: {  	[tilespmem:s2+$0x460] =	vst v20;
	v19 =	vld [tilespmem:s19+$0x1A90]  }
0x2c8: {  	v20 =	vld [tilespmem:s25+$0x19F0];
	[tilespmem:s4+$0x470] =	vst v16  }
0x2c9: {  	s22 =	sor.u32 $0xC20, s7;
	[tilespmem:s15+$0x40] =	vst v18;
	v16 =	vld [tilespmem:s9+$0x1A00]  }
0x2ca: {  	[tilespmem:s22+$0x16380] =	vst v17;
	v18 =	vld [tilespmem:s8+$0x1950]  }
0x2cb: {  	s23 =	sor.u32 $0xC10, s11;
	v17 =	vld [tilespmem:s0+$0x1AB0];
	[tilespmem:s5+$0x50] =	vst v21  }
0x2cc: {  	[tilespmem:s23+$0x16380] =	vst v19;
	v21 =	vld [tilespmem:s10+$0x1960]  }
0x2cd: {  	[tilespmem:s2+$0x470] =	vst v20;
	v19 =	vld [tilespmem:s19+$0x1AA0]  }
0x2ce: {  	v20 =	vld [tilespmem:s25+$0x1A00];
	[tilespmem:s4+$0x800] =	vst v16  }
0x2cf: {  	s24 =	sor.u32 $0xC30, s7;
	[tilespmem:s15+$0x50] =	vst v18;
	v16 =	vld [tilespmem:s9+$0x1A10]  }
0x2d0: {  	[tilespmem:s24+$0x16380] =	vst v17;
	v18 =	vld [tilespmem:s8+$0x1960]  }
0x2d1: {  	s26 =	sor.u32 $0xC20, s11;
	v17 =	vld [tilespmem:s0+$0x1AC0];
	[tilespmem:s5+$0x60] =	vst v21  }
0x2d2: {  	[tilespmem:s26+$0x16380] =	vst v19;
	v21 =	vld [tilespmem:s10+$0x1970]  }
0x2d3: {  	[tilespmem:s2+$0x800] =	vst v20;
	v19 =	vld [tilespmem:s19+$0x1AB0]  }
0x2d4: {  	v20 =	vld [tilespmem:s25+$0x1A10];
	[tilespmem:s4+$0x810] =	vst v16  }
0x2d5: {  	s18 =	sadd.s32 $0x2, s6;
	s3 =	sor.u32 $0xC40, s7;
	[tilespmem:s15+$0x60] =	vst v18;
	v16 =	vld [tilespmem:s9+$0x1A20]  }
0x2d6: {  	[tilespmem:s3+$0x16380] =	vst v17;
	v17 =	vld [tilespmem:s18+$0x0]  }
0x2d7: {  	[tilespmem:s5+$0x70] =	vst v21;
	v21 =	vld [tilespmem:s18+$0xFFFFFFFF]  }
0x2d8: {  	v22 =	vld [tilespmem:s8+$0x1970]  }
0x2d9: {  	s6 =	sor.u32 $0xC30, s11;
	[tilespmem:s2+$0x810] =	vst v20;
	v18 =	vld [tilespmem:s0+$0x1AD0]  }
0x2da: {  	[tilespmem:s6+$0x16380] =	vst v19;
	v19 =	vld [tilespmem:s25+$0x1A20]  }
0x2db: {  	[tilespmem:s4+$0x820] =	vst v16;
	v16 =	vld [tilespmem:s10+$0x1980];
	(v2sf) =	vpush v17, $0x0  }
0x2dc: {  	v17 =	vld [tilespmem:s9+$0x1A30];
	(v2sf) =	vpush v21, $0x0  }
0x2dd: {  	s12 =	sor.u32 $0xC50, s7;
	v20 =	vld [tilespmem:s19+$0x1AC0];
	[tilespmem:s15+$0x70] =	vst v22  }
0x2de: {  	[tilespmem:s12+$0x16380] =	vst v18;
	v18 =	vld [tilespmem:s8+$0x1980]  }
0x2df: {  	[tilespmem:s2+$0x820] =	vst v19;
	v21 =	vld [tilespmem:s0+$0x1AE0]  }
0x2e0: {  	v19 =	vld [tilespmem:s25+$0x1A30];
	[tilespmem:s5+$0x400] =	vst v16  }
0x2e1: {  	s13 =	sor.u32 $0xC40, s11;
	v16 =	vld [tilespmem:s10+$0x1990];
	[tilespmem:s4+$0x830] =	vst v17  }
0x2e2: {  	[tilespmem:s13+$0x16380] =	vst v20;
	v17 =	vld [tilespmem:s9+$0x1A40]  }
0x2e3: {  	s14 =	sor.u32 $0xC60, s7;
	[tilespmem:s15+$0x400] =	vst v18;
	v18 =	vld [tilespmem:s19+$0x1AD0]  }
0x2e4: {  	[tilespmem:s14+$0x16380] =	vst v21;
	v20 =	vld [tilespmem:s8+$0x1990]  }
0x2e5: {  	[tilespmem:s2+$0x830] =	vst v19;
	v21 =	vld [tilespmem:s0+$0x1AF0]  }
0x2e6: {  	v19 =	vld [tilespmem:s25+$0x1A40];
	[tilespmem:s5+$0x410] =	vst v16  }
0x2e7: {  	s16 =	sor.u32 $0xC50, s11;
	[tilespmem:s4+$0x840] =	vst v17;
	v16 =	vld [tilespmem:s10+$0x19A0]  }
0x2e8: {  	[tilespmem:s16+$0x16380] =	vst v18;
	v17 =	vld [tilespmem:s9+$0x1A50]  }
0x2e9: {  	s17 =	sor.u32 $0xC70, s7;
	[tilespmem:s15+$0x410] =	vst v20;
	v18 =	vld [tilespmem:s19+$0x1AE0]  }
0x2ea: {  	[tilespmem:s17+$0x16380] =	vst v21;
	v20 =	vld [tilespmem:s8+$0x19A0];
	s16 =	spop (v2sf)  }
0x2eb: {  	[tilespmem:s2+$0x840] =	vst v19;
	v21 =	vld [tilespmem:s16+$0x1900];
	s7 =	spop (v2sf)  }
0x2ec: {  	s3 =	simm.s32 $0xC00;
	[tilespmem:s5+$0x420] =	vst v16;
	v19 =	vld [tilespmem:s7+$0x1900]  }
0x2ed: {  	s20 =	sor.u32 $0xC60, s11;
	s21 =	sand.u32 $0x7000, s3;
	s13 =	simm.s32 $0x380;
	v16 =	vld [tilespmem:s10+$0x19B0];
	[tilespmem:s4+$0x850] =	vst v17  }
0x2ee: {  	s24 =	simm.s32 $0x300;
	s22 =	sadd.s32 $0x16380, s21;
	s23 =	sand.u32 $0x380, s13;
	[tilespmem:s20+$0x16380] =	vst v18;
	v17 =	vld [tilespmem:s9+$0x1A60]  }
0x2ef: {  	s1 =	sadd.s32 s23, s22;
	s0 =	sand.u32 $0x300, s24;
	v18 =	vld [tilespmem:s25+$0x1A50];
	[tilespmem:s15+$0x420] =	vst v20  }
0x2f0: {  	s29 =	sadd.s32 s0, s22;
	v20 =	vld [tilespmem:s8+$0x19B0];
	[tilespmem:s1+$0x0] =	vst v21  }
0x2f1: {  	v21 =	vld [tilespmem:s16+$0x1910];
	[tilespmem:s29+$0x0] =	vst v19  }
0x2f2: {  	[tilespmem:s5+$0x430] =	vst v16;
	v19 =	vld [tilespmem:s7+$0x1910]  }
0x2f3: {  	v16 =	vld [tilespmem:s10+$0x19C0];
	[tilespmem:s4+$0x860] =	vst v17  }
0x2f4: {  	[tilespmem:s2+$0x850] =	vst v18;
	v17 =	vld [tilespmem:s9+$0x1A70]  }
0x2f5: {  	v18 =	vld [tilespmem:s25+$0x1A60];
	[tilespmem:s15+$0x430] =	vst v20  }
0x2f6: {  	v20 =	vld [tilespmem:s8+$0x19C0];
	[tilespmem:s1+$0x10] =	vst v21  }
0x2f7: {  	v21 =	vld [tilespmem:s16+$0x1920];
	[tilespmem:s29+$0x10] =	vst v19  }
0x2f8: {  	[tilespmem:s5+$0x440] =	vst v16;
	v19 =	vld [tilespmem:s7+$0x1920]  }
0x2f9: {  	v16 =	vld [tilespmem:s10+$0x19D0];
	[tilespmem:s4+$0x870] =	vst v17  }
0x2fa: {  	s22 =	simm.s32 $0x2;
	[tilespmem:s2+$0x860] =	vst v18;
	v17 =	vld [tilespmem:s9+$0x1A80]  }
0x2fb: {  	s26 =	sand.u32 $0x7, s22;
	v18 =	vld [tilespmem:s25+$0x1A70];
	[tilespmem:s15+$0x440] =	vst v20  }
0x2fc: {  	s0 =	sshll.u32 s26, $0x7;
	v20 =	vld [tilespmem:s8+$0x19D0];
	[tilespmem:s1+$0x20] =	vst v21  }
0x2fd: {  	s12 =	sadd.s32 $0x480, s0;
	v21 =	vld [tilespmem:s16+$0x1930];
	[tilespmem:s29+$0x20] =	vst v19  }
0x2fe: {  	s0 =	sor.u32 $0xC00, s12;
	[tilespmem:s5+$0x450] =	vst v16;
	v19 =	vld [tilespmem:s7+$0x1930]  }
0x2ff: {  	v16 =	vld [tilespmem:s10+$0x19E0];
	[tilespmem:s0+$0x16380] =	vst v17  }
0x300: {  	[tilespmem:s2+$0x870] =	vst v18;
	v17 =	vld [tilespmem:s9+$0x1A90]  }
0x301: {  	s2 =	simm.s32 $0x1;
	v18 =	vld [tilespmem:s25+$0x1A80];
	[tilespmem:s15+$0x450] =	vst v20  }
0x302: {  	s0 =	sand.u32 $0x3, s2;
	v20 =	vld [tilespmem:s8+$0x19E0];
	[tilespmem:s1+$0x30] =	vst v21  }
0x303: {  	s0 =	sshll.u32 s0, $0x8;
	v21 =	vld [tilespmem:s16+$0x1940];
	[tilespmem:s29+$0x30] =	vst v19  }
0x304: {  	s4 =	sor.u32 $0xC10, s12;
	s0 =	sadd.s32 $0x400, s0;
	[tilespmem:s5+$0x460] =	vst v16;
	v19 =	vld [tilespmem:s7+$0x1940]  }
0x305: {  	s6 =	sor.u32 $0xC00, s0;
	v16 =	vld [tilespmem:s10+$0x19F0];
	[tilespmem:s4+$0x16380] =	vst v17  }
0x306: {  	[tilespmem:s6+$0x16380] =	vst v18;
	v17 =	vld [tilespmem:s9+$0x1AA0]  }
0x307: {  	[tilespmem:s15+$0x460] =	vst v20  }
0x308: {  	v18 =	vld [tilespmem:s25+$0x1A90];
	[tilespmem:s1+$0x40] =	vst v21  }
0x309: {  	v20 =	vld [tilespmem:s8+$0x19F0];
	[tilespmem:s29+$0x40] =	vst v19  }
0x30a: {  	s14 =	sor.u32 $0xC20, s12;
	v21 =	vld [tilespmem:s16+$0x1950];
	[tilespmem:s5+$0x470] =	vst v16  }
0x30b: {  	s20 =	sor.u32 $0xC70, s11;
	v16 =	vld [tilespmem:s10+$0x1A00];
	[tilespmem:s14+$0x16380] =	vst v17  }
0x30c: {  	s17 =	sor.u32 $0xC10, s0;
	v17 =	vld [tilespmem:s9+$0x1AB0];
	[smem:$0x7D9] =	sst s20  }
0x30d: {  	s21 =	simm.s32 $0x2;
	v19 =	vld [tilespmem:s7+$0x1950];
	[tilespmem:s17+$0x16380] =	vst v18  }
0x30e: {  	s2 =	sand.u32 $0x3, s21;
	[tilespmem:s15+$0x470] =	vst v20  }
0x30f: {  	s2 =	sshll.u32 s2, $0x8;
	s31 =	sor.u32 $0xC60, s0;
	s30 =	sor.u32 $0xC70, s0;
	v18 =	vld [tilespmem:s25+$0x1AA0];
	[tilespmem:s1+$0x50] =	vst v21  }
0x310: {  	s6 =	sor.u32 $0xC30, s0;
	s4 =	sor.u32 $0xC20, s0;
	s14 =	sor.u32 $0xC30, s12;
	v20 =	vld [tilespmem:s8+$0x1A00];
	[tilespmem:s5+$0x800] =	vst v16  }
0x311: {  	s20 =	sor.u32 $0xC50, s0;
	s17 =	sor.u32 $0xC40, s0;
	s0 =	sadd.s32 $0x800, s2;
	v21 =	vld [tilespmem:s16+$0x1960];
	[tilespmem:s14+$0x16380] =	vst v17  }
0x312: {  	s26 =	sor.u32 $0xC00, s0;
	v17 =	vld [tilespmem:s10+$0x1A10];
	[tilespmem:s29+$0x50] =	vst v19  }
0x313: {  	s14 =	sor.u32 $0xC10, s0;
	v19 =	vld [tilespmem:s9+$0x1AC0];
	[dreg:$0x1d] =	wrdreg s26  }
0x314: {  	s24 =	simm.s32 $0x3;
	s21 =	sor.u32 $0xC20, s0;
	[dreg:$0x16] =	wrdreg s14  }
0x315: {  	s23 =	sand.u32 $0x3, s24;
	[dreg:$0x11] =	wrdreg s21  }
0x316: {  	s2 =	sshll.u32 s23, $0x8;
	s23 =	sor.u32 $0xC50, s0;
	[tilespmem:s4+$0x16380] =	vst v18  }
0x317: {  	s11 =	sor.u32 $0xC60, s0;
	v22 =	vld [tilespmem:s7+$0x1960];
	[smem:$0x7DA] =	sst s23  }
0x318: {  	[dreg:$0x5] =	wrdreg s11  }
0x319: {  	s2 =	sadd.s32 $0xC00, s2;
	[tilespmem:s15+$0x800] =	vst v20  }
0x31a: {  	s14 =	sor.u32 $0xC00, s2;
	v16 =	vld [tilespmem:s25+$0x1AB0];
	[tilespmem:s1+$0x60] =	vst v21  }
0x31b: {  	s21 =	sor.u32 $0xC10, s2;
	v18 =	vld [tilespmem:s8+$0x1A10];
	[smem:$0x7DB] =	sst s14  }
0x31c: {  	s23 =	sor.u32 $0xC20, s2;
	[smem:$0x7DC] =	sst s21  }
0x31d: {  	[dreg:$0x19] =	wrdreg s23  }
0x31e: {  	s4 =	sor.u32 $0xC40, s12;
	[tilespmem:s5+$0x810] =	vst v17  }
0x31f: {  	s21 =	sor.u32 $0xC50, s2;
	[tilespmem:s4+$0x16380] =	vst v19  }
0x320: {  	v20 =	vld [tilespmem:s16+$0x1970];
	s4 =	sor.u32 $0xC60, s2;
	[smem:$0x7DD] =	sst s21  }
0x321: {  	[dreg:$0x9] =	wrdreg s4;
	s21 =	sor.u32 $0xC70, s2  }
0x322: {  	s28 =	sor.u32 $0xC30, s0;
	s26 =	sor.u32 $0xC40, s0;
	[dreg:$0xb] =	wrdreg s21  }
0x323: {  	s11 =	sor.u32 $0xC70, s0;
	s14 =	sor.u32 $0xC30, s2;
	s23 =	sor.u32 $0xC40, s2;
	v19 =	vld [tilespmem:s10+$0x1A20]  }
0x324: {  	s2 =	sadd.s32 $0x2, s18;
	s18 =	simm.s32 $0x6;
	s21 =	simm.s32 $0x480;
	[tilespmem:s29+$0x60] =	vst v22;
	v17 =	vld [tilespmem:s9+$0x1AD0]  }
.LBB2_8:
0x325: {  	_ =	sdelay $0x1  }
0x326: {  	v21 =	vld [tilespmem:s2+$0x0];
	[tilespmem:s6+$0x16380] =	vst v16  }
0x327: {  	v16 =	vld [tilespmem:s2+$0xFFFFFFFF];
	[tilespmem:s15+$0x810] =	vst v18  }
0x328: {  	v18 =	vld [tilespmem:s7+$0x1970]  }
0x329: {  	[tilespmem:s1+$0x70] =	vst v20  }
0x32a: {  	s4 =	sor.u32 $0xC50, s12;
	v20 =	vld [tilespmem:s16+$0x1980];
	[tilespmem:s5+$0x820] =	vst v19  }
0x32b: {  	v19 =	vld [tilespmem:s10+$0x1A30];
	[tilespmem:s4+$0x16380] =	vst v17  }
0x32c: {  	(v2sf) =	vpush v21, $0x0;
	v17 =	vld [tilespmem:s9+$0x1AE0]  }
0x32d: {  	(v2sf) =	vpush v16, $0x0;
	v16 =	vld [tilespmem:s8+$0x1A20];
	[tilespmem:s29+$0x70] =	vst v18  }
0x32e: {  	v18 =	vld [tilespmem:s25+$0x1AC0]  }
0x32f: {  	[tilespmem:s1+$0x400] =	vst v20;
	v21 =	vld [tilespmem:s7+$0x1980]  }
0x330: {  	s6 =	smov.u32 s14;
	s14 =	sor.u32 $0xC60, s12;
	v20 =	vld [tilespmem:s16+$0x1990];
	[tilespmem:s5+$0x830] =	vst v19  }
0x331: {  	v19 =	vld [tilespmem:s10+$0x1A40];
	[tilespmem:s14+$0x16380] =	vst v17  }
0x332: {  	[tilespmem:s15+$0x820] =	vst v16;
	v16 =	vld [tilespmem:s9+$0x1AF0]  }
0x333: {  	v17 =	vld [tilespmem:s8+$0x1A30];
	[tilespmem:s17+$0x16380] =	vst v18  }
0x334: {  	[tilespmem:s29+$0x400] =	vst v21  }
0x335: {  	[tilespmem:s1+$0x410] =	vst v20;
	v18 =	vld [tilespmem:s25+$0x1AD0]  }
0x336: {  	s9 =	smov.u32 s10;
	s10 =	smov.u32 s16;
	[tilespmem:s5+$0x840] =	vst v19;
	v21 =	vld [tilespmem:s7+$0x1990]  }
0x337: {  	v20 =	vld [tilespmem:s10+$0x19A0];
	s17 =	sor.u32 $0xC70, s12  }
0x338: {  	v19 =	vld [tilespmem:s19+$0x1AF0];
	[tilespmem:s17+$0x16380] =	vst v16  }
0x339: {  	s19 =	smov.u32 s25;
	s25 =	smov.u32 s8;
	[tilespmem:s15+$0x830] =	vst v17;
	v16 =	vld [tilespmem:s9+$0x1A50]  }
0x33a: {  	s24 =	sadd.s32 $0x1, s24;
	s8 =	smov.u32 s7;
	s7 =	sld [smem:$0x7D9];
	v17 =	vld [tilespmem:s25+$0x1A40];
	[tilespmem:s20+$0x16380] =	vst v18  }
0x33b: {  	s3 =	sadd.s32 $0x400, s3;
	[smem:$0x7D4] =	sst s6;
	s6 =	smov.u32 s22;
	[tilespmem:s29+$0x410] =	vst v21  }
0x33c: {  	s22 =	smov.u32 s23;
	s23 =	sld [smem:$0x7DD];
	s16 =	smov.u32 s26;
	v18 =	vld [tilespmem:s19+$0x1AE0]  }
0x33d: {  	s0 =	smov.u32 s28;
	[smem:$0x7D7] =	sst s16;
	s16 =	spop (v2sf);
	v21 =	vld [tilespmem:s8+$0x19A0];
	[tilespmem:s7+$0x16380] =	vst v19  }
0x33e: {  	s13 =	sadd.s32 $0x100, s13;
	[smem:$0x7D3] =	sst s0;
	s14 =	sand.u32 $0x3, s24;
	v19 =	vld [tilespmem:s16+$0x1900];
	[tilespmem:s1+$0x420] =	vst v20  }
0x33f: {  	s0 =	sshll.u32 s14, $0x8;
	s26 =	smov.u32 s23;
	s20 =	sld [smem:$0x7DA];
	v20 =	vld [tilespmem:s10+$0x19B0];
	[tilespmem:s5+$0x850] =	vst v16  }
0x340: {  	s23 =	sand.u32 $0x7000, s3;
	s12 =	smov.u32 s30;
	s7 =	spop (v2sf);
	[tilespmem:s15+$0x840] =	vst v17;
	v16 =	vld [tilespmem:s9+$0x1A60]  }
0x341: {  	[smem:$0x7D9] =	sst s12;
	s12 =	sadd.s32 s0, s3;
	s0 =	sadd.s32 $0x16380, s23;
	v17 =	vld [tilespmem:s7+$0x1900];
	[tilespmem:s31+$0x16380] =	vst v18  }
0x342: {  	s17 =	smov.u32 s20;
	s20 =	smov.u32 s11;
	s11 =	sand.u32 $0x380, s13;
	[tilespmem:s29+$0x420] =	vst v21  }
0x343: {  	s11 =	sadd.s32 s11, s0;
	v18 =	vld [tilespmem:s25+$0x1A50]  }
0x344: {  	[smem:$0x7DA] =	sst s26;
	s26 =	sadd.s32 $0xFFFFFF80, s13;
	[tilespmem:s11+$0x0] =	vst v19;
	v19 =	vld [tilespmem:s8+$0x19B0]  }
0x345: {  	s14 =	sand.u32 $0x300, s26;
	v21 =	vld [tilespmem:s16+$0x1910];
	[tilespmem:s1+$0x430] =	vst v20  }
0x346: {  	[smem:$0x7D6] =	sst s19;
	s23 =	sor.u32 $0xC20, s12;
	s30 =	sadd.s32 s14, s0;
	v20 =	vld [tilespmem:s10+$0x19C0];
	[tilespmem:s5+$0x860] =	vst v16  }
0x347: {  	[smem:$0x7D5] =	sst s23;
	[tilespmem:s30+$0x0] =	vst v17;
	v16 =	vld [tilespmem:s9+$0x1A70]  }
0x348: {  	s26 =	sor.u32 $0xC50, s12;
	s19 =	rddreg [dreg:$0xb];
	v17 =	vld [tilespmem:s7+$0x1910];
	[tilespmem:s15+$0x850] =	vst v18  }
0x349: {  	s4 =	sor.u32 $0xC00, s12;
	s23 =	sor.u32 $0xC60, s12;
	[smem:$0x7DD] =	sst s26;
	[tilespmem:s29+$0x430] =	vst v19  }
0x34a: {  	s14 =	sor.u32 $0xC40, s12;
	s26 =	rddreg [dreg:$0x5];
	s28 =	smov.u32 s19;
	v18 =	vld [tilespmem:s25+$0x1A60]  }
0x34b: {  	s19 =	sor.u32 $0xC10, s12;
	s0 =	sor.u32 $0xC30, s12;
	s12 =	sor.u32 $0xC70, s12;
	[tilespmem:s11+$0x10] =	vst v21;
	v19 =	vld [tilespmem:s8+$0x19C0]  }
0x34c: {  	[dreg:$0xb] =	wrdreg s12;
	v21 =	vld [tilespmem:s16+$0x1920];
	[tilespmem:s1+$0x440] =	vst v20  }
0x34d: {  	s31 =	smov.u32 s26;
	s26 =	rddreg [dreg:$0x9];
	v20 =	vld [tilespmem:s10+$0x19D0];
	[tilespmem:s5+$0x870] =	vst v16  }
0x34e: {  	s12 =	smov.u32 s26;
	s26 =	smov.u32 s22;
	s22 =	smov.u32 s23;
	[tilespmem:s30+$0x10] =	vst v17;
	v16 =	vld [tilespmem:s9+$0x1A80]  }
0x34f: {  	[dreg:$0x9] =	wrdreg s22;
	s22 =	sadd.s32 $0x2, s6;
	v17 =	vld [tilespmem:s7+$0x1920];
	[tilespmem:s15+$0x860] =	vst v18  }
0x350: {  	s21 =	sadd.s32 $0x400, s21;
	[dreg:$0x5] =	wrdreg s12;
	s12 =	sand.u32 $0x7, s22;
	[tilespmem:s29+$0x440] =	vst v19  }
0x351: {  	s5 =	smov.u32 s1;
	s1 =	smov.u32 s11;
	s11 =	sshll.u32 s12, $0x7;
	v18 =	vld [tilespmem:s25+$0x1A70]  }
0x352: {  	s12 =	sadd.s32 s11, s21;
	[tilespmem:s1+$0x20] =	vst v21;
	v19 =	vld [tilespmem:s8+$0x19D0]  }
0x353: {  	s11 =	sor.u32 $0xC00, s12;
	v21 =	vld [tilespmem:s16+$0x1930];
	[tilespmem:s5+$0x450] =	vst v20  }
0x354: {  	v20 =	vld [tilespmem:s10+$0x19E0];
	[tilespmem:s11+$0x16380] =	vst v16  }
0x355: {  	[tilespmem:s30+$0x20] =	vst v17;
	v16 =	vld [tilespmem:s9+$0x1A90]  }
0x356: {  	v17 =	vld [tilespmem:s7+$0x1930];
	[tilespmem:s15+$0x870] =	vst v18;
	s15 =	smov.u32 s29  }
0x357: {  	[tilespmem:s15+$0x450] =	vst v19  }
0x358: {  	v18 =	vld [tilespmem:s25+$0x1A80]  }
0x359: {  	[tilespmem:s1+$0x30] =	vst v21;
	s29 =	smov.u32 s30;
	v19 =	vld [tilespmem:s8+$0x19E0]  }
0x35a: {  	s30 =	smov.u32 s20;
	s20 =	smov.u32 s17;
	v21 =	vld [tilespmem:s16+$0x1940];
	[tilespmem:s5+$0x460] =	vst v20;
	s17 =	sor.u32 $0xC10, s12  }
0x35b: {  	v20 =	vld [tilespmem:s10+$0x19F0];
	[tilespmem:s17+$0x16380] =	vst v16  }
0x35c: {  	s23 =	rddreg [dreg:$0x1d];
	[tilespmem:s29+$0x30] =	vst v17  }
0x35d: {  	v17 =	vld [tilespmem:s7+$0x1940];
	[tilespmem:s23+$0x16380] =	vst v18;
	s23 =	sld [smem:$0x7DB]  }
0x35e: {  	v16 =	vld [tilespmem:s9+$0x1AA0];
	[tilespmem:s15+$0x460] =	vst v19  }
0x35f: {  	[tilespmem:s1+$0x40] =	vst v21;
	v18 =	vld [tilespmem:s25+$0x1A90]  }
0x360: {  	v21 =	vld [tilespmem:s16+$0x1950];
	s17 =	smov.u32 s23;
	s23 =	smov.u32 s14  }
0x361: {  	[tilespmem:s5+$0x470] =	vst v20;
	v19 =	vld [tilespmem:s8+$0x19F0];
	s14 =	smov.u32 s0;
	s0 =	smov.u32 s4;
	[dreg:$0x1d] =	wrdreg s17  }
0x362: {  	v20 =	vld [tilespmem:s10+$0x1A00];
	[tilespmem:s29+$0x40] =	vst v17;
	[smem:$0x7DB] =	sst s0;
	s17 =	sor.u32 $0xC20, s12  }
0x363: {  	s0 =	rddreg [dreg:$0x16];
	[tilespmem:s17+$0x16380] =	vst v16  }
0x364: {  	v17 =	vld [tilespmem:s7+$0x1950];
	[tilespmem:s0+$0x16380] =	vst v18  }
0x365: {  	s4 =	sld [smem:$0x7DC];
	v16 =	vld [tilespmem:s9+$0x1AB0];
	[tilespmem:s1+$0x50] =	vst v21  }
0x366: {  	[tilespmem:s15+$0x470] =	vst v19;
	v21 =	vld [tilespmem:s16+$0x1960]  }
0x367: {  	s6 =	sld [smem:$0x7D3];
	s17 =	smov.u32 s19;
	[tilespmem:s5+$0x800] =	vst v20;
	v18 =	vld [tilespmem:s25+$0x1AA0]  }
0x368: {  	s0 =	smov.u32 s4;
	[smem:$0x7DC] =	sst s17;
	v22 =	vld [tilespmem:s10+$0x1A10]  }
0x369: {  	[dreg:$0x16] =	wrdreg s0;
	s0 =	sor.u32 $0xC30, s12;
	v19 =	vld [tilespmem:s8+$0x1A00];
	[tilespmem:s29+$0x50] =	vst v17  }
0x36a: {  	s4 =	rddreg [dreg:$0x11];
	[tilespmem:s0+$0x16380] =	vst v16  }
0x36b: {  	s18 =	sadd.s32 $0x2, s18;
	s17 =	rddreg [dreg:$0x19];
	v17 =	vld [tilespmem:s9+$0x1AC0];
	[tilespmem:s1+$0x60] =	vst v21  }
0x36c: {  	p1 =	slt.u32 s18, $0x26;
	s19 =	smov.u32 s17;
	s17 =	sld [smem:$0x7D5];
	v23 =	vld [tilespmem:s7+$0x1960];
	[tilespmem:s4+$0x16380] =	vst v18  }
.Ltmp2:
0x36d: {  	s11 =	smov.u32 s28;
	s28 =	sld [smem:$0x7D4];
	v20 =	vld [tilespmem:s16+$0x1970];
	[tilespmem:s5+$0x810] =	vst v22;
	(pc) =	sbr.rel @p1 .LBB2_8-.Ltmp2, $4  }
0x36e: {  	[dreg:$0x11] =	wrdreg s19;
	[tilespmem:s15+$0x800] =	vst v19;
	v19 =	vld [tilespmem:s10+$0x1A20]  }
0x36f: {  	s19 =	smov.u32 s17;
	s17 =	sld [smem:$0x7D7];
	s0 =	sor.u32 $0xC40, s12;
	v16 =	vld [tilespmem:s25+$0x1AB0]  }
0x370: {  	[dreg:$0x19] =	wrdreg s19;
	v18 =	vld [tilespmem:s8+$0x1A10];
	[tilespmem:s0+$0x16380] =	vst v17  }
0x371: {  	s2 =	sadd.s32 $0x2, s2;
	s19 =	sld [smem:$0x7D6];
	[tilespmem:s29+$0x60] =	vst v23;
	v17 =	vld [tilespmem:s9+$0x1AD0]  }
0x372: {  	v21 =	vld [tilespmem:s7+$0x1970];
	[tilespmem:s1+$0x70] =	vst v20  }
0x373: {  	v20 =	vld [tilespmem:s16+$0x1980];
	_ =	sdelay $0x3  }
0x374: {  	[tilespmem:s29+$0x70] =	vst v21  }
0x375: {  	v21 =	vld [tilespmem:s7+$0x1980];
	[tilespmem:s1+$0x400] =	vst v20  }
0x376: {  	v20 =	vld [tilespmem:s16+$0x1990];
	_ =	sdelay $0x3  }
0x377: {  	[tilespmem:s29+$0x400] =	vst v21  }
0x378: {  	v21 =	vld [tilespmem:s7+$0x1990];
	[tilespmem:s1+$0x410] =	vst v20  }
0x379: {  	v20 =	vld [tilespmem:s16+$0x19A0];
	_ =	sdelay $0x3  }
0x37a: {  	[tilespmem:s29+$0x410] =	vst v21  }
0x37b: {  	v21 =	vld [tilespmem:s7+$0x19A0];
	[tilespmem:s1+$0x420] =	vst v20  }
0x37c: {  	v20 =	vld [tilespmem:s16+$0x19B0];
	_ =	sdelay $0x3  }
0x37d: {  	[tilespmem:s29+$0x420] =	vst v21  }
0x37e: {  	v21 =	vld [tilespmem:s7+$0x19B0];
	[tilespmem:s1+$0x430] =	vst v20  }
0x37f: {  	v20 =	vld [tilespmem:s16+$0x19C0];
	_ =	sdelay $0x3  }
0x380: {  	[tilespmem:s29+$0x430] =	vst v21  }
0x381: {  	v21 =	vld [tilespmem:s7+$0x19C0];
	[tilespmem:s1+$0x440] =	vst v20  }
0x382: {  	v20 =	vld [tilespmem:s16+$0x19D0];
	_ =	sdelay $0x3  }
0x383: {  	[tilespmem:s29+$0x440] =	vst v21  }
0x384: {  	v21 =	vld [tilespmem:s7+$0x19D0];
	[tilespmem:s1+$0x450] =	vst v20  }
0x385: {  	v20 =	vld [tilespmem:s16+$0x19E0];
	_ =	sdelay $0x3  }
0x386: {  	[tilespmem:s29+$0x450] =	vst v21  }
0x387: {  	v21 =	vld [tilespmem:s7+$0x19E0];
	[tilespmem:s1+$0x460] =	vst v20  }
0x388: {  	v20 =	vld [tilespmem:s16+$0x19F0];
	_ =	sdelay $0x3  }
0x389: {  	[tilespmem:s29+$0x460] =	vst v21  }
0x38a: {  	v21 =	vld [tilespmem:s7+$0x19F0];
	[tilespmem:s1+$0x470] =	vst v20  }
0x38b: {  	v20 =	vld [tilespmem:s16+$0x1A00];
	_ =	sdelay $0x3  }
0x38c: {  	[tilespmem:s29+$0x470] =	vst v21  }
0x38d: {  	v21 =	vld [tilespmem:s7+$0x1A00];
	[tilespmem:s1+$0x800] =	vst v20  }
0x38e: {  	v20 =	vld [tilespmem:s16+$0x1A10];
	_ =	sdelay $0x3  }
0x38f: {  	[tilespmem:s29+$0x800] =	vst v21  }
0x390: {  	v21 =	vld [tilespmem:s7+$0x1A10];
	[tilespmem:s1+$0x810] =	vst v20  }
0x391: {  	v54 =	vld [tilespmem:s16+$0x1A20]  }
0x392: {  	[tilespmem:s15+$0x810] =	vst v18  }
0x393: {  	v55 =	vld [tilespmem:s8+$0x1A20]  }
0x394: {  	[tilespmem:s5+$0x820] =	vst v19  }
0x395: {  	v19 =	vld [tilespmem:s10+$0x1A30];
	[tilespmem:s29+$0x810] =	vst v21  }
0x396: {  	v21 =	vld [tilespmem:s7+$0x1A20];
	[tilespmem:s1+$0x820] =	vst v54  }
0x397: {  	v18 =	vld [tilespmem:s16+$0x1A30]  }
0x398: {  	[tilespmem:s15+$0x820] =	vst v55  }
0x399: {  	v20 =	vld [tilespmem:s8+$0x1A30]  }
0x39a: {  	[tilespmem:s5+$0x830] =	vst v19  }
0x39b: {  	v19 =	vld [tilespmem:s10+$0x1A40];
	[tilespmem:s29+$0x820] =	vst v21  }
0x39c: {  	v21 =	vld [tilespmem:s7+$0x1A30];
	[tilespmem:s1+$0x830] =	vst v18  }
0x39d: {  	v18 =	vld [tilespmem:s16+$0x1A40]  }
0x39e: {  	[tilespmem:s15+$0x830] =	vst v20  }
0x39f: {  	v20 =	vld [tilespmem:s8+$0x1A40]  }
0x3a0: {  	[tilespmem:s5+$0x840] =	vst v19  }
0x3a1: {  	v19 =	vld [tilespmem:s10+$0x1A50];
	[tilespmem:s29+$0x830] =	vst v21  }
0x3a2: {  	v21 =	vld [tilespmem:s7+$0x1A40];
	[tilespmem:s1+$0x840] =	vst v18  }
0x3a3: {  	v18 =	vld [tilespmem:s16+$0x1A50]  }
0x3a4: {  	[tilespmem:s15+$0x840] =	vst v20  }
0x3a5: {  	v20 =	vld [tilespmem:s8+$0x1A50]  }
0x3a6: {  	[tilespmem:s5+$0x850] =	vst v19  }
0x3a7: {  	v19 =	vld [tilespmem:s10+$0x1A60];
	[tilespmem:s29+$0x840] =	vst v21  }
0x3a8: {  	v21 =	vld [tilespmem:s7+$0x1A50];
	[tilespmem:s1+$0x850] =	vst v18  }
0x3a9: {  	v18 =	vld [tilespmem:s16+$0x1A60]  }
0x3aa: {  	[tilespmem:s15+$0x850] =	vst v20  }
0x3ab: {  	v20 =	vld [tilespmem:s8+$0x1A60]  }
0x3ac: {  	[tilespmem:s5+$0x860] =	vst v19  }
0x3ad: {  	v19 =	vld [tilespmem:s10+$0x1A70];
	[tilespmem:s29+$0x850] =	vst v21  }
0x3ae: {  	v21 =	vld [tilespmem:s7+$0x1A60];
	[tilespmem:s1+$0x860] =	vst v18  }
0x3af: {  	v18 =	vld [tilespmem:s16+$0x1A70]  }
0x3b0: {  	[tilespmem:s15+$0x860] =	vst v20  }
0x3b1: {  	v20 =	vld [tilespmem:s8+$0x1A70]  }
0x3b2: {  	[tilespmem:s5+$0x870] =	vst v19  }
0x3b3: {  	s2 =	sadd.s32 $0x2, s22;
	v19 =	vld [tilespmem:s10+$0x1A80];
	[tilespmem:s29+$0x860] =	vst v21  }
0x3b4: {  	s18 =	sand.u32 $0x7, s2;
	v21 =	vld [tilespmem:s7+$0x1A70];
	[tilespmem:s1+$0x870] =	vst v18  }
0x3b5: {  	s3 =	sadd.s32 $0x400, s21;
	s2 =	sadd.s32 $0x2, s2;
	s1 =	sshll.u32 s18, $0x7;
	v18 =	vld [tilespmem:s16+$0x1A80]  }
0x3b6: {  	s2 =	sand.u32 $0x7, s2;
	[tilespmem:s15+$0x870] =	vst v20;
	s1 =	sadd.s32 s1, s3  }
0x3b7: {  	s2 =	sshll.u32 s2, $0x7;
	v20 =	vld [tilespmem:s8+$0x1A80];
	s3 =	sadd.s32 $0x400, s3;
	s4 =	sor.u32 $0xC00, s1  }
0x3b8: {  	s2 =	sadd.s32 s2, s3;
	[tilespmem:s4+$0x16380] =	vst v19  }
0x3b9: {  	s3 =	sor.u32 $0xC00, s2;
	[tilespmem:s29+$0x870] =	vst v21  }
0x3ba: {  	v19 =	vld [tilespmem:s10+$0x1A90];
	[tilespmem:s3+$0x16380] =	vst v18  }
0x3bb: {  	v21 =	vld [tilespmem:s7+$0x1A80];
	s0 =	rddreg [dreg:$0x1d]  }
0x3bc: {  	v18 =	vld [tilespmem:s16+$0x1A90];
	[tilespmem:s0+$0x16380] =	vst v20  }
0x3bd: {  	s0 =	sld [smem:$0x7DB]  }
0x3be: {  	s22 =	sor.u32 $0xC10, s1;
	v20 =	vld [tilespmem:s8+$0x1A90]  }
0x3bf: {  	[tilespmem:s22+$0x16380] =	vst v19  }
0x3c0: {  	s24 =	sor.u32 $0xC10, s2;
	[tilespmem:s0+$0x16380] =	vst v21  }
0x3c1: {  	v19 =	vld [tilespmem:s10+$0x1AA0];
	[tilespmem:s24+$0x16380] =	vst v18  }
0x3c2: {  	v21 =	vld [tilespmem:s7+$0x1A90];
	s0 =	rddreg [dreg:$0x16]  }
0x3c3: {  	v18 =	vld [tilespmem:s16+$0x1AA0];
	[tilespmem:s0+$0x16380] =	vst v20  }
0x3c4: {  	s0 =	sld [smem:$0x7DC]  }
0x3c5: {  	s29 =	sor.u32 $0xC20, s1;
	v20 =	vld [tilespmem:s8+$0x1AA0]  }
0x3c6: {  	[tilespmem:s29+$0x16380] =	vst v19  }
0x3c7: {  	v19 =	vld [tilespmem:s10+$0x1AB0];
	[tilespmem:s0+$0x16380] =	vst v21;
	s0 =	sor.u32 $0xC20, s2  }
0x3c8: {  	[tilespmem:s0+$0x16380] =	vst v18  }
0x3c9: {  	v21 =	vld [tilespmem:s7+$0x1AA0];
	s0 =	rddreg [dreg:$0x11]  }
0x3ca: {  	v18 =	vld [tilespmem:s16+$0x1AB0];
	[tilespmem:s0+$0x16380] =	vst v20  }
0x3cb: {  	s4 =	sor.u32 $0xC30, s1;
	v20 =	vld [tilespmem:s8+$0x1AB0]  }
0x3cc: {  	s0 =	rddreg [dreg:$0x19];
	[tilespmem:s4+$0x16380] =	vst v19  }
0x3cd: {  	[tilespmem:s6+$0x16380] =	vst v16;
	v16 =	vld [tilespmem:s10+$0x1AC0]  }
0x3ce: {  	s5 =	sor.u32 $0xC30, s2;
	v56 =	vld [tilespmem:s25+$0x1AC0];
	[tilespmem:s0+$0x16380] =	vst v21  }
0x3cf: {  	v21 =	vld [tilespmem:s7+$0x1AB0];
	[tilespmem:s5+$0x16380] =	vst v18  }
0x3d0: {  	s6 =	sor.u32 $0xC50, s12;
	v57 =	vld [tilespmem:s16+$0x1AC0];
	[tilespmem:s28+$0x16380] =	vst v20  }
0x3d1: {  	s13 =	sor.u32 $0xC40, s1;
	[tilespmem:s6+$0x16380] =	vst v17;
	v20 =	vld [tilespmem:s8+$0x1AC0]  }
0x3d2: {  	[tilespmem:s13+$0x16380] =	vst v16;
	v16 =	vld [tilespmem:s9+$0x1AE0]  }
0x3d3: {  	[tilespmem:s17+$0x16380] =	vst v56;
	v58 =	vld [tilespmem:s10+$0x1AD0]  }
0x3d4: {  	v59 =	vld [tilespmem:s25+$0x1AD0];
	[tilespmem:s14+$0x16380] =	vst v21;
	s14 =	sor.u32 $0xC40, s2  }
0x3d5: {  	v17 =	vld [tilespmem:s7+$0x1AC0];
	[tilespmem:s14+$0x16380] =	vst v57  }
0x3d6: {  	s15 =	sor.u32 $0xC60, s12;
	v60 =	vld [tilespmem:s16+$0x1AD0];
	[tilespmem:s26+$0x16380] =	vst v20  }
0x3d7: {  	s17 =	sor.u32 $0xC50, s1;
	[tilespmem:s15+$0x16380] =	vst v16  }
0x3d8: {  	[tilespmem:s17+$0x16380] =	vst v58  }
0x3d9: {  	[tilespmem:s20+$0x16380] =	vst v59  }
0x3da: {  	s18 =	sor.u32 $0xC50, s2;
	[tilespmem:s23+$0x16380] =	vst v17;
	v17 =	vld [tilespmem:s8+$0x1AD0]  }
0x3db: {  	[tilespmem:s18+$0x16380] =	vst v60  }
0x3dc: {  	s0 =	sld [smem:$0x7DA]  }
0x3dd: {  	v61 =	vld [tilespmem:s9+$0x1AF0]  }
0x3de: {  	v16 =	vld [tilespmem:s7+$0x1AD0]  }
0x3df: {  	v18 =	vld [tilespmem:s10+$0x1AE0];
	[tilespmem:s0+$0x16380] =	vst v17  }
0x3e0: {  	v19 =	vld [tilespmem:s25+$0x1AE0];
	s0 =	sld [smem:$0x7DD]  }
0x3e1: {  	s20 =	sor.u32 $0xC70, s12;
	v17 =	vld [tilespmem:s16+$0x1AE0]  }
0x3e2: {  	[tilespmem:s20+$0x16380] =	vst v61  }
0x3e3: {  	s21 =	sor.u32 $0xC60, s1;
	[tilespmem:s0+$0x16380] =	vst v16;
	v16 =	vld [tilespmem:s8+$0x1AE0]  }
0x3e4: {  	[tilespmem:s21+$0x16380] =	vst v18  }
0x3e5: {  	s22 =	sor.u32 $0xC60, s2;
	[tilespmem:s31+$0x16380] =	vst v19;
	v62 =	vld [tilespmem:s7+$0x1AE0]  }
0x3e6: {  	[tilespmem:s22+$0x16380] =	vst v17  }
0x3e7: {  	s0 =	rddreg [dreg:$0x5]  }
0x3e8: {  	v18 =	vld [tilespmem:s10+$0x1AF0];
	[tilespmem:s0+$0x16380] =	vst v16  }
0x3e9: {  	v63 =	vld [tilespmem:s19+$0x1AF0];
	s0 =	rddreg [dreg:$0x9]  }
0x3ea: {  	v19 =	vld [tilespmem:s25+$0x1AF0];
	[tilespmem:s0+$0x16380] =	vst v62  }
0x3eb: {  	v16 =	vld [tilespmem:s16+$0x1AF0];
	s0 =	sld [smem:$0x7D9]  }
0x3ec: {  	s23 =	sor.u32 $0xC70, s1;
	v17 =	vld [tilespmem:s8+$0x1AF0]  }
0x3ed: {  	[tilespmem:s23+$0x16380] =	vst v18  }
0x3ee: {  	v20 =	vld [tilespmem:s7+$0x1AF0];
	[tilespmem:s0+$0x16380] =	vst v63  }
0x3ef: {  	s24 =	sor.u32 $0xC70, s2;
	s0 =	sld [smem:$0x7D8];
	[tilespmem:s30+$0x16380] =	vst v19  }
0x3f0: {  	[tilespmem:s24+$0x16380] =	vst v16  }
0x3f1: {  	s1 =	sld [smem:$0x7F9];
	[tilespmem:s11+$0x16380] =	vst v17  }
0x3f2: {  	s25 =	rddreg [dreg:$0xb]  }
0x3f3: {  	[tilespmem:s25+$0x16380] =	vst v20  }
0x3f4: {  	s30 =	sld [smem:$0x7E2]  }
0x3f5: {  	s0 =	smul.u32 $0x28, s0;
	_ =	sdelay $0x1  }
0x3f6: {  	s0 =	sadd.s32 s1, s0;
	s1 =	sadd.s32 $0x1, s30  }
0x3f7: {  	s29 =	simm.s32 $0x16380;
	s26 =	rddreg [dreg:$0x1];
	p1 =	sne.s32 s1, $0x5  }
.Ltmp3:
0x3f8: {  	s31 =	sld [smem:$0x7F0];
	s0 =	sshll.u32 s0, $0x6;
	(pc) =	sbr.rel @p1 .LBB2_5-.Ltmp3, $4  }
0x3f9: {  	s28 =	simm.s32 $0x0;
	s6 =	sld [smem:$0x7E5];
	s0 =	sadd.s32 s26, s0  }
0x3fa: {  	[hbm4b:s0+s28] =	stream.linear.scatter [tilespmem:s29], [sflag:$0x3], $0x5000, $0x38;
	[tilespmem:$0x1B380] =	vst v63  }
0x3fb: {  	s0 =	sadd.s32 $0x50, s31  }
0x3fc: {  	s6 =	sadd.s32 $0x50, s6;
	[smem:$0x7F0] =	sst s0  }
0x3fd: {  	s0 =	simm.s32 $0x80  }
0x3fe: {  	s1 =	simm.s32 $0x0;
	v16 =	vor.u32 s0, v0  }
0x3ff: {  	s2 =	simm.s32 $0x1;
	v17 =	vor.u32 s1, v0  }
0x400: {  	_ =	swait.ge [sflag:s2], $0xC80;
	v18 =	vor.u32 s1, v1  }
0x401: {  	v19 =	vor.u32 s1, v2;
	[sflag:s2] =	ssyncset.done $0x0  }
0x402: {  	s6 =	simm.s32 $0xC80;
	v20 =	vor.u32 s1, v3;
	[sflag:s2] =	ssyncadd.s32 $0xFFFFF380  }
0x403: {  	v21 =	vor.u32 s1, v4;
	v22 =	vld.idx.msk [tilespmem:v16+s6+$0x0], $0xffff  }
0x404: {  	v23 =	vor.u32 s1, v6;
	v16 =	vld.idx.msk [tilespmem:v17+s6+$0x0], $0xffff  }
0x405: {  	v24 =	vor.u32 s1, v7;
	v18 =	vld.idx.msk [tilespmem:v18+s6+$0x0], $0xffff  }
0x406: {  	v25 =	vor.u32 s0, v1;
	v19 =	vld.idx.msk [tilespmem:v19+s6+$0x0], $0xffff  }
0x407: {  	v26 =	vor.u32 s0, v2;
	v20 =	vld.idx.msk [tilespmem:v20+s6+$0x0], $0xffff  }
0x408: {  	v27 =	vor.u32 s0, v3;
	v21 =	vld.idx.msk [tilespmem:v21+s6+$0x0], $0xffff  }
0x409: {  	v28 =	vor.u32 s0, v4;
	v23 =	vld.idx.msk [tilespmem:v23+s6+$0x0], $0xffff  }
0x40a: {  	v29 =	vor.u32 s0, v5;
	v24 =	vld.idx.msk [tilespmem:v24+s6+$0x0], $0xffff  }
0x40b: {  	v30 =	vor.u32 s0, v6;
	v25 =	vld.idx.msk [tilespmem:v25+s6+$0x0], $0xffff  }
0x40c: {  	v17 =	vor.u32 s1, v5;
	v26 =	vld.idx.msk [tilespmem:v26+s6+$0x0], $0xffff  }
0x40d: {  	s30 =	simm.s32 $0x100;
	v31 =	vor.u32 s0, v7;
	v27 =	vld.idx.msk [tilespmem:v27+s6+$0x0], $0xffff  }
0x40e: {  	s29 =	simm.s32 $0x180;
	v33 =	vor.u32 s30, v0;
	v28 =	vld.idx.msk [tilespmem:v28+s6+$0x0], $0xffff  }
0x40f: {  	v32 =	vor.u32 s29, v0;
	v29 =	vld.idx.msk [tilespmem:v29+s6+$0x0], $0xffff  }
0x410: {  	v34 =	vor.u32 s30, v1;
	v30 =	vld.idx.msk [tilespmem:v30+s6+$0x0], $0xffff  }
0x411: {  	v35 =	vor.u32 s30, v2;
	v17 =	vld.idx.msk [tilespmem:v17+s6+$0x0], $0xffff  }
0x412: {  	v31 =	vld.idx.msk [tilespmem:v31+s6+$0x0], $0xffff;
	v16 =	vmax.f32 v16, v18;
	v18 =	vor.u32 s30, v3  }
0x413: {  	v36 =	vor.u32 s30, v4;
	v33 =	vld.idx.msk [tilespmem:v33+s6+$0x0], $0xffff;
	v19 =	vmax.f32 v16, v19  }
0x414: {  	v61 =	vor.u32 s29, v1;
	v16 =	vld.idx.msk [tilespmem:v32+s6+$0x0], $0xffff;
	v19 =	vmax.f32 v19, v20;
	v20 =	vor.u32 s30, v5  }
0x415: {  	v19 =	vmax.f32 v19, v21;
	v21 =	vmax.f32 v22, v25;
	v22 =	vld.idx.msk [tilespmem:v34+s6+$0x0], $0xffff;
	v25 =	vor.u32 s30, v6  }
0x416: {  	v17 =	vmax.f32 v19, v17;
	v19 =	vmax.f32 v21, v26;
	v21 =	vld.idx.msk [tilespmem:v35+s6+$0x0], $0xffff;
	v26 =	vor.u32 s30, v7  }
0x417: {  	v62 =	vor.u32 s29, v2;
	v63 =	vld.idx.msk [tilespmem:v18+s6+$0x0], $0xffff;
	v23 =	vmax.f32 v17, v23;
	v19 =	vmax.f32 v19, v27  }
0x418: {  	v18 =	vor.u32 s29, v4;
	v27 =	vld.idx.msk [tilespmem:v36+s6+$0x0], $0xffff;
	v23 =	vmax.f32 v23, v24;
	v19 =	vmax.f32 v19, v28  }
0x419: {  	s31 =	sld [smem:$0x7EC];
	v17 =	vor.u32 s29, v3;
	v24 =	vtrunc.f32 v23;
	v28 =	vmax.f32 v19, v29;
	v23 =	vld.idx.msk [tilespmem:v20+s6+$0x0], $0xffff  }
0x41a: {  	s1 =	sld [smem:$0x7F4];
	v19 =	vor.u32 s29, v5;
	v29 =	vcvt.f32.s32 v24;
	v28 =	vmax.f32 v28, v30;
	v24 =	vld.idx.msk [tilespmem:v25+s6+$0x0], $0xffff  }
0x41b: {  	v20 =	vor.u32 s29, v6;
	v22 =	vmax.f32 v33, v22;
	v28 =	vmax.f32 v28, v31;
	v25 =	vld.idx.msk [tilespmem:v26+s6+$0x0], $0xffff  }
0x41c: {  	s3 =	simm.s32 $0x2;
	v30 =	vmax.f32 v22, v21;
	v26 =	vld.idx.msk [tilespmem:v61+s6+$0x0], $0xffff;
	v29 =	vshll.u32 v29, $0x9;
	v28 =	vtrunc.f32 v28  }
0x41d: {  	s4 =	simm.s32 $0x280;
	s0 =	sor.u32 $0x1, s31;
	s2 =	smov.u32 s1;
	v22 =	vor.u32 s29, v7;
	[tilespmem:s1+$0xFFFFFFF0] =	vst v29;
	v21 =	vcvt.f32.s32 v28;
	v29 =	vmax.f32 v30, v63;
	v28 =	vld.idx.msk [tilespmem:v62+s6+$0x0], $0xffff  }
.LBB2_11:
0x41e: {  	s5 =	sadd.s32 $0xFFFFFF80, s4;
	v30 =	vor.u32 s4, v0;
	v31 =	vor.u32 s4, v1;
	v27 =	vmax.f32 v29, v27;
	v29 =	vld.idx.msk [tilespmem:v17+s6+$0x0], $0xffff  }
0x41f: {  	v33 =	vor.u32 s4, v2;
	s3 =	sadd.s32 $0x2, s3;
	v32 =	vor.u32 s5, v0;
	v23 =	vmax.f32 v27, v23;
	v27 =	vld.idx.msk [tilespmem:v18+s6+$0x0], $0xffff  }
0x420: {  	v17 =	vor.u32 s4, v3;
	v34 =	vor.u32 s5, v1;
	p1 =	slt.u32 s3, $0x16;
	v23 =	vmax.f32 v23, v24;
	v24 =	vld.idx.msk [tilespmem:v19+s6+$0x0], $0xffff  }
0x421: {  	v35 =	vor.u32 s5, v2;
	v18 =	vor.u32 s4, v4;
	v23 =	vmax.f32 v23, v25;
	v25 =	vld.idx.msk [tilespmem:v20+s6+$0x0], $0xffff  }
0x422: {  	v36 =	vor.u32 s5, v3;
	v19 =	vor.u32 s4, v5;
	v23 =	vtrunc.f32 v23;
	v37 =	vld.idx.msk [tilespmem:v22+s6+$0x0], $0xffff  }
0x423: {  	v38 =	vor.u32 s5, v4;
	v20 =	vor.u32 s4, v6;
	v30 =	vld.idx.msk [tilespmem:v30+s6+$0x0], $0xffff;
	v23 =	vcvt.f32.s32 v23  }
0x424: {  	v39 =	vor.u32 s5, v5;
	v16 =	vmax.f32 v16, v26;
	v22 =	vor.u32 s4, v7;
	v32 =	vld.idx.msk [tilespmem:v32+s6+$0x0], $0xffff  }
0x425: {  	s2 =	sadd.s32 $0x20, s2;
	v16 =	vmax.f32 v16, v28;
	v26 =	vld.idx.msk [tilespmem:v34+s6+$0x0], $0xffff;
	v34 =	vor.u32 s5, v6;
	v23 =	vshll.u32 v23, $0x9  }
0x426: {  	v21 =	vshll.u32 v21, $0x9;
	v16 =	vmax.f32 v16, v29;
	v28 =	vld.idx.msk [tilespmem:v35+s6+$0x0], $0xffff;
	v35 =	vor.u32 s5, v7;
	[tilespmem:s2+$0xFFFFFFF0] =	vst v23  }
0x427: {  	v29 =	vld.idx.msk [tilespmem:v36+s6+$0x0], $0xffff;
	v36 =	vmax.f32 v16, v27;
	[tilespmem:s1+$0x0] =	vst v21;
	s1 =	smov.u32 s2  }
0x428: {  	v27 =	vld.idx.msk [tilespmem:v38+s6+$0x0], $0xffff;
	v24 =	vmax.f32 v36, v24  }
.Ltmp4:
0x429: {  	v16 =	vmov v30;
	v23 =	vld.idx.msk [tilespmem:v39+s6+$0x0], $0xffff;
	v21 =	vmax.f32 v24, v25;
	(pc) =	sbr.rel @p1 .LBB2_11-.Ltmp4, $4  }
0x42a: {  	v24 =	vld.idx.msk [tilespmem:v34+s6+$0x0], $0xffff;
	v21 =	vmax.f32 v21, v37  }
0x42b: {  	v26 =	vmax.f32 v32, v26;
	v25 =	vld.idx.msk [tilespmem:v35+s6+$0x0], $0xffff;
	v21 =	vtrunc.f32 v21  }
0x42c: {  	v28 =	vmax.f32 v26, v28;
	v26 =	vld.idx.msk [tilespmem:v31+s6+$0x0], $0xffff;
	v21 =	vcvt.f32.s32 v21  }
0x42d: {  	s4 =	sadd.s32 $0x100, s4;
	v29 =	vmax.f32 v28, v29;
	v28 =	vld.idx.msk [tilespmem:v33+s6+$0x0], $0xffff  }
0x42e: {  	_ =	sdelay $0x3  }
0x42f: {  	v17 =	vld.idx.msk [tilespmem:v17+s6+$0x0], $0xffff  }
0x430: {  	v18 =	vld.idx.msk [tilespmem:v18+s6+$0x0], $0xffff  }
0x431: {  	v19 =	vld.idx.msk [tilespmem:v19+s6+$0x0], $0xffff  }
0x432: {  	v20 =	vld.idx.msk [tilespmem:v20+s6+$0x0], $0xffff;
	v16 =	vmax.f32 v16, v26  }
0x433: {  	v58 =	vmax.f32 v29, v27;
	v22 =	vld.idx.msk [tilespmem:v22+s6+$0x0], $0xffff;
	v16 =	vmax.f32 v16, v28  }
0x434: {  	v23 =	vmax.f32 v58, v23;
	v16 =	vmax.f32 v16, v17  }
0x435: {  	v17 =	vmax.f32 v23, v24;
	v16 =	vmax.f32 v16, v18  }
0x436: {  	v17 =	vmax.f32 v17, v25;
	v16 =	vmax.f32 v16, v19  }
0x437: {  	v17 =	vtrunc.f32 v17;
	v16 =	vmax.f32 v16, v20  }
0x438: {  	v17 =	vcvt.f32.s32 v17;
	v16 =	vmax.f32 v16, v22  }
0x439: {  	v16 =	vtrunc.f32 v16  }
0x43a: {  	s2 =	sadd.s32 $0x20, s2;
	v17 =	vshll.u32 v17, $0x9;
	v16 =	vcvt.f32.s32 v16  }
0x43b: {  	[tilespmem:s2+$0xFFFFFFF0] =	vst v17;
	v17 =	vshll.u32 v21, $0x9  }
0x43c: {  	[tilespmem:s1+$0x0] =	vst v17;
	v16 =	vshll.u32 v16, $0x9  }
0x43d: {  	[tilespmem:s2+$0x0] =	vst v16  }
0x43e: {  	v16 =	vld.idx.msk [tilespmem:v8+s6+$0x0], $0xffff  }
0x43f: {  	v17 =	vld.idx.msk [tilespmem:v9+s6+$0x0], $0xffff  }
0x440: {  	v59 =	vld.idx.msk [tilespmem:v10+s6+$0x0], $0xffff  }
0x441: {  	v60 =	vld.idx.msk [tilespmem:v11+s6+$0x0], $0xffff  }
0x442: {  	v61 =	vld.idx.msk [tilespmem:v12+s6+$0x0], $0xffff  }
0x443: {  	v62 =	vld.idx.msk [tilespmem:v13+s6+$0x0], $0xffff  }
0x444: {  	v16 =	vmax.f32 v16, v17;
	v17 =	vld.idx.msk [tilespmem:v14+s6+$0x0], $0xffff  }
0x445: {  	v63 =	vld.idx.msk [tilespmem:v15+s6+$0x0], $0xffff;
	s1 =	sld [smem:$0x7F8];
	v16 =	vmax.f32 v16, v59  }
0x446: {  	v16 =	vmax.f32 v16, v60  }
0x447: {  	v16 =	vmax.f32 v16, v61  }
0x448: {  	s3 =	smul.u32 $0x190, s0;
	s1 =	sor.u32 @!p0 s1, s0;
	v16 =	vmax.f32 v16, v62  }
0x449: {  	s30 =	smul.u32 $0xA, s0;
	s1 =	sadd.s32 @!p0 $0x2, s1;
	v16 =	vmax.f32 v16, v17  }
0x44a: {  	s29 =	sand.u32 $0x3FF0, s3;
	s31 =	sld [smem:$0x7F6];
	s2 =	sshrl.u32 @!p0 s1, $0x3;
	v16 =	vmax.f32 v16, v63  }
0x44b: {  	s3 =	sld [smem:$0x7FA];
	s1 =	sshll.u32 @!p0 s1, $0x7;
	s2 =	smul.u32 @!p0 $0x6400, s2;
	v16 =	vtrunc.f32 v16  }
0x44c: {  	[smem:$0x7D1] =	sst s30;
	s1 =	sand.u32 @!p0 $0x380, s1;
	v16 =	vcvt.f32.s32 v16  }
0x44d: {  	s4 =	simm.s32 @!p0 $0xC80;
	[smem:$0x7D2] =	sst s31;
	s1 =	sor.u32 @!p0 s1, s2  }
0x44e: {  	s25 =	simm.s32 $0x0;
	s6 =	sld [smem:$0x7F5];
	s1 =	sshrl.u32 @!p0 s1, $0x3;
	v16 =	vshll.u32 v16, $0x9  }
0x44f: {  	s2 =	simm.s32 @!p0 $0x80;
	s1 =	sadd.s32 @!p0 s3, s1;
	s3 =	simm.s32 @!p0 $0x400;
	[tilespmem:s29+$0xE280] =	vst v16  }
0x450: {  	[tilespmem:s4], [sflag:$0x1] =	stream.strided.gather @!p0 [hbm4b:s1+s2], $0xC80, s3, s2, $0x38;
	[tilespmem:$0x1B380] =	vst v63  }
.LBB2_13:
0x451: {  	s0 =	simm.s32 $0x3  }
0x452: {  	_ =	swait.ge [sflag:s0], $0x5000  }
0x453: {  	[sflag:s0] =	ssyncset.done $0x0  }
0x454: {  	[sflag:s0] =	ssyncadd.s32 $0xFFFFB000  }
0x455: {  	v16 =	vld [tilespmem:s6+$0x0];
	_ =	sdelay $0x4  }
0x456: {  	(v2sf) =	vpush v16, $0x0;
	v16 =	vld [tilespmem:s6+$0xFFFFFFFF];
	_ =	sdelay $0x4  }
0x457: {  	(v2sf) =	vpush v16, $0x0;
	_ =	sdelay $0x9  }
0x458: {  	s0 =	spop (v2sf)  }
0x459: {  	v16 =	vld [tilespmem:s0+$0x1900]  }
0x45a: {  	s11 =	simm.s32 $0x0  }
0x45b: {  	s1 =	simm.s32 $0x80;
	s2 =	sand.u32 $0x7000, s11  }
0x45c: {  	s1 =	sand.u32 $0x380, s1;
	s2 =	sadd.s32 $0x11380, s2  }
0x45d: {  	s4 =	sadd.s32 s1, s2;
	s22 =	spop (v2sf)  }
0x45e: {  	[tilespmem:s4+$0x0] =	vst v16;
	v17 =	vld [tilespmem:s22+$0x1900]  }
0x45f: {  	v16 =	vld [tilespmem:s0+$0x1910]  }
0x460: {  	s20 =	simm.s32 $0x0  }
0x461: {  	s1 =	sand.u32 $0x300, s20  }
0x462: {  	s3 =	sadd.s32 s1, s2  }
0x463: {  	[tilespmem:s3+$0x0] =	vst v17  }
0x464: {  	[tilespmem:s4+$0x10] =	vst v16;
	v17 =	vld [tilespmem:s22+$0x1910]  }
0x465: {  	v16 =	vld [tilespmem:s0+$0x1920];
	_ =	sdelay $0x3  }
0x466: {  	[tilespmem:s3+$0x10] =	vst v17  }
0x467: {  	[tilespmem:s4+$0x20] =	vst v16;
	v17 =	vld [tilespmem:s22+$0x1920]  }
0x468: {  	v16 =	vld [tilespmem:s0+$0x1930];
	_ =	sdelay $0x3  }
0x469: {  	[tilespmem:s3+$0x20] =	vst v17  }
0x46a: {  	[tilespmem:s4+$0x30] =	vst v16;
	v17 =	vld [tilespmem:s22+$0x1930]  }
0x46b: {  	v16 =	vld [tilespmem:s0+$0x1940];
	_ =	sdelay $0x3  }
0x46c: {  	[tilespmem:s3+$0x30] =	vst v17  }
0x46d: {  	[tilespmem:s4+$0x40] =	vst v16;
	v17 =	vld [tilespmem:s22+$0x1940]  }
0x46e: {  	v16 =	vld [tilespmem:s0+$0x1950];
	_ =	sdelay $0x3  }
0x46f: {  	[tilespmem:s3+$0x40] =	vst v17  }
0x470: {  	[tilespmem:s4+$0x50] =	vst v16;
	v17 =	vld [tilespmem:s22+$0x1950]  }
0x471: {  	v16 =	vld [tilespmem:s0+$0x1960];
	_ =	sdelay $0x3  }
0x472: {  	[tilespmem:s3+$0x50] =	vst v17  }
0x473: {  	[tilespmem:s4+$0x60] =	vst v16;
	v17 =	vld [tilespmem:s22+$0x1960]  }
0x474: {  	s5 =	sadd.s32 $0x2, s6;
	v16 =	vld [tilespmem:s0+$0x1970];
	[smem:$0x7C8] =	sst s6  }
0x475: {  	v18 =	vld [tilespmem:s5+$0x0];
	_ =	sdelay $0x3  }
0x476: {  	v19 =	vld [tilespmem:s5+$0xFFFFFFFF];
	[tilespmem:s3+$0x60] =	vst v17  }
0x477: {  	[tilespmem:s4+$0x70] =	vst v16;
	v17 =	vld [tilespmem:s22+$0x1970];
	(v2sf) =	vpush v18, $0x0  }
0x478: {  	v16 =	vld [tilespmem:s0+$0x1980];
	_ =	sdelay $0x3  }
0x479: {  	(v2sf) =	vpush v19, $0x0;
	[tilespmem:s3+$0x70] =	vst v17  }
0x47a: {  	[tilespmem:s4+$0x400] =	vst v16;
	v17 =	vld [tilespmem:s22+$0x1980]  }
0x47b: {  	v16 =	vld [tilespmem:s0+$0x1990];
	_ =	sdelay $0x3  }
0x47c: {  	[tilespmem:s3+$0x400] =	vst v17  }
0x47d: {  	[tilespmem:s4+$0x410] =	vst v16;
	v17 =	vld [tilespmem:s22+$0x1990]  }
0x47e: {  	v16 =	vld [tilespmem:s0+$0x19A0];
	_ =	sdelay $0x1  }
0x47f: {  	s10 =	spop (v2sf)  }
0x480: {  	v18 =	vld [tilespmem:s10+$0x1900]  }
0x481: {  	s21 =	simm.s32 $0x400;
	[tilespmem:s3+$0x410] =	vst v17  }
0x482: {  	s23 =	simm.s32 $0x180;
	s1 =	sand.u32 $0x7000, s21;
	[tilespmem:s4+$0x420] =	vst v16;
	v17 =	vld [tilespmem:s22+$0x19A0]  }
0x483: {  	s2 =	sand.u32 $0x380, s23;
	s1 =	sadd.s32 $0x11380, s1;
	v16 =	vld [tilespmem:s0+$0x19B0]  }
0x484: {  	s2 =	sadd.s32 s2, s1;
	s12 =	spop (v2sf)  }
0x485: {  	v19 =	vld [tilespmem:s12+$0x1900];
	[tilespmem:s2+$0x0] =	vst v18  }
0x486: {  	v18 =	vld [tilespmem:s10+$0x1910]  }
0x487: {  	s24 =	simm.s32 $0x100;
	[tilespmem:s3+$0x420] =	vst v17  }
0x488: {  	s6 =	sand.u32 $0x300, s24;
	[tilespmem:s4+$0x430] =	vst v16;
	v17 =	vld [tilespmem:s22+$0x19B0]  }
0x489: {  	s1 =	sadd.s32 s6, s1;
	v16 =	vld [tilespmem:s0+$0x19C0]  }
0x48a: {  	[tilespmem:s1+$0x0] =	vst v19  }
0x48b: {  	v19 =	vld [tilespmem:s12+$0x1910];
	[tilespmem:s2+$0x10] =	vst v18  }
0x48c: {  	v18 =	vld [tilespmem:s10+$0x1920]  }
0x48d: {  	[tilespmem:s3+$0x430] =	vst v17  }
0x48e: {  	[tilespmem:s4+$0x440] =	vst v16;
	v17 =	vld [tilespmem:s22+$0x19C0]  }
0x48f: {  	v16 =	vld [tilespmem:s0+$0x19D0]  }
0x490: {  	[tilespmem:s1+$0x10] =	vst v19  }
0x491: {  	v19 =	vld [tilespmem:s12+$0x1920];
	[tilespmem:s2+$0x20] =	vst v18  }
0x492: {  	v18 =	vld [tilespmem:s10+$0x1930]  }
0x493: {  	[tilespmem:s3+$0x440] =	vst v17  }
0x494: {  	[tilespmem:s4+$0x450] =	vst v16;
	v17 =	vld [tilespmem:s22+$0x19D0]  }
0x495: {  	v16 =	vld [tilespmem:s0+$0x19E0]  }
0x496: {  	[tilespmem:s1+$0x20] =	vst v19  }
0x497: {  	v19 =	vld [tilespmem:s12+$0x1930];
	[tilespmem:s2+$0x30] =	vst v18  }
0x498: {  	v18 =	vld [tilespmem:s10+$0x1940]  }
0x499: {  	[tilespmem:s3+$0x450] =	vst v17  }
0x49a: {  	[tilespmem:s4+$0x460] =	vst v16;
	v17 =	vld [tilespmem:s22+$0x19E0]  }
0x49b: {  	v16 =	vld [tilespmem:s0+$0x19F0]  }
0x49c: {  	[tilespmem:s1+$0x30] =	vst v19  }
0x49d: {  	v19 =	vld [tilespmem:s12+$0x1940];
	[tilespmem:s2+$0x40] =	vst v18  }
0x49e: {  	v18 =	vld [tilespmem:s10+$0x1950]  }
0x49f: {  	[tilespmem:s3+$0x460] =	vst v17  }
0x4a0: {  	[tilespmem:s4+$0x470] =	vst v16;
	v17 =	vld [tilespmem:s22+$0x19F0]  }
0x4a1: {  	v16 =	vld [tilespmem:s0+$0x1A00]  }
0x4a2: {  	[tilespmem:s1+$0x40] =	vst v19  }
0x4a3: {  	v19 =	vld [tilespmem:s12+$0x1950];
	[tilespmem:s2+$0x50] =	vst v18  }
0x4a4: {  	v18 =	vld [tilespmem:s10+$0x1960]  }
0x4a5: {  	[tilespmem:s3+$0x470] =	vst v17  }
0x4a6: {  	[tilespmem:s4+$0x800] =	vst v16;
	v17 =	vld [tilespmem:s22+$0x1A00]  }
0x4a7: {  	v16 =	vld [tilespmem:s0+$0x1A10]  }
0x4a8: {  	[tilespmem:s1+$0x50] =	vst v19  }
0x4a9: {  	v19 =	vld [tilespmem:s12+$0x1960];
	[tilespmem:s2+$0x60] =	vst v18  }
0x4aa: {  	s5 =	sadd.s32 $0x2, s5;
	v18 =	vld [tilespmem:s10+$0x1970]  }
0x4ab: {  	[tilespmem:s3+$0x800] =	vst v17;
	v17 =	vld [tilespmem:s5+$0x0]  }
0x4ac: {  	[tilespmem:s4+$0x810] =	vst v16;
	v20 =	vld [tilespmem:s22+$0x1A10]  }
0x4ad: {  	v16 =	vld [tilespmem:s0+$0x1A20];
	_ =	sdelay $0x1  }
0x4ae: {  	v21 =	vld [tilespmem:s5+$0xFFFFFFFF];
	[tilespmem:s1+$0x60] =	vst v19  }
0x4af: {  	v19 =	vld [tilespmem:s12+$0x1970];
	[tilespmem:s2+$0x70] =	vst v18  }
0x4b0: {  	v18 =	vld [tilespmem:s10+$0x1980];
	[tilespmem:s3+$0x810] =	vst v20  }
0x4b1: {  	(v2sf) =	vpush v17, $0x0;
	[tilespmem:s4+$0x820] =	vst v16;
	v17 =	vld [tilespmem:s22+$0x1A20]  }
0x4b2: {  	v16 =	vld [tilespmem:s0+$0x1A30];
	_ =	sdelay $0x1  }
0x4b3: {  	[tilespmem:s1+$0x70] =	vst v19;
	(v2sf) =	vpush v21, $0x0  }
0x4b4: {  	v19 =	vld [tilespmem:s12+$0x1980];
	[tilespmem:s2+$0x400] =	vst v18  }
0x4b5: {  	v18 =	vld [tilespmem:s10+$0x1990];
	[tilespmem:s3+$0x820] =	vst v17  }
0x4b6: {  	[tilespmem:s4+$0x830] =	vst v16;
	v17 =	vld [tilespmem:s22+$0x1A30]  }
0x4b7: {  	v16 =	vld [tilespmem:s0+$0x1A40];
	_ =	sdelay $0x1  }
0x4b8: {  	[tilespmem:s1+$0x400] =	vst v19  }
0x4b9: {  	v19 =	vld [tilespmem:s12+$0x1990];
	[tilespmem:s2+$0x410] =	vst v18  }
0x4ba: {  	[tilespmem:s3+$0x830] =	vst v17  }
0x4bb: {  	[tilespmem:s4+$0x840] =	vst v16;
	v16 =	vld [tilespmem:s10+$0x19A0]  }
0x4bc: {  	v17 =	vld [tilespmem:s22+$0x1A40]  }
0x4bd: {  	v18 =	vld [tilespmem:s0+$0x1A50]  }
0x4be: {  	[tilespmem:s1+$0x410] =	vst v19  }
0x4bf: {  	v19 =	vld [tilespmem:s12+$0x19A0];
	s6 =	spop (v2sf)  }
0x4c0: {  	v20 =	vld [tilespmem:s6+$0x1900];
	[tilespmem:s2+$0x420] =	vst v16  }
0x4c1: {  	s7 =	simm.s32 $0x800;
	s9 =	spop (v2sf);
	[tilespmem:s3+$0x840] =	vst v17;
	v16 =	vld [tilespmem:s10+$0x19B0]  }
0x4c2: {  	s8 =	simm.s32 $0x280;
	s7 =	sand.u32 $0x7000, s7;
	v17 =	vld [tilespmem:s9+$0x1900];
	[tilespmem:s4+$0x850] =	vst v18  }
0x4c3: {  	s8 =	sand.u32 $0x380, s8;
	s7 =	sadd.s32 $0x11380, s7;
	v18 =	vld [tilespmem:s0+$0x1A60]  }
0x4c4: {  	s26 =	simm.s32 $0x200;
	s15 =	sadd.s32 s8, s7;
	[tilespmem:s1+$0x420] =	vst v19;
	v19 =	vld [tilespmem:s22+$0x1A50]  }
0x4c5: {  	s8 =	sand.u32 $0x300, s26;
	[tilespmem:s15+$0x0] =	vst v20;
	v20 =	vld [tilespmem:s12+$0x19B0]  }
0x4c6: {  	s20 =	sadd.s32 s8, s7;
	v21 =	vld [tilespmem:s6+$0x1910];
	[tilespmem:s2+$0x430] =	vst v16  }
0x4c7: {  	[tilespmem:s20+$0x0] =	vst v17;
	v16 =	vld [tilespmem:s10+$0x19C0]  }
0x4c8: {  	[tilespmem:s4+$0x860] =	vst v18;
	v18 =	vld [tilespmem:s9+$0x1910]  }
0x4c9: {  	[tilespmem:s3+$0x850] =	vst v19;
	v17 =	vld [tilespmem:s0+$0x1A70]  }
0x4ca: {  	[tilespmem:s1+$0x430] =	vst v20;
	v19 =	vld [tilespmem:s22+$0x1A60]  }
0x4cb: {  	[tilespmem:s15+$0x10] =	vst v21;
	v20 =	vld [tilespmem:s12+$0x19C0]  }
0x4cc: {  	v21 =	vld [tilespmem:s6+$0x1920];
	[tilespmem:s2+$0x440] =	vst v16  }
0x4cd: {  	[tilespmem:s20+$0x10] =	vst v18;
	v16 =	vld [tilespmem:s10+$0x19D0]  }
0x4ce: {  	[tilespmem:s4+$0x870] =	vst v17;
	v18 =	vld [tilespmem:s9+$0x1920]  }
0x4cf: {  	[tilespmem:s3+$0x860] =	vst v19;
	v17 =	vld [tilespmem:s0+$0x1A80]  }
0x4d0: {  	s7 =	sand.u32 $0x7, s11;
	[tilespmem:s1+$0x440] =	vst v20;
	v19 =	vld [tilespmem:s22+$0x1A70]  }
0x4d1: {  	s4 =	sshll.u32 s7, $0x7;
	[tilespmem:s15+$0x20] =	vst v21;
	v20 =	vld [tilespmem:s12+$0x19D0]  }
0x4d2: {  	s4 =	sadd.s32 $0x80, s4;
	v21 =	vld [tilespmem:s6+$0x1930];
	[tilespmem:s2+$0x450] =	vst v16  }
0x4d3: {  	s8 =	sor.u32 $0xC00, s4;
	[tilespmem:s20+$0x20] =	vst v18;
	v16 =	vld [tilespmem:s10+$0x19E0]  }
0x4d4: {  	[tilespmem:s8+$0x11380] =	vst v17;
	v18 =	vld [tilespmem:s9+$0x1930]  }
0x4d5: {  	[tilespmem:s3+$0x870] =	vst v19;
	v17 =	vld [tilespmem:s0+$0x1A90]  }
0x4d6: {  	[tilespmem:s1+$0x450] =	vst v20;
	v19 =	vld [tilespmem:s22+$0x1A80]  }
0x4d7: {  	s11 =	sand.u32 $0x3, s11;
	[tilespmem:s15+$0x30] =	vst v21;
	v20 =	vld [tilespmem:s12+$0x19E0]  }
0x4d8: {  	s3 =	sshll.u32 s11, $0x8;
	v21 =	vld [tilespmem:s6+$0x1940];
	[tilespmem:s2+$0x460] =	vst v16  }
0x4d9: {  	s13 =	sor.u32 $0xC10, s4;
	s3 =	sadd.s32 $0x0, s3;
	[tilespmem:s20+$0x30] =	vst v18;
	v16 =	vld [tilespmem:s10+$0x19F0]  }
0x4da: {  	s14 =	sor.u32 $0xC00, s3;
	[tilespmem:s13+$0x11380] =	vst v17;
	v18 =	vld [tilespmem:s9+$0x1940]  }
0x4db: {  	[tilespmem:s14+$0x11380] =	vst v19;
	v17 =	vld [tilespmem:s0+$0x1AA0]  }
0x4dc: {  	[tilespmem:s1+$0x460] =	vst v20;
	v19 =	vld [tilespmem:s22+$0x1A90]  }
0x4dd: {  	[tilespmem:s15+$0x40] =	vst v21;
	v20 =	vld [tilespmem:s12+$0x19F0]  }
0x4de: {  	v21 =	vld [tilespmem:s6+$0x1950];
	[tilespmem:s2+$0x470] =	vst v16  }
0x4df: {  	s16 =	sor.u32 $0xC20, s4;
	[tilespmem:s20+$0x40] =	vst v18;
	v16 =	vld [tilespmem:s10+$0x1A00]  }
0x4e0: {  	s17 =	sor.u32 $0xC10, s3;
	[tilespmem:s16+$0x11380] =	vst v17;
	v18 =	vld [tilespmem:s9+$0x1950]  }
0x4e1: {  	[tilespmem:s17+$0x11380] =	vst v19;
	v17 =	vld [tilespmem:s0+$0x1AB0]  }
0x4e2: {  	[tilespmem:s1+$0x470] =	vst v20;
	v19 =	vld [tilespmem:s22+$0x1AA0]  }
0x4e3: {  	[tilespmem:s15+$0x50] =	vst v21;
	v20 =	vld [tilespmem:s12+$0x1A00]  }
0x4e4: {  	v21 =	vld [tilespmem:s6+$0x1960];
	[tilespmem:s2+$0x800] =	vst v16  }
0x4e5: {  	s18 =	sor.u32 $0xC30, s4;
	[tilespmem:s20+$0x50] =	vst v18;
	v16 =	vld [tilespmem:s10+$0x1A10]  }
0x4e6: {  	s19 =	sor.u32 $0xC20, s3;
	[tilespmem:s18+$0x11380] =	vst v17;
	v18 =	vld [tilespmem:s9+$0x1960]  }
0x4e7: {  	[tilespmem:s19+$0x11380] =	vst v19;
	v17 =	vld [tilespmem:s0+$0x1AC0]  }
0x4e8: {  	[tilespmem:s1+$0x800] =	vst v20;
	v19 =	vld [tilespmem:s22+$0x1AB0]  }
0x4e9: {  	[tilespmem:s15+$0x60] =	vst v21;
	v20 =	vld [tilespmem:s12+$0x1A10]  }
0x4ea: {  	v21 =	vld [tilespmem:s6+$0x1970];
	[tilespmem:s2+$0x810] =	vst v16  }
0x4eb: {  	s21 =	sor.u32 $0xC40, s4;
	s8 =	sadd.s32 $0x2, s5;
	[tilespmem:s20+$0x60] =	vst v18;
	v16 =	vld [tilespmem:s10+$0x1A20]  }
0x4ec: {  	[tilespmem:s21+$0x11380] =	vst v17;
	v17 =	vld [tilespmem:s8+$0x0]  }
0x4ed: {  	v22 =	vld [tilespmem:s9+$0x1970]  }
0x4ee: {  	v18 =	vld [tilespmem:s0+$0x1AD0]  }
0x4ef: {  	[tilespmem:s15+$0x70] =	vst v21;
	v21 =	vld [tilespmem:s8+$0xFFFFFFFF]  }
0x4f0: {  	[tilespmem:s2+$0x820] =	vst v16;
	v16 =	vld [tilespmem:s6+$0x1980]  }
0x4f1: {  	s23 =	sor.u32 $0xC30, s3;
	[tilespmem:s1+$0x810] =	vst v20;
	(v2sf) =	vpush v17, $0x0;
	v17 =	vld [tilespmem:s10+$0x1A30]  }
0x4f2: {  	[tilespmem:s23+$0x11380] =	vst v19;
	v19 =	vld [tilespmem:s12+$0x1A20]  }
0x4f3: {  	s24 =	sor.u32 $0xC50, s4;
	v20 =	vld [tilespmem:s22+$0x1AC0];
	[tilespmem:s20+$0x70] =	vst v22  }
0x4f4: {  	[tilespmem:s24+$0x11380] =	vst v18;
	(v2sf) =	vpush v21, $0x0;
	v18 =	vld [tilespmem:s9+$0x1980]  }
0x4f5: {  	v21 =	vld [tilespmem:s0+$0x1AE0];
	[tilespmem:s15+$0x400] =	vst v16  }
0x4f6: {  	v16 =	vld [tilespmem:s6+$0x1990];
	[tilespmem:s2+$0x830] =	vst v17  }
0x4f7: {  	s26 =	sor.u32 $0xC40, s3;
	[tilespmem:s1+$0x820] =	vst v19;
	v17 =	vld [tilespmem:s10+$0x1A40]  }
0x4f8: {  	[tilespmem:s26+$0x11380] =	vst v20;
	v19 =	vld [tilespmem:s12+$0x1A30]  }
0x4f9: {  	s7 =	sor.u32 $0xC60, s4;
	[tilespmem:s20+$0x400] =	vst v18;
	v18 =	vld [tilespmem:s22+$0x1AD0]  }
0x4fa: {  	[tilespmem:s7+$0x11380] =	vst v21;
	v20 =	vld [tilespmem:s9+$0x1990]  }
0x4fb: {  	v21 =	vld [tilespmem:s0+$0x1AF0];
	[tilespmem:s15+$0x410] =	vst v16  }
0x4fc: {  	[tilespmem:s2+$0x840] =	vst v17;
	v16 =	vld [tilespmem:s6+$0x19A0]  }
0x4fd: {  	s11 =	sor.u32 $0xC50, s3;
	[tilespmem:s1+$0x830] =	vst v19;
	v17 =	vld [tilespmem:s10+$0x1A50]  }
0x4fe: {  	v19 =	vld [tilespmem:s12+$0x1A40];
	[tilespmem:s11+$0x11380] =	vst v18  }
0x4ff: {  	s13 =	sor.u32 $0xC70, s4;
	[tilespmem:s20+$0x410] =	vst v20;
	v18 =	vld [tilespmem:s22+$0x1AE0]  }
0x500: {  	[tilespmem:s13+$0x11380] =	vst v21;
	v20 =	vld [tilespmem:s9+$0x19A0];
	s7 =	spop (v2sf)  }
0x501: {  	v21 =	vld [tilespmem:s7+$0x1900];
	[tilespmem:s15+$0x420] =	vst v16  }
0x502: {  	s29 =	simm.s32 $0xC00;
	s14 =	sor.u32 $0xC60, s3;
	v16 =	vld [tilespmem:s6+$0x19B0];
	[tilespmem:s2+$0x850] =	vst v17  }
0x503: {  	s17 =	simm.s32 $0x380;
	s16 =	sand.u32 $0x7000, s29;
	[tilespmem:s1+$0x840] =	vst v19;
	s5 =	spop (v2sf);
	v17 =	vld [tilespmem:s10+$0x1A60]  }
0x504: {  	s4 =	sadd.s32 $0x11380, s16;
	s18 =	sand.u32 $0x380, s17;
	v19 =	vld [tilespmem:s5+$0x1900];
	[tilespmem:s14+$0x11380] =	vst v18  }
0x505: {  	s16 =	sadd.s32 s18, s4;
	v18 =	vld [tilespmem:s12+$0x1A50];
	[tilespmem:s20+$0x420] =	vst v20  }
0x506: {  	s19 =	simm.s32 $0x300;
	v20 =	vld [tilespmem:s9+$0x19B0];
	[tilespmem:s16+$0x0] =	vst v21  }
0x507: {  	s0 =	sand.u32 $0x300, s19;
	v21 =	vld [tilespmem:s7+$0x1910];
	[tilespmem:s15+$0x430] =	vst v16  }
0x508: {  	s31 =	sadd.s32 s0, s4;
	v16 =	vld [tilespmem:s6+$0x19C0];
	[tilespmem:s2+$0x860] =	vst v17  }
0x509: {  	[tilespmem:s31+$0x0] =	vst v19;
	v17 =	vld [tilespmem:s10+$0x1A70]  }
0x50a: {  	[tilespmem:s1+$0x850] =	vst v18;
	v19 =	vld [tilespmem:s5+$0x1910]  }
0x50b: {  	v18 =	vld [tilespmem:s12+$0x1A60];
	[tilespmem:s20+$0x430] =	vst v20  }
0x50c: {  	v20 =	vld [tilespmem:s9+$0x19C0];
	[tilespmem:s16+$0x10] =	vst v21  }
0x50d: {  	v21 =	vld [tilespmem:s7+$0x1920];
	[tilespmem:s15+$0x440] =	vst v16  }
0x50e: {  	v16 =	vld [tilespmem:s6+$0x19D0];
	[tilespmem:s2+$0x870] =	vst v17  }
0x50f: {  	s19 =	simm.s32 $0x2;
	[tilespmem:s31+$0x10] =	vst v19;
	v17 =	vld [tilespmem:s10+$0x1A80]  }
0x510: {  	s21 =	sand.u32 $0x7, s19;
	[tilespmem:s1+$0x860] =	vst v18;
	v19 =	vld [tilespmem:s5+$0x1920]  }
0x511: {  	s0 =	sshll.u32 s21, $0x7;
	v18 =	vld [tilespmem:s12+$0x1A70];
	[tilespmem:s20+$0x440] =	vst v20  }
0x512: {  	s2 =	sadd.s32 $0x480, s0;
	v20 =	vld [tilespmem:s9+$0x19D0];
	[tilespmem:s16+$0x20] =	vst v21  }
0x513: {  	s0 =	sor.u32 $0xC00, s2;
	v21 =	vld [tilespmem:s7+$0x1930];
	[tilespmem:s15+$0x450] =	vst v16  }
0x514: {  	v16 =	vld [tilespmem:s6+$0x19E0];
	[tilespmem:s0+$0x11380] =	vst v17  }
0x515: {  	[tilespmem:s31+$0x20] =	vst v19;
	v17 =	vld [tilespmem:s10+$0x1A90]  }
0x516: {  	[tilespmem:s1+$0x870] =	vst v18;
	v19 =	vld [tilespmem:s5+$0x1930]  }
0x517: {  	s23 =	simm.s32 $0x1;
	v18 =	vld [tilespmem:s12+$0x1A80];
	[tilespmem:s20+$0x450] =	vst v20  }
0x518: {  	s0 =	sand.u32 $0x3, s23;
	v20 =	vld [tilespmem:s9+$0x19E0];
	[tilespmem:s16+$0x30] =	vst v21  }
0x519: {  	s24 =	sor.u32 $0xC10, s2;
	s0 =	sshll.u32 s0, $0x8;
	v21 =	vld [tilespmem:s7+$0x1940];
	[tilespmem:s15+$0x460] =	vst v16  }
0x51a: {  	s26 =	sadd.s32 $0x400, s0;
	v16 =	vld [tilespmem:s6+$0x19F0];
	[tilespmem:s24+$0x11380] =	vst v17  }
0x51b: {  	s0 =	sor.u32 $0xC00, s26;
	[tilespmem:s31+$0x30] =	vst v19;
	v17 =	vld [tilespmem:s10+$0x1AA0]  }
0x51c: {  	[tilespmem:s0+$0x11380] =	vst v18  }
0x51d: {  	v19 =	vld [tilespmem:s5+$0x1940];
	[tilespmem:s20+$0x460] =	vst v20  }
0x51e: {  	v18 =	vld [tilespmem:s12+$0x1A90];
	[tilespmem:s16+$0x40] =	vst v21  }
0x51f: {  	s11 =	sor.u32 $0xC20, s2;
	v20 =	vld [tilespmem:s9+$0x19F0];
	[tilespmem:s15+$0x470] =	vst v16  }
0x520: {  	s13 =	sor.u32 $0xC70, s3;
	v21 =	vld [tilespmem:s7+$0x1950];
	[tilespmem:s11+$0x11380] =	vst v17  }
0x521: {  	v16 =	vld [tilespmem:s6+$0x1A00];
	[smem:$0x7C9] =	sst s13  }
0x522: {  	s18 =	sor.u32 $0xC30, s26;
	[tilespmem:s31+$0x40] =	vst v19  }
0x523: {  	s21 =	sor.u32 $0xC40, s26;
	v17 =	vld [tilespmem:s10+$0x1AB0];
	[smem:$0x7CA] =	sst s18  }
0x524: {  	s14 =	sor.u32 $0xC10, s26;
	[smem:$0x7CB] =	sst s21  }
0x525: {  	s23 =	simm.s32 $0x2;
	[tilespmem:s14+$0x11380] =	vst v18  }
0x526: {  	s11 =	sand.u32 $0x3, s23;
	v19 =	vld [tilespmem:s5+$0x1950];
	[tilespmem:s20+$0x470] =	vst v20  }
0x527: {  	s11 =	sshll.u32 s11, $0x8;
	[tilespmem:s16+$0x50] =	vst v21;
	v18 =	vld [tilespmem:s12+$0x1AA0]  }
0x528: {  	s11 =	sadd.s32 $0x800, s11;
	s14 =	sor.u32 $0xC30, s2;
	v20 =	vld [tilespmem:s9+$0x1A00];
	[tilespmem:s15+$0x800] =	vst v16  }
0x529: {  	s28 =	simm.s32 $0x3;
	s3 =	sor.u32 $0xC20, s26;
	s24 =	sor.u32 $0xC00, s11;
	v21 =	vld [tilespmem:s7+$0x1960];
	[tilespmem:s14+$0x11380] =	vst v17  }
0x52a: {  	s1 =	sor.u32 $0xC50, s26;
	s23 =	sor.u32 $0xC60, s26;
	v22 =	vld [tilespmem:s6+$0x1A10];
	[dreg:$0x10] =	wrdreg s24  }
0x52b: {  	s13 =	sand.u32 $0x3, s28;
	s14 =	sor.u32 $0xC70, s26;
	s26 =	sor.u32 $0xC10, s11;
	[tilespmem:s31+$0x50] =	vst v19  }
0x52c: {  	s13 =	sshll.u32 s13, $0x8;
	v19 =	vld [tilespmem:s10+$0x1AC0];
	[dreg:$0xd] =	wrdreg s26  }
0x52d: {  	s4 =	sadd.s32 $0xC00, s13;
	s13 =	sor.u32 $0xC60, s11;
	[tilespmem:s3+$0x11380] =	vst v18  }
0x52e: {  	s21 =	sor.u32 $0xC40, s11;
	s18 =	sor.u32 $0xC00, s4;
	v23 =	vld [tilespmem:s5+$0x1960];
	[dreg:$0x3] =	wrdreg s13  }
0x52f: {  	s24 =	sor.u32 $0xC30, s11;
	s26 =	sor.u32 $0xC20, s11;
	s3 =	sor.u32 $0xC50, s11;
	[tilespmem:s20+$0x800] =	vst v20  }
0x530: {  	s13 =	sor.u32 $0xC70, s11;
	s11 =	sor.u32 $0xC10, s4;
	v17 =	vld [tilespmem:s12+$0x1AB0];
	[dreg:$0x18] =	wrdreg s18  }
0x531: {  	[dreg:$0x13] =	wrdreg s11  }
0x532: {  	s18 =	sor.u32 $0xC20, s4;
	[tilespmem:s16+$0x60] =	vst v21  }
0x533: {  	s11 =	sor.u32 $0xC30, s4;
	v16 =	vld [tilespmem:s9+$0x1A10];
	[dreg:$0xf] =	wrdreg s18  }
0x534: {  	[smem:$0x7CC] =	sst s11;
	s18 =	sor.u32 $0xC40, s4  }
0x535: {  	[smem:$0x7CD] =	sst s18  }
0x536: {  	s11 =	sor.u32 $0xC50, s4;
	[tilespmem:s15+$0x810] =	vst v22  }
0x537: {  	s18 =	sor.u32 $0xC60, s4;
	v18 =	vld [tilespmem:s7+$0x1970];
	[dreg:$0x1c] =	wrdreg s11  }
0x538: {  	s0 =	sor.u32 $0xC40, s2;
	[dreg:$0x7] =	wrdreg s18  }
0x539: {  	[tilespmem:s0+$0x11380] =	vst v19  }
0x53a: {  	v19 =	vld [tilespmem:s6+$0x1A20];
	[smem:$0x7CE] =	sst s25  }
0x53b: {  	[tilespmem:s31+$0x60] =	vst v23  }
0x53c: {  	s11 =	sld [smem:$0x7D1];
	_ =	sdelay $0x1  }
0x53d: {  	s30 =	sor.u32 $0xC70, s4;
	s4 =	sshll.u32 s25, $0x1  }
0x53e: {  	s18 =	sadd.s32 $0x2, s8;
	v20 =	vld [tilespmem:s10+$0x1AD0];
	[smem:$0x7CF] =	sst s4;
	s25 =	sadd.s32 s11, s4  }
0x53f: {  	s8 =	simm.s32 $0x480;
	s11 =	simm.s32 $0x6;
	[smem:$0x7D0] =	sst s25  }
.LBB2_14:
0x540: {  	s0 =	sld [smem:$0x7CA];
	_ =	sdelay $0x2  }
0x541: {  	v21 =	vld [tilespmem:s18+$0x0];
	[tilespmem:s0+$0x11380] =	vst v17  }
0x542: {  	v17 =	vld [tilespmem:s18+$0xFFFFFFFF];
	[tilespmem:s20+$0x810] =	vst v16  }
0x543: {  	v16 =	vld [tilespmem:s5+$0x1970]  }
0x544: {  	[tilespmem:s16+$0x70] =	vst v18  }
0x545: {  	[smem:$0x7C6] =	sst s26;
	s26 =	sor.u32 $0xC50, s2;
	v18 =	vld [tilespmem:s7+$0x1980];
	[tilespmem:s15+$0x820] =	vst v19  }
0x546: {  	s25 =	sld [smem:$0x7CC];
	v19 =	vld [tilespmem:s6+$0x1A30];
	[tilespmem:s26+$0x11380] =	vst v20  }
0x547: {  	(v2sf) =	vpush v21, $0x0;
	v20 =	vld [tilespmem:s10+$0x1AE0]  }
0x548: {  	s4 =	smov.u32 s24;
	(v2sf) =	vpush v17, $0x0;
	v17 =	vld [tilespmem:s9+$0x1A20];
	[tilespmem:s31+$0x70] =	vst v16  }
0x549: {  	[smem:$0x7CA] =	sst s4;
	s4 =	smov.u32 s25;
	v16 =	vld [tilespmem:s12+$0x1AC0]  }
0x54a: {  	[smem:$0x7C4] =	sst s4;
	[tilespmem:s16+$0x400] =	vst v18;
	v21 =	vld [tilespmem:s5+$0x1980]  }
0x54b: {  	s0 =	sor.u32 $0xC60, s2;
	s4 =	sld [smem:$0x7CB];
	v18 =	vld [tilespmem:s7+$0x1990];
	[tilespmem:s15+$0x830] =	vst v19  }
0x54c: {  	v19 =	vld [tilespmem:s6+$0x1A40];
	[tilespmem:s0+$0x11380] =	vst v20  }
0x54d: {  	[tilespmem:s20+$0x820] =	vst v17;
	v17 =	vld [tilespmem:s10+$0x1AF0]  }
0x54e: {  	v20 =	vld [tilespmem:s9+$0x1A30];
	[tilespmem:s4+$0x11380] =	vst v16  }
0x54f: {  	[tilespmem:s31+$0x400] =	vst v21  }
0x550: {  	v16 =	vld [tilespmem:s12+$0x1AD0]  }
0x551: {  	[tilespmem:s16+$0x410] =	vst v18;
	v21 =	vld [tilespmem:s5+$0x1990]  }
0x552: {  	s25 =	sor.u32 $0xC70, s2;
	s10 =	smov.u32 s6;
	s6 =	smov.u32 s7;
	[tilespmem:s15+$0x840] =	vst v19  }
0x553: {  	v19 =	vld [tilespmem:s6+$0x19A0];
	[tilespmem:s25+$0x11380] =	vst v17  }
0x554: {  	v18 =	vld [tilespmem:s22+$0x1AF0];
	s22 =	smov.u32 s12;
	s12 =	smov.u32 s9;
	[tilespmem:s20+$0x830] =	vst v20  }
0x555: {  	v20 =	vld [tilespmem:s12+$0x1A40];
	[tilespmem:s1+$0x11380] =	vst v16  }
0x556: {  	s2 =	sld [smem:$0x7C9];
	v17 =	vld [tilespmem:s10+$0x1A50];
	[tilespmem:s31+$0x410] =	vst v21  }
0x557: {  	s7 =	smov.u32 s21;
	s21 =	sld [smem:$0x7CD];
	s9 =	smov.u32 s5;
	v16 =	vld [tilespmem:s22+$0x1AE0]  }
0x558: {  	s29 =	sadd.s32 $0x400, s29;
	[smem:$0x7CB] =	sst s7;
	s7 =	spop (v2sf);
	v21 =	vld [tilespmem:s9+$0x19A0]  }
0x559: {  	s17 =	sadd.s32 $0x100, s17;
	s26 =	smov.u32 s3;
	s3 =	smov.u32 s14;
	[tilespmem:s2+$0x11380] =	vst v18;
	v18 =	vld [tilespmem:s7+$0x1900]  }
0x55a: {  	[smem:$0x7C5] =	sst s26;
	s0 =	smov.u32 s13;
	s13 =	sand.u32 $0x7000, s29;
	[tilespmem:s16+$0x420] =	vst v19  }
0x55b: {  	[smem:$0x7C9] =	sst s3;
	s3 =	sadd.s32 $0x11380, s13;
	s24 =	smov.u32 s21;
	v19 =	vld [tilespmem:s6+$0x19B0];
	[tilespmem:s15+$0x850] =	vst v17  }
0x55c: {  	s21 =	sand.u32 $0x380, s17;
	s1 =	rddreg [dreg:$0x1c];
	s5 =	spop (v2sf);
	[tilespmem:s20+$0x840] =	vst v20;
	v17 =	vld [tilespmem:s10+$0x1A60]  }
0x55d: {  	s26 =	smov.u32 s1;
	s1 =	smov.u32 s30;
	s30 =	sadd.s32 s21, s3;
	v20 =	vld [tilespmem:s5+$0x1900];
	[tilespmem:s23+$0x11380] =	vst v16  }
0x55e: {  	[tilespmem:s30+$0x0] =	vst v18  }
0x55f: {  	s28 =	sadd.s32 $0x1, s28;
	[tilespmem:s31+$0x420] =	vst v21;
	v21 =	vld [tilespmem:s7+$0x1910]  }
0x560: {  	s14 =	sadd.s32 $0xFFFFFF80, s17;
	s4 =	sand.u32 $0x3, s28;
	v16 =	vld [tilespmem:s12+$0x1A50]  }
0x561: {  	s2 =	sshll.u32 s4, $0x8;
	s4 =	sand.u32 $0x300, s14;
	[tilespmem:s16+$0x430] =	vst v19;
	v18 =	vld [tilespmem:s9+$0x19B0]  }
0x562: {  	s13 =	sadd.s32 s4, s3;
	v19 =	vld [tilespmem:s6+$0x19C0];
	[tilespmem:s15+$0x860] =	vst v17  }
0x563: {  	s2 =	sadd.s32 s2, s29;
	[tilespmem:s13+$0x0] =	vst v20  }
0x564: {  	s25 =	sor.u32 $0xC20, s2;
	v17 =	vld [tilespmem:s10+$0x1A70];
	[tilespmem:s30+$0x10] =	vst v21  }
0x565: {  	s21 =	sor.u32 $0xC30, s2;
	[smem:$0x7C7] =	sst s25;
	v20 =	vld [tilespmem:s5+$0x1910];
	[tilespmem:s20+$0x850] =	vst v16  }
0x566: {  	[smem:$0x7CC] =	sst s21;
	[tilespmem:s31+$0x430] =	vst v18;
	v21 =	vld [tilespmem:s7+$0x1920]  }
0x567: {  	s19 =	sadd.s32 $0x2, s19;
	s25 =	sor.u32 $0xC50, s2;
	s21 =	rddreg [dreg:$0x3];
	v16 =	vld [tilespmem:s12+$0x1A60]  }
0x568: {  	s14 =	sor.u32 $0xC00, s2;
	s4 =	sor.u32 $0xC10, s2;
	[dreg:$0x1c] =	wrdreg s25;
	[tilespmem:s16+$0x440] =	vst v19;
	v18 =	vld [tilespmem:s9+$0x19C0]  }
0x569: {  	s25 =	sor.u32 $0xC70, s2;
	s3 =	smov.u32 s21;
	s21 =	rddreg [dreg:$0x7];
	v19 =	vld [tilespmem:s6+$0x19D0];
	[tilespmem:s15+$0x870] =	vst v17  }
0x56a: {  	s23 =	sor.u32 $0xC40, s2;
	s15 =	smov.u32 s16;
	s16 =	smov.u32 s30;
	[tilespmem:s13+$0x10] =	vst v20  }
0x56b: {  	[smem:$0x7CD] =	sst s23;
	s23 =	sor.u32 $0xC60, s2;
	s2 =	smov.u32 s21;
	v17 =	vld [tilespmem:s10+$0x1A80];
	[tilespmem:s16+$0x20] =	vst v21  }
0x56c: {  	[dreg:$0x3] =	wrdreg s2;
	s2 =	smov.u32 s23;
	s23 =	sand.u32 $0x7, s19;
	v20 =	vld [tilespmem:s5+$0x1920];
	[tilespmem:s20+$0x860] =	vst v16  }
0x56d: {  	s8 =	sadd.s32 $0x400, s8;
	[dreg:$0x7] =	wrdreg s2;
	s2 =	sshll.u32 s23, $0x7;
	[tilespmem:s31+$0x440] =	vst v18;
	v21 =	vld [tilespmem:s7+$0x1930]  }
0x56e: {  	s2 =	sadd.s32 s2, s8;
	v16 =	vld [tilespmem:s12+$0x1A70]  }
0x56f: {  	s30 =	smov.u32 s25;
	s25 =	sor.u32 $0xC00, s2;
	[tilespmem:s15+$0x450] =	vst v19;
	v18 =	vld [tilespmem:s9+$0x19D0]  }
0x570: {  	v19 =	vld [tilespmem:s6+$0x19E0];
	[tilespmem:s25+$0x11380] =	vst v17  }
0x571: {  	[tilespmem:s13+$0x20] =	vst v20  }
0x572: {  	v17 =	vld [tilespmem:s10+$0x1A90];
	[tilespmem:s16+$0x30] =	vst v21  }
0x573: {  	v20 =	vld [tilespmem:s5+$0x1930];
	[tilespmem:s20+$0x870] =	vst v16;
	s20 =	smov.u32 s31  }
0x574: {  	v21 =	vld [tilespmem:s7+$0x1940];
	[tilespmem:s20+$0x450] =	vst v18  }
0x575: {  	v16 =	vld [tilespmem:s12+$0x1A80]  }
0x576: {  	s25 =	sor.u32 $0xC10, s2;
	[tilespmem:s15+$0x460] =	vst v19;
	v18 =	vld [tilespmem:s9+$0x19E0]  }
0x577: {  	s31 =	smov.u32 s13;
	v19 =	vld [tilespmem:s6+$0x19F0];
	[tilespmem:s25+$0x11380] =	vst v17  }
0x578: {  	[tilespmem:s31+$0x30] =	vst v20  }
0x579: {  	s23 =	smov.u32 s3;
	s3 =	smov.u32 s26;
	s26 =	rddreg [dreg:$0x10];
	v17 =	vld [tilespmem:s10+$0x1AA0];
	[tilespmem:s16+$0x40] =	vst v21  }
0x57a: {  	v20 =	vld [tilespmem:s5+$0x1940];
	[tilespmem:s26+$0x11380] =	vst v16  }
0x57b: {  	v21 =	vld [tilespmem:s7+$0x1950];
	[tilespmem:s20+$0x460] =	vst v18  }
0x57c: {  	s13 =	rddreg [dreg:$0x18];
	v16 =	vld [tilespmem:s12+$0x1A90]  }
0x57d: {  	s25 =	sor.u32 $0xC20, s2;
	[tilespmem:s15+$0x470] =	vst v19;
	s26 =	smov.u32 s13;
	v18 =	vld [tilespmem:s9+$0x19F0]  }
0x57e: {  	v19 =	vld [tilespmem:s6+$0x1A00];
	[tilespmem:s25+$0x11380] =	vst v17;
	[dreg:$0x10] =	wrdreg s26;
	s26 =	smov.u32 s14  }
0x57f: {  	[tilespmem:s31+$0x40] =	vst v20;
	[dreg:$0x18] =	wrdreg s26  }
0x580: {  	v17 =	vld [tilespmem:s10+$0x1AB0];
	s26 =	rddreg [dreg:$0xd];
	[tilespmem:s16+$0x50] =	vst v21  }
0x581: {  	v20 =	vld [tilespmem:s5+$0x1950];
	[tilespmem:s26+$0x11380] =	vst v16  }
0x582: {  	v21 =	vld [tilespmem:s7+$0x1960];
	[tilespmem:s20+$0x470] =	vst v18  }
0x583: {  	s14 =	smov.u32 s0;
	s0 =	rddreg [dreg:$0x13];
	v16 =	vld [tilespmem:s12+$0x1AA0]  }
0x584: {  	s25 =	smov.u32 s0;
	s0 =	sor.u32 $0xC30, s2;
	[tilespmem:s15+$0x800] =	vst v19;
	v18 =	vld [tilespmem:s9+$0x1A00]  }
0x585: {  	s26 =	smov.u32 s4;
	v19 =	vld [tilespmem:s6+$0x1A10];
	[tilespmem:s0+$0x11380] =	vst v17;
	s4 =	sld [smem:$0x7C6]  }
0x586: {  	[tilespmem:s31+$0x50] =	vst v20  }
0x587: {  	s11 =	sadd.s32 $0x2, s11;
	s0 =	sld [smem:$0x7C7];
	v20 =	vld [tilespmem:s10+$0x1AC0];
	[tilespmem:s16+$0x60] =	vst v21  }
0x588: {  	p0 =	slt.u32 s11, $0x26;
	[dreg:$0xd] =	wrdreg s25;
	v22 =	vld [tilespmem:s5+$0x1960];
	[tilespmem:s4+$0x11380] =	vst v16  }
.Ltmp5:
0x589: {  	s25 =	rddreg [dreg:$0xf];
	[tilespmem:s20+$0x800] =	vst v18;
	v18 =	vld [tilespmem:s7+$0x1970];
	(pc) =	sbr.rel @p0 .LBB2_14-.Ltmp5, $4  }
0x58a: {  	[dreg:$0x13] =	wrdreg s26;
	s26 =	smov.u32 s25;
	s25 =	smov.u32 s0;
	v17 =	vld [tilespmem:s12+$0x1AB0]  }
0x58b: {  	[dreg:$0xf] =	wrdreg s25;
	s25 =	sor.u32 $0xC40, s2;
	[tilespmem:s15+$0x810] =	vst v19;
	v16 =	vld [tilespmem:s9+$0x1A10]  }
0x58c: {  	s21 =	smov.u32 s24;
	s24 =	sld [smem:$0x7C4];
	v19 =	vld [tilespmem:s6+$0x1A20];
	[tilespmem:s25+$0x11380] =	vst v20  }
0x58d: {  	s18 =	sadd.s32 $0x2, s18;
	s13 =	smov.u32 s1;
	s1 =	sld [smem:$0x7C5];
	[tilespmem:s31+$0x60] =	vst v22;
	v20 =	vld [tilespmem:s10+$0x1AD0]  }
0x58e: {  	_ =	sdelay $0x1  }
0x58f: {  	v21 =	vld [tilespmem:s5+$0x1970]  }
0x590: {  	s4 =	sor.u32 $0xC50, s2;
	[tilespmem:s16+$0x70] =	vst v18  }
0x591: {  	[tilespmem:s4+$0x11380] =	vst v20  }
0x592: {  	s0 =	sld [smem:$0x7CA]  }
0x593: {  	v18 =	vld [tilespmem:s10+$0x1AE0]  }
0x594: {  	[tilespmem:s31+$0x70] =	vst v21  }
0x595: {  	[tilespmem:s0+$0x11380] =	vst v17;
	v17 =	vld [tilespmem:s7+$0x1980]  }
0x596: {  	[tilespmem:s15+$0x820] =	vst v19;
	v19 =	vld [tilespmem:s5+$0x1980]  }
0x597: {  	[tilespmem:s20+$0x810] =	vst v16;
	v16 =	vld [tilespmem:s6+$0x1A30];
	s0 =	sor.u32 $0xC60, s2  }
0x598: {  	[tilespmem:s0+$0x11380] =	vst v18;
	v18 =	vld [tilespmem:s9+$0x1A20]  }
0x599: {  	v20 =	vld [tilespmem:s12+$0x1AC0]  }
0x59a: {  	[tilespmem:s16+$0x400] =	vst v17  }
0x59b: {  	s0 =	sld [smem:$0x7CB];
	v17 =	vld [tilespmem:s7+$0x1990];
	[tilespmem:s31+$0x400] =	vst v19  }
0x59c: {  	v21 =	vld [tilespmem:s10+$0x1AF0];
	[tilespmem:s15+$0x830] =	vst v16  }
0x59d: {  	v16 =	vld [tilespmem:s5+$0x1990];
	[tilespmem:s20+$0x820] =	vst v18  }
0x59e: {  	v18 =	vld [tilespmem:s9+$0x1A30];
	[tilespmem:s0+$0x11380] =	vst v20  }
0x59f: {  	v19 =	vld [tilespmem:s12+$0x1AD0]  }
0x5a0: {  	s10 =	sor.u32 $0xC70, s2;
	v20 =	vld [tilespmem:s6+$0x1A40];
	[tilespmem:s16+$0x410] =	vst v17  }
0x5a1: {  	[tilespmem:s10+$0x11380] =	vst v21;
	v17 =	vld [tilespmem:s7+$0x19A0]  }
0x5a2: {  	[tilespmem:s31+$0x410] =	vst v16  }
0x5a3: {  	[tilespmem:s20+$0x830] =	vst v18  }
0x5a4: {  	[tilespmem:s1+$0x11380] =	vst v19;
	v19 =	vld [tilespmem:s5+$0x19A0]  }
0x5a5: {  	[tilespmem:s15+$0x840] =	vst v20  }
0x5a6: {  	s0 =	sld [smem:$0x7C9];
	[tilespmem:s16+$0x420] =	vst v17  }
0x5a7: {  	v17 =	vld [tilespmem:s7+$0x19B0];
	_ =	sdelay $0x1  }
0x5a8: {  	[tilespmem:s31+$0x420] =	vst v19  }
0x5a9: {  	v19 =	vld [tilespmem:s5+$0x19B0];
	_ =	sdelay $0x1  }
0x5aa: {  	[tilespmem:s16+$0x430] =	vst v17  }
0x5ab: {  	v17 =	vld [tilespmem:s7+$0x19C0];
	_ =	sdelay $0x1  }
0x5ac: {  	[tilespmem:s31+$0x430] =	vst v19  }
0x5ad: {  	v19 =	vld [tilespmem:s5+$0x19C0];
	_ =	sdelay $0x1  }
0x5ae: {  	[tilespmem:s16+$0x440] =	vst v17  }
0x5af: {  	v17 =	vld [tilespmem:s7+$0x19D0];
	_ =	sdelay $0x1  }
0x5b0: {  	[tilespmem:s31+$0x440] =	vst v19  }
0x5b1: {  	v19 =	vld [tilespmem:s5+$0x19D0];
	_ =	sdelay $0x1  }
0x5b2: {  	[tilespmem:s16+$0x450] =	vst v17  }
0x5b3: {  	v17 =	vld [tilespmem:s7+$0x19E0];
	_ =	sdelay $0x1  }
0x5b4: {  	[tilespmem:s31+$0x450] =	vst v19  }
0x5b5: {  	v19 =	vld [tilespmem:s5+$0x19E0];
	_ =	sdelay $0x1  }
0x5b6: {  	[tilespmem:s16+$0x460] =	vst v17  }
0x5b7: {  	v17 =	vld [tilespmem:s7+$0x19F0];
	_ =	sdelay $0x1  }
0x5b8: {  	[tilespmem:s31+$0x460] =	vst v19  }
0x5b9: {  	v19 =	vld [tilespmem:s5+$0x19F0];
	_ =	sdelay $0x1  }
0x5ba: {  	[tilespmem:s16+$0x470] =	vst v17  }
0x5bb: {  	v17 =	vld [tilespmem:s7+$0x1A00];
	_ =	sdelay $0x1  }
0x5bc: {  	[tilespmem:s31+$0x470] =	vst v19  }
0x5bd: {  	v19 =	vld [tilespmem:s5+$0x1A00];
	_ =	sdelay $0x1  }
0x5be: {  	[tilespmem:s16+$0x800] =	vst v17  }
0x5bf: {  	v17 =	vld [tilespmem:s7+$0x1A10];
	_ =	sdelay $0x1  }
0x5c0: {  	v21 =	vld [tilespmem:s22+$0x1AF0];
	[tilespmem:s31+$0x800] =	vst v19  }
0x5c1: {  	v19 =	vld [tilespmem:s5+$0x1A10];
	_ =	sdelay $0x1  }
0x5c2: {  	v20 =	vld [tilespmem:s9+$0x1A40];
	[tilespmem:s16+$0x810] =	vst v17  }
0x5c3: {  	v17 =	vld [tilespmem:s7+$0x1A20]  }
0x5c4: {  	v18 =	vld [tilespmem:s6+$0x1A50];
	[tilespmem:s0+$0x11380] =	vst v21  }
0x5c5: {  	v16 =	vld [tilespmem:s12+$0x1AE0];
	[tilespmem:s31+$0x810] =	vst v19  }
0x5c6: {  	v19 =	vld [tilespmem:s5+$0x1A20];
	_ =	sdelay $0x1  }
0x5c7: {  	[tilespmem:s16+$0x820] =	vst v17  }
0x5c8: {  	v17 =	vld [tilespmem:s7+$0x1A30];
	_ =	sdelay $0x1  }
0x5c9: {  	[tilespmem:s31+$0x820] =	vst v19  }
0x5ca: {  	v19 =	vld [tilespmem:s5+$0x1A30];
	_ =	sdelay $0x1  }
0x5cb: {  	[tilespmem:s16+$0x830] =	vst v17  }
0x5cc: {  	v17 =	vld [tilespmem:s7+$0x1A40];
	_ =	sdelay $0x1  }
0x5cd: {  	[tilespmem:s31+$0x830] =	vst v19  }
0x5ce: {  	v19 =	vld [tilespmem:s5+$0x1A40];
	_ =	sdelay $0x1  }
0x5cf: {  	[tilespmem:s16+$0x840] =	vst v17  }
0x5d0: {  	v17 =	vld [tilespmem:s7+$0x1A50]  }
0x5d1: {  	[tilespmem:s20+$0x840] =	vst v20  }
0x5d2: {  	v20 =	vld [tilespmem:s9+$0x1A50];
	[tilespmem:s31+$0x840] =	vst v19  }
0x5d3: {  	[tilespmem:s15+$0x850] =	vst v18;
	v19 =	vld [tilespmem:s5+$0x1A50]  }
0x5d4: {  	v18 =	vld [tilespmem:s6+$0x1A60]  }
0x5d5: {  	[tilespmem:s16+$0x850] =	vst v17  }
0x5d6: {  	v17 =	vld [tilespmem:s7+$0x1A60]  }
0x5d7: {  	[tilespmem:s20+$0x850] =	vst v20  }
0x5d8: {  	v20 =	vld [tilespmem:s9+$0x1A60];
	[tilespmem:s31+$0x850] =	vst v19  }
0x5d9: {  	[tilespmem:s15+$0x860] =	vst v18;
	v19 =	vld [tilespmem:s5+$0x1A60]  }
0x5da: {  	v18 =	vld [tilespmem:s6+$0x1A70]  }
0x5db: {  	[tilespmem:s16+$0x860] =	vst v17  }
0x5dc: {  	v17 =	vld [tilespmem:s7+$0x1A70]  }
0x5dd: {  	[tilespmem:s20+$0x860] =	vst v20  }
0x5de: {  	v20 =	vld [tilespmem:s9+$0x1A70];
	[tilespmem:s31+$0x860] =	vst v19  }
0x5df: {  	[tilespmem:s15+$0x870] =	vst v18;
	v19 =	vld [tilespmem:s5+$0x1A70]  }
0x5e0: {  	s11 =	sadd.s32 $0x2, s19;
	v18 =	vld [tilespmem:s6+$0x1A80]  }
0x5e1: {  	s15 =	sand.u32 $0x7, s11;
	[tilespmem:s16+$0x870] =	vst v17  }
0x5e2: {  	s17 =	sadd.s32 $0x2, s11;
	s1 =	sshll.u32 s15, $0x7;
	s16 =	sadd.s32 $0x400, s8;
	v17 =	vld [tilespmem:s7+$0x1A80]  }
0x5e3: {  	s18 =	sand.u32 $0x7, s17;
	[tilespmem:s20+$0x870] =	vst v20;
	s0 =	sadd.s32 s1, s16  }
0x5e4: {  	s1 =	sshll.u32 s18, $0x7;
	s2 =	sadd.s32 $0x400, s16;
	s19 =	sor.u32 $0xC00, s0;
	[tilespmem:s31+$0x870] =	vst v19;
	v19 =	vld [tilespmem:s9+$0x1A80]  }
0x5e5: {  	s1 =	sadd.s32 s1, s2;
	[tilespmem:s19+$0x11380] =	vst v18  }
0x5e6: {  	s2 =	sor.u32 $0xC00, s1;
	v18 =	vld [tilespmem:s6+$0x1A90]  }
0x5e7: {  	v20 =	vld [tilespmem:s5+$0x1A80];
	[tilespmem:s2+$0x11380] =	vst v17  }
0x5e8: {  	s2 =	rddreg [dreg:$0x10];
	v17 =	vld [tilespmem:s7+$0x1A90]  }
0x5e9: {  	[tilespmem:s2+$0x11380] =	vst v19  }
0x5ea: {  	s20 =	sor.u32 $0xC10, s0;
	v19 =	vld [tilespmem:s9+$0x1A90]  }
0x5eb: {  	s2 =	rddreg [dreg:$0x18];
	[tilespmem:s20+$0x11380] =	vst v18  }
0x5ec: {  	s22 =	sor.u32 $0xC10, s1;
	[tilespmem:s2+$0x11380] =	vst v20;
	v18 =	vld [tilespmem:s6+$0x1AA0]  }
0x5ed: {  	[tilespmem:s22+$0x11380] =	vst v17  }
0x5ee: {  	v20 =	vld [tilespmem:s5+$0x1A90];
	s2 =	rddreg [dreg:$0xd]  }
0x5ef: {  	v17 =	vld [tilespmem:s7+$0x1AA0];
	[tilespmem:s2+$0x11380] =	vst v19  }
0x5f0: {  	s25 =	sor.u32 $0xC20, s0;
	v19 =	vld [tilespmem:s9+$0x1AA0]  }
0x5f1: {  	s2 =	rddreg [dreg:$0x13];
	[tilespmem:s25+$0x11380] =	vst v18  }
0x5f2: {  	v18 =	vld [tilespmem:s6+$0x1AB0]  }
0x5f3: {  	s4 =	sor.u32 $0xC20, s1;
	[tilespmem:s2+$0x11380] =	vst v20  }
0x5f4: {  	v20 =	vld [tilespmem:s5+$0x1AA0];
	[tilespmem:s4+$0x11380] =	vst v17  }
0x5f5: {  	v17 =	vld [tilespmem:s7+$0x1AB0];
	[tilespmem:s26+$0x11380] =	vst v19  }
0x5f6: {  	s8 =	sor.u32 $0xC30, s0;
	v19 =	vld [tilespmem:s9+$0x1AB0]  }
0x5f7: {  	s2 =	rddreg [dreg:$0xf];
	[tilespmem:s8+$0x11380] =	vst v18  }
0x5f8: {  	v18 =	vld [tilespmem:s6+$0x1AC0]  }
0x5f9: {  	s10 =	sor.u32 $0xC30, s1;
	[tilespmem:s2+$0x11380] =	vst v20  }
0x5fa: {  	v20 =	vld [tilespmem:s5+$0x1AB0];
	[tilespmem:s10+$0x11380] =	vst v17  }
0x5fb: {  	v17 =	vld [tilespmem:s7+$0x1AC0];
	[tilespmem:s24+$0x11380] =	vst v19  }
0x5fc: {  	s11 =	sor.u32 $0xC40, s0;
	v19 =	vld [tilespmem:s9+$0x1AC0];
	s2 =	sld [smem:$0x7CC]  }
0x5fd: {  	[tilespmem:s11+$0x11380] =	vst v18  }
0x5fe: {  	v18 =	vld [tilespmem:s6+$0x1AD0]  }
0x5ff: {  	s15 =	sor.u32 $0xC40, s1;
	[tilespmem:s2+$0x11380] =	vst v20  }
0x600: {  	[tilespmem:s15+$0x11380] =	vst v17;
	v20 =	vld [tilespmem:s5+$0x1AC0]  }
0x601: {  	[tilespmem:s21+$0x11380] =	vst v19  }
0x602: {  	s16 =	sor.u32 $0xC50, s0;
	v17 =	vld [tilespmem:s7+$0x1AD0];
	s2 =	sld [smem:$0x7CD]  }
0x603: {  	v19 =	vld [tilespmem:s9+$0x1AD0];
	[tilespmem:s16+$0x11380] =	vst v18  }
0x604: {  	v18 =	vld [tilespmem:s6+$0x1AE0]  }
0x605: {  	[tilespmem:s2+$0x11380] =	vst v20  }
0x606: {  	s17 =	sor.u32 $0xC50, s1;
	v20 =	vld [tilespmem:s5+$0x1AD0]  }
0x607: {  	[tilespmem:s17+$0x11380] =	vst v17  }
0x608: {  	s18 =	sor.u32 $0xC60, s0;
	v17 =	vld [tilespmem:s7+$0x1AE0];
	[tilespmem:s3+$0x11380] =	vst v19  }
0x609: {  	s2 =	rddreg [dreg:$0x1c];
	[tilespmem:s18+$0x11380] =	vst v18  }
0x60a: {  	v19 =	vld [tilespmem:s9+$0x1AE0];
	[tilespmem:s23+$0x11380] =	vst v16  }
0x60b: {  	v16 =	vld [tilespmem:s6+$0x1AF0];
	[tilespmem:s2+$0x11380] =	vst v20  }
0x60c: {  	s19 =	sor.u32 $0xC60, s1;
	v20 =	vld [tilespmem:s5+$0x1AE0]  }
0x60d: {  	v18 =	vld [tilespmem:s12+$0x1AF0];
	[tilespmem:s19+$0x11380] =	vst v17  }
0x60e: {  	s2 =	rddreg [dreg:$0x3];
	v17 =	vld [tilespmem:s7+$0x1AF0]  }
0x60f: {  	s0 =	sor.u32 $0xC70, s0;
	[tilespmem:s2+$0x11380] =	vst v19  }
0x610: {  	s2 =	rddreg [dreg:$0x7];
	[tilespmem:s0+$0x11380] =	vst v16  }
0x611: {  	[tilespmem:s2+$0x11380] =	vst v20  }
0x612: {  	s1 =	sor.u32 $0xC70, s1;
	s0 =	sld [smem:$0x7D0];
	[tilespmem:s14+$0x11380] =	vst v18  }
0x613: {  	v19 =	vld [tilespmem:s9+$0x1AF0];
	[tilespmem:s1+$0x11380] =	vst v17  }
0x614: {  	v20 =	vld [tilespmem:s5+$0x1AF0];
	s1 =	sld [smem:$0x7F9]  }
0x615: {  	s0 =	smul.u32 $0x28, s0;
	_ =	sdelay $0x1  }
0x616: {  	s0 =	sadd.s32 s1, s0  }
0x617: {  	s20 =	rddreg [dreg:$0x1];
	s22 =	simm.s32 $0x3;
	[tilespmem:s13+$0x11380] =	vst v19;
	s0 =	sshll.u32 s0, $0x6  }
0x618: {  	s21 =	simm.s32 $0x11380;
	[tilespmem:s30+$0x11380] =	vst v20;
	s1 =	simm.s32 $0x0;
	s0 =	sadd.s32 s20, s0  }
0x619: {  	[hbm4b:s0+s1] =	stream.linear.scatter [tilespmem:s21], [sflag:$0x3], $0x5000, $0x38;
	[tilespmem:$0x1B380] =	vst v63  }
0x61a: {  	_ =	swait.ge [sflag:s22], $0x5000  }
0x61b: {  	s23 =	sld [smem:$0x7D2]  }
0x61c: {  	[sflag:s22] =	ssyncset.done $0x0  }
0x61d: {  	[sflag:s22] =	ssyncadd.s32 $0xFFFFB000  }
0x61e: {  	v16 =	vld [tilespmem:s23+$0x0];
	_ =	sdelay $0x4  }
0x61f: {  	(v2sf) =	vpush v16, $0x0;
	v16 =	vld [tilespmem:s23+$0xFFFFFFFF];
	_ =	sdelay $0x4  }
0x620: {  	(v2sf) =	vpush v16, $0x0;
	_ =	sdelay $0x9  }
0x621: {  	s0 =	spop (v2sf)  }
0x622: {  	v16 =	vld [tilespmem:s0+$0x1900];
	_ =	sdelay $0x1  }
0x623: {  	s24 =	simm.s32 $0x80;
	s25 =	sand.u32 $0x7000, s1  }
0x624: {  	s2 =	sand.u32 $0x380, s24;
	s3 =	sadd.s32 $0x16380, s25  }
0x625: {  	s26 =	sadd.s32 s2, s3;
	s19 =	spop (v2sf)  }
0x626: {  	[tilespmem:s26+$0x0] =	vst v16;
	v17 =	vld [tilespmem:s19+$0x1900]  }
0x627: {  	v16 =	vld [tilespmem:s0+$0x1910]  }
0x628: {  	s10 =	simm.s32 $0x0  }
0x629: {  	s2 =	sand.u32 $0x300, s10  }
0x62a: {  	s3 =	sadd.s32 s2, s3  }
0x62b: {  	[tilespmem:s3+$0x0] =	vst v17  }
0x62c: {  	[tilespmem:s26+$0x10] =	vst v16;
	v17 =	vld [tilespmem:s19+$0x1910]  }
0x62d: {  	v16 =	vld [tilespmem:s0+$0x1920];
	_ =	sdelay $0x3  }
0x62e: {  	[tilespmem:s3+$0x10] =	vst v17  }
0x62f: {  	[tilespmem:s26+$0x20] =	vst v16;
	v17 =	vld [tilespmem:s19+$0x1920]  }
0x630: {  	v16 =	vld [tilespmem:s0+$0x1930];
	_ =	sdelay $0x3  }
0x631: {  	[tilespmem:s3+$0x20] =	vst v17  }
0x632: {  	[tilespmem:s26+$0x30] =	vst v16;
	v17 =	vld [tilespmem:s19+$0x1930]  }
0x633: {  	v16 =	vld [tilespmem:s0+$0x1940];
	_ =	sdelay $0x3  }
0x634: {  	[tilespmem:s3+$0x30] =	vst v17  }
0x635: {  	[tilespmem:s26+$0x40] =	vst v16;
	v17 =	vld [tilespmem:s19+$0x1940]  }
0x636: {  	v16 =	vld [tilespmem:s0+$0x1950];
	_ =	sdelay $0x3  }
0x637: {  	[tilespmem:s3+$0x40] =	vst v17  }
0x638: {  	[tilespmem:s26+$0x50] =	vst v16;
	v17 =	vld [tilespmem:s19+$0x1950]  }
0x639: {  	v16 =	vld [tilespmem:s0+$0x1960];
	_ =	sdelay $0x2  }
0x63a: {  	s11 =	sadd.s32 $0x2, s23  }
0x63b: {  	v18 =	vld [tilespmem:s11+$0x0];
	[tilespmem:s3+$0x50] =	vst v17  }
0x63c: {  	[tilespmem:s26+$0x60] =	vst v16;
	v17 =	vld [tilespmem:s19+$0x1960]  }
0x63d: {  	v16 =	vld [tilespmem:s0+$0x1970];
	_ =	sdelay $0x3  }
0x63e: {  	v19 =	vld [tilespmem:s11+$0xFFFFFFFF];
	[tilespmem:s3+$0x60] =	vst v17  }
0x63f: {  	(v2sf) =	vpush v18, $0x0;
	[tilespmem:s26+$0x70] =	vst v16;
	v17 =	vld [tilespmem:s19+$0x1970]  }
0x640: {  	v16 =	vld [tilespmem:s0+$0x1980];
	_ =	sdelay $0x3  }
0x641: {  	(v2sf) =	vpush v19, $0x0;
	[tilespmem:s3+$0x70] =	vst v17  }
0x642: {  	[tilespmem:s26+$0x400] =	vst v16;
	v17 =	vld [tilespmem:s19+$0x1980]  }
0x643: {  	v16 =	vld [tilespmem:s0+$0x1990];
	_ =	sdelay $0x3  }
0x644: {  	[tilespmem:s3+$0x400] =	vst v17  }
0x645: {  	[tilespmem:s26+$0x410] =	vst v16;
	v17 =	vld [tilespmem:s19+$0x1990]  }
0x646: {  	v16 =	vld [tilespmem:s0+$0x19A0];
	_ =	sdelay $0x1  }
0x647: {  	s6 =	spop (v2sf)  }
0x648: {  	v18 =	vld [tilespmem:s6+$0x1900]  }
0x649: {  	s12 =	simm.s32 $0x400;
	[tilespmem:s3+$0x410] =	vst v17  }
0x64a: {  	s13 =	simm.s32 $0x180;
	s2 =	sand.u32 $0x7000, s12;
	[tilespmem:s26+$0x420] =	vst v16;
	v17 =	vld [tilespmem:s19+$0x19A0]  }
0x64b: {  	s4 =	sand.u32 $0x380, s13;
	s2 =	sadd.s32 $0x16380, s2;
	v16 =	vld [tilespmem:s0+$0x19B0]  }
0x64c: {  	s4 =	sadd.s32 s4, s2;
	s31 =	spop (v2sf)  }
0x64d: {  	v19 =	vld [tilespmem:s31+$0x1900];
	[tilespmem:s4+$0x0] =	vst v18  }
0x64e: {  	v18 =	vld [tilespmem:s6+$0x1910]  }
0x64f: {  	s14 =	simm.s32 $0x100;
	[tilespmem:s3+$0x420] =	vst v17  }
0x650: {  	s8 =	sand.u32 $0x300, s14;
	[tilespmem:s26+$0x430] =	vst v16;
	v17 =	vld [tilespmem:s19+$0x19B0]  }
0x651: {  	s2 =	sadd.s32 s8, s2;
	v16 =	vld [tilespmem:s0+$0x19C0]  }
0x652: {  	[tilespmem:s2+$0x0] =	vst v19  }
0x653: {  	v19 =	vld [tilespmem:s31+$0x1910];
	[tilespmem:s4+$0x10] =	vst v18  }
0x654: {  	v18 =	vld [tilespmem:s6+$0x1920]  }
0x655: {  	[tilespmem:s3+$0x430] =	vst v17  }
0x656: {  	[tilespmem:s26+$0x440] =	vst v16;
	v17 =	vld [tilespmem:s19+$0x19C0]  }
0x657: {  	v16 =	vld [tilespmem:s0+$0x19D0]  }
0x658: {  	[tilespmem:s2+$0x10] =	vst v19  }
0x659: {  	v19 =	vld [tilespmem:s31+$0x1920];
	[tilespmem:s4+$0x20] =	vst v18  }
0x65a: {  	v18 =	vld [tilespmem:s6+$0x1930]  }
0x65b: {  	[tilespmem:s3+$0x440] =	vst v17  }
0x65c: {  	[tilespmem:s26+$0x450] =	vst v16;
	v17 =	vld [tilespmem:s19+$0x19D0]  }
0x65d: {  	v16 =	vld [tilespmem:s0+$0x19E0]  }
0x65e: {  	[tilespmem:s2+$0x20] =	vst v19  }
0x65f: {  	v19 =	vld [tilespmem:s31+$0x1930];
	[tilespmem:s4+$0x30] =	vst v18  }
0x660: {  	v18 =	vld [tilespmem:s6+$0x1940]  }
0x661: {  	[tilespmem:s3+$0x450] =	vst v17  }
0x662: {  	[tilespmem:s26+$0x460] =	vst v16;
	v17 =	vld [tilespmem:s19+$0x19E0]  }
0x663: {  	v16 =	vld [tilespmem:s0+$0x19F0]  }
0x664: {  	[tilespmem:s2+$0x30] =	vst v19  }
0x665: {  	v19 =	vld [tilespmem:s31+$0x1940];
	[tilespmem:s4+$0x40] =	vst v18  }
0x666: {  	v18 =	vld [tilespmem:s6+$0x1950]  }
0x667: {  	[tilespmem:s3+$0x460] =	vst v17  }
0x668: {  	[tilespmem:s26+$0x470] =	vst v16;
	v17 =	vld [tilespmem:s19+$0x19F0]  }
0x669: {  	v16 =	vld [tilespmem:s0+$0x1A00]  }
0x66a: {  	[tilespmem:s2+$0x40] =	vst v19  }
0x66b: {  	v19 =	vld [tilespmem:s31+$0x1950];
	[tilespmem:s4+$0x50] =	vst v18  }
0x66c: {  	v18 =	vld [tilespmem:s6+$0x1960]  }
0x66d: {  	[tilespmem:s3+$0x470] =	vst v17  }
0x66e: {  	[tilespmem:s26+$0x800] =	vst v16;
	v17 =	vld [tilespmem:s19+$0x1A00]  }
0x66f: {  	v16 =	vld [tilespmem:s0+$0x1A10]  }
0x670: {  	[tilespmem:s2+$0x50] =	vst v19  }
0x671: {  	v19 =	vld [tilespmem:s31+$0x1960];
	[tilespmem:s4+$0x60] =	vst v18  }
0x672: {  	s15 =	sadd.s32 $0x2, s11;
	v18 =	vld [tilespmem:s6+$0x1970]  }
0x673: {  	[tilespmem:s3+$0x800] =	vst v17;
	v17 =	vld [tilespmem:s15+$0x0]  }
0x674: {  	[tilespmem:s26+$0x810] =	vst v16;
	v20 =	vld [tilespmem:s19+$0x1A10]  }
0x675: {  	v16 =	vld [tilespmem:s0+$0x1A20];
	_ =	sdelay $0x1  }
0x676: {  	v21 =	vld [tilespmem:s15+$0xFFFFFFFF];
	[tilespmem:s2+$0x60] =	vst v19  }
0x677: {  	v19 =	vld [tilespmem:s31+$0x1970];
	[tilespmem:s4+$0x70] =	vst v18  }
0x678: {  	v18 =	vld [tilespmem:s6+$0x1980];
	[tilespmem:s3+$0x810] =	vst v20  }
0x679: {  	(v2sf) =	vpush v17, $0x0;
	[tilespmem:s26+$0x820] =	vst v16;
	v17 =	vld [tilespmem:s19+$0x1A20]  }
0x67a: {  	v16 =	vld [tilespmem:s0+$0x1A30];
	_ =	sdelay $0x1  }
0x67b: {  	[tilespmem:s2+$0x70] =	vst v19;
	(v2sf) =	vpush v21, $0x0  }
0x67c: {  	v19 =	vld [tilespmem:s31+$0x1980];
	[tilespmem:s4+$0x400] =	vst v18  }
0x67d: {  	v18 =	vld [tilespmem:s6+$0x1990];
	[tilespmem:s3+$0x820] =	vst v17  }
0x67e: {  	[tilespmem:s26+$0x830] =	vst v16;
	v17 =	vld [tilespmem:s19+$0x1A30]  }
0x67f: {  	v16 =	vld [tilespmem:s0+$0x1A40];
	_ =	sdelay $0x1  }
0x680: {  	[tilespmem:s2+$0x400] =	vst v19  }
0x681: {  	v19 =	vld [tilespmem:s31+$0x1990];
	[tilespmem:s4+$0x410] =	vst v18  }
0x682: {  	[tilespmem:s3+$0x830] =	vst v17  }
0x683: {  	[tilespmem:s26+$0x840] =	vst v16;
	v16 =	vld [tilespmem:s6+$0x19A0]  }
0x684: {  	v17 =	vld [tilespmem:s19+$0x1A40]  }
0x685: {  	v18 =	vld [tilespmem:s0+$0x1A50]  }
0x686: {  	[tilespmem:s2+$0x410] =	vst v19  }
0x687: {  	v19 =	vld [tilespmem:s31+$0x19A0];
	s9 =	spop (v2sf)  }
0x688: {  	v20 =	vld [tilespmem:s9+$0x1900];
	[tilespmem:s4+$0x420] =	vst v16  }
0x689: {  	s16 =	simm.s32 $0x800;
	s10 =	spop (v2sf);
	[tilespmem:s3+$0x840] =	vst v17;
	v16 =	vld [tilespmem:s6+$0x19B0]  }
0x68a: {  	s17 =	simm.s32 $0x280;
	s5 =	sand.u32 $0x7000, s16;
	v17 =	vld [tilespmem:s10+$0x1900];
	[tilespmem:s26+$0x850] =	vst v18  }
0x68b: {  	s18 =	sand.u32 $0x380, s17;
	s11 =	sadd.s32 $0x16380, s5;
	v18 =	vld [tilespmem:s0+$0x1A60]  }
0x68c: {  	s20 =	simm.s32 $0x200;
	s5 =	sadd.s32 s18, s11;
	[tilespmem:s2+$0x420] =	vst v19;
	v19 =	vld [tilespmem:s19+$0x1A50]  }
0x68d: {  	s8 =	sand.u32 $0x300, s20;
	[tilespmem:s5+$0x0] =	vst v20;
	v20 =	vld [tilespmem:s31+$0x19B0]  }
0x68e: {  	s8 =	sadd.s32 s8, s11;
	v21 =	vld [tilespmem:s9+$0x1910];
	[tilespmem:s4+$0x430] =	vst v16  }
0x68f: {  	[tilespmem:s8+$0x0] =	vst v17;
	v16 =	vld [tilespmem:s6+$0x19C0]  }
0x690: {  	[tilespmem:s26+$0x860] =	vst v18;
	v18 =	vld [tilespmem:s10+$0x1910]  }
0x691: {  	[tilespmem:s3+$0x850] =	vst v19;
	v17 =	vld [tilespmem:s0+$0x1A70]  }
0x692: {  	[tilespmem:s2+$0x430] =	vst v20;
	v19 =	vld [tilespmem:s19+$0x1A60]  }
0x693: {  	[tilespmem:s5+$0x10] =	vst v21;
	v20 =	vld [tilespmem:s31+$0x19C0]  }
0x694: {  	v21 =	vld [tilespmem:s9+$0x1920];
	[tilespmem:s4+$0x440] =	vst v16  }
0x695: {  	[tilespmem:s8+$0x10] =	vst v18;
	v16 =	vld [tilespmem:s6+$0x19D0]  }
0x696: {  	[tilespmem:s26+$0x870] =	vst v17;
	v18 =	vld [tilespmem:s10+$0x1920]  }
0x697: {  	[tilespmem:s3+$0x860] =	vst v19;
	v17 =	vld [tilespmem:s0+$0x1A80]  }
0x698: {  	s21 =	sand.u32 $0x7, s1;
	[tilespmem:s2+$0x440] =	vst v20;
	v19 =	vld [tilespmem:s19+$0x1A70]  }
0x699: {  	s7 =	sshll.u32 s21, $0x7;
	[tilespmem:s5+$0x20] =	vst v21;
	v20 =	vld [tilespmem:s31+$0x19D0]  }
0x69a: {  	s7 =	sadd.s32 $0x80, s7;
	v21 =	vld [tilespmem:s9+$0x1930];
	[tilespmem:s4+$0x450] =	vst v16  }
0x69b: {  	s22 =	sor.u32 $0xC00, s7;
	[tilespmem:s8+$0x20] =	vst v18;
	v16 =	vld [tilespmem:s6+$0x19E0]  }
0x69c: {  	[tilespmem:s22+$0x16380] =	vst v17;
	v18 =	vld [tilespmem:s10+$0x1930]  }
0x69d: {  	[tilespmem:s3+$0x870] =	vst v19;
	v17 =	vld [tilespmem:s0+$0x1A90]  }
0x69e: {  	[tilespmem:s2+$0x450] =	vst v20;
	v19 =	vld [tilespmem:s19+$0x1A80]  }
0x69f: {  	s1 =	sand.u32 $0x3, s1;
	[tilespmem:s5+$0x30] =	vst v21;
	v20 =	vld [tilespmem:s31+$0x19E0]  }
0x6a0: {  	s1 =	sshll.u32 s1, $0x8;
	v21 =	vld [tilespmem:s9+$0x1940];
	[tilespmem:s4+$0x460] =	vst v16  }
0x6a1: {  	s11 =	sadd.s32 $0x0, s1;
	s23 =	sor.u32 $0xC10, s7;
	[tilespmem:s8+$0x30] =	vst v18;
	v16 =	vld [tilespmem:s6+$0x19F0]  }
0x6a2: {  	s1 =	sor.u32 $0xC00, s11;
	[tilespmem:s23+$0x16380] =	vst v17;
	v18 =	vld [tilespmem:s10+$0x1940]  }
0x6a3: {  	[tilespmem:s1+$0x16380] =	vst v19;
	v17 =	vld [tilespmem:s0+$0x1AA0]  }
0x6a4: {  	[tilespmem:s2+$0x460] =	vst v20;
	v19 =	vld [tilespmem:s19+$0x1A90]  }
0x6a5: {  	[tilespmem:s5+$0x40] =	vst v21;
	v20 =	vld [tilespmem:s31+$0x19F0]  }
0x6a6: {  	v21 =	vld [tilespmem:s9+$0x1950];
	[tilespmem:s4+$0x470] =	vst v16  }
0x6a7: {  	s24 =	sor.u32 $0xC20, s7;
	[tilespmem:s8+$0x40] =	vst v18;
	v16 =	vld [tilespmem:s6+$0x1A00]  }
0x6a8: {  	s25 =	sor.u32 $0xC10, s11;
	[tilespmem:s24+$0x16380] =	vst v17;
	v18 =	vld [tilespmem:s10+$0x1950]  }
0x6a9: {  	[tilespmem:s25+$0x16380] =	vst v19;
	v17 =	vld [tilespmem:s0+$0x1AB0]  }
0x6aa: {  	[tilespmem:s2+$0x470] =	vst v20;
	v19 =	vld [tilespmem:s19+$0x1AA0]  }
0x6ab: {  	[tilespmem:s5+$0x50] =	vst v21;
	v20 =	vld [tilespmem:s31+$0x1A00]  }
0x6ac: {  	v21 =	vld [tilespmem:s9+$0x1960];
	[tilespmem:s4+$0x800] =	vst v16  }
0x6ad: {  	s26 =	sor.u32 $0xC30, s7;
	[tilespmem:s8+$0x50] =	vst v18;
	v16 =	vld [tilespmem:s6+$0x1A10]  }
0x6ae: {  	s3 =	sor.u32 $0xC20, s11;
	[tilespmem:s26+$0x16380] =	vst v17;
	v18 =	vld [tilespmem:s10+$0x1960]  }
0x6af: {  	[tilespmem:s3+$0x16380] =	vst v19;
	v17 =	vld [tilespmem:s0+$0x1AC0]  }
0x6b0: {  	[tilespmem:s2+$0x800] =	vst v20;
	v19 =	vld [tilespmem:s19+$0x1AB0]  }
0x6b1: {  	[tilespmem:s5+$0x60] =	vst v21;
	v20 =	vld [tilespmem:s31+$0x1A10]  }
0x6b2: {  	v21 =	vld [tilespmem:s9+$0x1970];
	[tilespmem:s4+$0x810] =	vst v16  }
0x6b3: {  	s13 =	sor.u32 $0xC40, s7;
	s18 =	sadd.s32 $0x2, s15;
	[tilespmem:s8+$0x60] =	vst v18;
	v16 =	vld [tilespmem:s6+$0x1A20]  }
0x6b4: {  	[tilespmem:s13+$0x16380] =	vst v17;
	v17 =	vld [tilespmem:s18+$0x0]  }
0x6b5: {  	s14 =	sor.u32 $0xC30, s11;
	v22 =	vld [tilespmem:s10+$0x1970]  }
0x6b6: {  	[tilespmem:s14+$0x16380] =	vst v19;
	v18 =	vld [tilespmem:s0+$0x1AD0]  }
0x6b7: {  	[tilespmem:s5+$0x70] =	vst v21;
	v21 =	vld [tilespmem:s18+$0xFFFFFFFF]  }
0x6b8: {  	[tilespmem:s2+$0x810] =	vst v20;
	v20 =	vld [tilespmem:s19+$0x1AC0]  }
0x6b9: {  	[tilespmem:s4+$0x820] =	vst v16;
	v16 =	vld [tilespmem:s9+$0x1980]  }
0x6ba: {  	v19 =	vld [tilespmem:s31+$0x1A20];
	(v2sf) =	vpush v17, $0x0  }
0x6bb: {  	s15 =	sor.u32 $0xC50, s7;
	[tilespmem:s8+$0x70] =	vst v22;
	v17 =	vld [tilespmem:s6+$0x1A30]  }
0x6bc: {  	s16 =	sor.u32 $0xC40, s11;
	[tilespmem:s15+$0x16380] =	vst v18;
	(v2sf) =	vpush v21, $0x0;
	v18 =	vld [tilespmem:s10+$0x1980]  }
0x6bd: {  	[tilespmem:s16+$0x16380] =	vst v20  }
0x6be: {  	v21 =	vld [tilespmem:s0+$0x1AE0];
	[tilespmem:s5+$0x400] =	vst v16  }
0x6bf: {  	[tilespmem:s2+$0x820] =	vst v19;
	v16 =	vld [tilespmem:s9+$0x1990]  }
0x6c0: {  	v19 =	vld [tilespmem:s31+$0x1A30];
	[tilespmem:s4+$0x830] =	vst v17  }
0x6c1: {  	[tilespmem:s8+$0x400] =	vst v18;
	v18 =	vld [tilespmem:s19+$0x1AD0]  }
0x6c2: {  	s17 =	sor.u32 $0xC60, s7;
	v17 =	vld [tilespmem:s6+$0x1A40]  }
0x6c3: {  	[tilespmem:s17+$0x16380] =	vst v21;
	v20 =	vld [tilespmem:s10+$0x1990]  }
0x6c4: {  	v21 =	vld [tilespmem:s0+$0x1AF0];
	[tilespmem:s5+$0x410] =	vst v16  }
0x6c5: {  	s20 =	sor.u32 $0xC50, s11;
	[tilespmem:s2+$0x830] =	vst v19;
	v16 =	vld [tilespmem:s9+$0x19A0]  }
0x6c6: {  	v19 =	vld [tilespmem:s31+$0x1A40];
	[tilespmem:s20+$0x16380] =	vst v18  }
0x6c7: {  	[tilespmem:s4+$0x840] =	vst v17;
	v18 =	vld [tilespmem:s19+$0x1AE0]  }
0x6c8: {  	s21 =	sor.u32 $0xC70, s7;
	[tilespmem:s8+$0x410] =	vst v20;
	v17 =	vld [tilespmem:s6+$0x1A50]  }
0x6c9: {  	[tilespmem:s21+$0x16380] =	vst v21;
	v20 =	vld [tilespmem:s10+$0x19A0];
	s7 =	spop (v2sf)  }
0x6ca: {  	v21 =	vld [tilespmem:s7+$0x1900];
	[tilespmem:s5+$0x420] =	vst v16  }
0x6cb: {  	s22 =	sor.u32 $0xC60, s11;
	s3 =	simm.s32 $0xC00;
	[tilespmem:s2+$0x840] =	vst v19;
	s15 =	spop (v2sf);
	v16 =	vld [tilespmem:s9+$0x19B0]  }
0x6cc: {  	s23 =	sand.u32 $0x7000, s3;
	s14 =	simm.s32 $0x380;
	v19 =	vld [tilespmem:s15+$0x1900];
	[tilespmem:s22+$0x16380] =	vst v18  }
0x6cd: {  	s24 =	sadd.s32 $0x16380, s23;
	s25 =	sand.u32 $0x380, s14;
	v18 =	vld [tilespmem:s31+$0x1A50];
	[tilespmem:s4+$0x850] =	vst v17  }
0x6ce: {  	s26 =	simm.s32 $0x300;
	s1 =	sadd.s32 s25, s24;
	[tilespmem:s8+$0x420] =	vst v20;
	v17 =	vld [tilespmem:s6+$0x1A60]  }
0x6cf: {  	s0 =	sand.u32 $0x300, s26;
	v20 =	vld [tilespmem:s10+$0x19B0];
	[tilespmem:s1+$0x0] =	vst v21  }
0x6d0: {  	s20 =	sadd.s32 s0, s24;
	v21 =	vld [tilespmem:s7+$0x1910];
	[tilespmem:s5+$0x430] =	vst v16  }
0x6d1: {  	[tilespmem:s20+$0x0] =	vst v19;
	v16 =	vld [tilespmem:s9+$0x19C0]  }
0x6d2: {  	[tilespmem:s2+$0x850] =	vst v18;
	v19 =	vld [tilespmem:s15+$0x1910]  }
0x6d3: {  	v18 =	vld [tilespmem:s31+$0x1A60];
	[tilespmem:s4+$0x860] =	vst v17  }
0x6d4: {  	[tilespmem:s8+$0x430] =	vst v20;
	v17 =	vld [tilespmem:s6+$0x1A70]  }
0x6d5: {  	v20 =	vld [tilespmem:s10+$0x19C0];
	[tilespmem:s1+$0x10] =	vst v21  }
0x6d6: {  	v21 =	vld [tilespmem:s7+$0x1920];
	[tilespmem:s5+$0x440] =	vst v16  }
0x6d7: {  	[tilespmem:s20+$0x10] =	vst v19;
	v16 =	vld [tilespmem:s9+$0x19D0]  }
0x6d8: {  	[tilespmem:s2+$0x860] =	vst v18;
	v19 =	vld [tilespmem:s15+$0x1920]  }
0x6d9: {  	v18 =	vld [tilespmem:s31+$0x1A70];
	[tilespmem:s4+$0x870] =	vst v17  }
0x6da: {  	s17 =	simm.s32 $0x2;
	[tilespmem:s8+$0x440] =	vst v20;
	v17 =	vld [tilespmem:s6+$0x1A80]  }
0x6db: {  	s4 =	sand.u32 $0x7, s17;
	v20 =	vld [tilespmem:s10+$0x19D0];
	[tilespmem:s1+$0x20] =	vst v21  }
0x6dc: {  	s0 =	sshll.u32 s4, $0x7;
	v21 =	vld [tilespmem:s7+$0x1930];
	[tilespmem:s5+$0x450] =	vst v16  }
0x6dd: {  	s13 =	sadd.s32 $0x480, s0;
	[tilespmem:s20+$0x20] =	vst v19;
	v16 =	vld [tilespmem:s9+$0x19E0]  }
0x6de: {  	s0 =	sor.u32 $0xC00, s13;
	[tilespmem:s2+$0x870] =	vst v18;
	v19 =	vld [tilespmem:s15+$0x1930]  }
0x6df: {  	s12 =	simm.s32 $0x1;
	v18 =	vld [tilespmem:s31+$0x1A80];
	[tilespmem:s0+$0x16380] =	vst v17  }
0x6e0: {  	[tilespmem:s8+$0x450] =	vst v20;
	s0 =	sand.u32 $0x3, s12;
	v17 =	vld [tilespmem:s6+$0x1A90]  }
0x6e1: {  	v20 =	vld [tilespmem:s10+$0x19E0];
	s0 =	sshll.u32 s0, $0x8;
	[tilespmem:s1+$0x30] =	vst v21  }
0x6e2: {  	s0 =	sadd.s32 $0x400, s0;
	v21 =	vld [tilespmem:s7+$0x1940];
	[tilespmem:s5+$0x460] =	vst v16  }
0x6e3: {  	s21 =	sor.u32 $0xC00, s0;
	[tilespmem:s20+$0x30] =	vst v19;
	v16 =	vld [tilespmem:s9+$0x19F0]  }
0x6e4: {  	s16 =	sor.u32 $0xC10, s13;
	[tilespmem:s21+$0x16380] =	vst v18  }
0x6e5: {  	[tilespmem:s16+$0x16380] =	vst v17  }
0x6e6: {  	[tilespmem:s8+$0x460] =	vst v20  }
0x6e7: {  	[tilespmem:s1+$0x40] =	vst v21  }
0x6e8: {  	[tilespmem:s5+$0x470] =	vst v16  }
0x6e9: {  	v17 =	vld [tilespmem:s6+$0x1AA0];
	s4 =	sld [smem:$0x7D1]  }
0x6ea: {  	s23 =	sld [smem:$0x7CF]  }
0x6eb: {  	v19 =	vld [tilespmem:s15+$0x1940]  }
0x6ec: {  	v18 =	vld [tilespmem:s31+$0x1A90]  }
0x6ed: {  	s22 =	sor.u32 $0xC20, s13;
	v20 =	vld [tilespmem:s10+$0x19F0];
	s4 =	sadd.s32 s23, s4  }
0x6ee: {  	v21 =	vld [tilespmem:s7+$0x1950];
	[tilespmem:s22+$0x16380] =	vst v17;
	s24 =	sadd.s32 $0x1, s4  }
0x6ef: {  	v16 =	vld [tilespmem:s9+$0x1A00];
	[smem:$0x7BE] =	sst s24  }
0x6f0: {  	s12 =	simm.s32 $0x2;
	s25 =	sor.u32 $0xC10, s0;
	[tilespmem:s20+$0x40] =	vst v19;
	v17 =	vld [tilespmem:s6+$0x1AB0]  }
0x6f1: {  	s2 =	sand.u32 $0x3, s12;
	[tilespmem:s25+$0x16380] =	vst v18;
	v19 =	vld [tilespmem:s15+$0x1950]  }
0x6f2: {  	s2 =	sshll.u32 s2, $0x8;
	s26 =	sor.u32 $0xC30, s0;
	[tilespmem:s8+$0x470] =	vst v20  }
0x6f3: {  	s30 =	sor.u32 $0xC60, s0;
	s16 =	sor.u32 $0xC50, s0;
	s23 =	sor.u32 $0xC30, s13;
	[tilespmem:s1+$0x50] =	vst v21;
	v18 =	vld [tilespmem:s31+$0x1AA0]  }
0x6f4: {  	s4 =	sor.u32 $0xC20, s0;
	s24 =	simm.s32 $0x3;
	s25 =	sor.u32 $0xC40, s0;
	[tilespmem:s5+$0x800] =	vst v16;
	v20 =	vld [tilespmem:s10+$0x1A00]  }
0x6f5: {  	s21 =	sand.u32 $0x3, s24;
	v21 =	vld [tilespmem:s7+$0x1960];
	[tilespmem:s23+$0x16380] =	vst v17;
	s23 =	sor.u32 $0xC70, s0;
	s0 =	sadd.s32 $0x800, s2  }
0x6f6: {  	s2 =	sshll.u32 s21, $0x8;
	v17 =	vld [tilespmem:s9+$0x1A10];
	[tilespmem:s20+$0x50] =	vst v19;
	s21 =	sor.u32 $0xC00, s0  }
0x6f7: {  	v19 =	vld [tilespmem:s6+$0x1AC0];
	s12 =	sor.u32 $0xC10, s0;
	[dreg:$0x1e] =	wrdreg s21  }
0x6f8: {  	[dreg:$0x17] =	wrdreg s12;
	s21 =	sor.u32 $0xC20, s0  }
0x6f9: {  	[dreg:$0x12] =	wrdreg s21  }
0x6fa: {  	s22 =	sor.u32 $0xC70, s11;
	s11 =	sor.u32 $0xC60, s0;
	[tilespmem:s4+$0x16380] =	vst v18  }
0x6fb: {  	v22 =	vld [tilespmem:s15+$0x1960];
	[dreg:$0x6] =	wrdreg s11  }
0x6fc: {  	s2 =	sadd.s32 $0xC00, s2;
	[tilespmem:s8+$0x800] =	vst v20  }
0x6fd: {  	s21 =	sor.u32 $0xC00, s2;
	v16 =	vld [tilespmem:s31+$0x1AB0];
	[tilespmem:s1+$0x60] =	vst v21  }
0x6fe: {  	s4 =	sor.u32 $0xC10, s2;
	v18 =	vld [tilespmem:s10+$0x1A10];
	[smem:$0x7BF] =	sst s21  }
0x6ff: {  	[smem:$0x7C0] =	sst s4;
	s21 =	sor.u32 $0xC20, s2  }
0x700: {  	[dreg:$0x1a] =	wrdreg s21  }
0x701: {  	s4 =	sor.u32 $0xC30, s2;
	[tilespmem:s5+$0x810] =	vst v17  }
0x702: {  	s21 =	sor.u32 $0xC40, s2;
	v20 =	vld [tilespmem:s7+$0x1970];
	[smem:$0x7C1] =	sst s4  }
0x703: {  	[smem:$0x7C2] =	sst s21;
	s4 =	sor.u32 $0xC40, s13  }
0x704: {  	s21 =	sor.u32 $0xC50, s2;
	[tilespmem:s4+$0x16380] =	vst v19  }
0x705: {  	s4 =	sor.u32 $0xC60, s2;
	[smem:$0x7C3] =	sst s21  }
0x706: {  	[dreg:$0xa] =	wrdreg s4;
	s21 =	sor.u32 $0xC70, s2  }
0x707: {  	s28 =	sor.u32 $0xC30, s0;
	[dreg:$0xc] =	wrdreg s21  }
0x708: {  	s29 =	sor.u32 $0xC40, s0;
	s12 =	sor.u32 $0xC50, s0;
	s11 =	sor.u32 $0xC70, s0;
	v19 =	vld [tilespmem:s9+$0x1A20]  }
0x709: {  	s2 =	sadd.s32 $0x2, s18;
	s18 =	simm.s32 $0x6;
	s21 =	simm.s32 $0x480;
	[tilespmem:s20+$0x60] =	vst v22;
	v17 =	vld [tilespmem:s6+$0x1AD0]  }
.LBB2_16:
0x70a: {  	_ =	sdelay $0x1  }
0x70b: {  	v21 =	vld [tilespmem:s2+$0x0];
	[tilespmem:s26+$0x16380] =	vst v16  }
0x70c: {  	s26 =	sld [smem:$0x7C1];
	v16 =	vld [tilespmem:s2+$0xFFFFFFFF];
	[tilespmem:s8+$0x810] =	vst v18  }
0x70d: {  	v18 =	vld [tilespmem:s15+$0x1970]  }
0x70e: {  	[tilespmem:s1+$0x70] =	vst v20  }
0x70f: {  	v20 =	vld [tilespmem:s7+$0x1980];
	[tilespmem:s5+$0x820] =	vst v19;
	s4 =	smov.u32 s26;
	s26 =	sor.u32 $0xC50, s13  }
0x710: {  	v19 =	vld [tilespmem:s9+$0x1A30];
	[tilespmem:s26+$0x16380] =	vst v17  }
0x711: {  	(v2sf) =	vpush v21, $0x0;
	v17 =	vld [tilespmem:s6+$0x1AE0]  }
0x712: {  	(v2sf) =	vpush v16, $0x0;
	v16 =	vld [tilespmem:s10+$0x1A20];
	[tilespmem:s20+$0x70] =	vst v18  }
0x713: {  	v18 =	vld [tilespmem:s31+$0x1AC0]  }
0x714: {  	s0 =	smov.u32 s28;
	[tilespmem:s1+$0x400] =	vst v20;
	v21 =	vld [tilespmem:s15+$0x1980]  }
0x715: {  	[smem:$0x7BA] =	sst s0;
	s0 =	sor.u32 $0xC60, s13;
	v20 =	vld [tilespmem:s7+$0x1990];
	[tilespmem:s5+$0x830] =	vst v19  }
0x716: {  	v19 =	vld [tilespmem:s9+$0x1A40];
	[tilespmem:s0+$0x16380] =	vst v17  }
0x717: {  	[tilespmem:s8+$0x820] =	vst v16;
	v16 =	vld [tilespmem:s6+$0x1AF0]  }
0x718: {  	v17 =	vld [tilespmem:s10+$0x1A30];
	[tilespmem:s25+$0x16380] =	vst v18  }
0x719: {  	[tilespmem:s20+$0x400] =	vst v21  }
0x71a: {  	[tilespmem:s1+$0x410] =	vst v20;
	v18 =	vld [tilespmem:s31+$0x1AD0]  }
0x71b: {  	s6 =	smov.u32 s9;
	s9 =	smov.u32 s7;
	[tilespmem:s5+$0x840] =	vst v19;
	v21 =	vld [tilespmem:s15+$0x1990]  }
0x71c: {  	s13 =	sor.u32 $0xC70, s13;
	v20 =	vld [tilespmem:s9+$0x19A0]  }
0x71d: {  	s28 =	smov.u32 s29;
	[smem:$0x7B9] =	sst s4;
	v19 =	vld [tilespmem:s19+$0x1AF0];
	[tilespmem:s13+$0x16380] =	vst v16  }
0x71e: {  	s29 =	smov.u32 s31;
	s4 =	sld [smem:$0x7C2];
	s31 =	smov.u32 s10;
	[tilespmem:s8+$0x830] =	vst v17;
	v16 =	vld [tilespmem:s6+$0x1A50]  }
0x71f: {  	v17 =	vld [tilespmem:s31+$0x1A40];
	[tilespmem:s16+$0x16380] =	vst v18  }
0x720: {  	[tilespmem:s20+$0x410] =	vst v21  }
0x721: {  	s24 =	sadd.s32 $0x1, s24;
	s7 =	smov.u32 s4;
	s10 =	smov.u32 s15;
	v18 =	vld [tilespmem:s29+$0x1AE0]  }
0x722: {  	s3 =	sadd.s32 $0x400, s3;
	[smem:$0x7BD] =	sst s7;
	s7 =	spop (v2sf);
	v21 =	vld [tilespmem:s10+$0x19A0];
	[tilespmem:s22+$0x16380] =	vst v19  }
0x723: {  	s14 =	sadd.s32 $0x100, s14;
	s19 =	sand.u32 $0x3, s24;
	s16 =	sld [smem:$0x7C3];
	v19 =	vld [tilespmem:s7+$0x1900];
	[tilespmem:s1+$0x420] =	vst v20  }
0x724: {  	s25 =	smov.u32 s12;
	s12 =	smov.u32 s23;
	s0 =	sshll.u32 s19, $0x8;
	v20 =	vld [tilespmem:s9+$0x19B0];
	[tilespmem:s5+$0x850] =	vst v16  }
0x725: {  	s13 =	sadd.s32 s0, s3;
	s15 =	spop (v2sf);
	s22 =	rddreg [dreg:$0xc];
	[tilespmem:s8+$0x840] =	vst v17  }
0x726: {  	s26 =	smov.u32 s16;
	s16 =	smov.u32 s11;
	s11 =	sand.u32 $0x7000, s3;
	v17 =	vld [tilespmem:s15+$0x1900];
	[tilespmem:s30+$0x16380] =	vst v18  }
0x727: {  	s23 =	smov.u32 s22;
	s22 =	sand.u32 $0x380, s14;
	v16 =	vld [tilespmem:s6+$0x1A60];
	s0 =	sadd.s32 $0x16380, s11;
	[tilespmem:s20+$0x420] =	vst v21  }
0x728: {  	s19 =	sadd.s32 $0xFFFFFF80, s14;
	s30 =	sadd.s32 s22, s0;
	v18 =	vld [tilespmem:s31+$0x1A50]  }
0x729: {  	[smem:$0x7BB] =	sst s23;
	s23 =	sand.u32 $0x300, s19;
	[tilespmem:s30+$0x0] =	vst v19;
	v19 =	vld [tilespmem:s10+$0x19B0]  }
0x72a: {  	s22 =	sadd.s32 s23, s0;
	v21 =	vld [tilespmem:s7+$0x1910];
	[tilespmem:s1+$0x430] =	vst v20  }
0x72b: {  	[tilespmem:s22+$0x0] =	vst v17  }
0x72c: {  	s19 =	sor.u32 $0xC20, s13;
	v20 =	vld [tilespmem:s9+$0x19C0];
	[tilespmem:s5+$0x860] =	vst v16  }
0x72d: {  	[smem:$0x7BC] =	sst s19;
	s19 =	sor.u32 $0xC40, s13;
	v17 =	vld [tilespmem:s15+$0x1910];
	[tilespmem:s8+$0x850] =	vst v18  }
0x72e: {  	[smem:$0x7C2] =	sst s19;
	v16 =	vld [tilespmem:s6+$0x1A70];
	[tilespmem:s20+$0x430] =	vst v19  }
0x72f: {  	s4 =	sor.u32 $0xC00, s13;
	s19 =	rddreg [dreg:$0x6];
	s23 =	sor.u32 $0xC30, s13;
	v18 =	vld [tilespmem:s31+$0x1A60]  }
0x730: {  	s11 =	sor.u32 $0xC10, s13;
	[smem:$0x7C1] =	sst s23;
	s23 =	sor.u32 $0xC50, s13;
	[tilespmem:s30+$0x10] =	vst v21;
	v19 =	vld [tilespmem:s10+$0x19C0]  }
0x731: {  	[smem:$0x7C3] =	sst s23;
	s23 =	sor.u32 $0xC60, s13;
	s13 =	sor.u32 $0xC70, s13;
	v21 =	vld [tilespmem:s7+$0x1920];
	[tilespmem:s1+$0x440] =	vst v20  }
0x732: {  	[dreg:$0xc] =	wrdreg s13;
	[tilespmem:s22+$0x10] =	vst v17  }
0x733: {  	s13 =	smov.u32 s19;
	s19 =	rddreg [dreg:$0xa];
	v20 =	vld [tilespmem:s9+$0x19D0];
	[tilespmem:s5+$0x870] =	vst v16  }
0x734: {  	s0 =	smov.u32 s19;
	v17 =	vld [tilespmem:s15+$0x1920];
	[tilespmem:s8+$0x860] =	vst v18  }
0x735: {  	s17 =	sadd.s32 $0x2, s17;
	[dreg:$0x6] =	wrdreg s0;
	v16 =	vld [tilespmem:s6+$0x1A80];
	[tilespmem:s20+$0x440] =	vst v19  }
0x736: {  	s0 =	sand.u32 $0x7, s17;
	s5 =	smov.u32 s1;
	s1 =	smov.u32 s30;
	v18 =	vld [tilespmem:s31+$0x1A70]  }
0x737: {  	s21 =	sadd.s32 $0x400, s21;
	s30 =	smov.u32 s13;
	s13 =	sshll.u32 s0, $0x7;
	[tilespmem:s1+$0x20] =	vst v21;
	v19 =	vld [tilespmem:s10+$0x19D0]  }
0x738: {  	s19 =	smov.u32 s23;
	s13 =	sadd.s32 s13, s21;
	v21 =	vld [tilespmem:s7+$0x1930];
	[tilespmem:s5+$0x450] =	vst v20  }
0x739: {  	[dreg:$0xa] =	wrdreg s19;
	s19 =	sor.u32 $0xC00, s13;
	[tilespmem:s22+$0x20] =	vst v17;
	v20 =	vld [tilespmem:s9+$0x19E0]  }
0x73a: {  	[tilespmem:s19+$0x16380] =	vst v16;
	v17 =	vld [tilespmem:s15+$0x1930]  }
0x73b: {  	v16 =	vld [tilespmem:s6+$0x1A90];
	[tilespmem:s8+$0x870] =	vst v18;
	s8 =	smov.u32 s20  }
0x73c: {  	[tilespmem:s8+$0x450] =	vst v19  }
0x73d: {  	v18 =	vld [tilespmem:s31+$0x1A80]  }
0x73e: {  	[tilespmem:s1+$0x30] =	vst v21;
	v19 =	vld [tilespmem:s10+$0x19E0]  }
0x73f: {  	s0 =	sor.u32 $0xC10, s13;
	v21 =	vld [tilespmem:s7+$0x1940];
	[tilespmem:s5+$0x460] =	vst v20  }
0x740: {  	s20 =	smov.u32 s22;
	v20 =	vld [tilespmem:s9+$0x19F0];
	[tilespmem:s0+$0x16380] =	vst v16  }
0x741: {  	s19 =	rddreg [dreg:$0x1e];
	[tilespmem:s20+$0x30] =	vst v17  }
0x742: {  	v17 =	vld [tilespmem:s15+$0x1940];
	[tilespmem:s19+$0x16380] =	vst v18;
	s19 =	sld [smem:$0x7BF]  }
0x743: {  	v16 =	vld [tilespmem:s6+$0x1AA0];
	[tilespmem:s8+$0x460] =	vst v19  }
0x744: {  	[tilespmem:s1+$0x40] =	vst v21;
	v18 =	vld [tilespmem:s31+$0x1A90]  }
0x745: {  	v21 =	vld [tilespmem:s7+$0x1950];
	s0 =	smov.u32 s19  }
0x746: {  	[tilespmem:s5+$0x470] =	vst v20;
	v19 =	vld [tilespmem:s10+$0x19F0];
	s19 =	smov.u32 s4;
	[dreg:$0x1e] =	wrdreg s0  }
0x747: {  	v20 =	vld [tilespmem:s9+$0x1A00];
	[tilespmem:s20+$0x40] =	vst v17;
	[smem:$0x7BF] =	sst s19;
	s0 =	sor.u32 $0xC20, s13  }
0x748: {  	s19 =	rddreg [dreg:$0x17];
	[tilespmem:s0+$0x16380] =	vst v16  }
0x749: {  	v17 =	vld [tilespmem:s15+$0x1950];
	s0 =	sld [smem:$0x7C0];
	[tilespmem:s19+$0x16380] =	vst v18  }
0x74a: {  	v16 =	vld [tilespmem:s6+$0x1AB0];
	[tilespmem:s1+$0x50] =	vst v21  }
0x74b: {  	s23 =	smov.u32 s16;
	s16 =	smov.u32 s25;
	[tilespmem:s8+$0x470] =	vst v19;
	v21 =	vld [tilespmem:s7+$0x1960]  }
0x74c: {  	s25 =	smov.u32 s28;
	s28 =	sld [smem:$0x7B9];
	[tilespmem:s5+$0x800] =	vst v20;
	s19 =	smov.u32 s0;
	v18 =	vld [tilespmem:s31+$0x1AA0]  }
0x74d: {  	v22 =	vld [tilespmem:s9+$0x1A10];
	[dreg:$0x17] =	wrdreg s19;
	s19 =	smov.u32 s11  }
0x74e: {  	v19 =	vld [tilespmem:s10+$0x1A00];
	s0 =	sor.u32 $0xC30, s13;
	[tilespmem:s20+$0x50] =	vst v17;
	[smem:$0x7C0] =	sst s19  }
0x74f: {  	s18 =	sadd.s32 $0x2, s18;
	s19 =	rddreg [dreg:$0x12];
	[tilespmem:s0+$0x16380] =	vst v16  }
0x750: {  	p0 =	slt.u32 s18, $0x26;
	s0 =	rddreg [dreg:$0x1a];
	v17 =	vld [tilespmem:s6+$0x1AC0];
	[tilespmem:s1+$0x60] =	vst v21  }
0x751: {  	s22 =	smov.u32 s12;
	v23 =	vld [tilespmem:s15+$0x1960];
	[tilespmem:s19+$0x16380] =	vst v18;
	s19 =	smov.u32 s0;
	s0 =	sld [smem:$0x7BC]  }
.Ltmp6:
0x752: {  	s12 =	smov.u32 s26;
	s26 =	sld [smem:$0x7BA];
	v20 =	vld [tilespmem:s7+$0x1970];
	[tilespmem:s5+$0x810] =	vst v22;
	(pc) =	sbr.rel @p0 .LBB2_16-.Ltmp6, $4  }
0x753: {  	s11 =	sld [smem:$0x7BB];
	[tilespmem:s8+$0x800] =	vst v19;
	v19 =	vld [tilespmem:s9+$0x1A20]  }
0x754: {  	[dreg:$0x12] =	wrdreg s19;
	v16 =	vld [tilespmem:s31+$0x1AB0];
	s19 =	smov.u32 s0;
	s0 =	sor.u32 $0xC40, s13  }
0x755: {  	v18 =	vld [tilespmem:s10+$0x1A10];
	[dreg:$0x1a] =	wrdreg s19;
	[tilespmem:s0+$0x16380] =	vst v17  }
0x756: {  	s2 =	sadd.s32 $0x2, s2;
	[tilespmem:s20+$0x60] =	vst v23;
	s19 =	smov.u32 s29;
	s29 =	sld [smem:$0x7BD];
	v17 =	vld [tilespmem:s6+$0x1AD0]  }
0x757: {  	v21 =	vld [tilespmem:s15+$0x1970];
	[tilespmem:s1+$0x70] =	vst v20  }
0x758: {  	v20 =	vld [tilespmem:s7+$0x1980];
	_ =	sdelay $0x3  }
0x759: {  	[tilespmem:s20+$0x70] =	vst v21  }
0x75a: {  	v21 =	vld [tilespmem:s15+$0x1980];
	[tilespmem:s1+$0x400] =	vst v20  }
0x75b: {  	v20 =	vld [tilespmem:s7+$0x1990];
	_ =	sdelay $0x3  }
0x75c: {  	[tilespmem:s20+$0x400] =	vst v21  }
0x75d: {  	v21 =	vld [tilespmem:s15+$0x1990];
	[tilespmem:s1+$0x410] =	vst v20  }
0x75e: {  	v20 =	vld [tilespmem:s7+$0x19A0];
	_ =	sdelay $0x3  }
0x75f: {  	[tilespmem:s20+$0x410] =	vst v21  }
0x760: {  	v21 =	vld [tilespmem:s15+$0x19A0];
	[tilespmem:s1+$0x420] =	vst v20  }
0x761: {  	v20 =	vld [tilespmem:s7+$0x19B0];
	_ =	sdelay $0x3  }
0x762: {  	[tilespmem:s20+$0x420] =	vst v21  }
0x763: {  	v21 =	vld [tilespmem:s15+$0x19B0];
	[tilespmem:s1+$0x430] =	vst v20  }
0x764: {  	v20 =	vld [tilespmem:s7+$0x19C0];
	_ =	sdelay $0x3  }
0x765: {  	[tilespmem:s20+$0x430] =	vst v21  }
0x766: {  	v21 =	vld [tilespmem:s15+$0x19C0];
	[tilespmem:s1+$0x440] =	vst v20  }
0x767: {  	v20 =	vld [tilespmem:s7+$0x19D0];
	_ =	sdelay $0x3  }
0x768: {  	[tilespmem:s20+$0x440] =	vst v21  }
0x769: {  	v21 =	vld [tilespmem:s15+$0x19D0];
	[tilespmem:s1+$0x450] =	vst v20  }
0x76a: {  	v20 =	vld [tilespmem:s7+$0x19E0];
	_ =	sdelay $0x3  }
0x76b: {  	[tilespmem:s20+$0x450] =	vst v21  }
0x76c: {  	v21 =	vld [tilespmem:s15+$0x19E0];
	[tilespmem:s1+$0x460] =	vst v20  }
0x76d: {  	v20 =	vld [tilespmem:s7+$0x19F0];
	_ =	sdelay $0x3  }
0x76e: {  	[tilespmem:s20+$0x460] =	vst v21  }
0x76f: {  	v21 =	vld [tilespmem:s15+$0x19F0];
	[tilespmem:s1+$0x470] =	vst v20  }
0x770: {  	v20 =	vld [tilespmem:s7+$0x1A00];
	_ =	sdelay $0x3  }
0x771: {  	[tilespmem:s20+$0x470] =	vst v21  }
0x772: {  	v21 =	vld [tilespmem:s15+$0x1A00];
	[tilespmem:s1+$0x800] =	vst v20  }
0x773: {  	v20 =	vld [tilespmem:s7+$0x1A10];
	_ =	sdelay $0x3  }
0x774: {  	[tilespmem:s20+$0x800] =	vst v21  }
0x775: {  	v21 =	vld [tilespmem:s15+$0x1A10];
	[tilespmem:s1+$0x810] =	vst v20  }
0x776: {  	v54 =	vld [tilespmem:s7+$0x1A20]  }
0x777: {  	[tilespmem:s8+$0x810] =	vst v18  }
0x778: {  	v55 =	vld [tilespmem:s10+$0x1A20]  }
0x779: {  	[tilespmem:s5+$0x820] =	vst v19  }
0x77a: {  	v19 =	vld [tilespmem:s9+$0x1A30];
	[tilespmem:s20+$0x810] =	vst v21  }
0x77b: {  	v21 =	vld [tilespmem:s15+$0x1A20];
	[tilespmem:s1+$0x820] =	vst v54  }
0x77c: {  	v18 =	vld [tilespmem:s7+$0x1A30]  }
0x77d: {  	[tilespmem:s8+$0x820] =	vst v55  }
0x77e: {  	v20 =	vld [tilespmem:s10+$0x1A30]  }
0x77f: {  	[tilespmem:s5+$0x830] =	vst v19  }
0x780: {  	v19 =	vld [tilespmem:s9+$0x1A40];
	[tilespmem:s20+$0x820] =	vst v21  }
0x781: {  	v21 =	vld [tilespmem:s15+$0x1A30];
	[tilespmem:s1+$0x830] =	vst v18  }
0x782: {  	v18 =	vld [tilespmem:s7+$0x1A40]  }
0x783: {  	[tilespmem:s8+$0x830] =	vst v20  }
0x784: {  	v20 =	vld [tilespmem:s10+$0x1A40]  }
0x785: {  	[tilespmem:s5+$0x840] =	vst v19  }
0x786: {  	v19 =	vld [tilespmem:s9+$0x1A50];
	[tilespmem:s20+$0x830] =	vst v21  }
0x787: {  	v21 =	vld [tilespmem:s15+$0x1A40];
	[tilespmem:s1+$0x840] =	vst v18  }
0x788: {  	v18 =	vld [tilespmem:s7+$0x1A50]  }
0x789: {  	[tilespmem:s8+$0x840] =	vst v20  }
0x78a: {  	v20 =	vld [tilespmem:s10+$0x1A50]  }
0x78b: {  	[tilespmem:s5+$0x850] =	vst v19  }
0x78c: {  	v19 =	vld [tilespmem:s9+$0x1A60];
	[tilespmem:s20+$0x840] =	vst v21  }
0x78d: {  	v21 =	vld [tilespmem:s15+$0x1A50];
	[tilespmem:s1+$0x850] =	vst v18  }
0x78e: {  	v18 =	vld [tilespmem:s7+$0x1A60]  }
0x78f: {  	[tilespmem:s8+$0x850] =	vst v20  }
0x790: {  	v20 =	vld [tilespmem:s10+$0x1A60]  }
0x791: {  	[tilespmem:s5+$0x860] =	vst v19  }
0x792: {  	v19 =	vld [tilespmem:s9+$0x1A70];
	[tilespmem:s20+$0x850] =	vst v21  }
0x793: {  	v21 =	vld [tilespmem:s15+$0x1A60];
	[tilespmem:s1+$0x860] =	vst v18  }
0x794: {  	v18 =	vld [tilespmem:s7+$0x1A70]  }
0x795: {  	[tilespmem:s8+$0x860] =	vst v20  }
0x796: {  	v20 =	vld [tilespmem:s10+$0x1A70]  }
0x797: {  	[tilespmem:s5+$0x870] =	vst v19  }
0x798: {  	s2 =	sadd.s32 $0x2, s17;
	v19 =	vld [tilespmem:s9+$0x1A80];
	[tilespmem:s20+$0x860] =	vst v21  }
0x799: {  	s14 =	sand.u32 $0x7, s2;
	v21 =	vld [tilespmem:s15+$0x1A70];
	[tilespmem:s1+$0x870] =	vst v18  }
0x79a: {  	s3 =	sadd.s32 $0x400, s21;
	s2 =	sadd.s32 $0x2, s2;
	s1 =	sshll.u32 s14, $0x7;
	v18 =	vld [tilespmem:s7+$0x1A80]  }
0x79b: {  	s2 =	sand.u32 $0x7, s2;
	[tilespmem:s8+$0x870] =	vst v20;
	s1 =	sadd.s32 s1, s3  }
0x79c: {  	s2 =	sshll.u32 s2, $0x7;
	v20 =	vld [tilespmem:s10+$0x1A80];
	s3 =	sadd.s32 $0x400, s3;
	s4 =	sor.u32 $0xC00, s1  }
0x79d: {  	s2 =	sadd.s32 s2, s3;
	[tilespmem:s4+$0x16380] =	vst v19  }
0x79e: {  	s3 =	sor.u32 $0xC00, s2;
	[tilespmem:s20+$0x870] =	vst v21  }
0x79f: {  	v19 =	vld [tilespmem:s9+$0x1A90];
	[tilespmem:s3+$0x16380] =	vst v18  }
0x7a0: {  	v21 =	vld [tilespmem:s15+$0x1A80];
	s0 =	rddreg [dreg:$0x1e]  }
0x7a1: {  	v18 =	vld [tilespmem:s7+$0x1A90];
	[tilespmem:s0+$0x16380] =	vst v20  }
0x7a2: {  	s0 =	sld [smem:$0x7BF]  }
0x7a3: {  	s17 =	sor.u32 $0xC10, s1;
	v20 =	vld [tilespmem:s10+$0x1A90]  }
0x7a4: {  	[tilespmem:s17+$0x16380] =	vst v19  }
0x7a5: {  	s18 =	sor.u32 $0xC10, s2;
	[tilespmem:s0+$0x16380] =	vst v21  }
0x7a6: {  	v19 =	vld [tilespmem:s9+$0x1AA0];
	[tilespmem:s18+$0x16380] =	vst v18  }
0x7a7: {  	v21 =	vld [tilespmem:s15+$0x1A90];
	s0 =	rddreg [dreg:$0x17]  }
0x7a8: {  	v18 =	vld [tilespmem:s7+$0x1AA0];
	[tilespmem:s0+$0x16380] =	vst v20  }
0x7a9: {  	s0 =	sld [smem:$0x7C0]  }
0x7aa: {  	s20 =	sor.u32 $0xC20, s1;
	v20 =	vld [tilespmem:s10+$0x1AA0]  }
0x7ab: {  	[tilespmem:s20+$0x16380] =	vst v19  }
0x7ac: {  	s21 =	sor.u32 $0xC20, s2;
	v19 =	vld [tilespmem:s9+$0x1AB0];
	[tilespmem:s0+$0x16380] =	vst v21  }
0x7ad: {  	[tilespmem:s21+$0x16380] =	vst v18  }
0x7ae: {  	v21 =	vld [tilespmem:s15+$0x1AA0];
	s0 =	rddreg [dreg:$0x12]  }
0x7af: {  	v18 =	vld [tilespmem:s7+$0x1AB0];
	[tilespmem:s0+$0x16380] =	vst v20  }
0x7b0: {  	s24 =	sor.u32 $0xC30, s1;
	v20 =	vld [tilespmem:s10+$0x1AB0]  }
0x7b1: {  	s0 =	rddreg [dreg:$0x1a];
	[tilespmem:s24+$0x16380] =	vst v19  }
0x7b2: {  	[tilespmem:s26+$0x16380] =	vst v16;
	v16 =	vld [tilespmem:s9+$0x1AC0]  }
0x7b3: {  	s26 =	sor.u32 $0xC30, s2;
	v56 =	vld [tilespmem:s31+$0x1AC0];
	[tilespmem:s0+$0x16380] =	vst v21  }
0x7b4: {  	[tilespmem:s26+$0x16380] =	vst v18;
	v21 =	vld [tilespmem:s15+$0x1AB0]  }
0x7b5: {  	v57 =	vld [tilespmem:s7+$0x1AC0];
	[tilespmem:s28+$0x16380] =	vst v20  }
0x7b6: {  	s4 =	sor.u32 $0xC40, s1;
	s0 =	sld [smem:$0x7C1]  }
0x7b7: {  	v20 =	vld [tilespmem:s10+$0x1AC0];
	[tilespmem:s4+$0x16380] =	vst v16  }
0x7b8: {  	[tilespmem:s25+$0x16380] =	vst v56  }
0x7b9: {  	s5 =	sor.u32 $0xC40, s2;
	[tilespmem:s0+$0x16380] =	vst v21  }
0x7ba: {  	s0 =	sor.u32 $0xC50, s13;
	[tilespmem:s5+$0x16380] =	vst v57  }
0x7bb: {  	[tilespmem:s0+$0x16380] =	vst v17;
	v17 =	vld [tilespmem:s15+$0x1AC0]  }
0x7bc: {  	v58 =	vld [tilespmem:s9+$0x1AD0];
	[tilespmem:s29+$0x16380] =	vst v20  }
0x7bd: {  	v59 =	vld [tilespmem:s31+$0x1AD0];
	s0 =	sld [smem:$0x7C2]  }
0x7be: {  	v60 =	vld [tilespmem:s7+$0x1AD0]  }
0x7bf: {  	v16 =	vld [tilespmem:s6+$0x1AE0]  }
0x7c0: {  	s14 =	sor.u32 $0xC50, s1;
	[tilespmem:s0+$0x16380] =	vst v17;
	v17 =	vld [tilespmem:s10+$0x1AD0]  }
0x7c1: {  	[tilespmem:s14+$0x16380] =	vst v58  }
0x7c2: {  	s17 =	sor.u32 $0xC50, s2;
	[tilespmem:s16+$0x16380] =	vst v59  }
0x7c3: {  	s8 =	sor.u32 $0xC60, s13;
	v18 =	vld [tilespmem:s9+$0x1AE0];
	[tilespmem:s17+$0x16380] =	vst v60  }
0x7c4: {  	[tilespmem:s8+$0x16380] =	vst v16;
	v16 =	vld [tilespmem:s15+$0x1AD0]  }
0x7c5: {  	v19 =	vld [tilespmem:s31+$0x1AE0];
	[tilespmem:s12+$0x16380] =	vst v17  }
0x7c6: {  	v61 =	vld [tilespmem:s6+$0x1AF0];
	s0 =	sld [smem:$0x7C3]  }
0x7c7: {  	s20 =	sor.u32 $0xC60, s1;
	v17 =	vld [tilespmem:s7+$0x1AE0]  }
0x7c8: {  	[tilespmem:s20+$0x16380] =	vst v18  }
0x7c9: {  	[tilespmem:s0+$0x16380] =	vst v16;
	v16 =	vld [tilespmem:s10+$0x1AE0]  }
0x7ca: {  	v63 =	vld [tilespmem:s19+$0x1AF0];
	s18 =	sor.u32 $0xC70, s13;
	[tilespmem:s30+$0x16380] =	vst v19  }
0x7cb: {  	s21 =	sor.u32 $0xC60, s2;
	[tilespmem:s18+$0x16380] =	vst v61;
	v62 =	vld [tilespmem:s15+$0x1AE0]  }
0x7cc: {  	v18 =	vld [tilespmem:s9+$0x1AF0];
	[tilespmem:s21+$0x16380] =	vst v17  }
0x7cd: {  	v19 =	vld [tilespmem:s31+$0x1AF0];
	s0 =	rddreg [dreg:$0x6]  }
0x7ce: {  	[tilespmem:s0+$0x16380] =	vst v16;
	v16 =	vld [tilespmem:s7+$0x1AF0]  }
0x7cf: {  	v17 =	vld [tilespmem:s10+$0x1AF0];
	s0 =	rddreg [dreg:$0xa];
	[tilespmem:s22+$0x16380] =	vst v63  }
0x7d0: {  	s24 =	sor.u32 $0xC70, s1;
	[tilespmem:s0+$0x16380] =	vst v62  }
0x7d1: {  	[tilespmem:s24+$0x16380] =	vst v18;
	v20 =	vld [tilespmem:s15+$0x1AF0]  }
0x7d2: {  	s25 =	sor.u32 $0xC70, s2;
	s0 =	sld [smem:$0x7BE];
	[tilespmem:s23+$0x16380] =	vst v19  }
0x7d3: {  	[tilespmem:s25+$0x16380] =	vst v16  }
0x7d4: {  	s1 =	sld [smem:$0x7F9];
	[tilespmem:s11+$0x16380] =	vst v17  }
0x7d5: {  	s26 =	rddreg [dreg:$0xc]  }
0x7d6: {  	[tilespmem:s26+$0x16380] =	vst v20  }
0x7d7: {  	s25 =	sld [smem:$0x7CE];
	_ =	sdelay $0x1  }
0x7d8: {  	s0 =	smul.u32 $0x28, s0  }
0x7d9: {  	s28 =	rddreg [dreg:$0x1];
	s25 =	sadd.s32 $0x1, s25  }
0x7da: {  	s5 =	simm.s32 $0x0;
	s0 =	sadd.s32 s1, s0;
	p0 =	sne.s32 s25, $0x5  }
.Ltmp7:
0x7db: {  	s31 =	sld [smem:$0x7D2];
	s0 =	sshll.u32 s0, $0x6;
	(pc) =	sbr.rel @p0 .LBB2_13-.Ltmp7, $4  }
0x7dc: {  	s29 =	simm.s32 $0x16380;
	s30 =	sld [smem:$0x7C8];
	s0 =	sadd.s32 s28, s0  }
0x7dd: {  	[hbm4b:s0+s5] =	stream.linear.scatter [tilespmem:s29], [sflag:$0x3], $0x5000, $0x38;
	[tilespmem:$0x1B380] =	vst v63  }
0x7de: {  	s0 =	sadd.s32 $0x50, s31  }
0x7df: {  	s6 =	sadd.s32 $0x50, s30;
	[smem:$0x7D2] =	sst s0  }
0x7e0: {  	s8 =	sld [smem:$0x7ED]  }
0x7e1: {  	s4 =	sld [smem:$0x7F2]  }
0x7e2: {  	s6 =	sld [smem:$0x7F1]  }
0x7e3: {  	s0 =	sld [smem:$0x7F4];
	s8 =	sadd.s32 $0x1, s8  }
0x7e4: {  	s30 =	sld [smem:$0x7F5];
	p0 =	sne.s32 s8, $0x10  }
.Ltmp8:
0x7e5: {  	s31 =	sld [smem:$0x7F6];
	(pc) =	sbr.rel @p0 .LBB2_2-.Ltmp8, $4  }
0x7e6: {  	s7 =	sld [smem:$0x7EF];
	s0 =	sadd.s32 $0x320, s0  }
0x7e7: {  	[smem:$0x7F4] =	sst s0;
	s0 =	sadd.s32 $0x320, s30  }
0x7e8: {  	s4 =	sadd.s32 $0x320, s4;
	[smem:$0x7F5] =	sst s0;
	s0 =	sadd.s32 $0x320, s31  }
0x7e9: {  	s6 =	sadd.s32 $0x320, s6;
	s7 =	sadd.s32 $0x320, s7;
	[smem:$0x7F6] =	sst s0  }
0x7ea: {  	s1 =	simm.s32 $0x3  }
0x7eb: {  	_ =	swait.ge [sflag:s1], $0x5000  }
0x7ec: {  	[sflag:s1] =	ssyncset.done $0x0  }
0x7ed: {  	[sflag:s1] =	ssyncadd.s32 $0xFFFFB000  }
0x7ee: {  	_ =	swait.ge [sflag:s1], $0x5000  }
0x7ef: {  	s2 =	sld [smem:$0x7F3]  }
0x7f0: {  	s0 =	sld [smem:$0x7FD];
	_ =	sdelay $0x1  }
0x7f1: {  	s2 =	sadd.s32 $0x1, s2  }
0x7f2: {  	p0 =	sne.s32 s2, s0  }
.Ltmp9:
0x7f3: {  	_ = 	snop;
	(pc) =	sbr.rel @p0 .LBB2_1-.Ltmp9, $3  }
0x7f4: {  	_ =	sdelay $0x1  }
0x7f5: {  	[sflag:s1] =	ssyncset.done $0x0  }
0x7f6: {  	s3 =	simm.s32 $0xC80;
	[sflag:s1] =	ssyncadd.s32 $0xFFFFB000  }
0x7f7: {  	_ =	sfence.sel $0x180000  }
0x7f8: {  	[bflag:$0x0] =	sbarrier.arrive $0xFFFF  }
0x7f9: {  	_ =	strace $0x90000047  }
0x7fa: {  	s0 =	stileid.u32;
	[bflag:$0x2] =	sbarrier.arrive $0xFFFF  }
0x7fb: {  	p0 =	sne.s32 s0, $0x0;
	s0 =	rddreg [dreg:$0x2]  }
0x7fc: {  	s0 =	sadd.s32 @!p0 $0x100000, s0  }
0x7fd: {  	[sflag:s0] =	ssyncadd.tile.s32 @!p0 $0x1;
	_ =	shalt  }
.Lfunc_end2:
_tile_overlayer_lowered:
.L_overlay_start_2:
0x7fe: {  	(tag) =	ssettag $0x2  }
0x7ff: {  	s0 =	rddreg [dreg:$0x0];
	s2 =	stileid.u32  }
0x800: {  	s1 =	rddreg [dreg:$0x1];
	p0 =	sne.s32 s2, $0x0  }
0x801: {  	s3 =	rddreg [dreg:$0x2];
	[bflag:$0x3] =	sbarrier.arrive $0xFFFF;
	s2 =	simm.s32 @!p0 $0x1C04  }
0x802: {  	[timem:s3], [sflag:s2] =	dma.local @!p0 [hbm:s0], s1  }
0x803: {  	s0 =	simm.s32 @!p0 $0x4  }
0x804: {  	_ =	swait.ge @!p0 [sflag:s0], s1  }
0x805: {  	s1 =	ssub.s32 @!p0 $0x0, s1;
	[sflag:s0] =	ssyncset.done @!p0 $0x0  }
0x806: {  	[sflag:s0] =	ssyncadd.s32 @!p0 s1  }
0x807: {  	[bflag:$0x3] =	sbarrier.arrive $0xFFFF  }
0x808: {  	_ =	shalt  }

</sc_bundles>
